<compile_context>
chip_gen: v7x
topology: tpu7x:2x2x1
jax: 0.10.2.dev20260603
libtpu: 0.0.44.dev20260713+nightly
codegen_flags: <defaults>
</compile_context>

<pallas_src>
import functools

import jax
import jax.numpy as jnp
from jax import lax
from jax.experimental import pallas as pl
from jax.experimental.pallas import tpu as pltpu
from jax.experimental.pallas import tpu_sc as plsc

B = 8
N = 10000
D = 128
E = 320000
R = 32

NC = 2
NS = 16
NW = NC * NS
EPW = E // NW
K = 80
NCHUNK = EPW // K
HALF = NCHUNK // 2


def _chunk_perms():
    r = lax.broadcasted_iota(jnp.int32, (2 * D, D), 0)
    c = lax.broadcasted_iota(jnp.int32, (2 * D, D), 1)
    feat_a = 32 * (c // 16) + (c % 16)
    pa = (r == feat_a).astype(jnp.float32)
    pb = (r == feat_a + 16).astype(jnp.float32)
    return pa, pb


def _pack_i32(lo_half, hi_half):
    pa, pb = _chunk_perms()
    lo16 = lo_half.astype(jnp.bfloat16)
    hi16 = hi_half.astype(jnp.bfloat16)
    a = jnp.dot(lo16, pa[:D].astype(jnp.bfloat16),
                preferred_element_type=jnp.float32) + \
        jnp.dot(hi16, pa[D:].astype(jnp.bfloat16),
                preferred_element_type=jnp.float32)
    b = jnp.dot(lo16, pb[:D].astype(jnp.bfloat16),
                preferred_element_type=jnp.float32) + \
        jnp.dot(hi16, pb[D:].astype(jnp.bfloat16),
                preferred_element_type=jnp.float32)
    au = lax.bitcast_convert_type(a.astype(jnp.bfloat16), jnp.uint16)
    bu = lax.bitcast_convert_type(b.astype(jnp.bfloat16), jnp.uint16)
    return au.astype(jnp.int32) | (bu.astype(jnp.int32) << 16)


def _prep_body(a_ref, ws_ref, rela_ref, q_ref, wr_ref, wq_ref, b_ref,
               t_ref, s_ref):
    pa, pb = _chunk_perms()
    ws = ws_ref[...]
    ma = (pa[:D] + jnp.dot(ws, pa[D:], preferred_element_type=jnp.float32))
    mb = (pb[:D] + jnp.dot(ws, pb[D:], preferred_element_type=jnp.float32))
    a16 = a_ref[...].astype(jnp.bfloat16)
    va = jnp.dot(a16, ma.astype(jnp.bfloat16), preferred_element_type=jnp.float32)
    vb = jnp.dot(a16, mb.astype(jnp.bfloat16), preferred_element_type=jnp.float32)
    au = lax.bitcast_convert_type(va.astype(jnp.bfloat16), jnp.uint16)
    bu = lax.bitcast_convert_type(vb.astype(jnp.bfloat16), jnp.uint16)
    t_ref[...] = au.astype(jnp.int32) | (bu.astype(jnp.int32) << 16)

    @pl.when(pl.program_id(0) == 0)
    def _():
        rela = rela_ref[...]
        rr = jnp.dot(rela, wr_ref[...], preferred_element_type=jnp.float32)
        qw = jnp.dot(q_ref[...], wq_ref[...], preferred_element_type=jnp.float32)
        qw = qw + b_ref[...]
        rrep = jnp.broadcast_to(rela[:, None, :], (R, B, D)).reshape(R * B, D)
        s2 = (rr[:, None, :] + qw[None, :, :]).reshape(R * B, D)
        s_ref[...] = _pack_i32(rrep, s2)


def _edge_body(t_hbm, s_hbm, sub_hbm, rel_hbm, bat_hbm, w_hbm, out_hbm,
               sub_all, c_all, bat_all, s_v, hrows0, hrows1, out0, out1,
               w_v, sem_t0, sem_t1, sem_o0, sem_o1):
    wid = lax.axis_index("s") * NC + lax.axis_index("c")
    base = wid * EPW
    pltpu.sync_copy(w_hbm, w_v)
    pltpu.sync_copy(s_hbm, s_v)
    pltpu.sync_copy(sub_hbm.at[pl.ds(base, EPW)], sub_all)
    pltpu.sync_copy(rel_hbm.at[pl.ds(base, EPW)], c_all.at[pl.ds(0, EPW)])
    pltpu.sync_copy(bat_hbm.at[pl.ds(base, EPW)], bat_all)

    @plsc.parallel_loop(0, EPW, 16, unroll=4)
    def idx_body(i):
        sl = pl.ds(i, 16)
        c_all[sl] = c_all[sl] * 8 + bat_all[sl]

    ones16 = jnp.ones((16,), jnp.float32)
    wk = [w_v[pl.ds(k * 16, 16)] for k in range(D // 16)]
    hrows = (hrows0, hrows1)
    outs = (out0, out1)
    sem_t = (sem_t0, sem_t1)
    sem_o = (sem_o0, sem_o1)

    def issue(j, b):
        pltpu.async_copy(t_hbm.at[sub_all.at[pl.ds(j * K, K)]], hrows[b], sem_t[b])

    def wait(j, b):
        pltpu.make_async_copy(
            t_hbm.at[sub_all.at[pl.ds(j * K, K)]], hrows[b], sem_t[b]).wait()

    def compute(j, b):
        hv, ov = hrows[b], outs[b]
        ebase = j * K

        @pl.when(j >= 2)
        def _():
            pltpu.make_async_copy(
                ov, out_hbm.at[pl.ds(base + (j - 2) * K, K)], sem_o[b]).wait()

        def unpack2(ref, row, word_ofs):
            q = ref[row, pl.ds(word_ofs, 16)]
            bc = plsc.bitcast(q, jnp.bfloat16)
            return plsc.unpack(bc, format=plsc.PackFormat.INTERLEAVED)

        @plsc.parallel_loop(0, K, 1, unroll=4)
        def edge_body(e):
            ce = c_all[pl.ds(ebase + e, 16)][0]
            acc = jnp.zeros((16,), jnp.float32)
            for g in range(D // 32):
                hs_a, hs_b = unpack2(hv, e, D // 2 + g * 16)
                cc_a, cc_b = unpack2(s_v, ce, D // 2 + g * 16)
                acc = acc + jnp.maximum(hs_a + cc_a, 0.0) * wk[2 * g]
                acc = acc + jnp.maximum(hs_b + cc_b, 0.0) * wk[2 * g + 1]
            a = jnp.sum(acc)
            alpha = 1.0 / (1.0 + jnp.exp(-a * ones16))
            for g in range(D // 32):
                h_a, h_b = unpack2(hv, e, g * 16)
                r_a, r_b = unpack2(s_v, ce, g * 16)
                ov[e, pl.ds(g * 32, 16)] = h_a * r_a * alpha
                ov[e, pl.ds(g * 32 + 16, 16)] = h_b * r_b * alpha

        pltpu.async_copy(ov, out_hbm.at[pl.ds(base + j * K, K)], sem_o[b])

    issue(jnp.int32(0), 0)

    def chunk_body(i, carry):
        j0 = 2 * i
        j1 = j0 + 1
        issue(j1, 1)
        wait(j0, 0)
        compute(j0, 0)
        issue(j0 + 2, 0)
        wait(j1, 1)
        compute(j1, 1)
        return carry

    lax.fori_loop(0, HALF, chunk_body, jnp.int32(0))
    last = jnp.int32(NCHUNK - 1)
    wait(last, 0)
    compute(last, 0)
    pltpu.make_async_copy(
        out0, out_hbm.at[pl.ds(base + (NCHUNK - 1) * K, K)], sem_o0).wait()
    pltpu.make_async_copy(
        out1, out_hbm.at[pl.ds(base + (NCHUNK - 2) * K, K)], sem_o1).wait()


def kernel(query, q_sub, q_rel, hidden, edges, nodes, rela_embed,
           Ws_attn, Wr_attn, Wqr_attn_W, Wqr_attn_b, W_attn):
    all_ent = hidden.reshape(-1, D)
    blk = 10000
    nsteps = all_ent.shape[0] // blk
    zero_map = lambda i: (0, 0)
    node_table, combo_table = pl.pallas_call(
        _prep_body,
        grid=(nsteps,),
        in_specs=[
            pl.BlockSpec((blk, D), lambda i: (i, 0)),
            pl.BlockSpec((D, D), zero_map),
            pl.BlockSpec((R, D), zero_map),
            pl.BlockSpec((B, D), zero_map),
            pl.BlockSpec((D, D), zero_map),
            pl.BlockSpec((D, D), zero_map),
            pl.BlockSpec((1, D), zero_map),
        ],
        out_specs=[
            pl.BlockSpec((blk, D), lambda i: (i, 0)),
            pl.BlockSpec((R * B, D), zero_map),
        ],
        out_shape=[
            jax.ShapeDtypeStruct((all_ent.shape[0], D), jnp.int32),
            jax.ShapeDtypeStruct((R * B, D), jnp.int32),
        ],
    )(all_ent, Ws_attn, rela_embed, query, Wr_attn, Wqr_attn_W,
      Wqr_attn_b.reshape(1, D))

    sub_idx = edges[:, 1]
    rel_idx = edges[:, 2]
    bat_idx = edges[:, 0]

    mesh = plsc.VectorSubcoreMesh(
        core_axis_name="c", subcore_axis_name="s",
        num_cores=NC, num_subcores=NS)
    sc = functools.partial(
        pl.kernel,
        mesh=mesh,
        compiler_params=pltpu.CompilerParams(needs_layout_passes=False),
        out_type=jax.ShapeDtypeStruct((E, D), jnp.float32),
        scratch_types=[
            pltpu.VMEM((EPW,), jnp.int32),
            pltpu.VMEM((EPW + 16,), jnp.int32),
            pltpu.VMEM((EPW,), jnp.int32),
            pltpu.VMEM((R * B, D), jnp.int32),
            pltpu.VMEM((K, D), jnp.int32),
            pltpu.VMEM((K, D), jnp.int32),
            pltpu.VMEM((K, D), jnp.float32),
            pltpu.VMEM((K, D), jnp.float32),
            pltpu.VMEM((D,), jnp.float32),
            pltpu.SemaphoreType.DMA,
            pltpu.SemaphoreType.DMA,
            pltpu.SemaphoreType.DMA,
            pltpu.SemaphoreType.DMA,
        ],
    )(_edge_body)
    return sc(node_table, combo_table, sub_idx, rel_idx, bat_idx,
              W_attn.reshape(D))

# --- scband reference (transcript-rebuilt; emitter-appended) ---
"""Pipeline reference for scband-multi-condition-gnn-51187420234384 (READ-ONLY COPY).

The authoritative reference and input builder live on the scoring server;
editing this copy changes nothing except your own understanding.
"""

import jax, jax.numpy as jnp
import numpy as np

B = 8
N = 10000
D = 128
A = 128
E = 320000
NEED_REL = 32

def _xavier(key, shape):
    fan_in, fan_out = shape[0], shape[1]
    std = (2.0 / (fan_in + fan_out)) ** 0.5
    return jax.random.normal(key, shape, jnp.float32) * std

def setup_inputs(seed: int = 0):
    key = jax.random.key(seed)
    ks = jax.random.split(key, 14)
    query = jax.random.normal(ks[0], (B, D), jnp.float32)
    hidden = jax.random.normal(ks[1], (B, N, D), jnp.float32)
    q_sub = jax.random.randint(ks[2], (B,), 0, N)
    q_rel = jax.random.randint(ks[3], (B,), 0, 16)
    id_bat = jax.random.randint(ks[4], (E,), 0, B)
    id_sub = jax.random.randint(ks[5], (E,), 0, B * N)
    id_rel = jax.random.randint(ks[6], (E,), 0, NEED_REL)
    id_obj = jax.random.randint(ks[7], (E,), 0, B * N)
    edges = jnp.stack([id_bat, id_sub, id_rel, id_obj], axis=1)
    nodes = jax.random.randint(ks[8], (B * N, 2), 0, N)
    rela_embed = _xavier(ks[9], (NEED_REL, D))
    Ws_attn = _xavier(ks[10], (D, A))
    Wr_attn = _xavier(ks[11], (D, A))
    Wqr_attn_W = _xavier(ks[12], (D, A))
    Wqr_attn_b = jnp.zeros((A,), jnp.float32)
    W_attn = _xavier(ks[13], (A, 1))
    return {"query": query, "q_sub": q_sub, "q_rel": q_rel, "hidden": hidden, "edges": edges, "nodes": nodes, "rela_embed": rela_embed, "Ws_attn": Ws_attn, "Wr_attn": Wr_attn, "Wqr_attn_W": Wqr_attn_W, "Wqr_attn_b": Wqr_attn_b, "W_attn": W_attn}

def reference(query, q_sub, q_rel, hidden, edges, nodes, rela_embed, Ws_attn, Wr_attn, Wqr_attn_W, Wqr_attn_b, W_attn):
    # Fresh module: moe_step (1) <= moe_warmup_steps (500), so MoE gating is skipped,
    # matching the first forward call of the torch module.
    id_bat = edges[:, 0]
    id_sub = edges[:, 1]
    id_rel = edges[:, 2]
    id_obj = edges[:, 3]
    all_ent_hidden = hidden.reshape(-1, hidden.shape[-1])
    message_head = jnp.take(all_ent_hidden, id_sub, axis=0)
    message_rela = jnp.take(rela_embed, id_rel, axis=0)  # rela_independent=False -> rela_embed lookup
    message_tail = jnp.take(all_ent_hidden, id_obj, axis=0)  # computed as in original (unused pre-MoE-warmup)
    message_quer = jnp.take(query, id_bat, axis=0)
    mess = message_head * message_rela  # message_func == 'distmult'
    attn_input = message_head @ Ws_attn + message_rela @ Wr_attn + (message_quer @ Wqr_attn_W + Wqr_attn_b)
    alpha_2 = jax.nn.sigmoid(jax.nn.relu(attn_input) @ W_attn)
    message = mess * alpha_2
    return message

if __name__ == "__main__":
    import jax
    _d = setup_inputs()
    print(jax.jit(kernel)(*tuple(_d.values())))

</pallas_src>

<mosaic_0001>
#map = affine_map<(d0, d1) -> (0, 0)>
#map1 = affine_map<(d0, d1) -> (0)>
module attributes {stable_mosaic.version = 14 : i64} {
  func.func @_edge_body(%arg0: i32, %arg1: i32, %arg2: memref<80000x128xi32, #tpu.memory_space<hbm>>, %arg3: memref<256x128xi32, #tpu.memory_space<hbm>>, %arg4: memref<320000xi32, #tpu.memory_space<hbm>>, %arg5: memref<320000xi32, #tpu.memory_space<hbm>>, %arg6: memref<320000xi32, #tpu.memory_space<hbm>>, %arg7: memref<128xf32, #tpu.memory_space<hbm>>, %arg8: memref<320000x128xf32, #tpu.memory_space<hbm>>, %arg9: memref<10000xi32, #tpu.memory_space<vmem>>, %arg10: memref<10016xi32, #tpu.memory_space<vmem>>, %arg11: memref<10000xi32, #tpu.memory_space<vmem>>, %arg12: memref<256x128xi32, #tpu.memory_space<vmem>>, %arg13: memref<80x128xi32, #tpu.memory_space<vmem>>, %arg14: memref<80x128xi32, #tpu.memory_space<vmem>>, %arg15: memref<80x128xf32, #tpu.memory_space<vmem>>, %arg16: memref<80x128xf32, #tpu.memory_space<vmem>>, %arg17: memref<128xf32, #tpu.memory_space<vmem>>, %arg18: memref<!tpu.dma_semaphore, #tpu.memory_space<semaphore_mem>>, %arg19: memref<!tpu.dma_semaphore, #tpu.memory_space<semaphore_mem>>, %arg20: memref<!tpu.dma_semaphore, #tpu.memory_space<semaphore_mem>>, %arg21: memref<!tpu.dma_semaphore, #tpu.memory_space<semaphore_mem>>) attributes {dimension_semantics = [#tpu.dimension_semantics<core_parallel>, #tpu.dimension_semantics<subcore_parallel>], iteration_bounds = array<i64: 2, 16>, scalar_prefetch = 0 : i64, scratch_operands = 13 : i64, tpu.core_type = #tpu.core_type<sc_vector_subcore>, window_params = [{transform_indices = #map}, {transform_indices = #map}, {transform_indices = #map1}, {transform_indices = #map1}, {transform_indices = #map1}, {transform_indices = #map1}, {transform_indices = #map}]} {
    %mul3A = arith.constant 2 : i32
    %mul3A_0 = arith.muli %arg1, %mul3A : i32
    %add3A = arith.addi %mul3A_0, %arg0 : i32
    %mul3A_1 = arith.constant 10000 : i32
    %mul3A_2 = arith.muli %add3A, %mul3A_1 : i32
    "tpu.region"() ({
      %run_scoped3A = tpu.sem_alloc : memref<!tpu.dma_semaphore, #tpu.memory_space<semaphore_mem>>
      tpu.enqueue_dma source(%arg7 : memref<128xf32, #tpu.memory_space<hbm>>) target(%arg17 : memref<128xf32, #tpu.memory_space<vmem>>) target_semaphore(%run_scoped3A : memref<!tpu.dma_semaphore, #tpu.memory_space<semaphore_mem>>)
      tpu.wait_dma2 semaphore(%run_scoped3A : memref<!tpu.dma_semaphore, #tpu.memory_space<semaphore_mem>>) src(%arg7 : memref<128xf32, #tpu.memory_space<hbm>>) dst(%arg17 : memref<128xf32, #tpu.memory_space<vmem>>)
      tpu.yield
    }) : () -> ()
    "tpu.region"() ({
      %run_scoped3A = tpu.sem_alloc : memref<!tpu.dma_semaphore, #tpu.memory_space<semaphore_mem>>
      tpu.enqueue_dma source(%arg3 : memref<256x128xi32, #tpu.memory_space<hbm>>) target(%arg12 : memref<256x128xi32, #tpu.memory_space<vmem>>) target_semaphore(%run_scoped3A : memref<!tpu.dma_semaphore, #tpu.memory_space<semaphore_mem>>)
      tpu.wait_dma2 semaphore(%run_scoped3A : memref<!tpu.dma_semaphore, #tpu.memory_space<semaphore_mem>>) src(%arg3 : memref<256x128xi32, #tpu.memory_space<hbm>>) dst(%arg12 : memref<256x128xi32, #tpu.memory_space<vmem>>)
      tpu.yield
    }) : () -> ()
    "tpu.region"() ({
      %run_scoped3A = tpu.sem_alloc : memref<!tpu.dma_semaphore, #tpu.memory_space<semaphore_mem>>
      %dma_start3A_68 = tpu.memref_slice %arg4[%mul3A_2] : memref<320000xi32, #tpu.memory_space<hbm>> -> memref<10000xi32, #tpu.memory_space<hbm>>
      %dma_start3A_69 = tpu.memref_slice %arg4[%mul3A_2] : memref<320000xi32, #tpu.memory_space<hbm>> -> memref<10000xi32, #tpu.memory_space<hbm>>
      tpu.enqueue_dma source(%dma_start3A_69 : memref<10000xi32, #tpu.memory_space<hbm>>) target(%arg9 : memref<10000xi32, #tpu.memory_space<vmem>>) target_semaphore(%run_scoped3A : memref<!tpu.dma_semaphore, #tpu.memory_space<semaphore_mem>>)
      %dma_wait3A_70 = tpu.memref_slice %arg4[%mul3A_2] : memref<320000xi32, #tpu.memory_space<hbm>> -> memref<10000xi32, #tpu.memory_space<hbm>>
      %dma_wait3A_71 = tpu.memref_slice %arg4[%mul3A_2] : memref<320000xi32, #tpu.memory_space<hbm>> -> memref<10000xi32, #tpu.memory_space<hbm>>
      tpu.wait_dma2 semaphore(%run_scoped3A : memref<!tpu.dma_semaphore, #tpu.memory_space<semaphore_mem>>) src(%dma_wait3A_71 : memref<10000xi32, #tpu.memory_space<hbm>>) dst(%arg9 : memref<10000xi32, #tpu.memory_space<vmem>>)
      tpu.yield
    }) : () -> ()
    "tpu.region"() ({
      %run_scoped3A = tpu.sem_alloc : memref<!tpu.dma_semaphore, #tpu.memory_space<semaphore_mem>>
      %dma_start3A_68 = arith.constant 0 : i32
      %dma_start3A_69 = tpu.memref_slice %arg10[%dma_start3A_68] : memref<10016xi32, #tpu.memory_space<vmem>> -> memref<10000xi32, #tpu.memory_space<vmem>>
      %dma_start3A_70 = tpu.memref_slice %arg5[%mul3A_2] : memref<320000xi32, #tpu.memory_space<hbm>> -> memref<10000xi32, #tpu.memory_space<hbm>>
      %dma_start3A_71 = arith.constant 0 : i32
      %dma_start3A_72 = tpu.memref_slice %arg10[%dma_start3A_71] : memref<10016xi32, #tpu.memory_space<vmem>> -> memref<10000xi32, #tpu.memory_space<vmem>>
      %dma_start3A_73 = tpu.memref_slice %arg5[%mul3A_2] : memref<320000xi32, #tpu.memory_space<hbm>> -> memref<10000xi32, #tpu.memory_space<hbm>>
      tpu.enqueue_dma source(%dma_start3A_73 : memref<10000xi32, #tpu.memory_space<hbm>>) target(%dma_start3A_72 : memref<10000xi32, #tpu.memory_space<vmem>>) target_semaphore(%run_scoped3A : memref<!tpu.dma_semaphore, #tpu.memory_space<semaphore_mem>>)
      %dma_wait3A_74 = arith.constant 0 : i32
      %dma_wait3A_75 = tpu.memref_slice %arg10[%dma_wait3A_74] : memref<10016xi32, #tpu.memory_space<vmem>> -> memref<10000xi32, #tpu.memory_space<vmem>>
      %dma_wait3A_76 = tpu.memref_slice %arg5[%mul3A_2] : memref<320000xi32, #tpu.memory_space<hbm>> -> memref<10000xi32, #tpu.memory_space<hbm>>
      %dma_wait3A_77 = arith.constant 0 : i32
      %dma_wait3A_78 = tpu.memref_slice %arg10[%dma_wait3A_77] : memref<10016xi32, #tpu.memory_space<vmem>> -> memref<10000xi32, #tpu.memory_space<vmem>>
      %dma_wait3A_79 = tpu.memref_slice %arg5[%mul3A_2] : memref<320000xi32, #tpu.memory_space<hbm>> -> memref<10000xi32, #tpu.memory_space<hbm>>
      tpu.wait_dma2 semaphore(%run_scoped3A : memref<!tpu.dma_semaphore, #tpu.memory_space<semaphore_mem>>) src(%dma_wait3A_79 : memref<10000xi32, #tpu.memory_space<hbm>>) dst(%dma_wait3A_78 : memref<10000xi32, #tpu.memory_space<vmem>>)
      tpu.yield
    }) : () -> ()
    "tpu.region"() ({
      %run_scoped3A = tpu.sem_alloc : memref<!tpu.dma_semaphore, #tpu.memory_space<semaphore_mem>>
      %dma_start3A_68 = tpu.memref_slice %arg6[%mul3A_2] : memref<320000xi32, #tpu.memory_space<hbm>> -> memref<10000xi32, #tpu.memory_space<hbm>>
      %dma_start3A_69 = tpu.memref_slice %arg6[%mul3A_2] : memref<320000xi32, #tpu.memory_space<hbm>> -> memref<10000xi32, #tpu.memory_space<hbm>>
      tpu.enqueue_dma source(%dma_start3A_69 : memref<10000xi32, #tpu.memory_space<hbm>>) target(%arg11 : memref<10000xi32, #tpu.memory_space<vmem>>) target_semaphore(%run_scoped3A : memref<!tpu.dma_semaphore, #tpu.memory_space<semaphore_mem>>)
      %dma_wait3A_70 = tpu.memref_slice %arg6[%mul3A_2] : memref<320000xi32, #tpu.memory_space<hbm>> -> memref<10000xi32, #tpu.memory_space<hbm>>
      %dma_wait3A_71 = tpu.memref_slice %arg6[%mul3A_2] : memref<320000xi32, #tpu.memory_space<hbm>> -> memref<10000xi32, #tpu.memory_space<hbm>>
      tpu.wait_dma2 semaphore(%run_scoped3A : memref<!tpu.dma_semaphore, #tpu.memory_space<semaphore_mem>>) src(%dma_wait3A_71 : memref<10000xi32, #tpu.memory_space<hbm>>) dst(%arg11 : memref<10000xi32, #tpu.memory_space<vmem>>)
      tpu.yield
    }) : () -> ()
    %parallel_loop3A = arith.constant 0 : i32
    %parallel_loop3A_3 = arith.constant 10000 : i32
    %parallel_loop3A_4 = arith.constant 16 : i32
    scf.for %parallel_loop3A_68 = %parallel_loop3A to %parallel_loop3A_3 step %parallel_loop3A_4  : i32 {
      %parallel_loop3A_69 = arith.index_cast %parallel_loop3A_68 : i32 to index
      %parallel_loop3A_70 = tpu.vector_load %arg10[%parallel_loop3A_69] {strides = array<i32>} : memref<10016xi32, #tpu.memory_space<vmem>>, vector<16xi32>,
      %parallel_loop3A_71 = arith.constant 8 : i32
      %parallel_loop3A_72 = vector.broadcast %parallel_loop3A_71 : i32 to vector<16xi32>
      %parallel_loop3A_73 = arith.muli %parallel_loop3A_70, %parallel_loop3A_72 : vector<16xi32>
      %parallel_loop3A_74 = arith.index_cast %parallel_loop3A_68 : i32 to index
      %parallel_loop3A_75 = tpu.vector_load %arg11[%parallel_loop3A_74] {strides = array<i32>} : memref<10000xi32, #tpu.memory_space<vmem>>, vector<16xi32>,
      %parallel_loop3A_76 = arith.addi %parallel_loop3A_73, %parallel_loop3A_75 : vector<16xi32>
      %parallel_loop3A_77 = arith.index_cast %parallel_loop3A_68 : i32 to index
      %parallel_loop3A_78 = tpu.vector_load %arg10[%parallel_loop3A_77] {strides = array<i32>} : memref<10016xi32, #tpu.memory_space<vmem>>, vector<16xi32>,
      tpu.vector_store %arg10[%parallel_loop3A_77], %parallel_loop3A_76 {strides = array<i32>} : memref<10016xi32, #tpu.memory_space<vmem>>, vector<16xi32>,
    } {sc.loop_unroll_factor = 4 : i64, sc.parallel_access}
    %broadcast_in_dim3A = arith.constant 1.000000e+00 : f32
    %broadcast_in_dim3A_5 = vector.broadcast %broadcast_in_dim3A : f32 to vector<16xf32>
    %get3A = arith.constant 0 : index
    %get3A_6 = tpu.vector_load %arg17[%get3A] {strides = array<i32>} : memref<128xf32, #tpu.memory_space<vmem>>, vector<16xf32>,
    %get3A_7 = arith.constant 16 : index
    %get3A_8 = tpu.vector_load %arg17[%get3A_7] {strides = array<i32>} : memref<128xf32, #tpu.memory_space<vmem>>, vector<16xf32>,
    %get3A_9 = arith.constant 32 : index
    %get3A_10 = tpu.vector_load %arg17[%get3A_9] {strides = array<i32>} : memref<128xf32, #tpu.memory_space<vmem>>, vector<16xf32>,
    %get3A_11 = arith.constant 48 : index
    %get3A_12 = tpu.vector_load %arg17[%get3A_11] {strides = array<i32>} : memref<128xf32, #tpu.memory_space<vmem>>, vector<16xf32>,
    %get3A_13 = arith.constant 64 : index
    %get3A_14 = tpu.vector_load %arg17[%get3A_13] {strides = array<i32>} : memref<128xf32, #tpu.memory_space<vmem>>, vector<16xf32>,
    %get3A_15 = arith.constant 80 : index
    %get3A_16 = tpu.vector_load %arg17[%get3A_15] {strides = array<i32>} : memref<128xf32, #tpu.memory_space<vmem>>, vector<16xf32>,
    %get3A_17 = arith.constant 96 : index
    %get3A_18 = tpu.vector_load %arg17[%get3A_17] {strides = array<i32>} : memref<128xf32, #tpu.memory_space<vmem>>, vector<16xf32>,
    %get3A_19 = arith.constant 112 : index
    %get3A_20 = tpu.vector_load %arg17[%get3A_19] {strides = array<i32>} : memref<128xf32, #tpu.memory_space<vmem>>, vector<16xf32>,
    %mul3A_21 = arith.constant 0 : i32
    %mul3A_22 = arith.constant 80 : i32
    %mul3A_23 = arith.muli %mul3A_21, %mul3A_22 : i32
    %dma_start3A = tpu.memref_slice %arg9[%mul3A_23] : memref<10000xi32, #tpu.memory_space<vmem>> -> memref<80xi32, #tpu.memory_space<vmem>>
    %dma_start3A_24 = arith.constant 0 : i32
    %dma_start3A_25 = arith.constant 0 : i32
    %dma_start3A_26 = tpu.memref_slice %arg2[%dma_start3A_24, %dma_start3A_25] : memref<80000x128xi32, #tpu.memory_space<hbm>> -> memref<80000x128xi32, #tpu.memory_space<hbm>>
    tpu.enqueue_indirect_dma source(%dma_start3A_26 : memref<80000x128xi32, #tpu.memory_space<hbm>>) target(%arg13 : memref<80x128xi32, #tpu.memory_space<vmem>>) offsets(%dma_start3A : memref<80xi32, #tpu.memory_space<vmem>>) semaphore(%arg18 : memref<!tpu.dma_semaphore, #tpu.memory_space<semaphore_mem>>)
    %scan3A = arith.constant 0 : i32
    %scan3A_27 = arith.constant 0 : i32
    %scan3A_28 = arith.constant 62 : i32
    %scan3A_29 = arith.addi %scan3A_27, %scan3A_28 : i32
    %scan3A_30 = arith.constant 1 : i32
    scf.for %scan3A_68 = %scan3A_27 to %scan3A_29 step %scan3A_30  : i32 {
      %mul3A_69 = arith.constant 2 : i32
      %mul3A_70 = arith.muli %mul3A_69, %scan3A_68 : i32
      %add3A_71 = arith.constant 1 : i32
      %add3A_72 = arith.addi %mul3A_70, %add3A_71 : i32
      %mul3A_73 = arith.constant 80 : i32
      %mul3A_74 = arith.muli %add3A_72, %mul3A_73 : i32
      %dma_start3A_75 = tpu.memref_slice %arg9[%mul3A_74] : memref<10000xi32, #tpu.memory_space<vmem>> -> memref<80xi32, #tpu.memory_space<vmem>>
      %dma_start3A_76 = arith.constant 0 : i32
      %dma_start3A_77 = arith.constant 0 : i32
      %dma_start3A_78 = tpu.memref_slice %arg2[%dma_start3A_76, %dma_start3A_77] : memref<80000x128xi32, #tpu.memory_space<hbm>> -> memref<80000x128xi32, #tpu.memory_space<hbm>>
      tpu.enqueue_indirect_dma source(%dma_start3A_78 : memref<80000x128xi32, #tpu.memory_space<hbm>>) target(%arg14 : memref<80x128xi32, #tpu.memory_space<vmem>>) offsets(%dma_start3A_75 : memref<80xi32, #tpu.memory_space<vmem>>) semaphore(%arg19 : memref<!tpu.dma_semaphore, #tpu.memory_space<semaphore_mem>>)
      %mul3A_79 = arith.constant 80 : i32
      %mul3A_80 = arith.muli %mul3A_70, %mul3A_79 : i32
      %dma_wait3A_81 = tpu.memref_slice %arg9[%mul3A_80] : memref<10000xi32, #tpu.memory_space<vmem>> -> memref<80xi32, #tpu.memory_space<vmem>>
      %dma_wait3A_82 = arith.constant 0 : i32
      %dma_wait3A_83 = arith.constant 0 : i32
      %dma_wait3A_84 = tpu.memref_slice %arg2[%dma_wait3A_82, %dma_wait3A_83] : memref<80000x128xi32, #tpu.memory_space<hbm>> -> memref<80000x128xi32, #tpu.memory_space<hbm>>
      tpu.wait_indirect_dma semaphore(%arg18 : memref<!tpu.dma_semaphore, #tpu.memory_space<semaphore_mem>>) src(%dma_wait3A_84 : memref<80000x128xi32, #tpu.memory_space<hbm>>) dst(%arg13 : memref<80x128xi32, #tpu.memory_space<vmem>>)
      %mul3A_85 = arith.constant 80 : i32
      %mul3A_86 = arith.muli %mul3A_70, %mul3A_85 : i32
      %ge3A_87 = arith.constant 2 : i32
      %ge3A_88 = arith.cmpi sge, %mul3A_70, %ge3A_87 : i32
      %convert_element_type3A_89 = arith.extui %ge3A_88 : i1 to i32
      %cond3A_90 = arith.constant 0 : i32
      %cond3A_91 = arith.cmpi ne, %convert_element_type3A_89, %cond3A_90 : i32
      scf.if %cond3A_91 {
        %sub3A = arith.constant 2 : i32
        %sub3A_133 = arith.subi %mul3A_70, %sub3A : i32
        %mul3A_134 = arith.constant 80 : i32
        %mul3A_135 = arith.muli %sub3A_133, %mul3A_134 : i32
        %add3A_136 = arith.addi %mul3A_2, %mul3A_135 : i32
        %dma_wait3A_137 = arith.constant 0 : i32
        %dma_wait3A_138 = tpu.memref_slice %arg8[%add3A_136, %dma_wait3A_137] : memref<320000x128xf32, #tpu.memory_space<hbm>> -> memref<80x128xf32, #tpu.memory_space<hbm>>
        %dma_wait3A_139 = arith.constant 0 : i32
        %dma_wait3A_140 = tpu.memref_slice %arg8[%add3A_136, %dma_wait3A_139] : memref<320000x128xf32, #tpu.memory_space<hbm>> -> memref<80x128xf32, #tpu.memory_space<hbm>>
        tpu.wait_dma2 semaphore(%arg20 : memref<!tpu.dma_semaphore, #tpu.memory_space<semaphore_mem>>) src(%arg15 : memref<80x128xf32, #tpu.memory_space<vmem>>) dst(%dma_wait3A_140 : memref<80x128xf32, #tpu.memory_space<hbm>>)
      } else {
      }
      %parallel_loop3A_92 = arith.constant 0 : i32
      %parallel_loop3A_93 = arith.constant 80 : i32
      %parallel_loop3A_94 = arith.constant 1 : i32
      scf.for %parallel_loop3A_133 = %parallel_loop3A_92 to %parallel_loop3A_93 step %parallel_loop3A_94  : i32 {
        %parallel_loop3A_134 = arith.addi %mul3A_86, %parallel_loop3A_133 : i32
        %parallel_loop3A_135 = arith.index_cast %parallel_loop3A_134 : i32 to index
        %parallel_loop3A_136 = tpu.vector_load %arg10[%parallel_loop3A_135] {strides = array<i32>} : memref<10016xi32, #tpu.memory_space<vmem>>, vector<16xi32>,
        %parallel_loop3A_137 = vector.extract_strided_slice %parallel_loop3A_136 {offsets = [0], sizes = [1], strides = [1]} : vector<16xi32> to vector<1xi32>
        %parallel_loop3A_138 = vector.extract %parallel_loop3A_137[0] : i32 from vector<1xi32>
        %parallel_loop3A_139 = arith.constant 0.000000e+00 : f32
        %parallel_loop3A_140 = vector.broadcast %parallel_loop3A_139 : f32 to vector<16xf32>
        %parallel_loop3A_141 = arith.index_cast %parallel_loop3A_133 : i32 to index
        %parallel_loop3A_142 = arith.constant 64 : index
        %parallel_loop3A_143 = tpu.vector_load %arg13[%parallel_loop3A_141, %parallel_loop3A_142] {strides = array<i32>} : memref<80x128xi32, #tpu.memory_space<vmem>>, vector<16xi32>,
        %parallel_loop3A_144 = vector.bitcast %parallel_loop3A_143 : vector<16xi32> to vector<32xbf16>
        %parallel_loop3A_145 = tpu.unpack_subelements %parallel_loop3A_144, 0 {pack_format = #tpu.pack_format<interleaved>} : vector<32xbf16> -> vector<16xf32>
        %parallel_loop3A_146 = tpu.unpack_subelements %parallel_loop3A_144, 1 {pack_format = #tpu.pack_format<interleaved>} : vector<32xbf16> -> vector<16xf32>
        %parallel_loop3A_147 = arith.index_cast %parallel_loop3A_138 : i32 to index
        %parallel_loop3A_148 = arith.constant 64 : index
        %parallel_loop3A_149 = tpu.vector_load %arg12[%parallel_loop3A_147, %parallel_loop3A_148] {strides = array<i32>} : memref<256x128xi32, #tpu.memory_space<vmem>>, vector<16xi32>,
        %parallel_loop3A_150 = vector.bitcast %parallel_loop3A_149 : vector<16xi32> to vector<32xbf16>
        %parallel_loop3A_151 = tpu.unpack_subelements %parallel_loop3A_150, 0 {pack_format = #tpu.pack_format<interleaved>} : vector<32xbf16> -> vector<16xf32>
        %parallel_loop3A_152 = tpu.unpack_subelements %parallel_loop3A_150, 1 {pack_format = #tpu.pack_format<interleaved>} : vector<32xbf16> -> vector<16xf32>
        %parallel_loop3A_153 = arith.addf %parallel_loop3A_145, %parallel_loop3A_151 : vector<16xf32>
        %parallel_loop3A_154 = arith.constant 0.000000e+00 : f32
        %parallel_loop3A_155 = vector.broadcast %parallel_loop3A_154 : f32 to vector<16xf32>
        %parallel_loop3A_156 = arith.maximumf %parallel_loop3A_153, %parallel_loop3A_155 : vector<16xf32>
        %parallel_loop3A_157 = arith.mulf %parallel_loop3A_156, %get3A_6 : vector<16xf32>
        %parallel_loop3A_158 = arith.addf %parallel_loop3A_140, %parallel_loop3A_157 : vector<16xf32>
        %parallel_loop3A_159 = arith.addf %parallel_loop3A_146, %parallel_loop3A_152 : vector<16xf32>
        %parallel_loop3A_160 = arith.constant 0.000000e+00 : f32
        %parallel_loop3A_161 = vector.broadcast %parallel_loop3A_160 : f32 to vector<16xf32>
        %parallel_loop3A_162 = arith.maximumf %parallel_loop3A_159, %parallel_loop3A_161 : vector<16xf32>
        %parallel_loop3A_163 = arith.mulf %parallel_loop3A_162, %get3A_8 : vector<16xf32>
        %parallel_loop3A_164 = arith.addf %parallel_loop3A_158, %parallel_loop3A_163 : vector<16xf32>
        %parallel_loop3A_165 = arith.index_cast %parallel_loop3A_133 : i32 to index
        %parallel_loop3A_166 = arith.constant 80 : index
        %parallel_loop3A_167 = tpu.vector_load %arg13[%parallel_loop3A_165, %parallel_loop3A_166] {strides = array<i32>} : memref<80x128xi32, #tpu.memory_space<vmem>>, vector<16xi32>,
        %parallel_loop3A_168 = vector.bitcast %parallel_loop3A_167 : vector<16xi32> to vector<32xbf16>
        %parallel_loop3A_169 = tpu.unpack_subelements %parallel_loop3A_168, 0 {pack_format = #tpu.pack_format<interleaved>} : vector<32xbf16> -> vector<16xf32>
        %parallel_loop3A_170 = tpu.unpack_subelements %parallel_loop3A_168, 1 {pack_format = #tpu.pack_format<interleaved>} : vector<32xbf16> -> vector<16xf32>
        %parallel_loop3A_171 = arith.index_cast %parallel_loop3A_138 : i32 to index
        %parallel_loop3A_172 = arith.constant 80 : index
        %parallel_loop3A_173 = tpu.vector_load %arg12[%parallel_loop3A_171, %parallel_loop3A_172] {strides = array<i32>} : memref<256x128xi32, #tpu.memory_space<vmem>>, vector<16xi32>,
        %parallel_loop3A_174 = vector.bitcast %parallel_loop3A_173 : vector<16xi32> to vector<32xbf16>
        %parallel_loop3A_175 = tpu.unpack_subelements %parallel_loop3A_174, 0 {pack_format = #tpu.pack_format<interleaved>} : vector<32xbf16> -> vector<16xf32>
        %parallel_loop3A_176 = tpu.unpack_subelements %parallel_loop3A_174, 1 {pack_format = #tpu.pack_format<interleaved>} : vector<32xbf16> -> vector<16xf32>
        %parallel_loop3A_177 = arith.addf %parallel_loop3A_169, %parallel_loop3A_175 : vector<16xf32>
        %parallel_loop3A_178 = arith.constant 0.000000e+00 : f32
        %parallel_loop3A_179 = vector.broadcast %parallel_loop3A_178 : f32 to vector<16xf32>
        %parallel_loop3A_180 = arith.maximumf %parallel_loop3A_177, %parallel_loop3A_179 : vector<16xf32>
        %parallel_loop3A_181 = arith.mulf %parallel_loop3A_180, %get3A_10 : vector<16xf32>
        %parallel_loop3A_182 = arith.addf %parallel_loop3A_164, %parallel_loop3A_181 : vector<16xf32>
        %parallel_loop3A_183 = arith.addf %parallel_loop3A_170, %parallel_loop3A_176 : vector<16xf32>
        %parallel_loop3A_184 = arith.constant 0.000000e+00 : f32
        %parallel_loop3A_185 = vector.broadcast %parallel_loop3A_184 : f32 to vector<16xf32>
        %parallel_loop3A_186 = arith.maximumf %parallel_loop3A_183, %parallel_loop3A_185 : vector<16xf32>
        %parallel_loop3A_187 = arith.mulf %parallel_loop3A_186, %get3A_12 : vector<16xf32>
        %parallel_loop3A_188 = arith.addf %parallel_loop3A_182, %parallel_loop3A_187 : vector<16xf32>
        %parallel_loop3A_189 = arith.index_cast %parallel_loop3A_133 : i32 to index
        %parallel_loop3A_190 = arith.constant 96 : index
        %parallel_loop3A_191 = tpu.vector_load %arg13[%parallel_loop3A_189, %parallel_loop3A_190] {strides = array<i32>} : memref<80x128xi32, #tpu.memory_space<vmem>>, vector<16xi32>,
        %parallel_loop3A_192 = vector.bitcast %parallel_loop3A_191 : vector<16xi32> to vector<32xbf16>
        %parallel_loop3A_193 = tpu.unpack_subelements %parallel_loop3A_192, 0 {pack_format = #tpu.pack_format<interleaved>} : vector<32xbf16> -> vector<16xf32>
        %parallel_loop3A_194 = tpu.unpack_subelements %parallel_loop3A_192, 1 {pack_format = #tpu.pack_format<interleaved>} : vector<32xbf16> -> vector<16xf32>
        %parallel_loop3A_195 = arith.index_cast %parallel_loop3A_138 : i32 to index
        %parallel_loop3A_196 = arith.constant 96 : index
        %parallel_loop3A_197 = tpu.vector_load %arg12[%parallel_loop3A_195, %parallel_loop3A_196] {strides = array<i32>} : memref<256x128xi32, #tpu.memory_space<vmem>>, vector<16xi32>,
        %parallel_loop3A_198 = vector.bitcast %parallel_loop3A_197 : vector<16xi32> to vector<32xbf16>
        %parallel_loop3A_199 = tpu.unpack_subelements %parallel_loop3A_198, 0 {pack_format = #tpu.pack_format<interleaved>} : vector<32xbf16> -> vector<16xf32>
        %parallel_loop3A_200 = tpu.unpack_subelements %parallel_loop3A_198, 1 {pack_format = #tpu.pack_format<interleaved>} : vector<32xbf16> -> vector<16xf32>
        %parallel_loop3A_201 = arith.addf %parallel_loop3A_193, %parallel_loop3A_199 : vector<16xf32>
        %parallel_loop3A_202 = arith.constant 0.000000e+00 : f32
        %parallel_loop3A_203 = vector.broadcast %parallel_loop3A_202 : f32 to vector<16xf32>
        %parallel_loop3A_204 = arith.maximumf %parallel_loop3A_201, %parallel_loop3A_203 : vector<16xf32>
        %parallel_loop3A_205 = arith.mulf %parallel_loop3A_204, %get3A_14 : vector<16xf32>
        %parallel_loop3A_206 = arith.addf %parallel_loop3A_188, %parallel_loop3A_205 : vector<16xf32>
        %parallel_loop3A_207 = arith.addf %parallel_loop3A_194, %parallel_loop3A_200 : vector<16xf32>
        %parallel_loop3A_208 = arith.constant 0.000000e+00 : f32
        %parallel_loop3A_209 = vector.broadcast %parallel_loop3A_208 : f32 to vector<16xf32>
        %parallel_loop3A_210 = arith.maximumf %parallel_loop3A_207, %parallel_loop3A_209 : vector<16xf32>
        %parallel_loop3A_211 = arith.mulf %parallel_loop3A_210, %get3A_16 : vector<16xf32>
        %parallel_loop3A_212 = arith.addf %parallel_loop3A_206, %parallel_loop3A_211 : vector<16xf32>
        %parallel_loop3A_213 = arith.index_cast %parallel_loop3A_133 : i32 to index
        %parallel_loop3A_214 = arith.constant 112 : index
        %parallel_loop3A_215 = tpu.vector_load %arg13[%parallel_loop3A_213, %parallel_loop3A_214] {strides = array<i32>} : memref<80x128xi32, #tpu.memory_space<vmem>>, vector<16xi32>,
        %parallel_loop3A_216 = vector.bitcast %parallel_loop3A_215 : vector<16xi32> to vector<32xbf16>
        %parallel_loop3A_217 = tpu.unpack_subelements %parallel_loop3A_216, 0 {pack_format = #tpu.pack_format<interleaved>} : vector<32xbf16> -> vector<16xf32>
        %parallel_loop3A_218 = tpu.unpack_subelements %parallel_loop3A_216, 1 {pack_format = #tpu.pack_format<interleaved>} : vector<32xbf16> -> vector<16xf32>
        %parallel_loop3A_219 = arith.index_cast %parallel_loop3A_138 : i32 to index
        %parallel_loop3A_220 = arith.constant 112 : index
        %parallel_loop3A_221 = tpu.vector_load %arg12[%parallel_loop3A_219, %parallel_loop3A_220] {strides = array<i32>} : memref<256x128xi32, #tpu.memory_space<vmem>>, vector<16xi32>,
        %parallel_loop3A_222 = vector.bitcast %parallel_loop3A_221 : vector<16xi32> to vector<32xbf16>
        %parallel_loop3A_223 = tpu.unpack_subelements %parallel_loop3A_222, 0 {pack_format = #tpu.pack_format<interleaved>} : vector<32xbf16> -> vector<16xf32>
        %parallel_loop3A_224 = tpu.unpack_subelements %parallel_loop3A_222, 1 {pack_format = #tpu.pack_format<interleaved>} : vector<32xbf16> -> vector<16xf32>
        %parallel_loop3A_225 = arith.addf %parallel_loop3A_217, %parallel_loop3A_223 : vector<16xf32>
        %parallel_loop3A_226 = arith.constant 0.000000e+00 : f32
        %parallel_loop3A_227 = vector.broadcast %parallel_loop3A_226 : f32 to vector<16xf32>
        %parallel_loop3A_228 = arith.maximumf %parallel_loop3A_225, %parallel_loop3A_227 : vector<16xf32>
        %parallel_loop3A_229 = arith.mulf %parallel_loop3A_228, %get3A_18 : vector<16xf32>
        %parallel_loop3A_230 = arith.addf %parallel_loop3A_212, %parallel_loop3A_229 : vector<16xf32>
        %parallel_loop3A_231 = arith.addf %parallel_loop3A_218, %parallel_loop3A_224 : vector<16xf32>
        %parallel_loop3A_232 = arith.constant 0.000000e+00 : f32
        %parallel_loop3A_233 = vector.broadcast %parallel_loop3A_232 : f32 to vector<16xf32>
        %parallel_loop3A_234 = arith.maximumf %parallel_loop3A_231, %parallel_loop3A_233 : vector<16xf32>
        %parallel_loop3A_235 = arith.mulf %parallel_loop3A_234, %get3A_20 : vector<16xf32>
        %parallel_loop3A_236 = arith.addf %parallel_loop3A_230, %parallel_loop3A_235 : vector<16xf32>
        %parallel_loop3A_237 = arith.constant true
        %parallel_loop3A_238 = vector.broadcast %parallel_loop3A_237 : i1 to vector<16xi1>
        %parallel_loop3A_239 = tpu.scan <sum>, %parallel_loop3A_236 masked %parallel_loop3A_238 : vector<16xf32>, vector<16xi1> -> vector<16xf32>
        %parallel_loop3A_240 = vector.extract %parallel_loop3A_239[15] : f32 from vector<16xf32>
        %parallel_loop3A_241 = arith.constant 0.000000e+00 : f32
        %parallel_loop3A_242 = arith.subf %parallel_loop3A_241, %parallel_loop3A_240 : f32
        %parallel_loop3A_243 = vector.broadcast %parallel_loop3A_242 : f32 to vector<16xf32>
        %parallel_loop3A_244 = arith.mulf %parallel_loop3A_243, %broadcast_in_dim3A_5 : vector<16xf32>
        %parallel_loop3A_245 = math.exp %parallel_loop3A_244 : vector<16xf32>
        %parallel_loop3A_246 = arith.constant 1.000000e+00 : f32
        %parallel_loop3A_247 = vector.broadcast %parallel_loop3A_246 : f32 to vector<16xf32>
        %parallel_loop3A_248 = arith.addf %parallel_loop3A_247, %parallel_loop3A_245 : vector<16xf32>
        %parallel_loop3A_249 = arith.constant 1.000000e+00 : f32
        %parallel_loop3A_250 = vector.broadcast %parallel_loop3A_249 : f32 to vector<16xf32>
        %parallel_loop3A_251 = arith.divf %parallel_loop3A_250, %parallel_loop3A_248 : vector<16xf32>
        %parallel_loop3A_252 = arith.index_cast %parallel_loop3A_133 : i32 to index
        %parallel_loop3A_253 = arith.constant 0 : index
        %parallel_loop3A_254 = tpu.vector_load %arg13[%parallel_loop3A_252, %parallel_loop3A_253] {strides = array<i32>} : memref<80x128xi32, #tpu.memory_space<vmem>>, vector<16xi32>,
        %parallel_loop3A_255 = vector.bitcast %parallel_loop3A_254 : vector<16xi32> to vector<32xbf16>
        %parallel_loop3A_256 = tpu.unpack_subelements %parallel_loop3A_255, 0 {pack_format = #tpu.pack_format<interleaved>} : vector<32xbf16> -> vector<16xf32>
        %parallel_loop3A_257 = tpu.unpack_subelements %parallel_loop3A_255, 1 {pack_format = #tpu.pack_format<interleaved>} : vector<32xbf16> -> vector<16xf32>
        %parallel_loop3A_258 = arith.index_cast %parallel_loop3A_138 : i32 to index
        %parallel_loop3A_259 = arith.constant 0 : index
        %parallel_loop3A_260 = tpu.vector_load %arg12[%parallel_loop3A_258, %parallel_loop3A_259] {strides = array<i32>} : memref<256x128xi32, #tpu.memory_space<vmem>>, vector<16xi32>,
        %parallel_loop3A_261 = vector.bitcast %parallel_loop3A_260 : vector<16xi32> to vector<32xbf16>
        %parallel_loop3A_262 = tpu.unpack_subelements %parallel_loop3A_261, 0 {pack_format = #tpu.pack_format<interleaved>} : vector<32xbf16> -> vector<16xf32>
        %parallel_loop3A_263 = tpu.unpack_subelements %parallel_loop3A_261, 1 {pack_format = #tpu.pack_format<interleaved>} : vector<32xbf16> -> vector<16xf32>
        %parallel_loop3A_264 = arith.mulf %parallel_loop3A_256, %parallel_loop3A_262 : vector<16xf32>
        %parallel_loop3A_265 = arith.mulf %parallel_loop3A_264, %parallel_loop3A_251 : vector<16xf32>
        %parallel_loop3A_266 = arith.index_cast %parallel_loop3A_133 : i32 to index
        %parallel_loop3A_267 = arith.constant 0 : index
        %parallel_loop3A_268 = tpu.vector_load %arg15[%parallel_loop3A_266, %parallel_loop3A_267] {strides = array<i32>} : memref<80x128xf32, #tpu.memory_space<vmem>>, vector<16xf32>,
        tpu.vector_store %arg15[%parallel_loop3A_266, %parallel_loop3A_267], %parallel_loop3A_265 {strides = array<i32>} : memref<80x128xf32, #tpu.memory_space<vmem>>, vector<16xf32>,
        %parallel_loop3A_269 = arith.mulf %parallel_loop3A_257, %parallel_loop3A_263 : vector<16xf32>
        %parallel_loop3A_270 = arith.mulf %parallel_loop3A_269, %parallel_loop3A_251 : vector<16xf32>
        %parallel_loop3A_271 = arith.index_cast %parallel_loop3A_133 : i32 to index
        %parallel_loop3A_272 = arith.constant 16 : index
        %parallel_loop3A_273 = tpu.vector_load %arg15[%parallel_loop3A_271, %parallel_loop3A_272] {strides = array<i32>} : memref<80x128xf32, #tpu.memory_space<vmem>>, vector<16xf32>,
        tpu.vector_store %arg15[%parallel_loop3A_271, %parallel_loop3A_272], %parallel_loop3A_270 {strides = array<i32>} : memref<80x128xf32, #tpu.memory_space<vmem>>, vector<16xf32>,
        %parallel_loop3A_274 = arith.index_cast %parallel_loop3A_133 : i32 to index
        %parallel_loop3A_275 = arith.constant 16 : index
        %parallel_loop3A_276 = tpu.vector_load %arg13[%parallel_loop3A_274, %parallel_loop3A_275] {strides = array<i32>} : memref<80x128xi32, #tpu.memory_space<vmem>>, vector<16xi32>,
        %parallel_loop3A_277 = vector.bitcast %parallel_loop3A_276 : vector<16xi32> to vector<32xbf16>
        %parallel_loop3A_278 = tpu.unpack_subelements %parallel_loop3A_277, 0 {pack_format = #tpu.pack_format<interleaved>} : vector<32xbf16> -> vector<16xf32>
        %parallel_loop3A_279 = tpu.unpack_subelements %parallel_loop3A_277, 1 {pack_format = #tpu.pack_format<interleaved>} : vector<32xbf16> -> vector<16xf32>
        %parallel_loop3A_280 = arith.index_cast %parallel_loop3A_138 : i32 to index
        %parallel_loop3A_281 = arith.constant 16 : index
        %parallel_loop3A_282 = tpu.vector_load %arg12[%parallel_loop3A_280, %parallel_loop3A_281] {strides = array<i32>} : memref<256x128xi32, #tpu.memory_space<vmem>>, vector<16xi32>,
        %parallel_loop3A_283 = vector.bitcast %parallel_loop3A_282 : vector<16xi32> to vector<32xbf16>
        %parallel_loop3A_284 = tpu.unpack_subelements %parallel_loop3A_283, 0 {pack_format = #tpu.pack_format<interleaved>} : vector<32xbf16> -> vector<16xf32>
        %parallel_loop3A_285 = tpu.unpack_subelements %parallel_loop3A_283, 1 {pack_format = #tpu.pack_format<interleaved>} : vector<32xbf16> -> vector<16xf32>
        %parallel_loop3A_286 = arith.mulf %parallel_loop3A_278, %parallel_loop3A_284 : vector<16xf32>
        %parallel_loop3A_287 = arith.mulf %parallel_loop3A_286, %parallel_loop3A_251 : vector<16xf32>
        %parallel_loop3A_288 = arith.index_cast %parallel_loop3A_133 : i32 to index
        %parallel_loop3A_289 = arith.constant 32 : index
        %parallel_loop3A_290 = tpu.vector_load %arg15[%parallel_loop3A_288, %parallel_loop3A_289] {strides = array<i32>} : memref<80x128xf32, #tpu.memory_space<vmem>>, vector<16xf32>,
        tpu.vector_store %arg15[%parallel_loop3A_288, %parallel_loop3A_289], %parallel_loop3A_287 {strides = array<i32>} : memref<80x128xf32, #tpu.memory_space<vmem>>, vector<16xf32>,
        %parallel_loop3A_291 = arith.mulf %parallel_loop3A_279, %parallel_loop3A_285 : vector<16xf32>
        %parallel_loop3A_292 = arith.mulf %parallel_loop3A_291, %parallel_loop3A_251 : vector<16xf32>
        %parallel_loop3A_293 = arith.index_cast %parallel_loop3A_133 : i32 to index
        %parallel_loop3A_294 = arith.constant 48 : index
        %parallel_loop3A_295 = tpu.vector_load %arg15[%parallel_loop3A_293, %parallel_loop3A_294] {strides = array<i32>} : memref<80x128xf32, #tpu.memory_space<vmem>>, vector<16xf32>,
        tpu.vector_store %arg15[%parallel_loop3A_293, %parallel_loop3A_294], %parallel_loop3A_292 {strides = array<i32>} : memref<80x128xf32, #tpu.memory_space<vmem>>, vector<16xf32>,
        %parallel_loop3A_296 = arith.index_cast %parallel_loop3A_133 : i32 to index
        %parallel_loop3A_297 = arith.constant 32 : index
        %parallel_loop3A_298 = tpu.vector_load %arg13[%parallel_loop3A_296, %parallel_loop3A_297] {strides = array<i32>} : memref<80x128xi32, #tpu.memory_space<vmem>>, vector<16xi32>,
        %parallel_loop3A_299 = vector.bitcast %parallel_loop3A_298 : vector<16xi32> to vector<32xbf16>
        %parallel_loop3A_300 = tpu.unpack_subelements %parallel_loop3A_299, 0 {pack_format = #tpu.pack_format<interleaved>} : vector<32xbf16> -> vector<16xf32>
        %parallel_loop3A_301 = tpu.unpack_subelements %parallel_loop3A_299, 1 {pack_format = #tpu.pack_format<interleaved>} : vector<32xbf16> -> vector<16xf32>
        %parallel_loop3A_302 = arith.index_cast %parallel_loop3A_138 : i32 to index
        %parallel_loop3A_303 = arith.constant 32 : index
        %parallel_loop3A_304 = tpu.vector_load %arg12[%parallel_loop3A_302, %parallel_loop3A_303] {strides = array<i32>} : memref<256x128xi32, #tpu.memory_space<vmem>>, vector<16xi32>,
        %parallel_loop3A_305 = vector.bitcast %parallel_loop3A_304 : vector<16xi32> to vector<32xbf16>
        %parallel_loop3A_306 = tpu.unpack_subelements %parallel_loop3A_305, 0 {pack_format = #tpu.pack_format<interleaved>} : vector<32xbf16> -> vector<16xf32>
        %parallel_loop3A_307 = tpu.unpack_subelements %parallel_loop3A_305, 1 {pack_format = #tpu.pack_format<interleaved>} : vector<32xbf16> -> vector<16xf32>
        %parallel_loop3A_308 = arith.mulf %parallel_loop3A_300, %parallel_loop3A_306 : vector<16xf32>
        %parallel_loop3A_309 = arith.mulf %parallel_loop3A_308, %parallel_loop3A_251 : vector<16xf32>
        %parallel_loop3A_310 = arith.index_cast %parallel_loop3A_133 : i32 to index
        %parallel_loop3A_311 = arith.constant 64 : index
        %parallel_loop3A_312 = tpu.vector_load %arg15[%parallel_loop3A_310, %parallel_loop3A_311] {strides = array<i32>} : memref<80x128xf32, #tpu.memory_space<vmem>>, vector<16xf32>,
        tpu.vector_store %arg15[%parallel_loop3A_310, %parallel_loop3A_311], %parallel_loop3A_309 {strides = array<i32>} : memref<80x128xf32, #tpu.memory_space<vmem>>, vector<16xf32>,
        %parallel_loop3A_313 = arith.mulf %parallel_loop3A_301, %parallel_loop3A_307 : vector<16xf32>
        %parallel_loop3A_314 = arith.mulf %parallel_loop3A_313, %parallel_loop3A_251 : vector<16xf32>
        %parallel_loop3A_315 = arith.index_cast %parallel_loop3A_133 : i32 to index
        %parallel_loop3A_316 = arith.constant 80 : index
        %parallel_loop3A_317 = tpu.vector_load %arg15[%parallel_loop3A_315, %parallel_loop3A_316] {strides = array<i32>} : memref<80x128xf32, #tpu.memory_space<vmem>>, vector<16xf32>,
        tpu.vector_store %arg15[%parallel_loop3A_315, %parallel_loop3A_316], %parallel_loop3A_314 {strides = array<i32>} : memref<80x128xf32, #tpu.memory_space<vmem>>, vector<16xf32>,
        %parallel_loop3A_318 = arith.index_cast %parallel_loop3A_133 : i32 to index
        %parallel_loop3A_319 = arith.constant 48 : index
        %parallel_loop3A_320 = tpu.vector_load %arg13[%parallel_loop3A_318, %parallel_loop3A_319] {strides = array<i32>} : memref<80x128xi32, #tpu.memory_space<vmem>>, vector<16xi32>,
        %parallel_loop3A_321 = vector.bitcast %parallel_loop3A_320 : vector<16xi32> to vector<32xbf16>
        %parallel_loop3A_322 = tpu.unpack_subelements %parallel_loop3A_321, 0 {pack_format = #tpu.pack_format<interleaved>} : vector<32xbf16> -> vector<16xf32>
        %parallel_loop3A_323 = tpu.unpack_subelements %parallel_loop3A_321, 1 {pack_format = #tpu.pack_format<interleaved>} : vector<32xbf16> -> vector<16xf32>
        %parallel_loop3A_324 = arith.index_cast %parallel_loop3A_138 : i32 to index
        %parallel_loop3A_325 = arith.constant 48 : index
        %parallel_loop3A_326 = tpu.vector_load %arg12[%parallel_loop3A_324, %parallel_loop3A_325] {strides = array<i32>} : memref<256x128xi32, #tpu.memory_space<vmem>>, vector<16xi32>,
        %parallel_loop3A_327 = vector.bitcast %parallel_loop3A_326 : vector<16xi32> to vector<32xbf16>
        %parallel_loop3A_328 = tpu.unpack_subelements %parallel_loop3A_327, 0 {pack_format = #tpu.pack_format<interleaved>} : vector<32xbf16> -> vector<16xf32>
        %parallel_loop3A_329 = tpu.unpack_subelements %parallel_loop3A_327, 1 {pack_format = #tpu.pack_format<interleaved>} : vector<32xbf16> -> vector<16xf32>
        %parallel_loop3A_330 = arith.mulf %parallel_loop3A_322, %parallel_loop3A_328 : vector<16xf32>
        %parallel_loop3A_331 = arith.mulf %parallel_loop3A_330, %parallel_loop3A_251 : vector<16xf32>
        %parallel_loop3A_332 = arith.index_cast %parallel_loop3A_133 : i32 to index
        %parallel_loop3A_333 = arith.constant 96 : index
        %parallel_loop3A_334 = tpu.vector_load %arg15[%parallel_loop3A_332, %parallel_loop3A_333] {strides = array<i32>} : memref<80x128xf32, #tpu.memory_space<vmem>>, vector<16xf32>,
        tpu.vector_store %arg15[%parallel_loop3A_332, %parallel_loop3A_333], %parallel_loop3A_331 {strides = array<i32>} : memref<80x128xf32, #tpu.memory_space<vmem>>, vector<16xf32>,
        %parallel_loop3A_335 = arith.mulf %parallel_loop3A_323, %parallel_loop3A_329 : vector<16xf32>
        %parallel_loop3A_336 = arith.mulf %parallel_loop3A_335, %parallel_loop3A_251 : vector<16xf32>
        %parallel_loop3A_337 = arith.index_cast %parallel_loop3A_133 : i32 to index
        %parallel_loop3A_338 = arith.constant 112 : index
        %parallel_loop3A_339 = tpu.vector_load %arg15[%parallel_loop3A_337, %parallel_loop3A_338] {strides = array<i32>} : memref<80x128xf32, #tpu.memory_space<vmem>>, vector<16xf32>,
        tpu.vector_store %arg15[%parallel_loop3A_337, %parallel_loop3A_338], %parallel_loop3A_336 {strides = array<i32>} : memref<80x128xf32, #tpu.memory_space<vmem>>, vector<16xf32>,
      } {sc.loop_unroll_factor = 4 : i64, sc.parallel_access}
      %mul3A_95 = arith.constant 80 : i32
      %mul3A_96 = arith.muli %mul3A_70, %mul3A_95 : i32
      %add3A_97 = arith.addi %mul3A_2, %mul3A_96 : i32
      %dma_start3A_98 = arith.constant 0 : i32
      %dma_start3A_99 = tpu.memref_slice %arg8[%add3A_97, %dma_start3A_98] : memref<320000x128xf32, #tpu.memory_space<hbm>> -> memref<80x128xf32, #tpu.memory_space<hbm>>
      %dma_start3A_100 = arith.constant 0 : i32
      %dma_start3A_101 = tpu.memref_slice %arg8[%add3A_97, %dma_start3A_100] : memref<320000x128xf32, #tpu.memory_space<hbm>> -> memref<80x128xf32, #tpu.memory_space<hbm>>
      tpu.enqueue_dma source(%arg15 : memref<80x128xf32, #tpu.memory_space<vmem>>) target(%dma_start3A_101 : memref<80x128xf32, #tpu.memory_space<hbm>>) target_semaphore(%arg20 : memref<!tpu.dma_semaphore, #tpu.memory_space<semaphore_mem>>)
      %add3A_102 = arith.constant 2 : i32
      %add3A_103 = arith.addi %mul3A_70, %add3A_102 : i32
      %mul3A_104 = arith.constant 80 : i32
      %mul3A_105 = arith.muli %add3A_103, %mul3A_104 : i32
      %dma_start3A_106 = tpu.memref_slice %arg9[%mul3A_105] : memref<10000xi32, #tpu.memory_space<vmem>> -> memref<80xi32, #tpu.memory_space<vmem>>
      %dma_start3A_107 = arith.constant 0 : i32
      %dma_start3A_108 = arith.constant 0 : i32
      %dma_start3A_109 = tpu.memref_slice %arg2[%dma_start3A_107, %dma_start3A_108] : memref<80000x128xi32, #tpu.memory_space<hbm>> -> memref<80000x128xi32, #tpu.memory_space<hbm>>
      tpu.enqueue_indirect_dma source(%dma_start3A_109 : memref<80000x128xi32, #tpu.memory_space<hbm>>) target(%arg13 : memref<80x128xi32, #tpu.memory_space<vmem>>) offsets(%dma_start3A_106 : memref<80xi32, #tpu.memory_space<vmem>>) semaphore(%arg18 : memref<!tpu.dma_semaphore, #tpu.memory_space<semaphore_mem>>)
      %mul3A_110 = arith.constant 80 : i32
      %mul3A_111 = arith.muli %add3A_72, %mul3A_110 : i32
      %dma_wait3A_112 = tpu.memref_slice %arg9[%mul3A_111] : memref<10000xi32, #tpu.memory_space<vmem>> -> memref<80xi32, #tpu.memory_space<vmem>>
      %dma_wait3A_113 = arith.constant 0 : i32
      %dma_wait3A_114 = arith.constant 0 : i32
      %dma_wait3A_115 = tpu.memref_slice %arg2[%dma_wait3A_113, %dma_wait3A_114] : memref<80000x128xi32, #tpu.memory_space<hbm>> -> memref<80000x128xi32, #tpu.memory_space<hbm>>
      tpu.wait_indirect_dma semaphore(%arg19 : memref<!tpu.dma_semaphore, #tpu.memory_space<semaphore_mem>>) src(%dma_wait3A_115 : memref<80000x128xi32, #tpu.memory_space<hbm>>) dst(%arg14 : memref<80x128xi32, #tpu.memory_space<vmem>>)
      %mul3A_116 = arith.constant 80 : i32
      %mul3A_117 = arith.muli %add3A_72, %mul3A_116 : i32
      %ge3A_118 = arith.constant 2 : i32
      %ge3A_119 = arith.cmpi sge, %add3A_72, %ge3A_118 : i32
      %convert_element_type3A_120 = arith.extui %ge3A_119 : i1 to i32
      %cond3A_121 = arith.constant 0 : i32
      %cond3A_122 = arith.cmpi ne, %convert_element_type3A_120, %cond3A_121 : i32
      scf.if %cond3A_122 {
        %sub3A = arith.constant 2 : i32
        %sub3A_133 = arith.subi %add3A_72, %sub3A : i32
        %mul3A_134 = arith.constant 80 : i32
        %mul3A_135 = arith.muli %sub3A_133, %mul3A_134 : i32
        %add3A_136 = arith.addi %mul3A_2, %mul3A_135 : i32
        %dma_wait3A_137 = arith.constant 0 : i32
        %dma_wait3A_138 = tpu.memref_slice %arg8[%add3A_136, %dma_wait3A_137] : memref<320000x128xf32, #tpu.memory_space<hbm>> -> memref<80x128xf32, #tpu.memory_space<hbm>>
        %dma_wait3A_139 = arith.constant 0 : i32
        %dma_wait3A_140 = tpu.memref_slice %arg8[%add3A_136, %dma_wait3A_139] : memref<320000x128xf32, #tpu.memory_space<hbm>> -> memref<80x128xf32, #tpu.memory_space<hbm>>
        tpu.wait_dma2 semaphore(%arg21 : memref<!tpu.dma_semaphore, #tpu.memory_space<semaphore_mem>>) src(%arg16 : memref<80x128xf32, #tpu.memory_space<vmem>>) dst(%dma_wait3A_140 : memref<80x128xf32, #tpu.memory_space<hbm>>)
      } else {
      }
      %parallel_loop3A_123 = arith.constant 0 : i32
      %parallel_loop3A_124 = arith.constant 80 : i32
      %parallel_loop3A_125 = arith.constant 1 : i32
      scf.for %parallel_loop3A_133 = %parallel_loop3A_123 to %parallel_loop3A_124 step %parallel_loop3A_125  : i32 {
        %parallel_loop3A_134 = arith.addi %mul3A_117, %parallel_loop3A_133 : i32
        %parallel_loop3A_135 = arith.index_cast %parallel_loop3A_134 : i32 to index
        %parallel_loop3A_136 = tpu.vector_load %arg10[%parallel_loop3A_135] {strides = array<i32>} : memref<10016xi32, #tpu.memory_space<vmem>>, vector<16xi32>,
        %parallel_loop3A_137 = vector.extract_strided_slice %parallel_loop3A_136 {offsets = [0], sizes = [1], strides = [1]} : vector<16xi32> to vector<1xi32>
        %parallel_loop3A_138 = vector.extract %parallel_loop3A_137[0] : i32 from vector<1xi32>
        %parallel_loop3A_139 = arith.constant 0.000000e+00 : f32
        %parallel_loop3A_140 = vector.broadcast %parallel_loop3A_139 : f32 to vector<16xf32>
        %parallel_loop3A_141 = arith.index_cast %parallel_loop3A_133 : i32 to index
        %parallel_loop3A_142 = arith.constant 64 : index
        %parallel_loop3A_143 = tpu.vector_load %arg14[%parallel_loop3A_141, %parallel_loop3A_142] {strides = array<i32>} : memref<80x128xi32, #tpu.memory_space<vmem>>, vector<16xi32>,
        %parallel_loop3A_144 = vector.bitcast %parallel_loop3A_143 : vector<16xi32> to vector<32xbf16>
        %parallel_loop3A_145 = tpu.unpack_subelements %parallel_loop3A_144, 0 {pack_format = #tpu.pack_format<interleaved>} : vector<32xbf16> -> vector<16xf32>
        %parallel_loop3A_146 = tpu.unpack_subelements %parallel_loop3A_144, 1 {pack_format = #tpu.pack_format<interleaved>} : vector<32xbf16> -> vector<16xf32>
        %parallel_loop3A_147 = arith.index_cast %parallel_loop3A_138 : i32 to index
        %parallel_loop3A_148 = arith.constant 64 : index
        %parallel_loop3A_149 = tpu.vector_load %arg12[%parallel_loop3A_147, %parallel_loop3A_148] {strides = array<i32>} : memref<256x128xi32, #tpu.memory_space<vmem>>, vector<16xi32>,
        %parallel_loop3A_150 = vector.bitcast %parallel_loop3A_149 : vector<16xi32> to vector<32xbf16>
        %parallel_loop3A_151 = tpu.unpack_subelements %parallel_loop3A_150, 0 {pack_format = #tpu.pack_format<interleaved>} : vector<32xbf16> -> vector<16xf32>
        %parallel_loop3A_152 = tpu.unpack_subelements %parallel_loop3A_150, 1 {pack_format = #tpu.pack_format<interleaved>} : vector<32xbf16> -> vector<16xf32>
        %parallel_loop3A_153 = arith.addf %parallel_loop3A_145, %parallel_loop3A_151 : vector<16xf32>
        %parallel_loop3A_154 = arith.constant 0.000000e+00 : f32
        %parallel_loop3A_155 = vector.broadcast %parallel_loop3A_154 : f32 to vector<16xf32>
        %parallel_loop3A_156 = arith.maximumf %parallel_loop3A_153, %parallel_loop3A_155 : vector<16xf32>
        %parallel_loop3A_157 = arith.mulf %parallel_loop3A_156, %get3A_6 : vector<16xf32>
        %parallel_loop3A_158 = arith.addf %parallel_loop3A_140, %parallel_loop3A_157 : vector<16xf32>
        %parallel_loop3A_159 = arith.addf %parallel_loop3A_146, %parallel_loop3A_152 : vector<16xf32>
        %parallel_loop3A_160 = arith.constant 0.000000e+00 : f32
        %parallel_loop3A_161 = vector.broadcast %parallel_loop3A_160 : f32 to vector<16xf32>
        %parallel_loop3A_162 = arith.maximumf %parallel_loop3A_159, %parallel_loop3A_161 : vector<16xf32>
        %parallel_loop3A_163 = arith.mulf %parallel_loop3A_162, %get3A_8 : vector<16xf32>
        %parallel_loop3A_164 = arith.addf %parallel_loop3A_158, %parallel_loop3A_163 : vector<16xf32>
        %parallel_loop3A_165 = arith.index_cast %parallel_loop3A_133 : i32 to index
        %parallel_loop3A_166 = arith.constant 80 : index
        %parallel_loop3A_167 = tpu.vector_load %arg14[%parallel_loop3A_165, %parallel_loop3A_166] {strides = array<i32>} : memref<80x128xi32, #tpu.memory_space<vmem>>, vector<16xi32>,
        %parallel_loop3A_168 = vector.bitcast %parallel_loop3A_167 : vector<16xi32> to vector<32xbf16>
        %parallel_loop3A_169 = tpu.unpack_subelements %parallel_loop3A_168, 0 {pack_format = #tpu.pack_format<interleaved>} : vector<32xbf16> -> vector<16xf32>
        %parallel_loop3A_170 = tpu.unpack_subelements %parallel_loop3A_168, 1 {pack_format = #tpu.pack_format<interleaved>} : vector<32xbf16> -> vector<16xf32>
        %parallel_loop3A_171 = arith.index_cast %parallel_loop3A_138 : i32 to index
        %parallel_loop3A_172 = arith.constant 80 : index
        %parallel_loop3A_173 = tpu.vector_load %arg12[%parallel_loop3A_171, %parallel_loop3A_172] {strides = array<i32>} : memref<256x128xi32, #tpu.memory_space<vmem>>, vector<16xi32>,
        %parallel_loop3A_174 = vector.bitcast %parallel_loop3A_173 : vector<16xi32> to vector<32xbf16>
        %parallel_loop3A_175 = tpu.unpack_subelements %parallel_loop3A_174, 0 {pack_format = #tpu.pack_format<interleaved>} : vector<32xbf16> -> vector<16xf32>
        %parallel_loop3A_176 = tpu.unpack_subelements %parallel_loop3A_174, 1 {pack_format = #tpu.pack_format<interleaved>} : vector<32xbf16> -> vector<16xf32>
        %parallel_loop3A_177 = arith.addf %parallel_loop3A_169, %parallel_loop3A_175 : vector<16xf32>
        %parallel_loop3A_178 = arith.constant 0.000000e+00 : f32
        %parallel_loop3A_179 = vector.broadcast %parallel_loop3A_178 : f32 to vector<16xf32>
        %parallel_loop3A_180 = arith.maximumf %parallel_loop3A_177, %parallel_loop3A_179 : vector<16xf32>
        %parallel_loop3A_181 = arith.mulf %parallel_loop3A_180, %get3A_10 : vector<16xf32>
        %parallel_loop3A_182 = arith.addf %parallel_loop3A_164, %parallel_loop3A_181 : vector<16xf32>
        %parallel_loop3A_183 = arith.addf %parallel_loop3A_170, %parallel_loop3A_176 : vector<16xf32>
        %parallel_loop3A_184 = arith.constant 0.000000e+00 : f32
        %parallel_loop3A_185 = vector.broadcast %parallel_loop3A_184 : f32 to vector<16xf32>
        %parallel_loop3A_186 = arith.maximumf %parallel_loop3A_183, %parallel_loop3A_185 : vector<16xf32>
        %parallel_loop3A_187 = arith.mulf %parallel_loop3A_186, %get3A_12 : vector<16xf32>
        %parallel_loop3A_188 = arith.addf %parallel_loop3A_182, %parallel_loop3A_187 : vector<16xf32>
        %parallel_loop3A_189 = arith.index_cast %parallel_loop3A_133 : i32 to index
        %parallel_loop3A_190 = arith.constant 96 : index
        %parallel_loop3A_191 = tpu.vector_load %arg14[%parallel_loop3A_189, %parallel_loop3A_190] {strides = array<i32>} : memref<80x128xi32, #tpu.memory_space<vmem>>, vector<16xi32>,
        %parallel_loop3A_192 = vector.bitcast %parallel_loop3A_191 : vector<16xi32> to vector<32xbf16>
        %parallel_loop3A_193 = tpu.unpack_subelements %parallel_loop3A_192, 0 {pack_format = #tpu.pack_format<interleaved>} : vector<32xbf16> -> vector<16xf32>
        %parallel_loop3A_194 = tpu.unpack_subelements %parallel_loop3A_192, 1 {pack_format = #tpu.pack_format<interleaved>} : vector<32xbf16> -> vector<16xf32>
        %parallel_loop3A_195 = arith.index_cast %parallel_loop3A_138 : i32 to index
        %parallel_loop3A_196 = arith.constant 96 : index
        %parallel_loop3A_197 = tpu.vector_load %arg12[%parallel_loop3A_195, %parallel_loop3A_196] {strides = array<i32>} : memref<256x128xi32, #tpu.memory_space<vmem>>, vector<16xi32>,
        %parallel_loop3A_198 = vector.bitcast %parallel_loop3A_197 : vector<16xi32> to vector<32xbf16>
        %parallel_loop3A_199 = tpu.unpack_subelements %parallel_loop3A_198, 0 {pack_format = #tpu.pack_format<interleaved>} : vector<32xbf16> -> vector<16xf32>
        %parallel_loop3A_200 = tpu.unpack_subelements %parallel_loop3A_198, 1 {pack_format = #tpu.pack_format<interleaved>} : vector<32xbf16> -> vector<16xf32>
        %parallel_loop3A_201 = arith.addf %parallel_loop3A_193, %parallel_loop3A_199 : vector<16xf32>
        %parallel_loop3A_202 = arith.constant 0.000000e+00 : f32
        %parallel_loop3A_203 = vector.broadcast %parallel_loop3A_202 : f32 to vector<16xf32>
        %parallel_loop3A_204 = arith.maximumf %parallel_loop3A_201, %parallel_loop3A_203 : vector<16xf32>
        %parallel_loop3A_205 = arith.mulf %parallel_loop3A_204, %get3A_14 : vector<16xf32>
        %parallel_loop3A_206 = arith.addf %parallel_loop3A_188, %parallel_loop3A_205 : vector<16xf32>
        %parallel_loop3A_207 = arith.addf %parallel_loop3A_194, %parallel_loop3A_200 : vector<16xf32>
        %parallel_loop3A_208 = arith.constant 0.000000e+00 : f32
        %parallel_loop3A_209 = vector.broadcast %parallel_loop3A_208 : f32 to vector<16xf32>
        %parallel_loop3A_210 = arith.maximumf %parallel_loop3A_207, %parallel_loop3A_209 : vector<16xf32>
        %parallel_loop3A_211 = arith.mulf %parallel_loop3A_210, %get3A_16 : vector<16xf32>
        %parallel_loop3A_212 = arith.addf %parallel_loop3A_206, %parallel_loop3A_211 : vector<16xf32>
        %parallel_loop3A_213 = arith.index_cast %parallel_loop3A_133 : i32 to index
        %parallel_loop3A_214 = arith.constant 112 : index
        %parallel_loop3A_215 = tpu.vector_load %arg14[%parallel_loop3A_213, %parallel_loop3A_214] {strides = array<i32>} : memref<80x128xi32, #tpu.memory_space<vmem>>, vector<16xi32>,
        %parallel_loop3A_216 = vector.bitcast %parallel_loop3A_215 : vector<16xi32> to vector<32xbf16>
        %parallel_loop3A_217 = tpu.unpack_subelements %parallel_loop3A_216, 0 {pack_format = #tpu.pack_format<interleaved>} : vector<32xbf16> -> vector<16xf32>
        %parallel_loop3A_218 = tpu.unpack_subelements %parallel_loop3A_216, 1 {pack_format = #tpu.pack_format<interleaved>} : vector<32xbf16> -> vector<16xf32>
        %parallel_loop3A_219 = arith.index_cast %parallel_loop3A_138 : i32 to index
        %parallel_loop3A_220 = arith.constant 112 : index
        %parallel_loop3A_221 = tpu.vector_load %arg12[%parallel_loop3A_219, %parallel_loop3A_220] {strides = array<i32>} : memref<256x128xi32, #tpu.memory_space<vmem>>, vector<16xi32>,
        %parallel_loop3A_222 = vector.bitcast %parallel_loop3A_221 : vector<16xi32> to vector<32xbf16>
        %parallel_loop3A_223 = tpu.unpack_subelements %parallel_loop3A_222, 0 {pack_format = #tpu.pack_format<interleaved>} : vector<32xbf16> -> vector<16xf32>
        %parallel_loop3A_224 = tpu.unpack_subelements %parallel_loop3A_222, 1 {pack_format = #tpu.pack_format<interleaved>} : vector<32xbf16> -> vector<16xf32>
        %parallel_loop3A_225 = arith.addf %parallel_loop3A_217, %parallel_loop3A_223 : vector<16xf32>
        %parallel_loop3A_226 = arith.constant 0.000000e+00 : f32
        %parallel_loop3A_227 = vector.broadcast %parallel_loop3A_226 : f32 to vector<16xf32>
        %parallel_loop3A_228 = arith.maximumf %parallel_loop3A_225, %parallel_loop3A_227 : vector<16xf32>
        %parallel_loop3A_229 = arith.mulf %parallel_loop3A_228, %get3A_18 : vector<16xf32>
        %parallel_loop3A_230 = arith.addf %parallel_loop3A_212, %parallel_loop3A_229 : vector<16xf32>
        %parallel_loop3A_231 = arith.addf %parallel_loop3A_218, %parallel_loop3A_224 : vector<16xf32>
        %parallel_loop3A_232 = arith.constant 0.000000e+00 : f32
        %parallel_loop3A_233 = vector.broadcast %parallel_loop3A_232 : f32 to vector<16xf32>
        %parallel_loop3A_234 = arith.maximumf %parallel_loop3A_231, %parallel_loop3A_233 : vector<16xf32>
        %parallel_loop3A_235 = arith.mulf %parallel_loop3A_234, %get3A_20 : vector<16xf32>
        %parallel_loop3A_236 = arith.addf %parallel_loop3A_230, %parallel_loop3A_235 : vector<16xf32>
        %parallel_loop3A_237 = arith.constant true
        %parallel_loop3A_238 = vector.broadcast %parallel_loop3A_237 : i1 to vector<16xi1>
        %parallel_loop3A_239 = tpu.scan <sum>, %parallel_loop3A_236 masked %parallel_loop3A_238 : vector<16xf32>, vector<16xi1> -> vector<16xf32>
        %parallel_loop3A_240 = vector.extract %parallel_loop3A_239[15] : f32 from vector<16xf32>
        %parallel_loop3A_241 = arith.constant 0.000000e+00 : f32
        %parallel_loop3A_242 = arith.subf %parallel_loop3A_241, %parallel_loop3A_240 : f32
        %parallel_loop3A_243 = vector.broadcast %parallel_loop3A_242 : f32 to vector<16xf32>
        %parallel_loop3A_244 = arith.mulf %parallel_loop3A_243, %broadcast_in_dim3A_5 : vector<16xf32>
        %parallel_loop3A_245 = math.exp %parallel_loop3A_244 : vector<16xf32>
        %parallel_loop3A_246 = arith.constant 1.000000e+00 : f32
        %parallel_loop3A_247 = vector.broadcast %parallel_loop3A_246 : f32 to vector<16xf32>
        %parallel_loop3A_248 = arith.addf %parallel_loop3A_247, %parallel_loop3A_245 : vector<16xf32>
        %parallel_loop3A_249 = arith.constant 1.000000e+00 : f32
        %parallel_loop3A_250 = vector.broadcast %parallel_loop3A_249 : f32 to vector<16xf32>
        %parallel_loop3A_251 = arith.divf %parallel_loop3A_250, %parallel_loop3A_248 : vector<16xf32>
        %parallel_loop3A_252 = arith.index_cast %parallel_loop3A_133 : i32 to index
        %parallel_loop3A_253 = arith.constant 0 : index
        %parallel_loop3A_254 = tpu.vector_load %arg14[%parallel_loop3A_252, %parallel_loop3A_253] {strides = array<i32>} : memref<80x128xi32, #tpu.memory_space<vmem>>, vector<16xi32>,
        %parallel_loop3A_255 = vector.bitcast %parallel_loop3A_254 : vector<16xi32> to vector<32xbf16>
        %parallel_loop3A_256 = tpu.unpack_subelements %parallel_loop3A_255, 0 {pack_format = #tpu.pack_format<interleaved>} : vector<32xbf16> -> vector<16xf32>
        %parallel_loop3A_257 = tpu.unpack_subelements %parallel_loop3A_255, 1 {pack_format = #tpu.pack_format<interleaved>} : vector<32xbf16> -> vector<16xf32>
        %parallel_loop3A_258 = arith.index_cast %parallel_loop3A_138 : i32 to index
        %parallel_loop3A_259 = arith.constant 0 : index
        %parallel_loop3A_260 = tpu.vector_load %arg12[%parallel_loop3A_258, %parallel_loop3A_259] {strides = array<i32>} : memref<256x128xi32, #tpu.memory_space<vmem>>, vector<16xi32>,
        %parallel_loop3A_261 = vector.bitcast %parallel_loop3A_260 : vector<16xi32> to vector<32xbf16>
        %parallel_loop3A_262 = tpu.unpack_subelements %parallel_loop3A_261, 0 {pack_format = #tpu.pack_format<interleaved>} : vector<32xbf16> -> vector<16xf32>
        %parallel_loop3A_263 = tpu.unpack_subelements %parallel_loop3A_261, 1 {pack_format = #tpu.pack_format<interleaved>} : vector<32xbf16> -> vector<16xf32>
        %parallel_loop3A_264 = arith.mulf %parallel_loop3A_256, %parallel_loop3A_262 : vector<16xf32>
        %parallel_loop3A_265 = arith.mulf %parallel_loop3A_264, %parallel_loop3A_251 : vector<16xf32>
        %parallel_loop3A_266 = arith.index_cast %parallel_loop3A_133 : i32 to index
        %parallel_loop3A_267 = arith.constant 0 : index
        %parallel_loop3A_268 = tpu.vector_load %arg16[%parallel_loop3A_266, %parallel_loop3A_267] {strides = array<i32>} : memref<80x128xf32, #tpu.memory_space<vmem>>, vector<16xf32>,
        tpu.vector_store %arg16[%parallel_loop3A_266, %parallel_loop3A_267], %parallel_loop3A_265 {strides = array<i32>} : memref<80x128xf32, #tpu.memory_space<vmem>>, vector<16xf32>,
        %parallel_loop3A_269 = arith.mulf %parallel_loop3A_257, %parallel_loop3A_263 : vector<16xf32>
        %parallel_loop3A_270 = arith.mulf %parallel_loop3A_269, %parallel_loop3A_251 : vector<16xf32>
        %parallel_loop3A_271 = arith.index_cast %parallel_loop3A_133 : i32 to index
        %parallel_loop3A_272 = arith.constant 16 : index
        %parallel_loop3A_273 = tpu.vector_load %arg16[%parallel_loop3A_271, %parallel_loop3A_272] {strides = array<i32>} : memref<80x128xf32, #tpu.memory_space<vmem>>, vector<16xf32>,
        tpu.vector_store %arg16[%parallel_loop3A_271, %parallel_loop3A_272], %parallel_loop3A_270 {strides = array<i32>} : memref<80x128xf32, #tpu.memory_space<vmem>>, vector<16xf32>,
        %parallel_loop3A_274 = arith.index_cast %parallel_loop3A_133 : i32 to index
        %parallel_loop3A_275 = arith.constant 16 : index
        %parallel_loop3A_276 = tpu.vector_load %arg14[%parallel_loop3A_274, %parallel_loop3A_275] {strides = array<i32>} : memref<80x128xi32, #tpu.memory_space<vmem>>, vector<16xi32>,
        %parallel_loop3A_277 = vector.bitcast %parallel_loop3A_276 : vector<16xi32> to vector<32xbf16>
        %parallel_loop3A_278 = tpu.unpack_subelements %parallel_loop3A_277, 0 {pack_format = #tpu.pack_format<interleaved>} : vector<32xbf16> -> vector<16xf32>
        %parallel_loop3A_279 = tpu.unpack_subelements %parallel_loop3A_277, 1 {pack_format = #tpu.pack_format<interleaved>} : vector<32xbf16> -> vector<16xf32>
        %parallel_loop3A_280 = arith.index_cast %parallel_loop3A_138 : i32 to index
        %parallel_loop3A_281 = arith.constant 16 : index
        %parallel_loop3A_282 = tpu.vector_load %arg12[%parallel_loop3A_280, %parallel_loop3A_281] {strides = array<i32>} : memref<256x128xi32, #tpu.memory_space<vmem>>, vector<16xi32>,
        %parallel_loop3A_283 = vector.bitcast %parallel_loop3A_282 : vector<16xi32> to vector<32xbf16>
        %parallel_loop3A_284 = tpu.unpack_subelements %parallel_loop3A_283, 0 {pack_format = #tpu.pack_format<interleaved>} : vector<32xbf16> -> vector<16xf32>
        %parallel_loop3A_285 = tpu.unpack_subelements %parallel_loop3A_283, 1 {pack_format = #tpu.pack_format<interleaved>} : vector<32xbf16> -> vector<16xf32>
        %parallel_loop3A_286 = arith.mulf %parallel_loop3A_278, %parallel_loop3A_284 : vector<16xf32>
        %parallel_loop3A_287 = arith.mulf %parallel_loop3A_286, %parallel_loop3A_251 : vector<16xf32>
        %parallel_loop3A_288 = arith.index_cast %parallel_loop3A_133 : i32 to index
        %parallel_loop3A_289 = arith.constant 32 : index
        %parallel_loop3A_290 = tpu.vector_load %arg16[%parallel_loop3A_288, %parallel_loop3A_289] {strides = array<i32>} : memref<80x128xf32, #tpu.memory_space<vmem>>, vector<16xf32>,
        tpu.vector_store %arg16[%parallel_loop3A_288, %parallel_loop3A_289], %parallel_loop3A_287 {strides = array<i32>} : memref<80x128xf32, #tpu.memory_space<vmem>>, vector<16xf32>,
        %parallel_loop3A_291 = arith.mulf %parallel_loop3A_279, %parallel_loop3A_285 : vector<16xf32>
        %parallel_loop3A_292 = arith.mulf %parallel_loop3A_291, %parallel_loop3A_251 : vector<16xf32>
        %parallel_loop3A_293 = arith.index_cast %parallel_loop3A_133 : i32 to index
        %parallel_loop3A_294 = arith.constant 48 : index
        %parallel_loop3A_295 = tpu.vector_load %arg16[%parallel_loop3A_293, %parallel_loop3A_294] {strides = array<i32>} : memref<80x128xf32, #tpu.memory_space<vmem>>, vector<16xf32>,
        tpu.vector_store %arg16[%parallel_loop3A_293, %parallel_loop3A_294], %parallel_loop3A_292 {strides = array<i32>} : memref<80x128xf32, #tpu.memory_space<vmem>>, vector<16xf32>,
        %parallel_loop3A_296 = arith.index_cast %parallel_loop3A_133 : i32 to index
        %parallel_loop3A_297 = arith.constant 32 : index
        %parallel_loop3A_298 = tpu.vector_load %arg14[%parallel_loop3A_296, %parallel_loop3A_297] {strides = array<i32>} : memref<80x128xi32, #tpu.memory_space<vmem>>, vector<16xi32>,
        %parallel_loop3A_299 = vector.bitcast %parallel_loop3A_298 : vector<16xi32> to vector<32xbf16>
        %parallel_loop3A_300 = tpu.unpack_subelements %parallel_loop3A_299, 0 {pack_format = #tpu.pack_format<interleaved>} : vector<32xbf16> -> vector<16xf32>
        %parallel_loop3A_301 = tpu.unpack_subelements %parallel_loop3A_299, 1 {pack_format = #tpu.pack_format<interleaved>} : vector<32xbf16> -> vector<16xf32>
        %parallel_loop3A_302 = arith.index_cast %parallel_loop3A_138 : i32 to index
        %parallel_loop3A_303 = arith.constant 32 : index
        %parallel_loop3A_304 = tpu.vector_load %arg12[%parallel_loop3A_302, %parallel_loop3A_303] {strides = array<i32>} : memref<256x128xi32, #tpu.memory_space<vmem>>, vector<16xi32>,
        %parallel_loop3A_305 = vector.bitcast %parallel_loop3A_304 : vector<16xi32> to vector<32xbf16>
        %parallel_loop3A_306 = tpu.unpack_subelements %parallel_loop3A_305, 0 {pack_format = #tpu.pack_format<interleaved>} : vector<32xbf16> -> vector<16xf32>
        %parallel_loop3A_307 = tpu.unpack_subelements %parallel_loop3A_305, 1 {pack_format = #tpu.pack_format<interleaved>} : vector<32xbf16> -> vector<16xf32>
        %parallel_loop3A_308 = arith.mulf %parallel_loop3A_300, %parallel_loop3A_306 : vector<16xf32>
        %parallel_loop3A_309 = arith.mulf %parallel_loop3A_308, %parallel_loop3A_251 : vector<16xf32>
        %parallel_loop3A_310 = arith.index_cast %parallel_loop3A_133 : i32 to index
        %parallel_loop3A_311 = arith.constant 64 : index
        %parallel_loop3A_312 = tpu.vector_load %arg16[%parallel_loop3A_310, %parallel_loop3A_311] {strides = array<i32>} : memref<80x128xf32, #tpu.memory_space<vmem>>, vector<16xf32>,
        tpu.vector_store %arg16[%parallel_loop3A_310, %parallel_loop3A_311], %parallel_loop3A_309 {strides = array<i32>} : memref<80x128xf32, #tpu.memory_space<vmem>>, vector<16xf32>,
        %parallel_loop3A_313 = arith.mulf %parallel_loop3A_301, %parallel_loop3A_307 : vector<16xf32>
        %parallel_loop3A_314 = arith.mulf %parallel_loop3A_313, %parallel_loop3A_251 : vector<16xf32>
        %parallel_loop3A_315 = arith.index_cast %parallel_loop3A_133 : i32 to index
        %parallel_loop3A_316 = arith.constant 80 : index
        %parallel_loop3A_317 = tpu.vector_load %arg16[%parallel_loop3A_315, %parallel_loop3A_316] {strides = array<i32>} : memref<80x128xf32, #tpu.memory_space<vmem>>, vector<16xf32>,
        tpu.vector_store %arg16[%parallel_loop3A_315, %parallel_loop3A_316], %parallel_loop3A_314 {strides = array<i32>} : memref<80x128xf32, #tpu.memory_space<vmem>>, vector<16xf32>,
        %parallel_loop3A_318 = arith.index_cast %parallel_loop3A_133 : i32 to index
        %parallel_loop3A_319 = arith.constant 48 : index
        %parallel_loop3A_320 = tpu.vector_load %arg14[%parallel_loop3A_318, %parallel_loop3A_319] {strides = array<i32>} : memref<80x128xi32, #tpu.memory_space<vmem>>, vector<16xi32>,
        %parallel_loop3A_321 = vector.bitcast %parallel_loop3A_320 : vector<16xi32> to vector<32xbf16>
        %parallel_loop3A_322 = tpu.unpack_subelements %parallel_loop3A_321, 0 {pack_format = #tpu.pack_format<interleaved>} : vector<32xbf16> -> vector<16xf32>
        %parallel_loop3A_323 = tpu.unpack_subelements %parallel_loop3A_321, 1 {pack_format = #tpu.pack_format<interleaved>} : vector<32xbf16> -> vector<16xf32>
        %parallel_loop3A_324 = arith.index_cast %parallel_loop3A_138 : i32 to index
        %parallel_loop3A_325 = arith.constant 48 : index
        %parallel_loop3A_326 = tpu.vector_load %arg12[%parallel_loop3A_324, %parallel_loop3A_325] {strides = array<i32>} : memref<256x128xi32, #tpu.memory_space<vmem>>, vector<16xi32>,
        %parallel_loop3A_327 = vector.bitcast %parallel_loop3A_326 : vector<16xi32> to vector<32xbf16>
        %parallel_loop3A_328 = tpu.unpack_subelements %parallel_loop3A_327, 0 {pack_format = #tpu.pack_format<interleaved>} : vector<32xbf16> -> vector<16xf32>
        %parallel_loop3A_329 = tpu.unpack_subelements %parallel_loop3A_327, 1 {pack_format = #tpu.pack_format<interleaved>} : vector<32xbf16> -> vector<16xf32>
        %parallel_loop3A_330 = arith.mulf %parallel_loop3A_322, %parallel_loop3A_328 : vector<16xf32>
        %parallel_loop3A_331 = arith.mulf %parallel_loop3A_330, %parallel_loop3A_251 : vector<16xf32>
        %parallel_loop3A_332 = arith.index_cast %parallel_loop3A_133 : i32 to index
        %parallel_loop3A_333 = arith.constant 96 : index
        %parallel_loop3A_334 = tpu.vector_load %arg16[%parallel_loop3A_332, %parallel_loop3A_333] {strides = array<i32>} : memref<80x128xf32, #tpu.memory_space<vmem>>, vector<16xf32>,
        tpu.vector_store %arg16[%parallel_loop3A_332, %parallel_loop3A_333], %parallel_loop3A_331 {strides = array<i32>} : memref<80x128xf32, #tpu.memory_space<vmem>>, vector<16xf32>,
        %parallel_loop3A_335 = arith.mulf %parallel_loop3A_323, %parallel_loop3A_329 : vector<16xf32>
        %parallel_loop3A_336 = arith.mulf %parallel_loop3A_335, %parallel_loop3A_251 : vector<16xf32>
        %parallel_loop3A_337 = arith.index_cast %parallel_loop3A_133 : i32 to index
        %parallel_loop3A_338 = arith.constant 112 : index
        %parallel_loop3A_339 = tpu.vector_load %arg16[%parallel_loop3A_337, %parallel_loop3A_338] {strides = array<i32>} : memref<80x128xf32, #tpu.memory_space<vmem>>, vector<16xf32>,
        tpu.vector_store %arg16[%parallel_loop3A_337, %parallel_loop3A_338], %parallel_loop3A_336 {strides = array<i32>} : memref<80x128xf32, #tpu.memory_space<vmem>>, vector<16xf32>,
      } {sc.loop_unroll_factor = 4 : i64, sc.parallel_access}
      %mul3A_126 = arith.constant 80 : i32
      %mul3A_127 = arith.muli %add3A_72, %mul3A_126 : i32
      %add3A_128 = arith.addi %mul3A_2, %mul3A_127 : i32
      %dma_start3A_129 = arith.constant 0 : i32
      %dma_start3A_130 = tpu.memref_slice %arg8[%add3A_128, %dma_start3A_129] : memref<320000x128xf32, #tpu.memory_space<hbm>> -> memref<80x128xf32, #tpu.memory_space<hbm>>
      %dma_start3A_131 = arith.constant 0 : i32
      %dma_start3A_132 = tpu.memref_slice %arg8[%add3A_128, %dma_start3A_131] : memref<320000x128xf32, #tpu.memory_space<hbm>> -> memref<80x128xf32, #tpu.memory_space<hbm>>
      tpu.enqueue_dma source(%arg16 : memref<80x128xf32, #tpu.memory_space<vmem>>) target(%dma_start3A_132 : memref<80x128xf32, #tpu.memory_space<hbm>>) target_semaphore(%arg21 : memref<!tpu.dma_semaphore, #tpu.memory_space<semaphore_mem>>)
    }
    %scan3A_31 = arith.constant 62 : i32
    %mul3A_32 = arith.constant 124 : i32
    %mul3A_33 = arith.constant 80 : i32
    %mul3A_34 = arith.muli %mul3A_32, %mul3A_33 : i32
    %dma_wait3A = tpu.memref_slice %arg9[%mul3A_34] : memref<10000xi32, #tpu.memory_space<vmem>> -> memref<80xi32, #tpu.memory_space<vmem>>
    %dma_wait3A_35 = arith.constant 0 : i32
    %dma_wait3A_36 = arith.constant 0 : i32
    %dma_wait3A_37 = tpu.memref_slice %arg2[%dma_wait3A_35, %dma_wait3A_36] : memref<80000x128xi32, #tpu.memory_space<hbm>> -> memref<80000x128xi32, #tpu.memory_space<hbm>>
    tpu.wait_indirect_dma semaphore(%arg18 : memref<!tpu.dma_semaphore, #tpu.memory_space<semaphore_mem>>) src(%dma_wait3A_37 : memref<80000x128xi32, #tpu.memory_space<hbm>>) dst(%arg13 : memref<80x128xi32, #tpu.memory_space<vmem>>)
    %mul3A_38 = arith.constant 124 : i32
    %mul3A_39 = arith.constant 80 : i32
    %mul3A_40 = arith.muli %mul3A_38, %mul3A_39 : i32
    %ge3A = arith.constant 124 : i32
    %ge3A_41 = arith.constant 2 : i32
    %ge3A_42 = arith.cmpi sge, %ge3A, %ge3A_41 : i32
    %convert_element_type3A = arith.extui %ge3A_42 : i1 to i32
    %cond3A = arith.constant 124 : i32
    %cond3A_43 = arith.constant 0 : i32
    %cond3A_44 = arith.cmpi ne, %convert_element_type3A, %cond3A_43 : i32
    scf.if %cond3A_44 {
      %sub3A = arith.constant 2 : i32
      %sub3A_68 = arith.subi %cond3A, %sub3A : i32
      %mul3A_69 = arith.constant 80 : i32
      %mul3A_70 = arith.muli %sub3A_68, %mul3A_69 : i32
      %add3A_71 = arith.addi %mul3A_2, %mul3A_70 : i32
      %dma_wait3A_72 = arith.constant 0 : i32
      %dma_wait3A_73 = tpu.memref_slice %arg8[%add3A_71, %dma_wait3A_72] : memref<320000x128xf32, #tpu.memory_space<hbm>> -> memref<80x128xf32, #tpu.memory_space<hbm>>
      %dma_wait3A_74 = arith.constant 0 : i32
      %dma_wait3A_75 = tpu.memref_slice %arg8[%add3A_71, %dma_wait3A_74] : memref<320000x128xf32, #tpu.memory_space<hbm>> -> memref<80x128xf32, #tpu.memory_space<hbm>>
      tpu.wait_dma2 semaphore(%arg20 : memref<!tpu.dma_semaphore, #tpu.memory_space<semaphore_mem>>) src(%arg15 : memref<80x128xf32, #tpu.memory_space<vmem>>) dst(%dma_wait3A_75 : memref<80x128xf32, #tpu.memory_space<hbm>>)
    } else {
    }
    %parallel_loop3A_45 = arith.constant 0 : i32
    %parallel_loop3A_46 = arith.constant 80 : i32
    %parallel_loop3A_47 = arith.constant 1 : i32
    scf.for %parallel_loop3A_68 = %parallel_loop3A_45 to %parallel_loop3A_46 step %parallel_loop3A_47  : i32 {
      %parallel_loop3A_69 = arith.addi %mul3A_40, %parallel_loop3A_68 : i32
      %parallel_loop3A_70 = arith.index_cast %parallel_loop3A_69 : i32 to index
      %parallel_loop3A_71 = tpu.vector_load %arg10[%parallel_loop3A_70] {strides = array<i32>} : memref<10016xi32, #tpu.memory_space<vmem>>, vector<16xi32>,
      %parallel_loop3A_72 = vector.extract_strided_slice %parallel_loop3A_71 {offsets = [0], sizes = [1], strides = [1]} : vector<16xi32> to vector<1xi32>
      %parallel_loop3A_73 = vector.extract %parallel_loop3A_72[0] : i32 from vector<1xi32>
      %parallel_loop3A_74 = arith.constant 0.000000e+00 : f32
      %parallel_loop3A_75 = vector.broadcast %parallel_loop3A_74 : f32 to vector<16xf32>
      %parallel_loop3A_76 = arith.index_cast %parallel_loop3A_68 : i32 to index
      %parallel_loop3A_77 = arith.constant 64 : index
      %parallel_loop3A_78 = tpu.vector_load %arg13[%parallel_loop3A_76, %parallel_loop3A_77] {strides = array<i32>} : memref<80x128xi32, #tpu.memory_space<vmem>>, vector<16xi32>,
      %parallel_loop3A_79 = vector.bitcast %parallel_loop3A_78 : vector<16xi32> to vector<32xbf16>
      %parallel_loop3A_80 = tpu.unpack_subelements %parallel_loop3A_79, 0 {pack_format = #tpu.pack_format<interleaved>} : vector<32xbf16> -> vector<16xf32>
      %parallel_loop3A_81 = tpu.unpack_subelements %parallel_loop3A_79, 1 {pack_format = #tpu.pack_format<interleaved>} : vector<32xbf16> -> vector<16xf32>
      %parallel_loop3A_82 = arith.index_cast %parallel_loop3A_73 : i32 to index
      %parallel_loop3A_83 = arith.constant 64 : index
      %parallel_loop3A_84 = tpu.vector_load %arg12[%parallel_loop3A_82, %parallel_loop3A_83] {strides = array<i32>} : memref<256x128xi32, #tpu.memory_space<vmem>>, vector<16xi32>,
      %parallel_loop3A_85 = vector.bitcast %parallel_loop3A_84 : vector<16xi32> to vector<32xbf16>
      %parallel_loop3A_86 = tpu.unpack_subelements %parallel_loop3A_85, 0 {pack_format = #tpu.pack_format<interleaved>} : vector<32xbf16> -> vector<16xf32>
      %parallel_loop3A_87 = tpu.unpack_subelements %parallel_loop3A_85, 1 {pack_format = #tpu.pack_format<interleaved>} : vector<32xbf16> -> vector<16xf32>
      %parallel_loop3A_88 = arith.addf %parallel_loop3A_80, %parallel_loop3A_86 : vector<16xf32>
      %parallel_loop3A_89 = arith.constant 0.000000e+00 : f32
      %parallel_loop3A_90 = vector.broadcast %parallel_loop3A_89 : f32 to vector<16xf32>
      %parallel_loop3A_91 = arith.maximumf %parallel_loop3A_88, %parallel_loop3A_90 : vector<16xf32>
      %parallel_loop3A_92 = arith.mulf %parallel_loop3A_91, %get3A_6 : vector<16xf32>
      %parallel_loop3A_93 = arith.addf %parallel_loop3A_75, %parallel_loop3A_92 : vector<16xf32>
      %parallel_loop3A_94 = arith.addf %parallel_loop3A_81, %parallel_loop3A_87 : vector<16xf32>
      %parallel_loop3A_95 = arith.constant 0.000000e+00 : f32
      %parallel_loop3A_96 = vector.broadcast %parallel_loop3A_95 : f32 to vector<16xf32>
      %parallel_loop3A_97 = arith.maximumf %parallel_loop3A_94, %parallel_loop3A_96 : vector<16xf32>
      %parallel_loop3A_98 = arith.mulf %parallel_loop3A_97, %get3A_8 : vector<16xf32>
      %parallel_loop3A_99 = arith.addf %parallel_loop3A_93, %parallel_loop3A_98 : vector<16xf32>
      %parallel_loop3A_100 = arith.index_cast %parallel_loop3A_68 : i32 to index
      %parallel_loop3A_101 = arith.constant 80 : index
      %parallel_loop3A_102 = tpu.vector_load %arg13[%parallel_loop3A_100, %parallel_loop3A_101] {strides = array<i32>} : memref<80x128xi32, #tpu.memory_space<vmem>>, vector<16xi32>,
      %parallel_loop3A_103 = vector.bitcast %parallel_loop3A_102 : vector<16xi32> to vector<32xbf16>
      %parallel_loop3A_104 = tpu.unpack_subelements %parallel_loop3A_103, 0 {pack_format = #tpu.pack_format<interleaved>} : vector<32xbf16> -> vector<16xf32>
      %parallel_loop3A_105 = tpu.unpack_subelements %parallel_loop3A_103, 1 {pack_format = #tpu.pack_format<interleaved>} : vector<32xbf16> -> vector<16xf32>
      %parallel_loop3A_106 = arith.index_cast %parallel_loop3A_73 : i32 to index
      %parallel_loop3A_107 = arith.constant 80 : index
      %parallel_loop3A_108 = tpu.vector_load %arg12[%parallel_loop3A_106, %parallel_loop3A_107] {strides = array<i32>} : memref<256x128xi32, #tpu.memory_space<vmem>>, vector<16xi32>,
      %parallel_loop3A_109 = vector.bitcast %parallel_loop3A_108 : vector<16xi32> to vector<32xbf16>
      %parallel_loop3A_110 = tpu.unpack_subelements %parallel_loop3A_109, 0 {pack_format = #tpu.pack_format<interleaved>} : vector<32xbf16> -> vector<16xf32>
      %parallel_loop3A_111 = tpu.unpack_subelements %parallel_loop3A_109, 1 {pack_format = #tpu.pack_format<interleaved>} : vector<32xbf16> -> vector<16xf32>
      %parallel_loop3A_112 = arith.addf %parallel_loop3A_104, %parallel_loop3A_110 : vector<16xf32>
      %parallel_loop3A_113 = arith.constant 0.000000e+00 : f32
      %parallel_loop3A_114 = vector.broadcast %parallel_loop3A_113 : f32 to vector<16xf32>
      %parallel_loop3A_115 = arith.maximumf %parallel_loop3A_112, %parallel_loop3A_114 : vector<16xf32>
      %parallel_loop3A_116 = arith.mulf %parallel_loop3A_115, %get3A_10 : vector<16xf32>
      %parallel_loop3A_117 = arith.addf %parallel_loop3A_99, %parallel_loop3A_116 : vector<16xf32>
      %parallel_loop3A_118 = arith.addf %parallel_loop3A_105, %parallel_loop3A_111 : vector<16xf32>
      %parallel_loop3A_119 = arith.constant 0.000000e+00 : f32
      %parallel_loop3A_120 = vector.broadcast %parallel_loop3A_119 : f32 to vector<16xf32>
      %parallel_loop3A_121 = arith.maximumf %parallel_loop3A_118, %parallel_loop3A_120 : vector<16xf32>
      %parallel_loop3A_122 = arith.mulf %parallel_loop3A_121, %get3A_12 : vector<16xf32>
      %parallel_loop3A_123 = arith.addf %parallel_loop3A_117, %parallel_loop3A_122 : vector<16xf32>
      %parallel_loop3A_124 = arith.index_cast %parallel_loop3A_68 : i32 to index
      %parallel_loop3A_125 = arith.constant 96 : index
      %parallel_loop3A_126 = tpu.vector_load %arg13[%parallel_loop3A_124, %parallel_loop3A_125] {strides = array<i32>} : memref<80x128xi32, #tpu.memory_space<vmem>>, vector<16xi32>,
      %parallel_loop3A_127 = vector.bitcast %parallel_loop3A_126 : vector<16xi32> to vector<32xbf16>
      %parallel_loop3A_128 = tpu.unpack_subelements %parallel_loop3A_127, 0 {pack_format = #tpu.pack_format<interleaved>} : vector<32xbf16> -> vector<16xf32>
      %parallel_loop3A_129 = tpu.unpack_subelements %parallel_loop3A_127, 1 {pack_format = #tpu.pack_format<interleaved>} : vector<32xbf16> -> vector<16xf32>
      %parallel_loop3A_130 = arith.index_cast %parallel_loop3A_73 : i32 to index
      %parallel_loop3A_131 = arith.constant 96 : index
      %parallel_loop3A_132 = tpu.vector_load %arg12[%parallel_loop3A_130, %parallel_loop3A_131] {strides = array<i32>} : memref<256x128xi32, #tpu.memory_space<vmem>>, vector<16xi32>,
      %parallel_loop3A_133 = vector.bitcast %parallel_loop3A_132 : vector<16xi32> to vector<32xbf16>
      %parallel_loop3A_134 = tpu.unpack_subelements %parallel_loop3A_133, 0 {pack_format = #tpu.pack_format<interleaved>} : vector<32xbf16> -> vector<16xf32>
      %parallel_loop3A_135 = tpu.unpack_subelements %parallel_loop3A_133, 1 {pack_format = #tpu.pack_format<interleaved>} : vector<32xbf16> -> vector<16xf32>
      %parallel_loop3A_136 = arith.addf %parallel_loop3A_128, %parallel_loop3A_134 : vector<16xf32>
      %parallel_loop3A_137 = arith.constant 0.000000e+00 : f32
      %parallel_loop3A_138 = vector.broadcast %parallel_loop3A_137 : f32 to vector<16xf32>
      %parallel_loop3A_139 = arith.maximumf %parallel_loop3A_136, %parallel_loop3A_138 : vector<16xf32>
      %parallel_loop3A_140 = arith.mulf %parallel_loop3A_139, %get3A_14 : vector<16xf32>
      %parallel_loop3A_141 = arith.addf %parallel_loop3A_123, %parallel_loop3A_140 : vector<16xf32>
      %parallel_loop3A_142 = arith.addf %parallel_loop3A_129, %parallel_loop3A_135 : vector<16xf32>
      %parallel_loop3A_143 = arith.constant 0.000000e+00 : f32
      %parallel_loop3A_144 = vector.broadcast %parallel_loop3A_143 : f32 to vector<16xf32>
      %parallel_loop3A_145 = arith.maximumf %parallel_loop3A_142, %parallel_loop3A_144 : vector<16xf32>
      %parallel_loop3A_146 = arith.mulf %parallel_loop3A_145, %get3A_16 : vector<16xf32>
      %parallel_loop3A_147 = arith.addf %parallel_loop3A_141, %parallel_loop3A_146 : vector<16xf32>
      %parallel_loop3A_148 = arith.index_cast %parallel_loop3A_68 : i32 to index
      %parallel_loop3A_149 = arith.constant 112 : index
      %parallel_loop3A_150 = tpu.vector_load %arg13[%parallel_loop3A_148, %parallel_loop3A_149] {strides = array<i32>} : memref<80x128xi32, #tpu.memory_space<vmem>>, vector<16xi32>,
      %parallel_loop3A_151 = vector.bitcast %parallel_loop3A_150 : vector<16xi32> to vector<32xbf16>
      %parallel_loop3A_152 = tpu.unpack_subelements %parallel_loop3A_151, 0 {pack_format = #tpu.pack_format<interleaved>} : vector<32xbf16> -> vector<16xf32>
      %parallel_loop3A_153 = tpu.unpack_subelements %parallel_loop3A_151, 1 {pack_format = #tpu.pack_format<interleaved>} : vector<32xbf16> -> vector<16xf32>
      %parallel_loop3A_154 = arith.index_cast %parallel_loop3A_73 : i32 to index
      %parallel_loop3A_155 = arith.constant 112 : index
      %parallel_loop3A_156 = tpu.vector_load %arg12[%parallel_loop3A_154, %parallel_loop3A_155] {strides = array<i32>} : memref<256x128xi32, #tpu.memory_space<vmem>>, vector<16xi32>,
      %parallel_loop3A_157 = vector.bitcast %parallel_loop3A_156 : vector<16xi32> to vector<32xbf16>
      %parallel_loop3A_158 = tpu.unpack_subelements %parallel_loop3A_157, 0 {pack_format = #tpu.pack_format<interleaved>} : vector<32xbf16> -> vector<16xf32>
      %parallel_loop3A_159 = tpu.unpack_subelements %parallel_loop3A_157, 1 {pack_format = #tpu.pack_format<interleaved>} : vector<32xbf16> -> vector<16xf32>
      %parallel_loop3A_160 = arith.addf %parallel_loop3A_152, %parallel_loop3A_158 : vector<16xf32>
      %parallel_loop3A_161 = arith.constant 0.000000e+00 : f32
      %parallel_loop3A_162 = vector.broadcast %parallel_loop3A_161 : f32 to vector<16xf32>
      %parallel_loop3A_163 = arith.maximumf %parallel_loop3A_160, %parallel_loop3A_162 : vector<16xf32>
      %parallel_loop3A_164 = arith.mulf %parallel_loop3A_163, %get3A_18 : vector<16xf32>
      %parallel_loop3A_165 = arith.addf %parallel_loop3A_147, %parallel_loop3A_164 : vector<16xf32>
      %parallel_loop3A_166 = arith.addf %parallel_loop3A_153, %parallel_loop3A_159 : vector<16xf32>
      %parallel_loop3A_167 = arith.constant 0.000000e+00 : f32
      %parallel_loop3A_168 = vector.broadcast %parallel_loop3A_167 : f32 to vector<16xf32>
      %parallel_loop3A_169 = arith.maximumf %parallel_loop3A_166, %parallel_loop3A_168 : vector<16xf32>
      %parallel_loop3A_170 = arith.mulf %parallel_loop3A_169, %get3A_20 : vector<16xf32>
      %parallel_loop3A_171 = arith.addf %parallel_loop3A_165, %parallel_loop3A_170 : vector<16xf32>
      %parallel_loop3A_172 = arith.constant true
      %parallel_loop3A_173 = vector.broadcast %parallel_loop3A_172 : i1 to vector<16xi1>
      %parallel_loop3A_174 = tpu.scan <sum>, %parallel_loop3A_171 masked %parallel_loop3A_173 : vector<16xf32>, vector<16xi1> -> vector<16xf32>
      %parallel_loop3A_175 = vector.extract %parallel_loop3A_174[15] : f32 from vector<16xf32>
      %parallel_loop3A_176 = arith.constant 0.000000e+00 : f32
      %parallel_loop3A_177 = arith.subf %parallel_loop3A_176, %parallel_loop3A_175 : f32
      %parallel_loop3A_178 = vector.broadcast %parallel_loop3A_177 : f32 to vector<16xf32>
      %parallel_loop3A_179 = arith.mulf %parallel_loop3A_178, %broadcast_in_dim3A_5 : vector<16xf32>
      %parallel_loop3A_180 = math.exp %parallel_loop3A_179 : vector<16xf32>
      %parallel_loop3A_181 = arith.constant 1.000000e+00 : f32
      %parallel_loop3A_182 = vector.broadcast %parallel_loop3A_181 : f32 to vector<16xf32>
      %parallel_loop3A_183 = arith.addf %parallel_loop3A_182, %parallel_loop3A_180 : vector<16xf32>
      %parallel_loop3A_184 = arith.constant 1.000000e+00 : f32
      %parallel_loop3A_185 = vector.broadcast %parallel_loop3A_184 : f32 to vector<16xf32>
      %parallel_loop3A_186 = arith.divf %parallel_loop3A_185, %parallel_loop3A_183 : vector<16xf32>
      %parallel_loop3A_187 = arith.index_cast %parallel_loop3A_68 : i32 to index
      %parallel_loop3A_188 = arith.constant 0 : index
      %parallel_loop3A_189 = tpu.vector_load %arg13[%parallel_loop3A_187, %parallel_loop3A_188] {strides = array<i32>} : memref<80x128xi32, #tpu.memory_space<vmem>>, vector<16xi32>,
      %parallel_loop3A_190 = vector.bitcast %parallel_loop3A_189 : vector<16xi32> to vector<32xbf16>
      %parallel_loop3A_191 = tpu.unpack_subelements %parallel_loop3A_190, 0 {pack_format = #tpu.pack_format<interleaved>} : vector<32xbf16> -> vector<16xf32>
      %parallel_loop3A_192 = tpu.unpack_subelements %parallel_loop3A_190, 1 {pack_format = #tpu.pack_format<interleaved>} : vector<32xbf16> -> vector<16xf32>
      %parallel_loop3A_193 = arith.index_cast %parallel_loop3A_73 : i32 to index
      %parallel_loop3A_194 = arith.constant 0 : index
      %parallel_loop3A_195 = tpu.vector_load %arg12[%parallel_loop3A_193, %parallel_loop3A_194] {strides = array<i32>} : memref<256x128xi32, #tpu.memory_space<vmem>>, vector<16xi32>,
      %parallel_loop3A_196 = vector.bitcast %parallel_loop3A_195 : vector<16xi32> to vector<32xbf16>
      %parallel_loop3A_197 = tpu.unpack_subelements %parallel_loop3A_196, 0 {pack_format = #tpu.pack_format<interleaved>} : vector<32xbf16> -> vector<16xf32>
      %parallel_loop3A_198 = tpu.unpack_subelements %parallel_loop3A_196, 1 {pack_format = #tpu.pack_format<interleaved>} : vector<32xbf16> -> vector<16xf32>
      %parallel_loop3A_199 = arith.mulf %parallel_loop3A_191, %parallel_loop3A_197 : vector<16xf32>
      %parallel_loop3A_200 = arith.mulf %parallel_loop3A_199, %parallel_loop3A_186 : vector<16xf32>
      %parallel_loop3A_201 = arith.index_cast %parallel_loop3A_68 : i32 to index
      %parallel_loop3A_202 = arith.constant 0 : index
      %parallel_loop3A_203 = tpu.vector_load %arg15[%parallel_loop3A_201, %parallel_loop3A_202] {strides = array<i32>} : memref<80x128xf32, #tpu.memory_space<vmem>>, vector<16xf32>,
      tpu.vector_store %arg15[%parallel_loop3A_201, %parallel_loop3A_202], %parallel_loop3A_200 {strides = array<i32>} : memref<80x128xf32, #tpu.memory_space<vmem>>, vector<16xf32>,
      %parallel_loop3A_204 = arith.mulf %parallel_loop3A_192, %parallel_loop3A_198 : vector<16xf32>
      %parallel_loop3A_205 = arith.mulf %parallel_loop3A_204, %parallel_loop3A_186 : vector<16xf32>
      %parallel_loop3A_206 = arith.index_cast %parallel_loop3A_68 : i32 to index
      %parallel_loop3A_207 = arith.constant 16 : index
      %parallel_loop3A_208 = tpu.vector_load %arg15[%parallel_loop3A_206, %parallel_loop3A_207] {strides = array<i32>} : memref<80x128xf32, #tpu.memory_space<vmem>>, vector<16xf32>,
      tpu.vector_store %arg15[%parallel_loop3A_206, %parallel_loop3A_207], %parallel_loop3A_205 {strides = array<i32>} : memref<80x128xf32, #tpu.memory_space<vmem>>, vector<16xf32>,
      %parallel_loop3A_209 = arith.index_cast %parallel_loop3A_68 : i32 to index
      %parallel_loop3A_210 = arith.constant 16 : index
      %parallel_loop3A_211 = tpu.vector_load %arg13[%parallel_loop3A_209, %parallel_loop3A_210] {strides = array<i32>} : memref<80x128xi32, #tpu.memory_space<vmem>>, vector<16xi32>,
      %parallel_loop3A_212 = vector.bitcast %parallel_loop3A_211 : vector<16xi32> to vector<32xbf16>
      %parallel_loop3A_213 = tpu.unpack_subelements %parallel_loop3A_212, 0 {pack_format = #tpu.pack_format<interleaved>} : vector<32xbf16> -> vector<16xf32>
      %parallel_loop3A_214 = tpu.unpack_subelements %parallel_loop3A_212, 1 {pack_format = #tpu.pack_format<interleaved>} : vector<32xbf16> -> vector<16xf32>
      %parallel_loop3A_215 = arith.index_cast %parallel_loop3A_73 : i32 to index
      %parallel_loop3A_216 = arith.constant 16 : index
      %parallel_loop3A_217 = tpu.vector_load %arg12[%parallel_loop3A_215, %parallel_loop3A_216] {strides = array<i32>} : memref<256x128xi32, #tpu.memory_space<vmem>>, vector<16xi32>,
      %parallel_loop3A_218 = vector.bitcast %parallel_loop3A_217 : vector<16xi32> to vector<32xbf16>
      %parallel_loop3A_219 = tpu.unpack_subelements %parallel_loop3A_218, 0 {pack_format = #tpu.pack_format<interleaved>} : vector<32xbf16> -> vector<16xf32>
      %parallel_loop3A_220 = tpu.unpack_subelements %parallel_loop3A_218, 1 {pack_format = #tpu.pack_format<interleaved>} : vector<32xbf16> -> vector<16xf32>
      %parallel_loop3A_221 = arith.mulf %parallel_loop3A_213, %parallel_loop3A_219 : vector<16xf32>
      %parallel_loop3A_222 = arith.mulf %parallel_loop3A_221, %parallel_loop3A_186 : vector<16xf32>
      %parallel_loop3A_223 = arith.index_cast %parallel_loop3A_68 : i32 to index
      %parallel_loop3A_224 = arith.constant 32 : index
      %parallel_loop3A_225 = tpu.vector_load %arg15[%parallel_loop3A_223, %parallel_loop3A_224] {strides = array<i32>} : memref<80x128xf32, #tpu.memory_space<vmem>>, vector<16xf32>,
      tpu.vector_store %arg15[%parallel_loop3A_223, %parallel_loop3A_224], %parallel_loop3A_222 {strides = array<i32>} : memref<80x128xf32, #tpu.memory_space<vmem>>, vector<16xf32>,
      %parallel_loop3A_226 = arith.mulf %parallel_loop3A_214, %parallel_loop3A_220 : vector<16xf32>
      %parallel_loop3A_227 = arith.mulf %parallel_loop3A_226, %parallel_loop3A_186 : vector<16xf32>
      %parallel_loop3A_228 = arith.index_cast %parallel_loop3A_68 : i32 to index
      %parallel_loop3A_229 = arith.constant 48 : index
      %parallel_loop3A_230 = tpu.vector_load %arg15[%parallel_loop3A_228, %parallel_loop3A_229] {strides = array<i32>} : memref<80x128xf32, #tpu.memory_space<vmem>>, vector<16xf32>,
      tpu.vector_store %arg15[%parallel_loop3A_228, %parallel_loop3A_229], %parallel_loop3A_227 {strides = array<i32>} : memref<80x128xf32, #tpu.memory_space<vmem>>, vector<16xf32>,
      %parallel_loop3A_231 = arith.index_cast %parallel_loop3A_68 : i32 to index
      %parallel_loop3A_232 = arith.constant 32 : index
      %parallel_loop3A_233 = tpu.vector_load %arg13[%parallel_loop3A_231, %parallel_loop3A_232] {strides = array<i32>} : memref<80x128xi32, #tpu.memory_space<vmem>>, vector<16xi32>,
      %parallel_loop3A_234 = vector.bitcast %parallel_loop3A_233 : vector<16xi32> to vector<32xbf16>
      %parallel_loop3A_235 = tpu.unpack_subelements %parallel_loop3A_234, 0 {pack_format = #tpu.pack_format<interleaved>} : vector<32xbf16> -> vector<16xf32>
      %parallel_loop3A_236 = tpu.unpack_subelements %parallel_loop3A_234, 1 {pack_format = #tpu.pack_format<interleaved>} : vector<32xbf16> -> vector<16xf32>
      %parallel_loop3A_237 = arith.index_cast %parallel_loop3A_73 : i32 to index
      %parallel_loop3A_238 = arith.constant 32 : index
      %parallel_loop3A_239 = tpu.vector_load %arg12[%parallel_loop3A_237, %parallel_loop3A_238] {strides = array<i32>} : memref<256x128xi32, #tpu.memory_space<vmem>>, vector<16xi32>,
      %parallel_loop3A_240 = vector.bitcast %parallel_loop3A_239 : vector<16xi32> to vector<32xbf16>
      %parallel_loop3A_241 = tpu.unpack_subelements %parallel_loop3A_240, 0 {pack_format = #tpu.pack_format<interleaved>} : vector<32xbf16> -> vector<16xf32>
      %parallel_loop3A_242 = tpu.unpack_subelements %parallel_loop3A_240, 1 {pack_format = #tpu.pack_format<interleaved>} : vector<32xbf16> -> vector<16xf32>
      %parallel_loop3A_243 = arith.mulf %parallel_loop3A_235, %parallel_loop3A_241 : vector<16xf32>
      %parallel_loop3A_244 = arith.mulf %parallel_loop3A_243, %parallel_loop3A_186 : vector<16xf32>
      %parallel_loop3A_245 = arith.index_cast %parallel_loop3A_68 : i32 to index
      %parallel_loop3A_246 = arith.constant 64 : index
      %parallel_loop3A_247 = tpu.vector_load %arg15[%parallel_loop3A_245, %parallel_loop3A_246] {strides = array<i32>} : memref<80x128xf32, #tpu.memory_space<vmem>>, vector<16xf32>,
      tpu.vector_store %arg15[%parallel_loop3A_245, %parallel_loop3A_246], %parallel_loop3A_244 {strides = array<i32>} : memref<80x128xf32, #tpu.memory_space<vmem>>, vector<16xf32>,
      %parallel_loop3A_248 = arith.mulf %parallel_loop3A_236, %parallel_loop3A_242 : vector<16xf32>
      %parallel_loop3A_249 = arith.mulf %parallel_loop3A_248, %parallel_loop3A_186 : vector<16xf32>
      %parallel_loop3A_250 = arith.index_cast %parallel_loop3A_68 : i32 to index
      %parallel_loop3A_251 = arith.constant 80 : index
      %parallel_loop3A_252 = tpu.vector_load %arg15[%parallel_loop3A_250, %parallel_loop3A_251] {strides = array<i32>} : memref<80x128xf32, #tpu.memory_space<vmem>>, vector<16xf32>,
      tpu.vector_store %arg15[%parallel_loop3A_250, %parallel_loop3A_251], %parallel_loop3A_249 {strides = array<i32>} : memref<80x128xf32, #tpu.memory_space<vmem>>, vector<16xf32>,
      %parallel_loop3A_253 = arith.index_cast %parallel_loop3A_68 : i32 to index
      %parallel_loop3A_254 = arith.constant 48 : index
      %parallel_loop3A_255 = tpu.vector_load %arg13[%parallel_loop3A_253, %parallel_loop3A_254] {strides = array<i32>} : memref<80x128xi32, #tpu.memory_space<vmem>>, vector<16xi32>,
      %parallel_loop3A_256 = vector.bitcast %parallel_loop3A_255 : vector<16xi32> to vector<32xbf16>
      %parallel_loop3A_257 = tpu.unpack_subelements %parallel_loop3A_256, 0 {pack_format = #tpu.pack_format<interleaved>} : vector<32xbf16> -> vector<16xf32>
      %parallel_loop3A_258 = tpu.unpack_subelements %parallel_loop3A_256, 1 {pack_format = #tpu.pack_format<interleaved>} : vector<32xbf16> -> vector<16xf32>
      %parallel_loop3A_259 = arith.index_cast %parallel_loop3A_73 : i32 to index
      %parallel_loop3A_260 = arith.constant 48 : index
      %parallel_loop3A_261 = tpu.vector_load %arg12[%parallel_loop3A_259, %parallel_loop3A_260] {strides = array<i32>} : memref<256x128xi32, #tpu.memory_space<vmem>>, vector<16xi32>,
      %parallel_loop3A_262 = vector.bitcast %parallel_loop3A_261 : vector<16xi32> to vector<32xbf16>
      %parallel_loop3A_263 = tpu.unpack_subelements %parallel_loop3A_262, 0 {pack_format = #tpu.pack_format<interleaved>} : vector<32xbf16> -> vector<16xf32>
      %parallel_loop3A_264 = tpu.unpack_subelements %parallel_loop3A_262, 1 {pack_format = #tpu.pack_format<interleaved>} : vector<32xbf16> -> vector<16xf32>
      %parallel_loop3A_265 = arith.mulf %parallel_loop3A_257, %parallel_loop3A_263 : vector<16xf32>
      %parallel_loop3A_266 = arith.mulf %parallel_loop3A_265, %parallel_loop3A_186 : vector<16xf32>
      %parallel_loop3A_267 = arith.index_cast %parallel_loop3A_68 : i32 to index
      %parallel_loop3A_268 = arith.constant 96 : index
      %parallel_loop3A_269 = tpu.vector_load %arg15[%parallel_loop3A_267, %parallel_loop3A_268] {strides = array<i32>} : memref<80x128xf32, #tpu.memory_space<vmem>>, vector<16xf32>,
      tpu.vector_store %arg15[%parallel_loop3A_267, %parallel_loop3A_268], %parallel_loop3A_266 {strides = array<i32>} : memref<80x128xf32, #tpu.memory_space<vmem>>, vector<16xf32>,
      %parallel_loop3A_270 = arith.mulf %parallel_loop3A_258, %parallel_loop3A_264 : vector<16xf32>
      %parallel_loop3A_271 = arith.mulf %parallel_loop3A_270, %parallel_loop3A_186 : vector<16xf32>
      %parallel_loop3A_272 = arith.index_cast %parallel_loop3A_68 : i32 to index
      %parallel_loop3A_273 = arith.constant 112 : index
      %parallel_loop3A_274 = tpu.vector_load %arg15[%parallel_loop3A_272, %parallel_loop3A_273] {strides = array<i32>} : memref<80x128xf32, #tpu.memory_space<vmem>>, vector<16xf32>,
      tpu.vector_store %arg15[%parallel_loop3A_272, %parallel_loop3A_273], %parallel_loop3A_271 {strides = array<i32>} : memref<80x128xf32, #tpu.memory_space<vmem>>, vector<16xf32>,
    } {sc.loop_unroll_factor = 4 : i64, sc.parallel_access}
    %mul3A_48 = arith.constant 124 : i32
    %mul3A_49 = arith.constant 80 : i32
    %mul3A_50 = arith.muli %mul3A_48, %mul3A_49 : i32
    %add3A_51 = arith.addi %mul3A_2, %mul3A_50 : i32
    %dma_start3A_52 = arith.constant 0 : i32
    %dma_start3A_53 = tpu.memref_slice %arg8[%add3A_51, %dma_start3A_52] : memref<320000x128xf32, #tpu.memory_space<hbm>> -> memref<80x128xf32, #tpu.memory_space<hbm>>
    %dma_start3A_54 = arith.constant 0 : i32
    %dma_start3A_55 = tpu.memref_slice %arg8[%add3A_51, %dma_start3A_54] : memref<320000x128xf32, #tpu.memory_space<hbm>> -> memref<80x128xf32, #tpu.memory_space<hbm>>
    tpu.enqueue_dma source(%arg15 : memref<80x128xf32, #tpu.memory_space<vmem>>) target(%dma_start3A_55 : memref<80x128xf32, #tpu.memory_space<hbm>>) target_semaphore(%arg20 : memref<!tpu.dma_semaphore, #tpu.memory_space<semaphore_mem>>)
    %add3A_56 = arith.constant 9920 : i32
    %add3A_57 = arith.addi %mul3A_2, %add3A_56 : i32
    %dma_wait3A_58 = arith.constant 0 : i32
    %dma_wait3A_59 = tpu.memref_slice %arg8[%add3A_57, %dma_wait3A_58] : memref<320000x128xf32, #tpu.memory_space<hbm>> -> memref<80x128xf32, #tpu.memory_space<hbm>>
    %dma_wait3A_60 = arith.constant 0 : i32
    %dma_wait3A_61 = tpu.memref_slice %arg8[%add3A_57, %dma_wait3A_60] : memref<320000x128xf32, #tpu.memory_space<hbm>> -> memref<80x128xf32, #tpu.memory_space<hbm>>
    tpu.wait_dma2 semaphore(%arg20 : memref<!tpu.dma_semaphore, #tpu.memory_space<semaphore_mem>>) src(%arg15 : memref<80x128xf32, #tpu.memory_space<vmem>>) dst(%dma_wait3A_61 : memref<80x128xf32, #tpu.memory_space<hbm>>)
    %add3A_62 = arith.constant 9840 : i32
    %add3A_63 = arith.addi %mul3A_2, %add3A_62 : i32
    %dma_wait3A_64 = arith.constant 0 : i32
    %dma_wait3A_65 = tpu.memref_slice %arg8[%add3A_63, %dma_wait3A_64] : memref<320000x128xf32, #tpu.memory_space<hbm>> -> memref<80x128xf32, #tpu.memory_space<hbm>>
    %dma_wait3A_66 = arith.constant 0 : i32
    %dma_wait3A_67 = tpu.memref_slice %arg8[%add3A_63, %dma_wait3A_66] : memref<320000x128xf32, #tpu.memory_space<hbm>> -> memref<80x128xf32, #tpu.memory_space<hbm>>
    tpu.wait_dma2 semaphore(%arg21 : memref<!tpu.dma_semaphore, #tpu.memory_space<semaphore_mem>>) src(%arg16 : memref<80x128xf32, #tpu.memory_space<vmem>>) dst(%dma_wait3A_67 : memref<80x128xf32, #tpu.memory_space<hbm>>)
    return
  }
}

module attributes {stable_mosaic.version = 14 : i64} {
  func.func @_prep_body(%arg0: i32, %arg1: memref<10000x128xf32, #tpu.memory_space<vmem>>, %arg2: memref<128x128xf32, #tpu.memory_space<vmem>>, %arg3: memref<32x128xf32, #tpu.memory_space<vmem>>, %arg4: memref<8x128xf32, #tpu.memory_space<vmem>>, %arg5: memref<128x128xf32, #tpu.memory_space<vmem>>, %arg6: memref<128x128xf32, #tpu.memory_space<vmem>>, %arg7: memref<1x128xf32, #tpu.memory_space<vmem>>, %arg8: memref<10000x128xi32, #tpu.memory_space<vmem>>, %arg9: memref<256x128xi32, #tpu.memory_space<vmem>>) attributes {dimension_semantics = [#tpu.dimension_semantics<arbitrary>], iteration_bounds = array<i64: 8>, scalar_prefetch = 0 : i64, scratch_operands = 0 : i64, tpu.core_type = #tpu.core_type<tc>, window_params = [{transform_indices = @transform_0, window_bounds = array<i64: 10000, 128>}, {pipeline_mode = #tpu.pipeline_mode<synchronous>, transform_indices = @transform_1, window_bounds = array<i64: 128, 128>}, {pipeline_mode = #tpu.pipeline_mode<synchronous>, transform_indices = @transform_2, window_bounds = array<i64: 32, 128>}, {pipeline_mode = #tpu.pipeline_mode<synchronous>, transform_indices = @transform_3, window_bounds = array<i64: 8, 128>}, {pipeline_mode = #tpu.pipeline_mode<synchronous>, transform_indices = @transform_4, window_bounds = array<i64: 128, 128>}, {pipeline_mode = #tpu.pipeline_mode<synchronous>, transform_indices = @transform_5, window_bounds = array<i64: 128, 128>}, {pipeline_mode = #tpu.pipeline_mode<synchronous>, transform_indices = @transform_6, window_bounds = array<i64: 1, 128>}, {transform_indices = @transform_7, window_bounds = array<i64: 10000, 128>}, {pipeline_mode = #tpu.pipeline_mode<synchronous>, transform_indices = @transform_8, window_bounds = array<i64: 256, 128>}]} {
    %iota3A = tpu.iota {dimensions = array<i32: 0>} : vector<256x128xi32>
    %iota3A_0 = tpu.iota {dimensions = array<i32: 1>} : vector<256x128xi32>
    %jit3A = arith.constant 16 : i32
    %div3A = vector.broadcast %jit3A : i32 to vector<256x128xi32>
    %div3A_1 = arith.divsi %iota3A_0, %div3A : vector<256x128xi32>
    %sign3A = arith.constant 0 : i32
    %sign3A_2 = vector.broadcast %sign3A : i32 to vector<256x128xi32>
    %sign3A_3 = arith.cmpi sgt, %iota3A_0, %sign3A_2 : vector<256x128xi32>
    %sign3A_4 = arith.extui %sign3A_3 : vector<256x128xi1> to vector<256x128xi32>
    %sign3A_5 = arith.constant 0 : i32
    %sign3A_6 = vector.broadcast %sign3A_5 : i32 to vector<256x128xi32>
    %sign3A_7 = arith.cmpi slt, %iota3A_0, %sign3A_6 : vector<256x128xi32>
    %sign3A_8 = arith.extui %sign3A_7 : vector<256x128xi1> to vector<256x128xi32>
    %sign3A_9 = arith.subi %sign3A_4, %sign3A_8 : vector<256x128xi32>
    %sign3A_10 = arith.constant 0 : i32
    %sign3A_11 = arith.cmpi sgt, %jit3A, %sign3A_10 : i32
    %sign3A_12 = arith.extui %sign3A_11 : i1 to i32
    %sign3A_13 = arith.constant 0 : i32
    %sign3A_14 = arith.cmpi slt, %jit3A, %sign3A_13 : i32
    %sign3A_15 = arith.extui %sign3A_14 : i1 to i32
    %sign3A_16 = arith.subi %sign3A_12, %sign3A_15 : i32
    %ne3A = vector.broadcast %sign3A_16 : i32 to vector<256x128xi32>
    %ne3A_17 = arith.cmpi ne, %sign3A_9, %ne3A : vector<256x128xi32>
    %rem3A = vector.broadcast %jit3A : i32 to vector<256x128xi32>
    %rem3A_18 = arith.remsi %iota3A_0, %rem3A : vector<256x128xi32>
    %ne3A_19 = arith.constant 0 : i32
    %ne3A_20 = vector.broadcast %ne3A_19 : i32 to vector<256x128xi32>
    %ne3A_21 = arith.cmpi ne, %rem3A_18, %ne3A_20 : vector<256x128xi32>
    %and3A = arith.andi %ne3A_17, %ne3A_21 : vector<256x128xi1>
    %sub3A = arith.constant 1 : i32
    %sub3A_22 = vector.broadcast %sub3A : i32 to vector<256x128xi32>
    %sub3A_23 = arith.subi %div3A_1, %sub3A_22 : vector<256x128xi32>
    %select_n3A = arith.select %and3A, %sub3A_23, %div3A_1 : vector<256x128xi1>, vector<256x128xi32>
    %mul3A = arith.constant 32 : i32
    %mul3A_24 = vector.broadcast %mul3A : i32 to vector<256x128xi32>
    %mul3A_25 = arith.muli %mul3A_24, %select_n3A : vector<256x128xi32>
    %jit3A_26 = arith.constant 16 : i32
    %eq3A = arith.constant 0 : i32
    %eq3A_27 = arith.cmpi eq, %jit3A_26, %eq3A : i32
    %jit3A_28 = arith.constant 1 : i32
    %select_n3A_29 = arith.select %eq3A_27, %jit3A_28, %jit3A_26 : i32
    %rem3A_30 = vector.broadcast %select_n3A_29 : i32 to vector<256x128xi32>
    %rem3A_31 = arith.remsi %iota3A_0, %rem3A_30 : vector<256x128xi32>
    %ne3A_32 = arith.constant 0 : i32
    %ne3A_33 = vector.broadcast %ne3A_32 : i32 to vector<256x128xi32>
    %ne3A_34 = arith.cmpi ne, %rem3A_31, %ne3A_33 : vector<256x128xi32>
    %lt3A = arith.constant 0 : i32
    %lt3A_35 = vector.broadcast %lt3A : i32 to vector<256x128xi32>
    %lt3A_36 = arith.cmpi slt, %rem3A_31, %lt3A_35 : vector<256x128xi32>
    %lt3A_37 = arith.constant 0 : i32
    %lt3A_38 = arith.cmpi slt, %select_n3A_29, %lt3A_37 : i32
    %ne3A_39 = vector.broadcast %lt3A_38 : i1 to vector<256x128xi1>
    %ne3A_40 = vector.broadcast %ne3A_39 : vector<256x128xi1> to vector<256x128xi1>
    %ne3A_41 = arith.xori %lt3A_36, %ne3A_40 : vector<256x128xi1>
    %and3A_42 = arith.andi %ne3A_41, %ne3A_34 : vector<256x128xi1>
    %add3A = vector.broadcast %select_n3A_29 : i32 to vector<256x128xi32>
    %add3A_43 = arith.addi %rem3A_31, %add3A : vector<256x128xi32>
    %select_n3A_44 = arith.select %and3A_42, %add3A_43, %rem3A_31 : vector<256x128xi1>, vector<256x128xi32>
    %add3A_45 = arith.addi %mul3A_25, %select_n3A_44 : vector<256x128xi32>
    %eq3A_46 = arith.cmpi eq, %iota3A, %add3A_45 : vector<256x128xi32>
    %convert_element_type3A = arith.extui %eq3A_46 : vector<256x128xi1> to vector<256x128xi32>
    %convert_element_type3A_47 = arith.sitofp %convert_element_type3A : vector<256x128xi32> to vector<256x128xf32>
    %add3A_48 = arith.constant 16 : i32
    %add3A_49 = vector.broadcast %add3A_48 : i32 to vector<256x128xi32>
    %add3A_50 = arith.addi %add3A_45, %add3A_49 : vector<256x128xi32>
    %eq3A_51 = arith.cmpi eq, %iota3A, %add3A_50 : vector<256x128xi32>
    %convert_element_type3A_52 = arith.extui %eq3A_51 : vector<256x128xi1> to vector<256x128xi32>
    %convert_element_type3A_53 = arith.sitofp %convert_element_type3A_52 : vector<256x128xi32> to vector<256x128xf32>
    %get3A = arith.constant 0 : index
    %get3A_54 = arith.constant 0 : index
    %get3A_55 = vector.load %arg2[%get3A, %get3A_54] : memref<128x128xf32, #tpu.memory_space<vmem>>, vector<128x128xf32>
    %slice3A = vector.extract_strided_slice %convert_element_type3A_47 {offsets = [0, 0], sizes = [128, 128], strides = [1, 1]} : vector<256x128xf32> to vector<128x128xf32>
    %slice3A_56 = vector.extract_strided_slice %convert_element_type3A_47 {offsets = [128, 0], sizes = [128, 128], strides = [1, 1]} : vector<256x128xf32> to vector<128x128xf32>
    %dot_general3A = arith.constant dense<0.000000e+00> : vector<128x128xf32>
    %dot_general3A_57 = tpu.matmul %get3A_55, %slice3A_56, %dot_general3A {dimension_numbers = #tpu.dot_dimension_numbers<[1], [0], [0], [1], [0, 0, 1, 1], [], []>, transpose_lhs_hint = false} : vector<128x128xf32>, vector<128x128xf32>, vector<128x128xf32> -> vector<128x128xf32>
    %add3A_58 = arith.addf %slice3A, %dot_general3A_57 : vector<128x128xf32>
    %slice3A_59 = vector.extract_strided_slice %convert_element_type3A_53 {offsets = [0, 0], sizes = [128, 128], strides = [1, 1]} : vector<256x128xf32> to vector<128x128xf32>
    %slice3A_60 = vector.extract_strided_slice %convert_element_type3A_53 {offsets = [128, 0], sizes = [128, 128], strides = [1, 1]} : vector<256x128xf32> to vector<128x128xf32>
    %dot_general3A_61 = arith.constant dense<0.000000e+00> : vector<128x128xf32>
    %dot_general3A_62 = tpu.matmul %get3A_55, %slice3A_60, %dot_general3A_61 {dimension_numbers = #tpu.dot_dimension_numbers<[1], [0], [0], [1], [0, 0, 1, 1], [], []>, transpose_lhs_hint = false} : vector<128x128xf32>, vector<128x128xf32>, vector<128x128xf32> -> vector<128x128xf32>
    %add3A_63 = arith.addf %slice3A_59, %dot_general3A_62 : vector<128x128xf32>
    %get3A_64 = arith.constant 0 : index
    %get3A_65 = arith.constant 0 : index
    %get3A_66 = vector.load %arg1[%get3A_64, %get3A_65] : memref<10000x128xf32, #tpu.memory_space<vmem>>, vector<10000x128xf32>
    %convert_element_type3A_67 = arith.truncf %get3A_66 : vector<10000x128xf32> to vector<10000x128xbf16>
    %convert_element_type3A_68 = arith.truncf %add3A_58 : vector<128x128xf32> to vector<128x128xbf16>
    %dot_general3A_69 = arith.constant dense<0.000000e+00> : vector<10000x128xf32>
    %dot_general3A_70 = tpu.matmul %convert_element_type3A_67, %convert_element_type3A_68, %dot_general3A_69 {dimension_numbers = #tpu.dot_dimension_numbers<[1], [0], [0], [1], [0, 0, 1, 1], [], []>, transpose_lhs_hint = false} : vector<10000x128xbf16>, vector<128x128xbf16>, vector<10000x128xf32> -> vector<10000x128xf32>
    %convert_element_type3A_71 = arith.truncf %add3A_63 : vector<128x128xf32> to vector<128x128xbf16>
    %dot_general3A_72 = arith.constant dense<0.000000e+00> : vector<10000x128xf32>
    %dot_general3A_73 = tpu.matmul %convert_element_type3A_67, %convert_element_type3A_71, %dot_general3A_72 {dimension_numbers = #tpu.dot_dimension_numbers<[1], [0], [0], [1], [0, 0, 1, 1], [], []>, transpose_lhs_hint = false} : vector<10000x128xbf16>, vector<128x128xbf16>, vector<10000x128xf32> -> vector<10000x128xf32>
    %convert_element_type3A_74 = arith.truncf %dot_general3A_70 : vector<10000x128xf32> to vector<10000x128xbf16>
    %bitcast_convert_type3A = tpu.bitcast %convert_element_type3A_74 : vector<10000x128xbf16> -> vector<10000x128xi16>
    %convert_element_type3A_75 = arith.truncf %dot_general3A_73 : vector<10000x128xf32> to vector<10000x128xbf16>
    %bitcast_convert_type3A_76 = tpu.bitcast %convert_element_type3A_75 : vector<10000x128xbf16> -> vector<10000x128xi16>
    %convert_element_type3A_77 = arith.extui %bitcast_convert_type3A : vector<10000x128xi16> to vector<10000x128xi32>
    %convert_element_type3A_78 = arith.extui %bitcast_convert_type3A_76 : vector<10000x128xi16> to vector<10000x128xi32>
    %shift_left3A = arith.constant 16 : i32
    %shift_left3A_79 = vector.broadcast %shift_left3A : i32 to vector<10000x128xi32>
    %shift_left3A_80 = arith.shli %convert_element_type3A_78, %shift_left3A_79 : vector<10000x128xi32>
    %or3A = arith.ori %convert_element_type3A_77, %shift_left3A_80 : vector<10000x128xi32>
    %swap3A = arith.constant 0 : index
    %swap3A_81 = arith.constant 0 : index
    %swap3A_82 = vector.load %arg8[%swap3A, %swap3A_81] : memref<10000x128xi32, #tpu.memory_space<vmem>>, vector<10000x128xi32>
    tpu.vector_store %arg8[%swap3A, %swap3A_81], %or3A {strides = array<i32>} : memref<10000x128xi32, #tpu.memory_space<vmem>>, vector<10000x128xi32>,
    %eq3A_83 = arith.constant 0 : i32
    %eq3A_84 = arith.cmpi eq, %arg0, %eq3A_83 : i32
    %convert_element_type3A_85 = arith.extui %eq3A_84 : i1 to i32
    %cond3A = arith.constant 0 : i32
    %cond3A_86 = arith.cmpi ne, %convert_element_type3A_85, %cond3A : i32
    scf.if %cond3A_86 {
      %get3A_87 = arith.constant 0 : index
      %get3A_88 = arith.constant 0 : index
      %get3A_89 = vector.load %arg3[%get3A_87, %get3A_88] : memref<32x128xf32, #tpu.memory_space<vmem>>, vector<32x128xf32>
      %get3A_90 = arith.constant 0 : index
      %get3A_91 = arith.constant 0 : index
      %get3A_92 = vector.load %arg5[%get3A_90, %get3A_91] : memref<128x128xf32, #tpu.memory_space<vmem>>, vector<128x128xf32>
      %dot_general3A_93 = arith.constant dense<0.000000e+00> : vector<32x128xf32>
      %dot_general3A_94 = tpu.matmul %get3A_89, %get3A_92, %dot_general3A_93 {dimension_numbers = #tpu.dot_dimension_numbers<[1], [0], [0], [1], [0, 0, 1, 1], [], []>, transpose_lhs_hint = false} : vector<32x128xf32>, vector<128x128xf32>, vector<32x128xf32> -> vector<32x128xf32>
      %get3A_95 = arith.constant 0 : index
      %get3A_96 = arith.constant 0 : index
      %get3A_97 = vector.load %arg4[%get3A_95, %get3A_96] : memref<8x128xf32, #tpu.memory_space<vmem>>, vector<8x128xf32>
      %get3A_98 = arith.constant 0 : index
      %get3A_99 = arith.constant 0 : index
      %get3A_100 = vector.load %arg6[%get3A_98, %get3A_99] : memref<128x128xf32, #tpu.memory_space<vmem>>, vector<128x128xf32>
      %dot_general3A_101 = arith.constant dense<0.000000e+00> : vector<8x128xf32>
      %dot_general3A_102 = tpu.matmul %get3A_97, %get3A_100, %dot_general3A_101 {dimension_numbers = #tpu.dot_dimension_numbers<[1], [0], [0], [1], [0, 0, 1, 1], [], []>, transpose_lhs_hint = false} : vector<8x128xf32>, vector<128x128xf32>, vector<8x128xf32> -> vector<8x128xf32>
      %get3A_103 = arith.constant 0 : index
      %get3A_104 = arith.constant 0 : index
      %get3A_105 = vector.load %arg7[%get3A_103, %get3A_104] : memref<1x128xf32, #tpu.memory_space<vmem>>, vector<1x128xf32>
      %add3A_106 = vector.broadcast %get3A_105 : vector<1x128xf32> to vector<8x128xf32>
      %add3A_107 = arith.addf %dot_general3A_102, %add3A_106 : vector<8x128xf32>
      %broadcast_in_dim3A = vector.shape_cast %get3A_89 : vector<32x128xf32> to vector<32x1x128xf32>
      %broadcast_in_dim3A_108 = vector.shape_cast %broadcast_in_dim3A : vector<32x1x128xf32> to vector<32x1x128xf32>
      %broadcast_in_dim3A_109 = vector.broadcast %broadcast_in_dim3A_108 : vector<32x1x128xf32> to vector<32x8x128xf32>
      %reshape3A = vector.shape_cast %broadcast_in_dim3A_109 : vector<32x8x128xf32> to vector<256x128xf32>
      %broadcast_in_dim3A_110 = vector.shape_cast %dot_general3A_94 : vector<32x128xf32> to vector<32x1x128xf32>
      %broadcast_in_dim3A_111 = vector.shape_cast %add3A_107 : vector<8x128xf32> to vector<1x8x128xf32>
      %add3A_112 = vector.broadcast %broadcast_in_dim3A_110 : vector<32x1x128xf32> to vector<32x8x128xf32>
      %add3A_113 = vector.broadcast %broadcast_in_dim3A_111 : vector<1x8x128xf32> to vector<32x8x128xf32>
      %add3A_114 = arith.addf %add3A_112, %add3A_113 : vector<32x8x128xf32>
      %reshape3A_115 = vector.shape_cast %add3A_114 : vector<32x8x128xf32> to vector<256x128xf32>
      %iota3A_116 = tpu.iota {dimensions = array<i32: 0>} : vector<256x128xi32>
      %iota3A_117 = tpu.iota {dimensions = array<i32: 1>} : vector<256x128xi32>
      %jit3A_118 = arith.constant 16 : i32
      %div3A_119 = vector.broadcast %jit3A_118 : i32 to vector<256x128xi32>
      %div3A_120 = arith.divsi %iota3A_117, %div3A_119 : vector<256x128xi32>
      %sign3A_121 = arith.constant 0 : i32
      %sign3A_122 = vector.broadcast %sign3A_121 : i32 to vector<256x128xi32>
      %sign3A_123 = arith.cmpi sgt, %iota3A_117, %sign3A_122 : vector<256x128xi32>
      %sign3A_124 = arith.extui %sign3A_123 : vector<256x128xi1> to vector<256x128xi32>
      %sign3A_125 = arith.constant 0 : i32
      %sign3A_126 = vector.broadcast %sign3A_125 : i32 to vector<256x128xi32>
      %sign3A_127 = arith.cmpi slt, %iota3A_117, %sign3A_126 : vector<256x128xi32>
      %sign3A_128 = arith.extui %sign3A_127 : vector<256x128xi1> to vector<256x128xi32>
      %sign3A_129 = arith.subi %sign3A_124, %sign3A_128 : vector<256x128xi32>
      %sign3A_130 = arith.constant 0 : i32
      %sign3A_131 = arith.cmpi sgt, %jit3A_118, %sign3A_130 : i32
      %sign3A_132 = arith.extui %sign3A_131 : i1 to i32
      %sign3A_133 = arith.constant 0 : i32
      %sign3A_134 = arith.cmpi slt, %jit3A_118, %sign3A_133 : i32
      %sign3A_135 = arith.extui %sign3A_134 : i1 to i32
      %sign3A_136 = arith.subi %sign3A_132, %sign3A_135 : i32
      %ne3A_137 = vector.broadcast %sign3A_136 : i32 to vector<256x128xi32>
      %ne3A_138 = arith.cmpi ne, %sign3A_129, %ne3A_137 : vector<256x128xi32>
      %rem3A_139 = vector.broadcast %jit3A_118 : i32 to vector<256x128xi32>
      %rem3A_140 = arith.remsi %iota3A_117, %rem3A_139 : vector<256x128xi32>
      %ne3A_141 = arith.constant 0 : i32
      %ne3A_142 = vector.broadcast %ne3A_141 : i32 to vector<256x128xi32>
      %ne3A_143 = arith.cmpi ne, %rem3A_140, %ne3A_142 : vector<256x128xi32>
      %and3A_144 = arith.andi %ne3A_138, %ne3A_143 : vector<256x128xi1>
      %sub3A_145 = arith.constant 1 : i32
      %sub3A_146 = vector.broadcast %sub3A_145 : i32 to vector<256x128xi32>
      %sub3A_147 = arith.subi %div3A_120, %sub3A_146 : vector<256x128xi32>
      %select_n3A_148 = arith.select %and3A_144, %sub3A_147, %div3A_120 : vector<256x128xi1>, vector<256x128xi32>
      %mul3A_149 = arith.constant 32 : i32
      %mul3A_150 = vector.broadcast %mul3A_149 : i32 to vector<256x128xi32>
      %mul3A_151 = arith.muli %mul3A_150, %select_n3A_148 : vector<256x128xi32>
      %jit3A_152 = arith.constant 16 : i32
      %eq3A_153 = arith.constant 0 : i32
      %eq3A_154 = arith.cmpi eq, %jit3A_152, %eq3A_153 : i32
      %jit3A_155 = arith.constant 1 : i32
      %select_n3A_156 = arith.select %eq3A_154, %jit3A_155, %jit3A_152 : i32
      %rem3A_157 = vector.broadcast %select_n3A_156 : i32 to vector<256x128xi32>
      %rem3A_158 = arith.remsi %iota3A_117, %rem3A_157 : vector<256x128xi32>
      %ne3A_159 = arith.constant 0 : i32
      %ne3A_160 = vector.broadcast %ne3A_159 : i32 to vector<256x128xi32>
      %ne3A_161 = arith.cmpi ne, %rem3A_158, %ne3A_160 : vector<256x128xi32>
      %lt3A_162 = arith.constant 0 : i32
      %lt3A_163 = vector.broadcast %lt3A_162 : i32 to vector<256x128xi32>
      %lt3A_164 = arith.cmpi slt, %rem3A_158, %lt3A_163 : vector<256x128xi32>
      %lt3A_165 = arith.constant 0 : i32
      %lt3A_166 = arith.cmpi slt, %select_n3A_156, %lt3A_165 : i32
      %ne3A_167 = vector.broadcast %lt3A_166 : i1 to vector<256x128xi1>
      %ne3A_168 = vector.broadcast %ne3A_167 : vector<256x128xi1> to vector<256x128xi1>
      %ne3A_169 = arith.xori %lt3A_164, %ne3A_168 : vector<256x128xi1>
      %and3A_170 = arith.andi %ne3A_169, %ne3A_161 : vector<256x128xi1>
      %add3A_171 = vector.broadcast %select_n3A_156 : i32 to vector<256x128xi32>
      %add3A_172 = arith.addi %rem3A_158, %add3A_171 : vector<256x128xi32>
      %select_n3A_173 = arith.select %and3A_170, %add3A_172, %rem3A_158 : vector<256x128xi1>, vector<256x128xi32>
      %add3A_174 = arith.addi %mul3A_151, %select_n3A_173 : vector<256x128xi32>
      %eq3A_175 = arith.cmpi eq, %iota3A_116, %add3A_174 : vector<256x128xi32>
      %convert_element_type3A_176 = arith.extui %eq3A_175 : vector<256x128xi1> to vector<256x128xi32>
      %convert_element_type3A_177 = arith.sitofp %convert_element_type3A_176 : vector<256x128xi32> to vector<256x128xf32>
      %add3A_178 = arith.constant 16 : i32
      %add3A_179 = vector.broadcast %add3A_178 : i32 to vector<256x128xi32>
      %add3A_180 = arith.addi %add3A_174, %add3A_179 : vector<256x128xi32>
      %eq3A_181 = arith.cmpi eq, %iota3A_116, %add3A_180 : vector<256x128xi32>
      %convert_element_type3A_182 = arith.extui %eq3A_181 : vector<256x128xi1> to vector<256x128xi32>
      %convert_element_type3A_183 = arith.sitofp %convert_element_type3A_182 : vector<256x128xi32> to vector<256x128xf32>
      %convert_element_type3A_184 = arith.truncf %reshape3A : vector<256x128xf32> to vector<256x128xbf16>
      %convert_element_type3A_185 = arith.truncf %reshape3A_115 : vector<256x128xf32> to vector<256x128xbf16>
      %slice3A_186 = vector.extract_strided_slice %convert_element_type3A_177 {offsets = [0, 0], sizes = [128, 128], strides = [1, 1]} : vector<256x128xf32> to vector<128x128xf32>
      %convert_element_type3A_187 = arith.truncf %slice3A_186 : vector<128x128xf32> to vector<128x128xbf16>
      %dot_general3A_188 = arith.constant dense<0.000000e+00> : vector<256x128xf32>
      %dot_general3A_189 = tpu.matmul %convert_element_type3A_184, %convert_element_type3A_187, %dot_general3A_188 {dimension_numbers = #tpu.dot_dimension_numbers<[1], [0], [0], [1], [0, 0, 1, 1], [], []>, transpose_lhs_hint = false} : vector<256x128xbf16>, vector<128x128xbf16>, vector<256x128xf32> -> vector<256x128xf32>
      %slice3A_190 = vector.extract_strided_slice %convert_element_type3A_177 {offsets = [128, 0], sizes = [128, 128], strides = [1, 1]} : vector<256x128xf32> to vector<128x128xf32>
      %convert_element_type3A_191 = arith.truncf %slice3A_190 : vector<128x128xf32> to vector<128x128xbf16>
      %dot_general3A_192 = arith.constant dense<0.000000e+00> : vector<256x128xf32>
      %dot_general3A_193 = tpu.matmul %convert_element_type3A_185, %convert_element_type3A_191, %dot_general3A_192 {dimension_numbers = #tpu.dot_dimension_numbers<[1], [0], [0], [1], [0, 0, 1, 1], [], []>, transpose_lhs_hint = false} : vector<256x128xbf16>, vector<128x128xbf16>, vector<256x128xf32> -> vector<256x128xf32>
      %add3A_194 = arith.addf %dot_general3A_189, %dot_general3A_193 : vector<256x128xf32>
      %slice3A_195 = vector.extract_strided_slice %convert_element_type3A_183 {offsets = [0, 0], sizes = [128, 128], strides = [1, 1]} : vector<256x128xf32> to vector<128x128xf32>
      %convert_element_type3A_196 = arith.truncf %slice3A_195 : vector<128x128xf32> to vector<128x128xbf16>
      %dot_general3A_197 = arith.constant dense<0.000000e+00> : vector<256x128xf32>
      %dot_general3A_198 = tpu.matmul %convert_element_type3A_184, %convert_element_type3A_196, %dot_general3A_197 {dimension_numbers = #tpu.dot_dimension_numbers<[1], [0], [0], [1], [0, 0, 1, 1], [], []>, transpose_lhs_hint = false} : vector<256x128xbf16>, vector<128x128xbf16>, vector<256x128xf32> -> vector<256x128xf32>
      %slice3A_199 = vector.extract_strided_slice %convert_element_type3A_183 {offsets = [128, 0], sizes = [128, 128], strides = [1, 1]} : vector<256x128xf32> to vector<128x128xf32>
      %convert_element_type3A_200 = arith.truncf %slice3A_199 : vector<128x128xf32> to vector<128x128xbf16>
      %dot_general3A_201 = arith.constant dense<0.000000e+00> : vector<256x128xf32>
      %dot_general3A_202 = tpu.matmul %convert_element_type3A_185, %convert_element_type3A_200, %dot_general3A_201 {dimension_numbers = #tpu.dot_dimension_numbers<[1], [0], [0], [1], [0, 0, 1, 1], [], []>, transpose_lhs_hint = false} : vector<256x128xbf16>, vector<128x128xbf16>, vector<256x128xf32> -> vector<256x128xf32>
      %add3A_203 = arith.addf %dot_general3A_198, %dot_general3A_202 : vector<256x128xf32>
      %convert_element_type3A_204 = arith.truncf %add3A_194 : vector<256x128xf32> to vector<256x128xbf16>
      %bitcast_convert_type3A_205 = tpu.bitcast %convert_element_type3A_204 : vector<256x128xbf16> -> vector<256x128xi16>
      %convert_element_type3A_206 = arith.truncf %add3A_203 : vector<256x128xf32> to vector<256x128xbf16>
      %bitcast_convert_type3A_207 = tpu.bitcast %convert_element_type3A_206 : vector<256x128xbf16> -> vector<256x128xi16>
      %convert_element_type3A_208 = arith.extui %bitcast_convert_type3A_205 : vector<256x128xi16> to vector<256x128xi32>
      %convert_element_type3A_209 = arith.extui %bitcast_convert_type3A_207 : vector<256x128xi16> to vector<256x128xi32>
      %shift_left3A_210 = arith.constant 16 : i32
      %shift_left3A_211 = vector.broadcast %shift_left3A_210 : i32 to vector<256x128xi32>
      %shift_left3A_212 = arith.shli %convert_element_type3A_209, %shift_left3A_211 : vector<256x128xi32>
      %or3A_213 = arith.ori %convert_element_type3A_208, %shift_left3A_212 : vector<256x128xi32>
      %swap3A_214 = arith.constant 0 : index
      %swap3A_215 = arith.constant 0 : index
      %swap3A_216 = vector.load %arg9[%swap3A_214, %swap3A_215] : memref<256x128xi32, #tpu.memory_space<vmem>>, vector<256x128xi32>
      tpu.vector_store %arg9[%swap3A_214, %swap3A_215], %or3A_213 {strides = array<i32>} : memref<256x128xi32, #tpu.memory_space<vmem>>, vector<256x128xi32>,
    } else {
    }
    return
  }
  func.func @transform_0(%arg0: i32) -> (i32, i32) {
    %c0_i32 = arith.constant 0 : i32
    %c0_i32_0 = arith.constant 0 : i32
    return %arg0, %c0_i32 : i32, i32
  }
  func.func @transform_1(%arg0: i32) -> (i32, i32) {
    %c0_i32 = arith.constant 0 : i32
    %c0_i32_0 = arith.constant 0 : i32
    %c0_i32_1 = arith.constant 0 : i32
    return %c0_i32, %c0_i32_0 : i32, i32
  }
  func.func @transform_2(%arg0: i32) -> (i32, i32) {
    %c0_i32 = arith.constant 0 : i32
    %c0_i32_0 = arith.constant 0 : i32
    %c0_i32_1 = arith.constant 0 : i32
    return %c0_i32, %c0_i32_0 : i32, i32
  }
  func.func @transform_3(%arg0: i32) -> (i32, i32) {
    %c0_i32 = arith.constant 0 : i32
    %c0_i32_0 = arith.constant 0 : i32
    %c0_i32_1 = arith.constant 0 : i32
    return %c0_i32, %c0_i32_0 : i32, i32
  }
  func.func @transform_4(%arg0: i32) -> (i32, i32) {
    %c0_i32 = arith.constant 0 : i32
    %c0_i32_0 = arith.constant 0 : i32
    %c0_i32_1 = arith.constant 0 : i32
    return %c0_i32, %c0_i32_0 : i32, i32
  }
  func.func @transform_5(%arg0: i32) -> (i32, i32) {
    %c0_i32 = arith.constant 0 : i32
    %c0_i32_0 = arith.constant 0 : i32
    %c0_i32_1 = arith.constant 0 : i32
    return %c0_i32, %c0_i32_0 : i32, i32
  }
  func.func @transform_6(%arg0: i32) -> (i32, i32) {
    %c0_i32 = arith.constant 0 : i32
    %c0_i32_0 = arith.constant 0 : i32
    %c0_i32_1 = arith.constant 0 : i32
    return %c0_i32, %c0_i32_0 : i32, i32
  }
  func.func @transform_7(%arg0: i32) -> (i32, i32) {
    %c0_i32 = arith.constant 0 : i32
    %c0_i32_0 = arith.constant 0 : i32
    return %arg0, %c0_i32 : i32, i32
  }
  func.func @transform_8(%arg0: i32) -> (i32, i32) {
    %c0_i32 = arith.constant 0 : i32
    %c0_i32_0 = arith.constant 0 : i32
    %c0_i32_1 = arith.constant 0 : i32
    return %c0_i32, %c0_i32_0 : i32, i32
  }
}

</mosaic_0001>

<sc_bundles>
// kernel: kernel.4.cloned.1.call-start
scs
__scs_entry_jumppad:
0x0: {  	(pc) =	sbr.rel $0x88, $3  }
0x1: {  	(tag) =	ssettag $0x0;
	lr =	simm.s32 $0x1  }
0x2: {  	[smem:$0x3F98] =	sst lr;
	_ =	strace $0xD0000000  }
0x3: {  	_ = 	snop  }
0x4: {  	_ = 	snop  }
0x5: {  	_ = 	snop  }
0x6: {  	_ = 	snop  }
0x7: {  	_ = 	snop  }
__scs_overlays_trampoline_lowered:
0x8: {  	[smem:$0x3FA7] =	sst s0  }
0x9: {  	[smem:$0x3FA8] =	sst s1  }
0xa: {  	[smem:$0x3FA9] =	sst s2  }
0xb: {  	[smem:$0x3FAA] =	sst s3  }
0xc: {  	[smem:$0x3FAB] =	sst s4  }
0xd: {  	[smem:$0x3FAC] =	sst s5  }
0xe: {  	[smem:$0x3FAD] =	sst s6  }
0xf: {  	[smem:$0x3FAE] =	sst s7  }
0x10: {  	[smem:$0x3FAF] =	sst s8  }
0x11: {  	[smem:$0x3FB0] =	sst s9;
	s0 =	simm.s32 @!p0 $0x0  }
0x12: {  	s1 =	sld [smem:$0x3F96];
	s0 =	simm.s32 @p0 $0x1  }
0x13: {  	[smem:$0x3FB1] =	sst s0;
	s0 =	simm.s32 @!p1 $0x0  }
0x14: {  	s2 =	sld [smem:$0x3F95];
	s0 =	simm.s32 @p1 $0x1  }
0x15: {  	[smem:$0x3FB2] =	sst s0;
	s0 =	simm.s32 @!p2 $0x0  }
0x16: {  	s3 =	sld [smem:$0x3FDB];
	s0 =	simm.s32 @p2 $0x1  }
0x17: {  	s4 =	simm.s32 $0x1BF5;
	[smem:$0x3FB4] =	sst s0  }
0x18: {  	s0 =	sld [smem:$0x3F97];
	_ =	swait.ge [sflag:s4], $0x0  }
0x19: {  	s7 =	sld [smem:$0x3F98]  }
0x1a: {  	s8 =	sadd.s32 $0xFFFFE003, lr  }
0x1b: {  	s9 =	sadd.s32 $0xFFFFFEF7, lr;
	s5 =	simm.s32 $0xFFFFFFFF;
	p2 =	slt.u32 s8, $0xFFFFF086  }
0x1c: {  	p1 =	slt.u32 s9, $0xF7A;
	s5 =	simm.s32 @!p2 $0x0  }
0x1d: {  	s5 =	simm.s32 @p1 $0x1;
	p0 =	seq.s32 s7, s2  }
0x1e: {  	s7 =	smul.u32 @!p0 $0xF7A, s2;
	p2 =	seq.s32 @!p0 s5, $0x0  }
0x1f: {  	s9 =	smul.u32 $0xF7A, s1;
	s8 =	simm.s32 @!p0 $0x1BF5;
	p2 =	por !p2, p0  }
0x20: {  	[sflag:s8] =	ssyncset.s32 @!p0 $0xFFFFF086;
	s6 =	sadd.s32 @!p0 s3, s7;
	s7 =	simm.s32 @!p0 $0x108  }
0x21: {  	s3 =	sadd.s32 s3, s9;
	s6 =	sadd.s32 @!p0 $0x88, s6;
	s7 =	simm.s32 @p2 $0x1082  }
0x22: {  	[simem:s7], [sflag:s8] =	dma.local @!p0 [hbm:s6], $0xF7A  }
0x23: {  	s9 =	sor.u32 $0xD0000000, s2;
	s6 =	simm.s32 $0x108;
	_ =	swait.ge @!p0 [sflag:s8], $0x0  }
0x24: {  	s3 =	sadd.s32 $0x88, s3;
	s6 =	simm.s32 @!p1 $0x1082;
	[sflag:s4] =	ssyncset.s32 $0xFFFFF086  }
0x25: {  	[simem:s6], [sflag:s4] =	dma.local [hbm:s3], $0xF7A  }
0x26: {  	[smem:$0x3F98] =	sst s1;
	(tag) =	ssettag s2;
	_ =	strace s9  }
0x27: {  	s1 =	sld [smem:$0x3FA8]  }
0x28: {  	s2 =	sld [smem:$0x3FA9]  }
0x29: {  	s4 =	sld [smem:$0x3FAB]  }
0x2a: {  	p0 =	seq.s32 s5, $0x0;
	s5 =	sld [smem:$0x3FAC]  }
0x2b: {  	s6 =	sld [smem:$0x3FAD]  }
0x2c: {  	s7 =	sld [smem:$0x3FAE]  }
0x2d: {  	s3 =	simm.s32 $0x108;
	s8 =	sld [smem:$0x3FAF]  }
0x2e: {  	s3 =	simm.s32 @!p0 $0x1082;
	s9 =	sld [smem:$0x3FB0]  }
0x2f: {  	lr =	sadd.s32 s0, s3;
	s0 =	sld [smem:$0x3FA7]  }
0x30: {  	s3 =	sld [smem:$0x3FAA]  }
0x31: {  	[smem:$0x3FB3] =	sst s10  }
0x32: {  	s10 =	sld [smem:$0x3FB1];
	_ =	sdelay $0x3  }
0x33: {  	p0 =	seq.s32 s10, $0x1;
	s10 =	sld [smem:$0x3FB3];
	_ =	sdelay $0x3  }
0x34: {  	[smem:$0x3FB3] =	sst s10  }
0x35: {  	s10 =	sld [smem:$0x3FB2];
	_ =	sdelay $0x3  }
0x36: {  	p1 =	seq.s32 s10, $0x1;
	s10 =	sld [smem:$0x3FB3];
	_ =	sdelay $0x3  }
0x37: {  	[smem:$0x3FB3] =	sst s10  }
0x38: {  	s10 =	sld [smem:$0x3FB4]  }
0x39: {  	_ = 	snop;
	(pc) =	sbr.ind lr, $3  }
0x3a: {  	_ = 	snop  }
0x3b: {  	_ = 	snop  }
0x3c: {  	p2 =	seq.s32 s10, $0x1;
	s10 =	sld [smem:$0x3FB3]  }
0x3d: {  	_ =	shalt  }
0x3e: {  	_ =	shalt  }
0x3f: {  	_ =	shalt  }
0x40: {  	_ =	shalt  }
0x41: {  	_ =	shalt  }
0x42: {  	_ =	shalt  }
0x43: {  	_ =	shalt  }
0x44: {  	_ =	shalt  }
0x45: {  	_ =	shalt  }
0x46: {  	_ =	shalt  }
0x47: {  	_ =	shalt  }
0x48: {  	_ =	shalt  }
0x49: {  	_ =	shalt  }
0x4a: {  	_ =	shalt  }
0x4b: {  	_ =	shalt  }
0x4c: {  	_ =	shalt  }
0x4d: {  	_ =	shalt  }
0x4e: {  	_ =	shalt  }
0x4f: {  	_ =	shalt  }
0x50: {  	_ =	shalt  }
0x51: {  	_ =	shalt  }
0x52: {  	_ =	shalt  }
0x53: {  	_ =	shalt  }
0x54: {  	_ =	shalt  }
0x55: {  	_ =	shalt  }
0x56: {  	_ =	shalt  }
0x57: {  	_ =	shalt  }
0x58: {  	_ =	shalt  }
0x59: {  	_ =	shalt  }
0x5a: {  	_ =	shalt  }
0x5b: {  	_ =	shalt  }
0x5c: {  	_ =	shalt  }
0x5d: {  	_ =	shalt  }
0x5e: {  	_ =	shalt  }
0x5f: {  	_ =	shalt  }
0x60: {  	_ =	shalt  }
0x61: {  	_ =	shalt  }
0x62: {  	_ =	shalt  }
0x63: {  	_ =	shalt  }
0x64: {  	_ =	shalt  }
0x65: {  	_ =	shalt  }
0x66: {  	_ =	shalt  }
0x67: {  	_ =	shalt  }
0x68: {  	_ =	shalt  }
0x69: {  	_ =	shalt  }
0x6a: {  	_ =	shalt  }
0x6b: {  	_ =	shalt  }
0x6c: {  	_ =	shalt  }
0x6d: {  	_ =	shalt  }
0x6e: {  	_ =	shalt  }
0x6f: {  	_ =	shalt  }
0x70: {  	_ =	shalt  }
0x71: {  	_ =	shalt  }
0x72: {  	_ =	shalt  }
0x73: {  	_ =	shalt  }
0x74: {  	_ =	shalt  }
0x75: {  	_ =	shalt  }
0x76: {  	_ =	shalt  }
0x77: {  	_ =	shalt  }
0x78: {  	_ =	shalt  }
0x79: {  	_ =	shalt  }
0x7a: {  	_ =	shalt  }
0x7b: {  	_ =	shalt  }
0x7c: {  	_ =	shalt  }
0x7d: {  	_ =	shalt  }
0x7e: {  	_ =	shalt  }
0x7f: {  	_ =	shalt  }
0x80: {  	_ =	shalt  }
0x81: {  	_ =	shalt  }
0x82: {  	_ =	shalt  }
0x83: {  	_ =	shalt  }
0x84: {  	_ =	shalt  }
0x85: {  	_ =	shalt  }
0x86: {  	_ =	shalt  }
0x87: {  	_ =	shalt  }
.Lfunc_end0:
.L_simem_size_0:
called_computation_lowered:
.L_overlay_start_0:
0x88: {  	s2 =	sld [smem:$0x3FD9]  }
0x89: {  	s3 =	sld [smem:$0x3FFE];
	_ =	sdelay $0x1  }
0x8a: {  	s1 =	srdreg.scid  }
0x8b: {  	s0 =	sand.u32 $0x1, s1  }
0x8c: {  	s17 =	sshll.u32 s0, $0xA;
	s2 =	sadd.s32 s3, s2  }
0x8d: {  	s2 =	sadd.s32 s2, s17  }
0x8e: {  	[smem:$0x3FBF] =	sst s2  }
0x8f: {  	_ = 	snop  }
0x90: {  	s2 =	sld [smem:$0x3FC1]  }
0x91: {  	s18 =	sld [smem:$0x3FD0];
	(tm) =	ssettm $0x1  }
0x92: {  	s4 =	sld [smem:$0x3FFB];
	_ =	sdelay $0x3  }
0x93: {  	_ =	strace s4  }
0x94: {  	s4 =	sld [smem:$0x3FFC];
	_ =	sdelay $0x3  }
0x95: {  	_ =	strace s4  }
0x96: {  	s4 =	sld [smem:$0x3FFD];
	_ =	sdelay $0x3  }
0x97: {  	_ =	strace s4  }
0x98: {  	_ =	strace $0x8FFFFFFF  }
0x99: {  	s19 =	sld [smem:$0x3FDB];
	_ =	sdelay $0x1  }
0x9a: {  	s5 =	simm.s32 $_scs_section_size  }
0x9b: {  	s6 =	simm.s32 $_size__tile_overlayer_lowered;
	s7 =	simm.s32 $_tile_overlayer_lowered  }
0x9c: {  	s22 =	simm.s32 $0x1BFF;
	s21 =	sshll.u32 s7, $0x1;
	s4 =	sadd.s32 s5, s19  }
0x9d: {  	s8 =	simm.s32 $0x0;
	s20 =	sshll.u32 s6, $0x1;
	s6 =	sadd.s32 s21, s4  }
0x9e: {  	[timem:s8], [sflag:s22] =	dma.local [hbm:s6], s20  }
0x9f: {  	_ =	swait.ge [sflag:s22], s20  }
0xa0: {  	s5 =	ssub.s32 $0x0, s20;
	[sflag:s22] =	ssyncset.done $0x0  }
0xa1: {  	[sflag:s22] =	ssyncadd.s32 s5;
	_ =	sdelay $0x1  }
0xa2: {  	s23 =	simm.s32 $0x1B8B  }
0xa3: {  	_ =	swait.ge [sflag:s23], $0x1  }
0xa4: {  	[sflag:s23] =	ssyncset.done $0x0  }
0xa5: {  	s25 =	simm.s32 $0x1B8E;
	s24 =	sld [smem:$0x3FFE];
	[sflag:s23] =	ssyncadd.s32 $0xFFFFFFFF  }
0xa6: {  	s26 =	simm.s32 $execute0_lowered;
	[smem:$0x3FD2] =	sst s25  }
0xa7: {  	s6 =	sshll.u32 s26, $0x1;
	_ =	strace $0x80000046;
	[dreg:$0x1] =	wrdreg $0xFFFFFFFF  }
0xa8: {  	s28 =	simm.s32 $_size_execute0_lowered;
	s4 =	sadd.s32 s4, s6;
	[dreg:$0x0] =	wrdreg $0x0  }
0xa9: {  	s6 =	sshll.u32 s28, $0x1;
	[dreg:$0x2] =	wrdreg s4  }
0xaa: {  	[dreg:$0x3] =	wrdreg s6  }
0xab: {  	[dreg:$0x4] =	wrdreg $0xC0  }
0xac: {  	_ =	task [dreg:s8], $0x5FFFF  }
0xad: {  	[dreg:$0x1] =	wrdreg $0xFFFFFFFF  }
0xae: {  	[dreg:$0x0] =	wrdreg $0x60  }
0xaf: {  	[dreg:$0x2] =	wrdreg s24  }
0xb0: {  	[dreg:$0x3] =	wrdreg s2  }
0xb1: {  	[dreg:$0x4] =	wrdreg s18  }
0xb2: {  	[dreg:$0x5] =	wrdreg $0x9  }
0xb3: {  	_ =	task.clear_ibuf [dreg:s8], $0x6FFFF;
	_ =	strace $0x90000046  }
0xb4: {  	s29 =	simm.s32 $0x9;
	_ =	strace $0x80000048  }
0xb5: {  	_ =	swait.ge [sflag:s29], $0x1  }
0xb6: {  	[sflag:s29] =	ssyncadd.s32 $0xFFFFFFFF  }
0xb7: {  	_ =	strace $0x90000048  }
0xb8: {  	_ =	sfence  }
0xb9: {  	s30 =	sld [smem:$0x0];
	_ =	sdelay $0x2  }
0xba: {  	s31 =	sshll.u32 s1, $0xD;
	s1 =	sshrl.u32 s1, $0x2  }
0xbb: {  	s3 =	sand.u32 $0x4000, s31;
	s1 =	sadd.s32 s1, s30  }
0xbc: {  	s0 =	sor.u32 s3, s0;
	s1 =	sshll.u32 s1, $0x11  }
0xbd: {  	s0 =	sor.u32 s1, s0  }
0xbe: {  	s0 =	sadd.s32 $0x8F2B, s0  }
0xbf: {  	[sflag:s0] =	ssyncadd.remote.s32 $0x1  }
0xc0: {  	_ =	sfence.sel $0xFFFF  }
0xc1: {  	[dreg:$0x0] =	wrdreg $0xFFFFFFFF;
	(pc) =	sbr.abs _section_cstart, $3  }
0xc2: {  	[dreg:$0x1] =	wrdreg $0xFFFFFFFF  }
0xc3: {  	_ =	task.clear_ibuf [dreg:s8], $0x2FFFF;
	_ =	strace $0x9FFFFFFF  }
0xc4: {  	(tm) =	ssettm $0x7FFFFFFF  }
0xc5: {  	_ =	shalt  }
tec
execute0_lowered:
.L_overlay_start_1:
0x0: {  	(tag) =	ssettag $0x1  }
0x1: {  	s0 =	rddreg [dreg:$0x0]  }
0x2: {  	s3 =	rddreg [dreg:$0x2]  }
0x3: {  	s1 =	srdreg.scid;
	s2 =	stileid.u32  }
0x4: {  	s4 =	simm.s32 $0x0;
	s1 =	sand.u32 $0x1, s1;
	s2 =	sshll.u32 s2, $0x1  }
0x5: {  	[smem:$0x7FF] =	sst s4;
	s2 =	sor.u32 s1, s2  }
0x6: {  	s6 =	sadd.s32 $0x1E000, s0;
	s1 =	ssub.s32 $0x2, s1;
	s5 =	smul.u32 $0x2710, s2  }
0x7: {  	s7 =	sadd.s32 $0x156800, s0;
	_ =	strace $0x80000047;
	s8 =	sshrl.u32 s1, $0x1  }
0x8: {  	[dreg:$0x4] =	wrdreg s7;
	s1 =	ssub.s32 s1, s8;
	s28 =	sshrl.u32 s5, $0x3  }
0x9: {  	s2 =	smul.u32 $0x138800, s2;
	s31 =	smax.u32 s1, $0x1;
	s0 =	sadd.s32 s28, s0  }
0xa: {  	s18 =	simm.s32 $0x50;
	[dreg:$0x9] =	wrdreg s31;
	s7 =	sadd.s32 $0x14200, s0  }
0xb: {  	s2 =	sshrl.u32 s2, $0x3;
	s29 =	sadd.s32 $0xA400, s0;
	[dreg:$0x5] =	wrdreg s7  }
0xc: {  	s2 =	sadd.s32 s3, s2;
	s0 =	sadd.s32 $0x600, s0;
	[dreg:$0x6] =	wrdreg s29  }
0xd: {  	s21 =	simm.s32 $0x1;
	s30 =	sadd.s32 $0x26C00, s2;
	[dreg:$0x7] =	wrdreg s0  }
0xe: {  	s23 =	simm.s32 $0x2;
	s2 =	simm.s32 $0x0;
	[dreg:$0x8] =	wrdreg s30  }
.LBB2_1:
0xf: {  	[dreg:$0xa] =	wrdreg s2  }
0x10: {  	s0 =	rddreg [dreg:$0x1];
	s1 =	simm.s32 $0x19680;
	s22 =	simm.s32 $0x5  }
0x11: {  	[tilespmem:s1], [sflag:$0x5] =	stream.linear.gather [hbm4b:s0+s4], $0x80, $0x38;
	[tilespmem:$0x19700] =	vst v63  }
0x12: {  	_ =	swait.ge [sflag:s22], $0x80  }
0x13: {  	[sflag:s22] =	ssyncset.done $0x0  }
0x14: {  	s25 =	simm.s32 $0x7680;
	s24 =	rddreg [dreg:$0x4];
	[sflag:s22] =	ssyncadd.s32 $0xFFFFFF80  }
0x15: {  	[tilespmem:s25], [sflag:$0x5] =	stream.linear.gather [hbm4b:s24+s4], $0x8000, $0x38;
	[tilespmem:$0x19700] =	vst v63  }
0x16: {  	_ =	swait.ge [sflag:s22], $0x8000  }
0x17: {  	[sflag:s22] =	ssyncset.done $0x0  }
0x18: {  	s26 =	rddreg [dreg:$0x5];
	[sflag:s22] =	ssyncadd.s32 $0xFFFF8000  }
0x19: {  	[tilespmem:s4], [sflag:$0x5] =	stream.linear.gather [hbm4b:s26+s4], $0x2710, $0x38;
	[tilespmem:$0x19700] =	vst v63  }
0x1a: {  	_ =	swait.ge [sflag:s22], $0x2710  }
0x1b: {  	[sflag:s22] =	ssyncset.done $0x0  }
0x1c: {  	s29 =	simm.s32 $0x2780;
	s28 =	rddreg [dreg:$0x6];
	[sflag:s22] =	ssyncadd.s32 $0xFFFFD8F0  }
0x1d: {  	[tilespmem:s29], [sflag:$0x5] =	stream.linear.gather [hbm4b:s28+s4], $0x2710, $0x38;
	[tilespmem:$0x19700] =	vst v63  }
0x1e: {  	_ =	swait.ge [sflag:s22], $0x2710  }
0x1f: {  	[sflag:s22] =	ssyncset.done $0x0  }
0x20: {  	s31 =	simm.s32 $0x4F00;
	s30 =	rddreg [dreg:$0x7];
	[sflag:s22] =	ssyncadd.s32 $0xFFFFD8F0  }
0x21: {  	[tilespmem:s31], [sflag:$0x5] =	stream.linear.gather [hbm4b:s30+s4], $0x2710, $0x38;
	[tilespmem:$0x19700] =	vst v63  }
0x22: {  	_ =	swait.ge [sflag:s22], $0x2710  }
0x23: {  	[sflag:s22] =	ssyncset.done $0x0  }
0x24: {  	s0 =	simm.s32 $0x27A0;
	[sflag:s22] =	ssyncadd.s32 $0xFFFFD8F0  }
0x25: {  	s1 =	simm.s32 $0x4F20;
	v3 =	vld [tilespmem:s0+$0x10]  }
0x26: {  	v4 =	vld [tilespmem:s1+$0x10]  }
0x27: {  	v5 =	vld [tilespmem:s0+$0xFFFFFFF0]  }
0x28: {  	v0 =	vld [tilespmem:s0+$0x0]  }
0x29: {  	v1 =	vld [tilespmem:s0+$0xFFFFFFE0]  }
0x2a: {  	v2 =	vld [tilespmem:s1+$0xFFFFFFE0];
	v6 =	vshll.u32 v3, $0x3  }
0x2b: {  	v3 =	vld [tilespmem:s1+$0xFFFFFFF0];
	v6 =	vadd.s32 v4, v6  }
0x2c: {  	s2 =	simm.s32 $0x0;
	s7 =	simm.s32 $0x27E0;
	v5 =	vshll.u32 v5, $0x3;
	v4 =	vld [tilespmem:s1+$0x0];
	[tilespmem:s0+$0x10] =	vst v6  }
.LBB2_2:
0x2d: {  	v6 =	vld [tilespmem:s7+$0x10];
	s2 =	sadd.s32 $0x40, s2;
	v7 =	vshll.u32 v0, $0x3;
	s1 =	sadd.s32 $0x40, s1  }
0x2e: {  	v8 =	vld [tilespmem:s1+$0x10];
	p0 =	slt.u32 s2, $0x26C0;
	v0 =	vshll.u32 v1, $0x3  }
0x2f: {  	v9 =	vld [tilespmem:s7+$0xFFFFFFF0];
	v1 =	vadd.s32 v2, v0  }
.Ltmp0:
0x30: {  	v0 =	vld [tilespmem:s7+$0x0];
	[tilespmem:s0+$0xFFFFFFE0] =	vst v1;
	v2 =	vadd.s32 v3, v5;
	(pc) =	sbr.rel @p0 .LBB2_2-.Ltmp0, $4  }
0x31: {  	v1 =	vld [tilespmem:s7+$0xFFFFFFE0];
	[tilespmem:s0+$0xFFFFFFF0] =	vst v2;
	v3 =	vadd.s32 v4, v7  }
0x32: {  	v2 =	vld [tilespmem:s1+$0xFFFFFFE0];
	v4 =	vshll.u32 v6, $0x3;
	[tilespmem:s0+$0x0] =	vst v3;
	s0 =	smov.u32 s7  }
0x33: {  	v3 =	vld [tilespmem:s1+$0xFFFFFFF0];
	v6 =	vadd.s32 v8, v4  }
0x34: {  	s7 =	sadd.s32 $0x40, s7;
	v5 =	vshll.u32 v9, $0x3;
	v4 =	vld [tilespmem:s1+$0x0];
	[tilespmem:s0+$0x10] =	vst v6  }
0x35: {  	_ = 	snop  }
0x36: {  	v1 =	vshll.u32 v1, $0x3  }
0x37: {  	v1 =	vadd.s32 v2, v1  }
0x38: {  	v0 =	vshll.u32 v0, $0x3;
	[tilespmem:s0+$0xFFFFFFE0] =	vst v1;
	v1 =	vadd.s32 v3, v5  }
0x39: {  	[tilespmem:s0+$0xFFFFFFF0] =	vst v1;
	v0 =	vadd.s32 v4, v0  }
0x3a: {  	[tilespmem:s0+$0x0] =	vst v0  }
0x3b: {  	v5 =	vld [tilespmem:$0x4E80]  }
0x3c: {  	v6 =	vld [tilespmem:$0x7600]  }
0x3d: {  	v0 =	vld [tilespmem:$0x19680]  }
0x3e: {  	v1 =	vld [tilespmem:$0x19690]  }
0x3f: {  	v2 =	vld [tilespmem:$0x196A0]  }
0x40: {  	v3 =	vld [tilespmem:$0x196B0]  }
0x41: {  	v4 =	vld [tilespmem:$0x196C0];
	v7 =	vshll.u32 v5, $0x3  }
0x42: {  	s29 =	simm.s32 $0x0;
	v5 =	vld [tilespmem:$0x196D0];
	v7 =	vadd.s32 v6, v7  }
0x43: {  	s28 =	simm.s32 $0xF680;
	s30 =	simm.s32 $0x2782;
	s31 =	simm.s32 $0x27D3;
	v6 =	vld [tilespmem:$0x196E0];
	[tilespmem:$0x4E80] =	vst v7  }
0x44: {  	v7 =	vld [tilespmem:$0x196F0];
	[tilespmem:s28], [sflag:$0x1] =	stream.indirect.gather [hbm4b:s6+s18], $0x80, s29, s18, $0xb8  }
.LBB2_4:
0x45: {  	s1 =	smul.u32 $0xA0, s29;
	_ =	sdelay $0x1  }
0x46: {  	s2 =	simm.s32 $0x11E80;
	s0 =	sadd.s32 $0x50, s1  }
0x47: {  	[tilespmem:s2], [sflag:$0x2] =	stream.indirect.gather [hbm4b:s6+s18], $0x80, s0, s18, $0xb8;
	[tilespmem:$0x19700] =	vst v63  }
0x48: {  	_ =	swait.ge [sflag:s21], $0x2800  }
0x49: {  	p0 =	seq.s32 s29, $0x0;
	[sflag:s21] =	ssyncset.done $0x0  }
0x4a: {  	s2 =	simm.s32 @!p0 $0x3;
	[sflag:s21] =	ssyncadd.s32 $0xFFFFD800  }
0x4b: {  	_ =	swait.ge @!p0 [sflag:s2], $0x2800  }
0x4c: {  	[sflag:s2] =	ssyncset.done @!p0 $0x0  }
0x4d: {  	[sflag:s2] =	ssyncadd.s32 @!p0 $0xFFFFD800  }
0x4e: {  	v8 =	vld [tilespmem:s30+$0x1];
	_ =	sdelay $0x4  }
0x4f: {  	(v2sf) =	vpush v8, $0x0;
	_ =	sdelay $0xb  }
0x50: {  	v8 =	vld [tilespmem:s30+$0xFFFFFFFF]  }
0x51: {  	v9 =	vld [tilespmem:s30+$0xFFFFFFFE];
	_ =	sdelay $0x1  }
0x52: {  	v10 =	vld [tilespmem:s30+$0x0];
	s16 =	spop (v2sf)  }
0x53: {  	s12 =	simm.s32 $0xF780;
	s2 =	sshll.u32 s16, $0x9  }
0x54: {  	(v2sf) =	vpush v8, $0x0;
	v8 =	vld [tilespmem:s12+$0xC0];
	s7 =	sshra.s32 s2, $0x2  }
0x55: {  	(v2sf) =	vpush v9, $0x0;
	v9 =	vld [tilespmem:s7+$0x76C0];
	_ =	sdelay $0x1  }
0x56: {  	(v2sf) =	vpush v10, $0x0;
	v10 =	vld [tilespmem:s12+$0xD0];
	_ =	sdelay $0x1  }
0x57: {  	v11 =	vld [tilespmem:s7+$0x76D0]  }
0x58: {  	v12 =	vunpack.i.l.bf16.f32 v8;
	v13 =	vunpack.i.l.bf16.f32 v9  }
0x59: {  	v12 =	vadd.f32 v13, v12  }
0x5a: {  	v8 =	vunpack.i.u.bf16.f32 v8;
	v14 =	vunpack.i.l.bf16.f32 v10;
	v9 =	vunpack.i.u.bf16.f32 v9;
	v13 =	vld [tilespmem:s12+$0xE0]  }
0x5b: {  	v10 =	vunpack.i.u.bf16.f32 v10;
	v8 =	vadd.f32 v9, v8;
	v9 =	vld [tilespmem:s7+$0x76E0];
	v12 =	vmax.f32 v12, $0.0e+00  }
0x5c: {  	v15 =	vunpack.i.l.bf16.f32 v11;
	v11 =	vunpack.i.u.bf16.f32 v11;
	v12 =	vmul.f32 v12, v0  }
0x5d: {  	v14 =	vadd.f32 v15, v14;
	v10 =	vadd.f32 v11, v10;
	v8 =	vmax.f32 v8, $0.0e+00  }
0x5e: {  	v15 =	vld [tilespmem:s12+$0xF0];
	v8 =	vmul.f32 v8, v1;
	v12 =	vadd.f32 $0.0e+00, v12  }
0x5f: {  	v16 =	vld [tilespmem:s7+$0x76F0];
	v14 =	vmax.f32 v14, $0.0e+00;
	v10 =	vmax.f32 v10, $0.0e+00;
	v11 =	vunpack.i.l.bf16.f32 v13  }
0x60: {  	v8 =	vadd.f32 v12, v8;
	v12 =	vmul.f32 v14, v2;
	v14 =	vunpack.i.l.bf16.f32 v9  }
0x61: {  	s17 =	spop (v2sf);
	v10 =	vmul.f32 v10, v3;
	v11 =	vadd.f32 v14, v11  }
0x62: {  	s8 =	spop (v2sf);
	v13 =	vunpack.i.u.bf16.f32 v13;
	v9 =	vunpack.i.u.bf16.f32 v9;
	v8 =	vadd.f32 v12, v8  }
0x63: {  	s8 =	sshll.u32 s8, $0x9;
	v9 =	vadd.f32 v9, v13;
	v13 =	vunpack.i.l.bf16.f32 v15;
	v11 =	vmax.f32 v11, $0.0e+00  }
0x64: {  	s14 =	sshra.s32 s8, $0x2;
	v8 =	vadd.f32 v8, v10;
	v10 =	vmul.f32 v11, v4;
	v11 =	vunpack.i.l.bf16.f32 v16  }
0x65: {  	v17 =	vld [tilespmem:s14+$0x76C0];
	v15 =	vunpack.i.u.bf16.f32 v15;
	v9 =	vmax.f32 v9, $0.0e+00;
	v11 =	vadd.f32 v11, v13  }
0x66: {  	s2 =	sshll.u32 s17, $0x9;
	s9 =	spop (v2sf);
	v12 =	vld [tilespmem:s12+$0xFFFFFF40];
	v9 =	vmul.f32 v9, v5;
	v8 =	vadd.f32 v10, v8;
	v10 =	vunpack.i.u.bf16.f32 v16  }
0x67: {  	s28 =	sshra.s32 s2, $0x2;
	s19 =	sshll.u32 s9, $0x9;
	v14 =	vld [tilespmem:s12+$0xFFFFFFC0];
	v11 =	vmax.f32 v11, $0.0e+00;
	v10 =	vadd.f32 v10, v15  }
0x68: {  	s25 =	sshra.s32 s19, $0x2;
	v13 =	vld [tilespmem:s28+$0x76C0];
	v8 =	vadd.f32 v8, v9;
	v9 =	vmul.f32 v11, v6  }
0x69: {  	v16 =	vld [tilespmem:s25+$0x76C0];
	v10 =	vmax.f32 v10, $0.0e+00  }
0x6a: {  	v8 =	vadd.f32 v9, v8;
	v9 =	vmul.f32 v10, v7  }
0x6b: {  	v19 =	vld [tilespmem:s28+$0x76D0];
	v20 =	vunpack.i.l.bf16.f32 v17;
	v11 =	vunpack.i.l.bf16.f32 v12  }
0x6c: {  	v17 =	vunpack.i.u.bf16.f32 v17;
	v15 =	vld [tilespmem:s12+$0x40];
	v11 =	vadd.f32 v20, v11;
	v8 =	vadd.f32 v8, v9  }
0x6d: {  	v10 =	vunpack.i.u.bf16.f32 v12;
	v12 =	vunpack.i.l.bf16.f32 v14;
	v14 =	vunpack.i.u.bf16.f32 v14  }
0x6e: {  	v18 =	vld [tilespmem:s14+$0x76D0];
	v21 =	vunpack.i.l.bf16.f32 v13;
	v13 =	vunpack.i.u.bf16.f32 v13;
	v23 =	vunpack.i.l.bf16.f32 v16;
	(xrf2) =	vadd.scan.msk.f32 $0xffff, v8  }
0x6f: {  	v24 =	vld [tilespmem:s12+$0xFFFFFF50];
	v12 =	vadd.f32 v21, v12;
	v16 =	vunpack.i.u.bf16.f32 v16;
	v11 =	vmax.f32 v11, $0.0e+00  }
0x70: {  	v21 =	vld [tilespmem:s12+$0x50];
	v10 =	vadd.f32 v17, v10;
	v13 =	vadd.f32 v13, v14;
	v17 =	vunpack.i.l.bf16.f32 v19  }
0x71: {  	v19 =	vunpack.i.u.bf16.f32 v19;
	v9 =	vld [tilespmem:s25+$0x76D0];
	v22 =	vunpack.i.l.bf16.f32 v15;
	v15 =	vunpack.i.u.bf16.f32 v15  }
0x72: {  	v11 =	vmul.f32 v11, v0;
	v20 =	vadd.f32 v23, v22;
	v12 =	vmax.f32 v12, $0.0e+00;
	v8 =	vld [tilespmem:s12+$0xFFFFFFD0]  }
0x73: {  	v15 =	vadd.f32 v16, v15;
	v16 =	vunpack.i.l.bf16.f32 v18;
	v10 =	vmax.f32 v10, $0.0e+00  }
0x74: {  	v13 =	vmax.f32 v13, $0.0e+00;
	v18 =	vunpack.i.u.bf16.f32 v18;
	v12 =	vmul.f32 v12, v0  }
0x75: {  	v11 =	vadd.f32 $0.0e+00, v11;
	v10 =	vmul.f32 v10, v1;
	v25 =	vunpack.i.l.bf16.f32 v21  }
0x76: {  	v28 =	vld [tilespmem:s12+$0x60];
	v13 =	vmul.f32 v13, v1;
	v14 =	vmax.f32 v20, $0.0e+00;
	v20 =	vunpack.i.l.bf16.f32 v24  }
0x77: {  	v15 =	vmax.f32 v15, $0.0e+00;
	v23 =	vunpack.i.l.bf16.f32 v9;
	v22 =	vunpack.i.l.bf16.f32 v8  }
0x78: {  	v26 =	vld [tilespmem:s25+$0x76E0];
	v24 =	vunpack.i.u.bf16.f32 v24;
	v17 =	vadd.f32 v17, v22;
	v22 =	vadd.f32 v23, v25;
	v25, _, _ =	vpop (xrf2)  }
0x79: {  	v14 =	vmul.f32 v14, v0;
	v16 =	vadd.f32 v16, v20;
	(v2sf) =	vpush v25, $0xF  }
0x7a: {  	v12 =	vadd.f32 $0.0e+00, v12;
	v15 =	vmul.f32 v15, v1;
	v21 =	vunpack.i.u.bf16.f32 v21  }
0x7b: {  	v18 =	vadd.f32 v18, v24;
	v10 =	vadd.f32 v11, v10;
	v24 =	vunpack.i.l.bf16.f32 v28  }
0x7c: {  	v20 =	vld [tilespmem:s14+$0x76E0];
	v9 =	vunpack.i.u.bf16.f32 v9;
	v14 =	vadd.f32 $0.0e+00, v14;
	v16 =	vmax.f32 v16, $0.0e+00  }
0x7d: {  	v9 =	vadd.f32 v9, v21;
	v11 =	vadd.f32 v12, v13;
	v21 =	vunpack.i.l.bf16.f32 v26  }
0x7e: {  	v27 =	vld [tilespmem:s12+$0xFFFFFFE0];
	v18 =	vmax.f32 v18, $0.0e+00;
	v8 =	vunpack.i.u.bf16.f32 v8;
	v16 =	vmul.f32 v16, v2  }
0x7f: {  	v23 =	vld [tilespmem:s28+$0x76E0];
	v8 =	vadd.f32 v19, v8;
	v14 =	vadd.f32 v14, v15;
	v17 =	vmax.f32 v17, $0.0e+00  }
0x80: {  	v9 =	vmax.f32 v9, $0.0e+00;
	v22 =	vmax.f32 v22, $0.0e+00;
	v12 =	vmul.f32 v17, v2;
	v25 =	vld [tilespmem:s12+$0xFFFFFF60]  }
0x81: {  	v13 =	vunpack.i.l.bf16.f32 v20;
	v8 =	vmax.f32 v8, $0.0e+00;
	v15 =	vmul.f32 v22, v2  }
0x82: {  	v10 =	vadd.f32 v16, v10;
	v8 =	vmul.f32 v8, v3;
	v11 =	vadd.f32 v12, v11  }
0x83: {  	v16 =	vunpack.i.u.bf16.f32 v20;
	v9 =	vmul.f32 v9, v3;
	v14 =	vadd.f32 v15, v14  }
0x84: {  	v22 =	vunpack.i.l.bf16.f32 v27;
	v19 =	vunpack.i.l.bf16.f32 v23;
	v12 =	vld [tilespmem:s28+$0x76F0];
	v8 =	vadd.f32 v11, v8  }
0x85: {  	v15 =	vld [tilespmem:s25+$0x76F0];
	v9 =	vadd.f32 v14, v9;
	v17 =	vunpack.i.l.bf16.f32 v25;
	v20 =	vunpack.i.u.bf16.f32 v25  }
0x86: {  	v25 =	vunpack.i.u.bf16.f32 v27;
	v13 =	vadd.f32 v13, v17;
	v17 =	vmul.f32 v18, v3  }
0x87: {  	v18 =	vadd.f32 v19, v22;
	v19 =	vadd.f32 v21, v24;
	v22 =	vunpack.i.u.bf16.f32 v23  }
0x88: {  	v27 =	vld [tilespmem:s12+$0xFFFFFFF0];
	v23 =	vunpack.i.u.bf16.f32 v26;
	v26 =	vunpack.i.u.bf16.f32 v28;
	v16 =	vadd.f32 v16, v20;
	s20 =	spop (v2sf)  }
0x89: {  	v21 =	vld [tilespmem:s14+$0x76F0];
	v22 =	vadd.f32 v22, v25;
	v23 =	vadd.f32 v23, v26;
	v25 =	vunpack.i.l.bf16.f32 v12;
	s2 =	ssub.f32 $0.0e+00, s20  }
0x8a: {  	v24 =	vld [tilespmem:s12+$0xFFFFFF70];
	v26 =	vunpack.i.l.bf16.f32 v15;
	v12 =	vunpack.i.u.bf16.f32 v12;
	v15 =	vunpack.i.u.bf16.f32 v15  }
0x8b: {  	v20 =	vld [tilespmem:s12+$0x70];
	v13 =	vmax.f32 v13, $0.0e+00;
	v18 =	vmax.f32 v18, $0.0e+00;
	v14 =	vmov s2  }
0x8c: {  	v19 =	vmax.f32 v19, $0.0e+00;
	v10 =	vadd.f32 v10, v17;
	v14 =	vmul.f32 $1.442695020e+00, v14  }
0x8d: {  	v16 =	vmax.f32 v16, $0.0e+00;
	v13 =	vmul.f32 v13, v4;
	v11 =	vmul.f32 v18, v4  }
0x8e: {  	v18 =	vmul.f32 v19, v4;
	v22 =	vmax.f32 v22, $0.0e+00;
	v14 =	vbroadcast v14, $0x0  }
0x8f: {  	v23 =	vmax.f32 v23, $0.0e+00;
	v28 =	vunpack.i.l.bf16.f32 v27;
	v17 =	vunpack.i.l.bf16.f32 v21  }
0x90: {  	v19 =	vunpack.i.l.bf16.f32 v24;
	v29 =	vunpack.i.l.bf16.f32 v20;
	(erf) = vpow2.f32 v14  }
0x91: {  	v10 =	vadd.f32 v13, v10;
	v13 =	vmul.f32 v16, v5;
	v8 =	vadd.f32 v11, v8  }
0x92: {  	v9 =	vadd.f32 v18, v9;
	v11 =	vunpack.i.u.bf16.f32 v21;
	v16 =	vmul.f32 v22, v5  }
0x93: {  	v21 =	vunpack.i.u.bf16.f32 v24;
	v22 =	vunpack.i.u.bf16.f32 v27;
	v17 =	vadd.f32 v17, v19  }
0x94: {  	v20 =	vunpack.i.u.bf16.f32 v20;
	v19 =	vadd.f32 v25, v28;
	v11 =	vadd.f32 v11, v21  }
0x95: {  	v18 =	vmul.f32 v23, v5;
	v12 =	vadd.f32 v12, v22;
	v15 =	vadd.f32 v15, v20  }
0x96: {  	v10 =	vadd.f32 v10, v13;
	v8 =	vadd.f32 v8, v16  }
0x97: {  	v9 =	vadd.f32 v9, v18;
	v17 =	vmax.f32 v17, $0.0e+00;
	v19 =	vmax.f32 v19, $0.0e+00  }
0x98: {  	v11 =	vmax.f32 v11, $0.0e+00;
	v17 =	vmul.f32 v17, v6;
	v14 =	vadd.f32 v26, v29  }
0x99: {  	v12 =	vmax.f32 v12, $0.0e+00;
	v13 =	vmul.f32 v19, v6;
	v11 =	vmul.f32 v11, v7;
	v16 =	vpop (erf)  }
0x9a: {  	v10 =	vadd.f32 v17, v10;
	v14 =	vmax.f32 v14, $0.0e+00;
	v16 =	vadd.f32 $1.000000000e+00, v16  }
0x9b: {  	v15 =	vmax.f32 v15, $0.0e+00;
	v12 =	vmul.f32 v12, v7;
	v14 =	vmul.f32 v14, v6  }
0x9c: {  	v8 =	vadd.f32 v13, v8;
	v10 =	vadd.f32 v10, v11;
	(erf) = vrcp.f32 v16  }
0x9d: {  	v13 =	vmul.f32 v15, v7;
	v11 =	vld [tilespmem:s12+$0x80];
	v9 =	vadd.f32 v14, v9  }
0x9e: {  	v8 =	vadd.f32 v8, v12;
	(xrf2) =	vadd.scan.msk.f32 $0xffff, v10;
	v10 =	vld [tilespmem:s7+$0x7680]  }
0x9f: {  	v9 =	vadd.f32 v9, v13  }
0xa0: {  	(xrf2) =	vadd.scan.msk.f32 $0xffff, v8  }
0xa1: {  	(xrf2) =	vadd.scan.msk.f32 $0xffff, v9  }
0xa2: {  	v8 =	vunpack.i.l.bf16.f32 v11;
	v11 =	vunpack.i.u.bf16.f32 v11  }
0xa3: {  	v9 =	vunpack.i.l.bf16.f32 v10  }
0xa4: {  	v10 =	vunpack.i.u.bf16.f32 v10;
	v8 =	vmul.f32 v9, v8  }
0xa5: {  	v9 =	vmul.f32 v10, v11;
	v11 =	vpop (erf)  }
0xa6: {  	v8 =	vmul.f32 v11, v8  }
0xa7: {  	s22 =	sadd.s32 $0x4, s30  }
0xa8: {  	v12, _, _ =	vpop (xrf2);
	v10 =	vld [tilespmem:s22+$0x1]  }
0xa9: {  	s2 =	simm.s32 $0x14780;
	(v2sf) =	vpush v12, $0xF  }
0xaa: {  	v9 =	vmul.f32 v11, v9;
	[tilespmem:s2+$0x80] =	vst v8;
	v8, _, _ =	vpop (xrf2)  }
0xab: {  	(v2sf) =	vpush v8, $0xF;
	v8, _, _ =	vpop (xrf2)  }
0xac: {  	[tilespmem:s2+$0x90] =	vst v9;
	(v2sf) =	vpush v8, $0xF  }
0xad: {  	v9 =	vld [tilespmem:s12+$0x90];
	(v2sf) =	vpush v10, $0x0  }
0xae: {  	v12 =	vld [tilespmem:s7+$0x7690];
	_ =	sdelay $0x4  }
0xaf: {  	v18 =	vld [tilespmem:s12+$0xFFFFFF00];
	v8 =	vunpack.i.l.bf16.f32 v9;
	v10 =	vunpack.i.l.bf16.f32 v12  }
0xb0: {  	v14 =	vld [tilespmem:s25+$0x7680];
	v9 =	vunpack.i.u.bf16.f32 v9;
	v12 =	vunpack.i.u.bf16.f32 v12;
	v8 =	vmul.f32 v10, v8  }
0xb1: {  	v9 =	vmul.f32 v12, v9;
	v12 =	vld [tilespmem:s28+$0x7680]  }
0xb2: {  	v23 =	vld [tilespmem:s22+$0xFFFFFFFE];
	v8 =	vmul.f32 v11, v8  }
0xb3: {  	v10 =	vld [tilespmem:s14+$0x7680];
	v9 =	vmul.f32 v11, v9  }
0xb4: {  	v22 =	vld [tilespmem:s22+$0xFFFFFFFF];
	s24 =	spop (v2sf);
	[tilespmem:s2+$0xA0] =	vst v8  }
0xb5: {  	s8 =	ssub.f32 $0.0e+00, s24;
	v8 =	vld [tilespmem:s12+$0xFFFFFF80];
	[tilespmem:s2+$0xB0] =	vst v9  }
0xb6: {  	v25 =	vunpack.i.l.bf16.f32 v18;
	v16 =	vunpack.i.l.bf16.f32 v14;
	v21 =	vld [tilespmem:s7+$0x76A0];
	v13 =	vunpack.i.u.bf16.f32 v12;
	s10 =	spop (v2sf)  }
0xb7: {  	v26 =	vld [tilespmem:s22+$0x0];
	v17 =	vunpack.i.l.bf16.f32 v12;
	v12 =	vunpack.i.u.bf16.f32 v14;
	v14 =	vmov s8;
	s11 =	spop (v2sf)  }
0xb8: {  	v9 =	vld [tilespmem:s12+$0xA0];
	v15 =	vunpack.i.u.bf16.f32 v10;
	v10 =	vunpack.i.l.bf16.f32 v10;
	v27 =	vmul.f32 $1.442695020e+00, v14;
	s13 =	spop (v2sf)  }
0xb9: {  	v24 =	vld [tilespmem:s12+$0x0];
	v19 =	vunpack.i.u.bf16.f32 v18;
	v14 =	vmul.f32 v10, v25;
	s26 =	ssub.f32 $0.0e+00, s10;
	s10 =	sshll.u32 s13, $0x9;
	s13 =	simm.s32 $0xF980  }
0xba: {  	v25 =	vbroadcast v27, $0x0;
	v18 =	vunpack.i.u.bf16.f32 v8;
	v20 =	vunpack.i.l.bf16.f32 v8;
	v10 =	vld [tilespmem:s13+$0xC0];
	s8 =	sshra.s32 s10, $0x2  }
0xbb: {  	v28 =	vunpack.i.l.bf16.f32 v21;
	v21 =	vunpack.i.u.bf16.f32 v21;
	(v2sf) =	vpush v22, $0x0;
	v22 =	vld [tilespmem:s8+$0x76C0]  }
0xbc: {  	(erf) = vpow2.f32 v25;
	(v2sf) =	vpush v23, $0x0;
	s15 =	ssub.f32 $0.0e+00, s11;
	v8 =	vmov s26  }
0xbd: {  	(v2sf) =	vpush v26, $0x0;
	v27 =	vmul.f32 $1.442695020e+00, v8;
	v8 =	vunpack.i.l.bf16.f32 v9  }
0xbe: {  	v9 =	vunpack.i.u.bf16.f32 v9;
	v23 =	vmov s15;
	v26 =	vld [tilespmem:s13+$0xD0];
	v8 =	vmul.f32 v28, v8  }
0xbf: {  	v9 =	vmul.f32 v21, v9;
	v21 =	vunpack.i.u.bf16.f32 v24;
	v23 =	vmul.f32 $1.442695020e+00, v23;
	v28 =	vld [tilespmem:s8+$0x76D0]  }
0xc0: {  	v27 =	vbroadcast v27, $0x0;
	v29 =	vunpack.i.l.bf16.f32 v10;
	v30 =	vunpack.i.l.bf16.f32 v22  }
0xc1: {  	v8 =	vmul.f32 v8, v11;
	v23 =	vbroadcast v23, $0x0;
	v25 =	vadd.f32 v30, v29  }
0xc2: {  	(erf) = vpow2.f32 v27;
	v27 =	vld [tilespmem:s13+$0xE0];
	v10 =	vunpack.i.u.bf16.f32 v10;
	v22 =	vunpack.i.u.bf16.f32 v22  }
0xc3: {  	(erf) = vpow2.f32 v23;
	v10 =	vadd.f32 v22, v10;
	v22 =	vld [tilespmem:s8+$0x76E0];
	v23 =	vmax.f32 v25, $0.0e+00  }
0xc4: {  	v29 =	vunpack.i.l.bf16.f32 v28;
	v25 =	vunpack.i.l.bf16.f32 v26;
	v23 =	vmul.f32 v23, v0  }
0xc5: {  	v28 =	vunpack.i.u.bf16.f32 v28;
	v10 =	vmax.f32 v10, $0.0e+00;
	v25 =	vadd.f32 v29, v25  }
0xc6: {  	v26 =	vunpack.i.u.bf16.f32 v26;
	v10 =	vmul.f32 v10, v1;
	v29 =	vld [tilespmem:s13+$0xF0];
	v23 =	vadd.f32 $0.0e+00, v23  }
0xc7: {  	v30 =	vld [tilespmem:s8+$0x76F0];
	v26 =	vadd.f32 v28, v26;
	v28 =	vunpack.i.l.bf16.f32 v27;
	v25 =	vmax.f32 v25, $0.0e+00  }
0xc8: {  	v10 =	vadd.f32 v23, v10;
	v23 =	vmul.f32 v25, v2;
	v25 =	vunpack.i.l.bf16.f32 v22  }
0xc9: {  	v63 =	vld [tilespmem:s13+$0x50];
	v27 =	vunpack.i.u.bf16.f32 v27;
	v26 =	vmax.f32 v26, $0.0e+00;
	v25 =	vadd.f32 v25, v28  }
0xca: {  	v40 =	vld [tilespmem:s13+$0xFFFFFF60];
	s16 =	spop (v2sf);
	v22 =	vunpack.i.u.bf16.f32 v22;
	v10 =	vadd.f32 v23, v10;
	v23 =	vmul.f32 v26, v3  }
0xcb: {  	v41 =	vld [tilespmem:s13+$0xFFFFFFE0];
	s10 =	sshll.u32 s16, $0x9;
	v22 =	vadd.f32 v22, v27;
	v26 =	vunpack.i.l.bf16.f32 v29;
	v25 =	vmax.f32 v25, $0.0e+00  }
0xcc: {  	v42 =	vld [tilespmem:s13+$0x60];
	s17 =	spop (v2sf);
	s16 =	sshra.s32 s10, $0x2;
	v10 =	vadd.f32 v10, v23;
	v23 =	vmul.f32 v25, v4;
	v25 =	vunpack.i.l.bf16.f32 v30  }
0xcd: {  	s11 =	sshll.u32 s17, $0x9;
	s15 =	spop (v2sf);
	v32 =	vld [tilespmem:s16+$0x76C0];
	v29 =	vunpack.i.u.bf16.f32 v29;
	v22 =	vmax.f32 v22, $0.0e+00;
	v25 =	vadd.f32 v25, v26  }
0xce: {  	s17 =	sshra.s32 s11, $0x2;
	s19 =	sshll.u32 s15, $0x9;
	v50 =	vld [tilespmem:s16+$0x76E0];
	v22 =	vmul.f32 v22, v5;
	v26 =	vpop (erf);
	v10 =	vadd.f32 v23, v10;
	v23 =	vunpack.i.u.bf16.f32 v30  }
0xcf: {  	s15 =	sshra.s32 s19, $0x2;
	v47 =	vld [tilespmem:s17+$0x76E0];
	v26 =	vadd.f32 $1.000000000e+00, v26;
	v30 =	vpop (erf);
	v25 =	vmax.f32 v25, $0.0e+00;
	v23 =	vadd.f32 v23, v29  }
0xd0: {  	v33 =	vld [tilespmem:s15+$0x76C0];
	v29 =	vadd.f32 $1.000000000e+00, v30;
	v10 =	vadd.f32 v10, v22;
	v22 =	vmul.f32 v25, v6  }
0xd1: {  	v39 =	vunpack.i.l.bf16.f32 v63;
	v34 =	vld [tilespmem:s15+$0x76D0];
	(erf) = vrcp.f32 v26;
	v23 =	vmax.f32 v23, $0.0e+00  }
0xd2: {  	v51 =	vld [tilespmem:s15+$0x76E0];
	(erf) = vrcp.f32 v29;
	v10 =	vadd.f32 v22, v10;
	v29 =	vmul.f32 v23, v7  }
0xd3: {  	v54 =	vunpack.i.l.bf16.f32 v41;
	v55 =	vunpack.i.l.bf16.f32 v42;
	v59 =	vunpack.i.u.bf16.f32 v40;
	v31 =	vld [tilespmem:s17+$0x76C0]  }
0xd4: {  	v35 =	vunpack.i.l.bf16.f32 v32;
	v32 =	vunpack.i.u.bf16.f32 v32;
	v10 =	vadd.f32 v10, v29  }
0xd5: {  	v27 =	vld [tilespmem:s13+$0xFFFFFF40];
	v52 =	vunpack.i.l.bf16.f32 v50;
	v60 =	vunpack.i.u.bf16.f32 v50;
	v58 =	vunpack.i.u.bf16.f32 v47  }
0xd6: {  	v28 =	vld [tilespmem:s13+$0xFFFFFFC0];
	v37 =	vunpack.i.l.bf16.f32 v33;
	v33 =	vunpack.i.u.bf16.f32 v33;
	v38 =	vunpack.i.l.bf16.f32 v34;
	(xrf2) =	vadd.scan.msk.f32 $0xffff, v10  }
0xd7: {  	v30 =	vpop (erf);
	v34 =	vunpack.i.u.bf16.f32 v34;
	v53 =	vunpack.i.l.bf16.f32 v51;
	v61 =	vunpack.i.u.bf16.f32 v51  }
0xd8: {  	v25 =	vadd.f32 $1.000000000e+00, v30;
	v26 =	vld [tilespmem:s13+$0x40];
	v30 =	vunpack.i.l.bf16.f32 v31;
	v48 =	vadd.f32 v38, v39  }
0xd9: {  	v56 =	vadd.f32 v53, v55;
	v22 =	vunpack.i.l.bf16.f32 v24;
	v23 =	vmul.f32 v9, v11  }
0xda: {  	(erf) = vrcp.f32 v25;
	v9 =	vunpack.i.u.bf16.f32 v27;
	v24 =	vunpack.i.l.bf16.f32 v27  }
0xdb: {  	v27 =	vunpack.i.l.bf16.f32 v28;
	v28 =	vunpack.i.u.bf16.f32 v28;
	v24 =	vadd.f32 v30, v24  }
0xdc: {  	v30 =	vunpack.i.u.bf16.f32 v31;
	v27 =	vadd.f32 v35, v27;
	v28 =	vadd.f32 v32, v28  }
0xdd: {  	v25 =	vld [tilespmem:s17+$0x76D0];
	v9 =	vadd.f32 v30, v9;
	v36 =	vunpack.i.l.bf16.f32 v26;
	v24 =	vmax.f32 v24, $0.0e+00  }
0xde: {  	v31 =	vld [tilespmem:s13+$0xFFFFFFD0];
	v27 =	vmax.f32 v27, $0.0e+00;
	v26 =	vunpack.i.u.bf16.f32 v26;
	v28 =	vmax.f32 v28, $0.0e+00  }
0xdf: {  	v29 =	vld [tilespmem:s16+$0x76D0];
	v62 =	vadd.f32 v37, v36;
	v24 =	vmul.f32 v24, v0;
	v27 =	vmul.f32 v27, v0  }
0xe0: {  	v26 =	vadd.f32 v33, v26;
	v9 =	vmax.f32 v9, $0.0e+00;
	v28 =	vmul.f32 v28, v1;
	v49, _, _ =	vpop (xrf2)  }
0xe1: {  	v36 =	vunpack.i.u.bf16.f32 v63;
	v63 =	vunpack.i.u.bf16.f32 v41;
	(v2sf) =	vpush v49, $0xF  }
0xe2: {  	v43 =	vunpack.i.l.bf16.f32 v25;
	v9 =	vmul.f32 v9, v1;
	v25 =	vunpack.i.u.bf16.f32 v25  }
0xe3: {  	v30 =	vmax.f32 v62, $0.0e+00;
	v46 =	vunpack.i.l.bf16.f32 v31;
	v26 =	vmax.f32 v26, $0.0e+00  }
0xe4: {  	v10 =	vld [tilespmem:s13+$0xFFFFFF50];
	v24 =	vadd.f32 $0.0e+00, v24;
	v27 =	vadd.f32 $0.0e+00, v27;
	v44 =	vunpack.i.l.bf16.f32 v29  }
0xe5: {  	v31 =	vunpack.i.u.bf16.f32 v31;
	v29 =	vunpack.i.u.bf16.f32 v29;
	v33 =	vadd.f32 v44, v46  }
0xe6: {  	v30 =	vmul.f32 v30, v0;
	v29 =	vadd.f32 v29, v31;
	v31 =	vadd.f32 v34, v36  }
0xe7: {  	v26 =	vmul.f32 v26, v1;
	v9 =	vadd.f32 v24, v9;
	v24 =	vadd.f32 v27, v28  }
0xe8: {  	v28 =	vunpack.i.l.bf16.f32 v47;
	v44 =	vunpack.i.u.bf16.f32 v42;
	v36 =	vadd.f32 v60, v63  }
0xe9: {  	v62 =	vld [tilespmem:s13+$0xFFFFFF70];
	v45 =	vunpack.i.l.bf16.f32 v10;
	v30 =	vadd.f32 $0.0e+00, v30;
	v10 =	vunpack.i.u.bf16.f32 v10  }
0xea: {  	v37 =	vadd.f32 v61, v44;
	v32 =	vadd.f32 v43, v45;
	v33 =	vmax.f32 v33, $0.0e+00  }
0xeb: {  	v10 =	vadd.f32 v25, v10;
	v25 =	vmax.f32 v48, $0.0e+00;
	v29 =	vmax.f32 v29, $0.0e+00  }
0xec: {  	v36 =	vmax.f32 v36, $0.0e+00;
	v27 =	vmul.f32 v33, v2;
	v26 =	vadd.f32 v30, v26  }
0xed: {  	v46 =	vld [tilespmem:s13+$0x70];
	v25 =	vmul.f32 v25, v2;
	v30 =	vunpack.i.l.bf16.f32 v40;
	v33 =	vmax.f32 v56, $0.0e+00  }
0xee: {  	v47 =	vunpack.i.l.bf16.f32 v62;
	v53 =	vunpack.i.u.bf16.f32 v62;
	v32 =	vmax.f32 v32, $0.0e+00  }
0xef: {  	v10 =	vmax.f32 v10, $0.0e+00;
	v28 =	vadd.f32 v28, v30;
	v32 =	vmul.f32 v32, v2  }
0xf0: {  	v30 =	vmax.f32 v31, $0.0e+00;
	v31 =	vadd.f32 v52, v54;
	v10 =	vmul.f32 v10, v3;
	s20 =	spop (v2sf)  }
0xf1: {  	v24 =	vadd.f32 v27, v24;
	v27 =	vmul.f32 v29, v3;
	v9 =	vadd.f32 v32, v9;
	s10 =	ssub.f32 $0.0e+00, s20  }
0xf2: {  	v45 =	vld [tilespmem:s13+$0xFFFFFFF0];
	v25 =	vadd.f32 v25, v26;
	v26 =	vmul.f32 v30, v3;
	v43 =	vunpack.i.l.bf16.f32 v46  }
0xf3: {  	v57 =	vld [tilespmem:s17+$0x76F0];
	v9 =	vadd.f32 v9, v10;
	v10 =	vadd.f32 v24, v27;
	v24 =	vmov s10  }
0xf4: {  	v29 =	vld [tilespmem:s16+$0x76F0];
	v35 =	vunpack.i.u.bf16.f32 v46;
	v28 =	vmax.f32 v28, $0.0e+00;
	v24 =	vmul.f32 $1.442695020e+00, v24  }
0xf5: {  	v30 =	vld [tilespmem:s15+$0x76F0];
	v31 =	vmax.f32 v31, $0.0e+00;
	v32 =	vadd.f32 v58, v59;
	v28 =	vmul.f32 v28, v4  }
0xf6: {  	v25 =	vadd.f32 v25, v26;
	v26 =	vmul.f32 v33, v4;
	v24 =	vbroadcast v24, $0x0  }
0xf7: {  	v50 =	vunpack.i.l.bf16.f32 v45;
	v54 =	vunpack.i.u.bf16.f32 v45;
	v27 =	vmul.f32 v31, v4  }
0xf8: {  	v31 =	vunpack.i.l.bf16.f32 v57;
	v32 =	vmax.f32 v32, $0.0e+00;
	(erf) = vpow2.f32 v24  }
0xf9: {  	v25 =	vadd.f32 v26, v25;
	v26 =	vmul.f32 v36, v5;
	v48 =	vunpack.i.l.bf16.f32 v29  }
0xfa: {  	v49 =	vunpack.i.l.bf16.f32 v30;
	v31 =	vadd.f32 v31, v47;
	v29 =	vunpack.i.u.bf16.f32 v29  }
0xfb: {  	v9 =	vadd.f32 v28, v9;
	v27 =	vadd.f32 v27, v10;
	v10 =	vunpack.i.u.bf16.f32 v57  }
0xfc: {  	v30 =	vunpack.i.u.bf16.f32 v30;
	v51 =	vadd.f32 v48, v50;
	v28 =	vmul.f32 v32, v5  }
0xfd: {  	v52 =	vadd.f32 v49, v43;
	v31 =	vmax.f32 v31, $0.0e+00;
	v34 =	vadd.f32 v10, v53  }
0xfe: {  	[tilespmem:s2+$0xD0] =	vst v23;
	v23 =	vadd.f32 v29, v54;
	v31 =	vmul.f32 v31, v6;
	v28 =	vadd.f32 v9, v28;
	v10 =	vpop (erf)  }
0xff: {  	v30 =	vadd.f32 v30, v35;
	v33 =	vmax.f32 v51, $0.0e+00;
	v34 =	vmax.f32 v34, $0.0e+00;
	v9 =	vpop (erf)  }
0x100: {  	[tilespmem:s2+$0xC0] =	vst v8;
	v26 =	vadd.f32 v27, v26;
	v28 =	vadd.f32 v31, v28;
	v29 =	vmul.f32 v34, v7;
	v8 =	vpop (erf)  }
0x101: {  	v23 =	vmax.f32 v23, $0.0e+00;
	v33 =	vmul.f32 v33, v6;
	v24 =	vmax.f32 v37, $0.0e+00;
	v27 =	vpop (erf)  }
0x102: {  	v28 =	vadd.f32 v28, v29;
	v24 =	vmul.f32 v24, v5;
	v27 =	vadd.f32 $1.000000000e+00, v27  }
0x103: {  	v32 =	vmax.f32 v52, $0.0e+00;
	v23 =	vmul.f32 v23, v7;
	v31 =	vld [tilespmem:s12+$0xB0];
	v26 =	vadd.f32 v33, v26  }
0x104: {  	v55 =	vld [tilespmem:s7+$0x76B0];
	(xrf2) =	vadd.scan.msk.f32 $0xffff, v28;
	v24 =	vadd.f32 v25, v24;
	v25 =	vmul.f32 v32, v6;
	(erf) = vrcp.f32 v27  }
0x105: {  	v15 =	vmul.f32 v15, v19;
	v17 =	vmul.f32 v17, v20;
	v23 =	vadd.f32 v26, v23;
	v27 =	vld [tilespmem:s13+$0x80]  }
0x106: {  	v13 =	vmul.f32 v13, v18;
	v19 =	vmax.f32 v30, $0.0e+00;
	v20 =	vadd.f32 v25, v24;
	v24 =	vld [tilespmem:s8+$0x7680]  }
0x107: {  	v16 =	vmul.f32 v16, v22;
	v19 =	vmul.f32 v19, v7;
	(xrf2) =	vadd.scan.msk.f32 $0xffff, v23  }
0x108: {  	v14 =	vmul.f32 v10, v14;
	v18 =	vunpack.i.u.bf16.f32 v31;
	v23 =	vmul.f32 v12, v21  }
0x109: {  	v12 =	vunpack.i.l.bf16.f32 v31;
	v19 =	vadd.f32 v20, v19;
	v20 =	vunpack.i.l.bf16.f32 v55  }
0x10a: {  	v22 =	vld [tilespmem:s17+$0x7680];
	v25 =	vunpack.i.u.bf16.f32 v55;
	v21 =	vmul.f32 v20, v12;
	v12 =	vunpack.i.l.bf16.f32 v27  }
0x10b: {  	v15 =	vmul.f32 v10, v15;
	v26 =	vld [tilespmem:s13+$0xFFFFFF00];
	v18 =	vmul.f32 v25, v18;
	(xrf2) =	vadd.scan.msk.f32 $0xffff, v19;
	v25 =	vunpack.i.l.bf16.f32 v24  }
0x10c: {  	v19 =	vld [tilespmem:s15+$0x7680];
	v24 =	vunpack.i.u.bf16.f32 v24;
	v27 =	vunpack.i.u.bf16.f32 v27;
	v25 =	vmul.f32 v25, v12  }
0x10d: {  	v20 =	vmul.f32 v18, v11;
	v18 =	vld [tilespmem:s16+$0x7680];
	v24 =	vmul.f32 v24, v27;
	v12 =	vpop (erf)  }
0x10e: {  	[tilespmem:s2+$0xFFFFFF00] =	vst v14;
	v28 =	vld [tilespmem:s13+$0xFFFFFF80];
	v14, _, _ =	vpop (xrf2);
	v21 =	vmul.f32 v21, v11;
	v11 =	vmul.f32 v12, v25  }
0x10f: {  	s7 =	simm.s32 $0x14980;
	v17 =	vmul.f32 v9, v17;
	[tilespmem:s2+$0xFFFFFF10] =	vst v15;
	(v2sf) =	vpush v14, $0xF;
	v27 =	vld [tilespmem:s13+$0x0];
	v15 =	vmul.f32 v12, v24  }
0x110: {  	v13 =	vmul.f32 v9, v13;
	v16 =	vmul.f32 v8, v16;
	v29 =	vunpack.i.u.bf16.f32 v26;
	[tilespmem:s7+$0x80] =	vst v11  }
0x111: {  	v31 =	vld [tilespmem:s12+$0xFFFFFF10];
	v14 =	vunpack.i.l.bf16.f32 v22;
	v30 =	vunpack.i.l.bf16.f32 v19;
	v25 =	vunpack.i.u.bf16.f32 v22;
	v22, _, _ =	vpop (xrf2);
	[tilespmem:s7+$0x90] =	vst v15  }
0x112: {  	v24 =	vunpack.i.u.bf16.f32 v18;
	(v2sf) =	vpush v22, $0xF;
	v15 =	vunpack.i.l.bf16.f32 v26;
	v56 =	vld [tilespmem:s13+$0x90]  }
0x113: {  	v11 =	vunpack.i.u.bf16.f32 v19;
	v19 =	vunpack.i.u.bf16.f32 v28;
	v26 =	vunpack.i.l.bf16.f32 v28;
	v28 =	vld [tilespmem:s8+$0x7690]  }
0x114: {  	[tilespmem:s2+$0xFFFFFF90] =	vst v13;
	v18 =	vunpack.i.l.bf16.f32 v18;
	v25 =	vmul.f32 v25, v29;
	v13 =	vunpack.i.l.bf16.f32 v27  }
0x115: {  	[tilespmem:s2+$0xFFFFFF80] =	vst v17;
	v17 =	vld [tilespmem:s14+$0x7690];
	v22 =	vmul.f32 v14, v15;
	v14 =	vunpack.i.u.bf16.f32 v27;
	v26 =	vmul.f32 v18, v26;
	v15, _, _ =	vpop (xrf2)  }
0x116: {  	v19 =	vmul.f32 v24, v19;
	v18 =	vld [tilespmem:s12+$0xFFFFFF90];
	(v2sf) =	vpush v15, $0xF;
	v15 =	vmul.f32 v8, v23  }
0x117: {  	[tilespmem:s2+$0x0] =	vst v16;
	v24 =	vmul.f32 v30, v13;
	v13 =	vunpack.i.u.bf16.f32 v31;
	v23 =	vmul.f32 v11, v14;
	v11 =	vld [tilespmem:s28+$0x7690]  }
0x118: {  	v14 =	vunpack.i.l.bf16.f32 v31;
	[tilespmem:s2+$0x10] =	vst v15;
	v15 =	vunpack.i.l.bf16.f32 v56;
	v16 =	vunpack.i.l.bf16.f32 v28  }
0x119: {  	v29 =	vunpack.i.u.bf16.f32 v56;
	v28 =	vunpack.i.u.bf16.f32 v28;
	v27 =	vld [tilespmem:s12+$0x10];
	v15 =	vmul.f32 v16, v15  }
0x11a: {  	s20 =	sadd.s32 $0x4, s22;
	v16 =	vunpack.i.u.bf16.f32 v17;
	v17 =	vunpack.i.l.bf16.f32 v17;
	v30 =	vld [tilespmem:s25+$0x7690];
	v28 =	vmul.f32 v28, v29  }
0x11b: {  	v29 =	vld [tilespmem:s20+$0x1];
	v14 =	vmul.f32 v17, v14;
	v17 =	vunpack.i.u.bf16.f32 v18;
	v15 =	vmul.f32 v12, v15  }
0x11c: {  	v18 =	vunpack.i.l.bf16.f32 v18;
	v31 =	vunpack.i.l.bf16.f32 v11;
	v28 =	vmul.f32 v12, v28  }
0x11d: {  	v13 =	vmul.f32 v16, v13;
	v11 =	vunpack.i.u.bf16.f32 v11;
	v16 =	vmul.f32 v31, v18;
	[tilespmem:s7+$0xA0] =	vst v15  }
0x11e: {  	s22 =	spop (v2sf);
	v14 =	vmul.f32 v10, v14;
	v11 =	vmul.f32 v11, v17;
	[tilespmem:s7+$0xB0] =	vst v28  }
0x11f: {  	s9 =	ssub.f32 $0.0e+00, s22;
	v13 =	vmul.f32 v10, v13;
	v15 =	vunpack.i.u.bf16.f32 v27;
	v17 =	vunpack.i.l.bf16.f32 v27;
	v18 =	vld [tilespmem:s13+$0xA0]  }
0x120: {  	v27 =	vunpack.i.u.bf16.f32 v30;
	v28 =	vunpack.i.l.bf16.f32 v30;
	v30 =	vld [tilespmem:s8+$0x76A0];
	(v2sf) =	vpush v29, $0x0;
	[tilespmem:s2+$0xFFFFFF20] =	vst v14  }
0x121: {  	v16 =	vmul.f32 v9, v16;
	[tilespmem:s2+$0xFFFFFF30] =	vst v13;
	v14 =	vmul.f32 v28, v17;
	v17 =	vmov s9  }
0x122: {  	v13 =	vmul.f32 v27, v15;
	v27 =	vld [tilespmem:s14+$0x76A0];
	s24 =	spop (v2sf);
	v15 =	vmul.f32 $1.442695020e+00, v17  }
0x123: {  	v11 =	vmul.f32 v9, v11;
	v17 =	vld [tilespmem:s12+$0xFFFFFF20];
	v14 =	vmul.f32 v8, v14;
	s9 =	ssub.f32 $0.0e+00, s24  }
0x124: {  	v13 =	vmul.f32 v8, v13;
	v15 =	vbroadcast v15, $0x0  }
0x125: {  	v28 =	vld [tilespmem:s20+$0xFFFFFFFF];
	v29 =	vmov s9;
	v31 =	vunpack.i.l.bf16.f32 v18;
	v57 =	vunpack.i.l.bf16.f32 v30  }
0x126: {  	[tilespmem:s2+$0xFFFFFFA0] =	vst v16;
	v16 =	vld [tilespmem:s20+$0x0];
	v18 =	vunpack.i.u.bf16.f32 v18;
	v30 =	vunpack.i.u.bf16.f32 v30;
	v31 =	vmul.f32 v57, v31;
	s26 =	spop (v2sf)  }
0x127: {  	[tilespmem:s2+$0xFFFFFFB0] =	vst v11;
	v11 =	vld [tilespmem:s20+$0xFFFFFFFE];
	v29 =	vmul.f32 $1.442695020e+00, v29;
	v18 =	vmul.f32 v30, v18;
	s10 =	ssub.f32 $0.0e+00, s26  }
0x128: {  	[tilespmem:s2+$0x20] =	vst v14;
	v14 =	vld [tilespmem:s12+$0xFFFFFFA0];
	v59 =	vunpack.i.l.bf16.f32 v27;
	(erf) = vpow2.f32 v15;
	v30 =	vunpack.i.u.bf16.f32 v17  }
0x129: {  	[tilespmem:s2+$0x30] =	vst v13;
	v13 =	vld [tilespmem:s28+$0x76A0];
	v31 =	vmul.f32 v31, v12;
	v29 =	vbroadcast v29, $0x0;
	v58 =	vmov s10  }
0x12a: {  	v60 =	vld [tilespmem:s12+$0x20];
	v17 =	vunpack.i.l.bf16.f32 v17;
	v18 =	vmul.f32 v18, v12;
	v32 =	vmul.f32 $1.442695020e+00, v58  }
0x12b: {  	(v2sf) =	vpush v28, $0x0;
	v15 =	vmul.f32 v59, v17;
	v17 =	vld [tilespmem:s25+$0x76A0];
	(erf) = vpow2.f32 v29  }
0x12c: {  	v27 =	vunpack.i.u.bf16.f32 v27;
	(v2sf) =	vpush v11, $0x0;
	[tilespmem:s7+$0xC0] =	vst v31;
	v32 =	vbroadcast v32, $0x0  }
0x12d: {  	v11 =	vmul.f32 v27, v30;
	(v2sf) =	vpush v16, $0x0;
	[tilespmem:s7+$0xD0] =	vst v18;
	v15 =	vmul.f32 v15, v10  }
0x12e: {  	v18 =	vunpack.i.u.bf16.f32 v14;
	v14 =	vunpack.i.l.bf16.f32 v14;
	v16 =	vld [tilespmem:s13+$0xB0];
	(erf) = vpow2.f32 v32  }
0x12f: {  	v27 =	vunpack.i.u.bf16.f32 v13;
	v13 =	vunpack.i.l.bf16.f32 v13;
	v11 =	vmul.f32 v11, v10;
	v29 =	vld [tilespmem:s8+$0x76B0];
	s11 =	spop (v2sf)  }
0x130: {  	v30 =	vunpack.i.l.bf16.f32 v60;
	v13 =	vmul.f32 v13, v14;
	v31 =	vunpack.i.l.bf16.f32 v17;
	s8 =	sshll.u32 s11, $0x9;
	s11 =	simm.s32 $0xFB80  }
0x131: {  	v14 =	vmul.f32 v27, v18;
	v18 =	vmul.f32 v31, v30;
	v30 =	vld [tilespmem:s11+$0xC0]  }
0x132: {  	v28 =	vunpack.i.u.bf16.f32 v60;
	[tilespmem:s2+$0xFFFFFF40] =	vst v15;
	v17 =	vunpack.i.u.bf16.f32 v17;
	v15 =	vmul.f32 v13, v9;
	s26 =	sshra.s32 s8, $0x2;
	v62 =	vld [tilespmem:s11+$0xD0]  }
0x133: {  	[tilespmem:s2+$0xFFFFFF50] =	vst v11;
	v17 =	vmul.f32 v17, v28;
	v11 =	vpop (erf);
	v13 =	vunpack.i.l.bf16.f32 v16;
	v31 =	vmul.f32 v18, v8;
	v61 =	vld [tilespmem:s26+$0x76C0]  }
0x134: {  	v16 =	vunpack.i.u.bf16.f32 v16;
	v18 =	vunpack.i.u.bf16.f32 v29;
	v11 =	vadd.f32 $1.000000000e+00, v11;
	v27 =	vpop (erf)  }
0x135: {  	v32 =	vmul.f32 v17, v8;
	v17 =	vld [tilespmem:s12+$0xFFFFFF30];
	v16 =	vmul.f32 v18, v16;
	v18 =	vadd.f32 $1.000000000e+00, v27  }
0x136: {  	v14 =	vmul.f32 v14, v9;
	v28 =	vunpack.i.l.bf16.f32 v29;
	(erf) = vrcp.f32 v11  }
0x137: {  	v13 =	vmul.f32 v28, v13;
	v11 =	vld [tilespmem:s26+$0x76D0];
	(erf) = vrcp.f32 v18;
	v18 =	vunpack.i.l.bf16.f32 v30;
	v27 =	vpop (erf)  }
0x138: {  	v63 =	vld [tilespmem:s11+$0xE0];
	v34 =	vunpack.i.u.bf16.f32 v62;
	v29 =	vunpack.i.l.bf16.f32 v61;
	v28 =	vadd.f32 $1.000000000e+00, v27  }
0x139: {  	v27 =	vmul.f32 v16, v12;
	v16 =	vadd.f32 v29, v18;
	v18 =	vunpack.i.u.bf16.f32 v30  }
0x13a: {  	v30 =	vunpack.i.u.bf16.f32 v61;
	v29 =	vunpack.i.l.bf16.f32 v17;
	(erf) = vrcp.f32 v28  }
0x13b: {  	v28 =	vunpack.i.u.bf16.f32 v17;
	v16 =	vmax.f32 v16, $0.0e+00;
	v17 =	vadd.f32 v30, v18;
	v18 =	vld [tilespmem:s26+$0x76E0]  }
0x13c: {  	v41 =	vld [tilespmem:s11+$0xF0];
	v40 =	vunpack.i.l.bf16.f32 v11;
	v30 =	vunpack.i.l.bf16.f32 v62;
	v16 =	vmul.f32 v16, v0  }
0x13d: {  	v42 =	vunpack.i.l.bf16.f32 v63;
	v30 =	vadd.f32 v40, v30;
	v17 =	vmax.f32 v17, $0.0e+00  }
0x13e: {  	v11 =	vunpack.i.u.bf16.f32 v11;
	v16 =	vadd.f32 $0.0e+00, v16;
	v17 =	vmul.f32 v17, v1  }
0x13f: {  	v43 =	vld [tilespmem:s26+$0x76F0];
	v33 =	vunpack.i.u.bf16.f32 v63;
	v11 =	vadd.f32 v11, v34;
	v30 =	vmax.f32 v30, $0.0e+00  }
0x140: {  	v44 =	vld [tilespmem:s11+$0xFFFFFF40];
	v16 =	vadd.f32 v16, v17;
	v17 =	vmul.f32 v30, v2;
	v30 =	vunpack.i.l.bf16.f32 v18  }
0x141: {  	s19 =	spop (v2sf);
	v45 =	vunpack.i.l.bf16.f32 v41;
	v11 =	vmax.f32 v11, $0.0e+00;
	v30 =	vadd.f32 v30, v42  }
0x142: {  	s22 =	spop (v2sf);
	v11 =	vmul.f32 v11, v3;
	v16 =	vadd.f32 v17, v16;
	v17 =	vunpack.i.u.bf16.f32 v18  }
0x143: {  	v48 =	vld [tilespmem:s11+$0x40];
	v35 =	vunpack.i.u.bf16.f32 v41;
	s9 =	sshll.u32 s22, $0x9;
	v30 =	vmax.f32 v30, $0.0e+00;
	v17 =	vadd.f32 v17, v33  }
0x144: {  	v58 =	vld [tilespmem:s11+$0xFFFFFFD0];
	s8 =	sshll.u32 s19, $0x9;
	s24 =	spop (v2sf);
	s10 =	sshra.s32 s9, $0x2;
	v11 =	vadd.f32 v16, v11;
	v16 =	vmul.f32 v30, v4;
	v30 =	vunpack.i.l.bf16.f32 v43  }
0x145: {  	v49 =	vunpack.i.u.bf16.f32 v44;
	s9 =	sshra.s32 s8, $0x2;
	s8 =	sshll.u32 s24, $0x9;
	v46 =	vld [tilespmem:s10+$0x76C0];
	v17 =	vmax.f32 v17, $0.0e+00;
	v33 =	vadd.f32 v30, v45  }
0x146: {  	v47 =	vld [tilespmem:s9+$0x76C0];
	s8 =	sshra.s32 s8, $0x2;
	v11 =	vadd.f32 v16, v11;
	v16 =	vmul.f32 v17, v5;
	v17 =	vunpack.i.u.bf16.f32 v43  }
0x147: {  	v54 =	vld [tilespmem:s8+$0x76D0];
	v30 =	vmul.f32 v13, v12;
	v13 =	vmax.f32 v33, $0.0e+00;
	v17 =	vadd.f32 v17, v35  }
0x148: {  	v53 =	vunpack.i.l.bf16.f32 v48;
	v18 =	vld [tilespmem:s11+$0xFFFFFFC0];
	v11 =	vadd.f32 v11, v16;
	v13 =	vmul.f32 v13, v6  }
0x149: {  	v39 =	vunpack.i.u.bf16.f32 v48;
	v63 =	vunpack.i.l.bf16.f32 v58;
	v17 =	vmax.f32 v17, $0.0e+00  }
0x14a: {  	v40 =	vunpack.i.u.bf16.f32 v58;
	v11 =	vadd.f32 v13, v11;
	v13 =	vmul.f32 v17, v7  }
0x14b: {  	v51 =	vunpack.i.l.bf16.f32 v46;
	v52 =	vunpack.i.l.bf16.f32 v47;
	v56 =	vunpack.i.u.bf16.f32 v46;
	v12 =	vld [tilespmem:s8+$0x76C0]  }
0x14c: {  	v38 =	vunpack.i.u.bf16.f32 v47;
	v48 =	vunpack.i.l.bf16.f32 v54;
	v11 =	vadd.f32 v11, v13  }
0x14d: {  	v42 =	vunpack.i.u.bf16.f32 v54;
	v50 =	vunpack.i.l.bf16.f32 v18;
	v33 =	vadd.f32 v56, v49  }
0x14e: {  	v18 =	vunpack.i.u.bf16.f32 v18;
	v35 =	vld [tilespmem:s10+$0x76D0];
	v16 =	vunpack.i.l.bf16.f32 v44;
	v34 =	vadd.f32 v52, v50;
	(xrf2) =	vadd.scan.msk.f32 $0xffff, v11  }
0x14f: {  	v49 =	vld [tilespmem:s10+$0x76E0];
	v18 =	vadd.f32 v38, v18;
	v16 =	vadd.f32 v51, v16;
	v33 =	vmax.f32 v33, $0.0e+00  }
0x150: {  	v46 =	vld [tilespmem:s11+$0xFFFFFF60];
	v55 =	vunpack.i.l.bf16.f32 v12;
	v12 =	vunpack.i.u.bf16.f32 v12;
	v34 =	vmax.f32 v34, $0.0e+00  }
0x151: {  	v51 =	vld [tilespmem:s9+$0x76E0];
	v18 =	vmax.f32 v18, $0.0e+00;
	v33 =	vmul.f32 v33, v1;
	v57 =	vadd.f32 v55, v53  }
0x152: {  	v17 =	vld [tilespmem:s9+$0x76D0];
	v16 =	vmax.f32 v16, $0.0e+00;
	v34 =	vmul.f32 v34, v0;
	v12 =	vadd.f32 v12, v39  }
0x153: {  	v52 =	vld [tilespmem:s8+$0x76E0];
	v18 =	vmul.f32 v18, v1;
	v16 =	vmul.f32 v16, v0;
	v60 =	vunpack.i.l.bf16.f32 v35  }
0x154: {  	v35 =	vunpack.i.u.bf16.f32 v35;
	v56 =	vunpack.i.l.bf16.f32 v49;
	v59 =	vmax.f32 v57, $0.0e+00  }
0x155: {  	v47 =	vld [tilespmem:s11+$0x60];
	v12 =	vmax.f32 v12, $0.0e+00;
	v34 =	vadd.f32 $0.0e+00, v34;
	v57 =	vunpack.i.l.bf16.f32 v46  }
0x156: {  	v13 =	vld [tilespmem:s11+$0xFFFFFF50];
	v36 =	vmul.f32 v59, v0;
	v16 =	vadd.f32 $0.0e+00, v16;
	v12 =	vmul.f32 v12, v1  }
0x157: {  	v58 =	vunpack.i.l.bf16.f32 v51;
	v61 =	vunpack.i.l.bf16.f32 v17;
	v18 =	vadd.f32 v34, v18  }
0x158: {  	v53 =	vld [tilespmem:s11+$0xFFFFFFE0];
	v59 =	vunpack.i.l.bf16.f32 v52;
	v34 =	vadd.f32 v56, v57;
	v38 =	vadd.f32 v61, v63;
	v45, _, _ =	vpop (xrf2)  }
0x159: {  	v17 =	vunpack.i.u.bf16.f32 v17;
	v36 =	vadd.f32 $0.0e+00, v36;
	(v2sf) =	vpush v45, $0xF  }
0x15a: {  	v11 =	vld [tilespmem:s11+$0x50];
	v17 =	vadd.f32 v17, v40;
	v16 =	vadd.f32 v16, v33;
	v61 =	vunpack.i.l.bf16.f32 v47  }
0x15b: {  	v62 =	vunpack.i.l.bf16.f32 v13;
	v13 =	vunpack.i.u.bf16.f32 v13;
	v63 =	vadd.f32 v59, v61  }
0x15c: {  	v39 =	vld [tilespmem:s9+$0x76F0];
	v34 =	vmax.f32 v34, $0.0e+00;
	v37 =	vadd.f32 v60, v62;
	v38 =	vmax.f32 v38, $0.0e+00  }
0x15d: {  	v13 =	vadd.f32 v35, v13;
	v12 =	vadd.f32 v36, v12;
	v60 =	vunpack.i.l.bf16.f32 v53  }
0x15e: {  	v17 =	vmax.f32 v17, $0.0e+00;
	v53 =	vunpack.i.u.bf16.f32 v53;
	v34 =	vmul.f32 v34, v4  }
0x15f: {  	v56 =	vld [tilespmem:s11+$0x70];
	v44 =	vunpack.i.l.bf16.f32 v11;
	v11 =	vunpack.i.u.bf16.f32 v11;
	v55 =	vmul.f32 v38, v2  }
0x160: {  	v40 =	vld [tilespmem:s11+$0xFFFFFF70];
	v62 =	vadd.f32 v58, v60;
	v17 =	vmul.f32 v17, v3;
	v38 =	vmax.f32 v63, $0.0e+00  }
0x161: {  	v58 =	vunpack.i.l.bf16.f32 v39;
	v50 =	vadd.f32 v48, v44;
	v37 =	vmax.f32 v37, $0.0e+00  }
0x162: {  	v11 =	vadd.f32 v42, v11;
	v13 =	vmax.f32 v13, $0.0e+00;
	v48 =	vunpack.i.u.bf16.f32 v49  }
0x163: {  	v49 =	vunpack.i.u.bf16.f32 v46;
	v37 =	vmul.f32 v37, v2;
	v13 =	vmul.f32 v13, v3  }
0x164: {  	v18 =	vadd.f32 v55, v18;
	v33 =	vadd.f32 v48, v49;
	v36 =	vmax.f32 v62, $0.0e+00  }
0x165: {  	v57 =	vunpack.i.l.bf16.f32 v40;
	v48 =	vunpack.i.l.bf16.f32 v56;
	v40 =	vunpack.i.u.bf16.f32 v40  }
0x166: {  	v54 =	vmax.f32 v50, $0.0e+00;
	v11 =	vmax.f32 v11, $0.0e+00;
	v50 =	vunpack.i.u.bf16.f32 v51  }
0x167: {  	v55 =	vld [tilespmem:s11+$0xFFFFFFF0];
	v51 =	vunpack.i.u.bf16.f32 v52;
	v35 =	vmul.f32 v54, v2;
	v16 =	vadd.f32 v37, v16  }
0x168: {  	v11 =	vmul.f32 v11, v3;
	v54 =	vunpack.i.u.bf16.f32 v47;
	v41 =	vadd.f32 v50, v53;
	s19 =	spop (v2sf)  }
0x169: {  	v37 =	vld [tilespmem:s10+$0x76F0];
	v33 =	vmax.f32 v33, $0.0e+00;
	v50 =	vunpack.i.u.bf16.f32 v56;
	v42 =	vadd.f32 v51, v54;
	s19 =	ssub.f32 $0.0e+00, s19  }
0x16a: {  	v52 =	vld [tilespmem:s8+$0x76F0];
	v33 =	vmul.f32 v33, v5;
	v12 =	vadd.f32 v35, v12;
	v13 =	vadd.f32 v16, v13  }
0x16b: {  	v16 =	vadd.f32 v18, v17;
	v17 =	vmul.f32 v36, v4;
	v60 =	vmov s19  }
0x16c: {  	v41 =	vmax.f32 v41, $0.0e+00;
	v61 =	vunpack.i.l.bf16.f32 v55;
	v46 =	vmul.f32 $1.442695020e+00, v60  }
0x16d: {  	v42 =	vmax.f32 v42, $0.0e+00;
	v35 =	vunpack.i.u.bf16.f32 v55;
	v11 =	vadd.f32 v12, v11  }
0x16e: {  	v12 =	vmul.f32 v38, v4;
	v18 =	vunpack.i.l.bf16.f32 v37;
	v63 =	vbroadcast v46, $0x0  }
0x16f: {  	v59 =	vunpack.i.l.bf16.f32 v52;
	v13 =	vadd.f32 v34, v13;
	v18 =	vadd.f32 v18, v57  }
0x170: {  	v51 =	vld [tilespmem:s10+$0x7680];
	v11 =	vadd.f32 v12, v11;
	v12 =	vunpack.i.u.bf16.f32 v37;
	(erf) = vpow2.f32 v63  }
0x171: {  	v62 =	vadd.f32 v58, v61;
	v40 =	vadd.f32 v12, v40;
	v18 =	vmax.f32 v18, $0.0e+00  }
0x172: {  	v16 =	vadd.f32 v17, v16;
	v33 =	vadd.f32 v13, v33;
	v18 =	vmul.f32 v18, v6  }
0x173: {  	v55 =	vld [tilespmem:s11+$0xFFFFFF80];
	v17 =	vmul.f32 v41, v5;
	v47 =	vmul.f32 v42, v5;
	v40 =	vmax.f32 v40, $0.0e+00  }
0x174: {  	v49 =	vunpack.i.u.bf16.f32 v52;
	v52 =	vld [tilespmem:s8+$0x7680];
	v40 =	vmul.f32 v40, v7;
	v18 =	vadd.f32 v18, v33  }
0x175: {  	v36 =	vmax.f32 v62, $0.0e+00;
	v16 =	vadd.f32 v16, v17;
	v58 =	vunpack.i.u.bf16.f32 v51  }
0x176: {  	v38 =	vunpack.i.l.bf16.f32 v51;
	v36 =	vmul.f32 v36, v6;
	v12 =	vpop (erf);
	v18 =	vadd.f32 v18, v40  }
0x177: {  	[tilespmem:s2+$0xFFFFFFD0] =	vst v14;
	v37 =	vadd.f32 v11, v47;
	v13 =	vpop (erf);
	v46 =	vadd.f32 v59, v48;
	v48 =	vunpack.i.u.bf16.f32 v39  }
0x178: {  	v17 =	vld [tilespmem:s9+$0x7680];
	v14 =	vunpack.i.u.bf16.f32 v55;
	v42 =	vunpack.i.l.bf16.f32 v55;
	v11 =	vpop (erf);
	(xrf2) =	vadd.scan.msk.f32 $0xffff, v18;
	v35 =	vadd.f32 v48, v35  }
0x179: {  	v16 =	vadd.f32 v36, v16;
	v61 =	vunpack.i.u.bf16.f32 v52;
	v22 =	vmul.f32 v12, v22;
	v54 =	vpop (erf)  }
0x17a: {  	v62 =	vld [tilespmem:s11+$0x80];
	v25 =	vmul.f32 v12, v25;
	v35 =	vmax.f32 v35, $0.0e+00;
	v36 =	vadd.f32 $1.000000000e+00, v54  }
0x17b: {  	v39 =	vadd.f32 v49, v50;
	v34 =	vmax.f32 v46, $0.0e+00;
	v35 =	vmul.f32 v35, v7  }
0x17c: {  	v47 =	vld [tilespmem:s26+$0x7680];
	v41 =	vunpack.i.l.bf16.f32 v52;
	v34 =	vmul.f32 v34, v6;
	(erf) = vrcp.f32 v36  }
0x17d: {  	[tilespmem:s2+$0xFFFFFFC0] =	vst v15;
	v57 =	vld [tilespmem:s11+$0x0];
	v15 =	vunpack.i.l.bf16.f32 v17;
	v39 =	vmax.f32 v39, $0.0e+00;
	v16 =	vadd.f32 v16, v35  }
0x17e: {  	[tilespmem:s2+$0x40] =	vst v31;
	v51 =	vmul.f32 v13, v26;
	v59 =	vld [tilespmem:s14+$0x76B0];
	v56 =	vmul.f32 v39, v7;
	v34 =	vadd.f32 v34, v37  }
0x17f: {  	v53 =	vld [tilespmem:s11+$0xFFFFFF00];
	v26 =	vunpack.i.l.bf16.f32 v62;
	v15 =	vmul.f32 v15, v42;
	v60 =	vunpack.i.u.bf16.f32 v17;
	(xrf2) =	vadd.scan.msk.f32 $0xffff, v16  }
0x180: {  	v31 =	vld [tilespmem:s28+$0x76B0];
	[tilespmem:s7+$0xFFFFFF00] =	vst v22;
	v22 =	vunpack.i.u.bf16.f32 v62;
	v24 =	vmul.f32 v11, v24;
	v36 =	vadd.f32 v34, v56  }
0x181: {  	[tilespmem:s7+$0xFFFFFF10] =	vst v25;
	v23 =	vmul.f32 v11, v23;
	v52 =	vunpack.i.l.bf16.f32 v47;
	v33 =	vunpack.i.u.bf16.f32 v47;
	v49 =	vld [tilespmem:s12+$0xFFFFFFB0]  }
0x182: {  	v14 =	vmul.f32 v60, v14;
	v48 =	vunpack.i.l.bf16.f32 v57;
	v60, _, _ =	vpop (xrf2);
	v39 =	vunpack.i.u.bf16.f32 v57;
	v57 =	vld [tilespmem:s13+$0xFFFFFF10];
	(xrf2) =	vadd.scan.msk.f32 $0xffff, v36  }
0x183: {  	v25 =	vmul.f32 v33, v22;
	v50 =	vunpack.i.u.bf16.f32 v59;
	v55 =	vunpack.i.l.bf16.f32 v59;
	v59 =	vld [tilespmem:s17+$0x7690]  }
0x184: {  	[tilespmem:s2+$0x50] =	vst v32;
	v63 =	vunpack.i.u.bf16.f32 v53;
	v35 =	vmul.f32 v52, v26;
	v56 =	vmul.f32 v13, v19  }
0x185: {  	[tilespmem:s7+$0xFFFFFF80] =	vst v51;
	v33 =	vunpack.i.u.bf16.f32 v31;
	v17 =	vunpack.i.l.bf16.f32 v53;
	v18 =	vmul.f32 v58, v63;
	v22 =	vpop (erf)  }
0x186: {  	v53 =	vld [tilespmem:s12+$0x30];
	(v2sf) =	vpush v60, $0xF;
	v40 =	vunpack.i.l.bf16.f32 v49;
	[tilespmem:s7+$0xFFFFFF90] =	vst v56;
	v58 =	vmul.f32 v22, v35  }
0x187: {  	[tilespmem:s7+$0x0] =	vst v24;
	s12 =	simm.s32 $0x14B80;
	v26 =	vunpack.i.u.bf16.f32 v49;
	v24 =	vmul.f32 v50, v28;
	v62 =	vld [tilespmem:s13+$0xFFFFFF90];
	v25 =	vmul.f32 v22, v25  }
0x188: {  	v16 =	vmul.f32 v41, v48;
	v50 =	vunpack.i.l.bf16.f32 v57;
	v52 =	vunpack.i.l.bf16.f32 v59;
	v54 =	vld [tilespmem:s25+$0x76B0];
	[tilespmem:s12+$0x80] =	vst v58  }
0x189: {  	v28 =	vunpack.i.u.bf16.f32 v57;
	v51 =	vunpack.i.u.bf16.f32 v59;
	v37 =	vmul.f32 v52, v50;
	v63 =	vld [tilespmem:s16+$0x7690];
	v48, _, _ =	vpop (xrf2);
	[tilespmem:s12+$0x90] =	vst v25  }
0x18a: {  	v28 =	vmul.f32 v51, v28;
	(v2sf) =	vpush v48, $0xF;
	v25 =	vmul.f32 v55, v29;
	v29 =	vld [tilespmem:s11+$0x90]  }
0x18b: {  	v19 =	vmul.f32 v61, v39;
	v61 =	vunpack.i.l.bf16.f32 v31;
	v31 =	vunpack.i.u.bf16.f32 v53;
	v49 =	vld [tilespmem:s26+$0x7690]  }
0x18c: {  	[tilespmem:s7+$0x10] =	vst v23;
	v34 =	vunpack.i.l.bf16.f32 v53;
	v53 =	vunpack.i.u.bf16.f32 v62;
	v55 =	vunpack.i.l.bf16.f32 v62;
	v62, _, _ =	vpop (xrf2)  }
0x18d: {  	v17 =	vmul.f32 v38, v17;
	v57 =	vld [tilespmem:s15+$0x7690];
	v37 =	vmul.f32 v12, v37;
	(v2sf) =	vpush v62, $0xF  }
0x18e: {  	[tilespmem:s2+$0xF0] =	vst v20;
	v28 =	vmul.f32 v12, v28;
	v32 =	vunpack.i.u.bf16.f32 v54;
	v35 =	vunpack.i.l.bf16.f32 v54;
	v54 =	vld [tilespmem:s13+$0x10]  }
0x18f: {  	[tilespmem:s2+$0xE0] =	vst v21;
	v23 =	vmul.f32 v61, v40;
	v56 =	vunpack.i.l.bf16.f32 v63;
	v20 =	vunpack.i.u.bf16.f32 v63  }
0x190: {  	[tilespmem:s7+$0xF0] =	vst v27;
	v27 =	vmul.f32 v20, v53;
	v21 =	vunpack.i.l.bf16.f32 v29;
	v59 =	vunpack.i.l.bf16.f32 v49  }
0x191: {  	[tilespmem:s7+$0xFFFFFF20] =	vst v37;
	v29 =	vunpack.i.u.bf16.f32 v29;
	v36 =	vunpack.i.u.bf16.f32 v49;
	v21 =	vmul.f32 v59, v21  }
0x192: {  	[tilespmem:s7+$0xFFFFFF30] =	vst v28;
	v63 =	vunpack.i.u.bf16.f32 v57;
	v58 =	vmul.f32 v56, v55;
	v29 =	vmul.f32 v36, v29  }
0x193: {  	v20 =	vld [tilespmem:s13+$0xFFFFFF20];
	v28 =	vunpack.i.l.bf16.f32 v54;
	v61 =	vmul.f32 v22, v21;
	v21 =	vunpack.i.l.bf16.f32 v57  }
0x194: {  	[tilespmem:s7+$0xE0] =	vst v30;
	v60 =	vunpack.i.u.bf16.f32 v54;
	v30 =	vmul.f32 v22, v29;
	v28 =	vmul.f32 v21, v28;
	v21 =	vld [tilespmem:s17+$0x76A0]  }
0x195: {  	s28 =	sadd.s32 $0x4, s20;
	s14 =	simm.s32 $0xFB80;
	s25 =	simm.s32 $0x8;
	v36 =	vmul.f32 v63, v60;
	v29 =	vmul.f32 v13, v58;
	[tilespmem:s12+$0xA0] =	vst v61  }
.LBB2_5:
0x196: {  	v37 =	vld [tilespmem:s28+$0x1];
	[tilespmem:s12+$0xB0] =	vst v30;
	s19 =	spop (v2sf);
	v27 =	vmul.f32 v13, v27;
	v28 =	vmul.f32 v11, v28  }
0x197: {  	v26 =	vmul.f32 v33, v26;
	s19 =	ssub.f32 $0.0e+00, s19;
	v30 =	vld [tilespmem:s11+$0xA0];
	[tilespmem:s7+$0xFFFFFFA0] =	vst v29;
	v29 =	vmul.f32 v11, v36  }
0x198: {  	v33 =	vld [tilespmem:s26+$0x76A0];
	v36 =	vunpack.i.u.bf16.f32 v20;
	v38 =	vunpack.i.l.bf16.f32 v20;
	[tilespmem:s7+$0xFFFFFFB0] =	vst v27;
	v20 =	vmul.f32 v35, v34  }
0x199: {  	v27 =	vld [tilespmem:s28+$0xFFFFFFFF];
	v34 =	vmov s19;
	s19 =	spop (v2sf);
	v35 =	vunpack.i.u.bf16.f32 v21;
	v21 =	vunpack.i.l.bf16.f32 v21;
	[tilespmem:s7+$0x20] =	vst v28  }
0x19a: {  	v28 =	vld [tilespmem:s28+$0x0];
	v34 =	vmul.f32 $1.442695020e+00, v34;
	s19 =	ssub.f32 $0.0e+00, s19;
	v21 =	vmul.f32 v21, v38;
	[tilespmem:s7+$0x30] =	vst v29  }
0x19b: {  	v31 =	vmul.f32 v32, v31;
	v35 =	vmul.f32 v35, v36;
	v29 =	vld [tilespmem:s28+$0xFFFFFFFE];
	(v2sf) =	vpush v37, $0x0  }
0x19c: {  	s25 =	sadd.s32 $0x4, s25;
	v32 =	vbroadcast v34, $0x0;
	v34 =	vmov s19;
	s19 =	spop (v2sf);
	v21 =	vmul.f32 v21, v12;
	v36 =	vld [tilespmem:s13+$0xFFFFFFA0]  }
0x19d: {  	p1 =	slt.u32 s25, $0x4C;
	v37 =	vunpack.i.l.bf16.f32 v30;
	v34 =	vmul.f32 $1.442695020e+00, v34;
	s19 =	ssub.f32 $0.0e+00, s19;
	v38 =	vunpack.i.l.bf16.f32 v33;
	v39 =	vld [tilespmem:s16+$0x76A0]  }
0x19e: {  	v30 =	vunpack.i.u.bf16.f32 v30;
	v33 =	vunpack.i.u.bf16.f32 v33;
	v37 =	vmul.f32 v38, v37;
	[tilespmem:s7+$0xFFFFFF40] =	vst v21;
	v21 =	vld [tilespmem:s13+$0x20]  }
0x19f: {  	v30 =	vmul.f32 v33, v30;
	(v2sf) =	vpush v27, $0x0;
	v27 =	vmov s19;
	v33 =	vld [tilespmem:s15+$0x76A0]  }
0x1a0: {  	(v2sf) =	vpush v29, $0x0;
	v27 =	vmul.f32 $1.442695020e+00, v27;
	v29 =	vmul.f32 v37, v22  }
0x1a1: {  	v30 =	vmul.f32 v30, v22;
	(v2sf) =	vpush v28, $0x0;
	v28 =	vbroadcast v34, $0x0  }
0x1a2: {  	v27 =	vbroadcast v27, $0x0;
	[tilespmem:s12+$0xC0] =	vst v29;
	(erf) = vpow2.f32 v32;
	v29 =	vunpack.i.u.bf16.f32 v36  }
0x1a3: {  	[tilespmem:s12+$0xD0] =	vst v30;
	(erf) = vpow2.f32 v28;
	v28 =	vunpack.i.l.bf16.f32 v36;
	v30 =	vunpack.i.u.bf16.f32 v39  }
0x1a4: {  	v34 =	vunpack.i.u.bf16.f32 v21;
	v32 =	vld [tilespmem:s11+$0xB0];
	(erf) = vpow2.f32 v27;
	v27 =	vunpack.i.l.bf16.f32 v39  }
0x1a5: {  	v21 =	vunpack.i.l.bf16.f32 v21;
	v37 =	vunpack.i.u.bf16.f32 v33;
	v33 =	vunpack.i.l.bf16.f32 v33;
	v36 =	vld [tilespmem:s26+$0x76B0]  }
0x1a6: {  	v27 =	vmul.f32 v27, v28;
	v28 =	vmul.f32 v30, v29  }
0x1a7: {  	v21 =	vmul.f32 v33, v21;
	v29 =	vmul.f32 v37, v34  }
0x1a8: {  	v30 =	vmul.f32 v35, v12;
	v27 =	vmul.f32 v27, v13  }
0x1a9: {  	v28 =	vmul.f32 v28, v13;
	v21 =	vmul.f32 v21, v11;
	v33 =	vunpack.i.l.bf16.f32 v32  }
0x1aa: {  	v29 =	vmul.f32 v29, v11;
	v32 =	vunpack.i.u.bf16.f32 v32;
	s19 =	spop (v2sf);
	v35 =	vunpack.i.u.bf16.f32 v36;
	[tilespmem:s7+$0xFFFFFF50] =	vst v30  }
0x1ab: {  	v25 =	vmul.f32 v25, v10;
	s11 =	sadd.s32 $0x200, s11;
	v30 =	vunpack.i.l.bf16.f32 v36;
	s19 =	sshll.u32 s19, $0x9;
	v32 =	vmul.f32 v35, v32;
	v34 =	vpop (erf);
	v35 =	vld [tilespmem:s13+$0xFFFFFF30];
	[tilespmem:s7+$0xFFFFFFC0] =	vst v27  }
0x1ac: {  	v24 =	vmul.f32 v24, v10;
	v30 =	vmul.f32 v30, v33;
	v27 =	vld [tilespmem:s11+$0xC0];
	s26 =	sshra.s32 s19, $0x2;
	v34 =	vadd.f32 $1.000000000e+00, v34;
	v33 =	vpop (erf);
	[tilespmem:s7+$0xFFFFFFD0] =	vst v28  }
0x1ad: {  	v23 =	vmul.f32 v23, v9;
	v28 =	vld [tilespmem:s26+$0x76C0];
	v33 =	vadd.f32 $1.000000000e+00, v33;
	v32 =	vmul.f32 v32, v22;
	v10 =	vpop (erf);
	[tilespmem:s7+$0x40] =	vst v21  }
0x1ae: {  	v26 =	vmul.f32 v26, v9;
	v9 =	vmovc v13;
	v36 =	vld [tilespmem:s11+$0xFFFFFF40];
	s19 =	spop (v2sf);
	v21 =	vadd.f32 $1.000000000e+00, v10;
	(erf) = vrcp.f32 v34;
	[tilespmem:s7+$0x50] =	vst v29;
	v10 =	vmovc v12  }
0x1af: {  	v13 =	vmul.f32 v20, v8;
	v12 =	vld [tilespmem:s11+$0xFFFFFFC0];
	s19 =	sshll.u32 s19, $0x9;
	s20 =	spop (v2sf);
	[tilespmem:s12+$0xF0] =	vst v32;
	(erf) = vrcp.f32 v33  }
0x1b0: {  	s24 =	sshll.u32 s20, $0x9;
	s20 =	sshra.s32 s19, $0x2;
	v29 =	vld [tilespmem:s11+$0xD0];
	s22 =	spop (v2sf);
	(erf) = vrcp.f32 v21;
	v20 =	vunpack.i.u.bf16.f32 v35;
	v21 =	vunpack.i.l.bf16.f32 v35;
	[tilespmem:s2+$0xFFFFFF60] =	vst v25  }
0x1b1: {  	v22 =	vmul.f32 v30, v22;
	s19 =	sshra.s32 s24, $0x2;
	s22 =	sshll.u32 s22, $0x9;
	v25 =	vld [tilespmem:s26+$0x76D0];
	[tilespmem:s2+$0xFFFFFF70] =	vst v24;
	v24 =	vmul.f32 v31, v8;
	v8 =	vmov v11  }
0x1b2: {  	v11 =	vunpack.i.l.bf16.f32 v27;
	v30 =	vld [tilespmem:s19+$0x76C0];
	s24 =	sshra.s32 s22, $0x2;
	v31 =	vunpack.i.l.bf16.f32 v28;
	[tilespmem:s2+$0xFFFFFFE0] =	vst v23  }
0x1b3: {  	v23 =	vunpack.i.u.bf16.f32 v36;
	v32 =	vunpack.i.l.bf16.f32 v36;
	v34 =	vld [tilespmem:s20+$0x76C0];
	v11 =	vadd.f32 v31, v11;
	[tilespmem:s2+$0xFFFFFFF0] =	vst v26  }
0x1b4: {  	v27 =	vunpack.i.u.bf16.f32 v27;
	v28 =	vunpack.i.u.bf16.f32 v28;
	v26 =	vunpack.i.l.bf16.f32 v12;
	v31 =	vld [tilespmem:s11+$0xE0];
	[tilespmem:s2+$0x60] =	vst v13  }
0x1b5: {  	v36 =	vadd.f32 v28, v27;
	v35 =	vunpack.i.u.bf16.f32 v12;
	v11 =	vmax.f32 v11, $0.0e+00;
	v27 =	vld [tilespmem:s26+$0x76E0];
	[tilespmem:s2+$0x70] =	vst v24;
	s2 =	smov.u32 s7;
	s7 =	smov.u32 s12  }
0x1b6: {  	v37 =	vunpack.i.l.bf16.f32 v29;
	v24 =	vld [tilespmem:s24+$0x76C0];
	v40 =	vmul.f32 v11, v0;
	v28 =	vunpack.i.l.bf16.f32 v25;
	[tilespmem:s12+$0xE0] =	vst v22  }
0x1b7: {  	v33 =	vmax.f32 v36, $0.0e+00;
	v29 =	vunpack.i.u.bf16.f32 v29;
	v22 =	vld [tilespmem:s11+$0x40];
	v28 =	vadd.f32 v28, v37;
	v12 =	vpop (erf)  }
0x1b8: {  	v33 =	vmul.f32 v33, v1;
	v39 =	vunpack.i.u.bf16.f32 v25;
	v36 =	vadd.f32 $0.0e+00, v40;
	v25 =	vld [tilespmem:s11+$0xF0];
	v13 =	vpop (erf)  }
0x1b9: {  	v29 =	vadd.f32 v39, v29;
	v28 =	vmax.f32 v28, $0.0e+00;
	v37 =	vunpack.i.l.bf16.f32 v31;
	v38 =	vld [tilespmem:s26+$0x76F0];
	v11 =	vpop (erf)  }
0x1ba: {  	v44 =	vld [tilespmem:s19+$0x76D0];
	v33 =	vadd.f32 v36, v33;
	v28 =	vmul.f32 v28, v2;
	v36 =	vunpack.i.l.bf16.f32 v27  }
0x1bb: {  	v29 =	vmax.f32 v29, $0.0e+00;
	v31 =	vunpack.i.u.bf16.f32 v31;
	v45 =	vld [tilespmem:s20+$0x76D0];
	v36 =	vadd.f32 v36, v37  }
0x1bc: {  	v29 =	vmul.f32 v29, v3;
	v27 =	vunpack.i.u.bf16.f32 v27;
	v46 =	vld [tilespmem:s24+$0x76D0];
	v28 =	vadd.f32 v28, v33  }
0x1bd: {  	v27 =	vadd.f32 v27, v31;
	v47 =	vld [tilespmem:s11+$0xFFFFFF50];
	v33 =	vmax.f32 v36, $0.0e+00;
	v31 =	vunpack.i.l.bf16.f32 v25  }
0x1be: {  	v48 =	vld [tilespmem:s11+$0xFFFFFFD0];
	v28 =	vadd.f32 v28, v29;
	v29 =	vmul.f32 v33, v4;
	v33 =	vunpack.i.l.bf16.f32 v38  }
0x1bf: {  	v27 =	vmax.f32 v27, $0.0e+00;
	v25 =	vunpack.i.u.bf16.f32 v25;
	v49 =	vld [tilespmem:s11+$0x50];
	v31 =	vadd.f32 v33, v31  }
0x1c0: {  	v27 =	vmul.f32 v27, v5;
	v39 =	vld [tilespmem:s19+$0x76E0];
	v28 =	vadd.f32 v29, v28;
	v29 =	vunpack.i.u.bf16.f32 v38  }
0x1c1: {  	v33 =	vunpack.i.l.bf16.f32 v30;
	v40 =	vld [tilespmem:s20+$0x76E0];
	v31 =	vmax.f32 v31, $0.0e+00;
	v25 =	vadd.f32 v29, v25  }
0x1c2: {  	v29 =	vunpack.i.l.bf16.f32 v34;
	v41 =	vld [tilespmem:s24+$0x76E0];
	v27 =	vadd.f32 v28, v27;
	v28 =	vmul.f32 v31, v6  }
0x1c3: {  	v36 =	vunpack.i.l.bf16.f32 v24;
	v31 =	vunpack.i.l.bf16.f32 v22;
	v42 =	vld [tilespmem:s11+$0xFFFFFF60];
	v25 =	vmax.f32 v25, $0.0e+00  }
0x1c4: {  	v32 =	vadd.f32 v33, v32;
	v43 =	vld [tilespmem:s11+$0xFFFFFFE0];
	v27 =	vadd.f32 v28, v27;
	v25 =	vmul.f32 v25, v7  }
0x1c5: {  	v26 =	vadd.f32 v29, v26;
	v29 =	vadd.f32 v36, v31;
	v28 =	vunpack.i.u.bf16.f32 v30;
	v50 =	vld [tilespmem:s11+$0x60]  }
0x1c6: {  	v24 =	vunpack.i.u.bf16.f32 v24;
	v30 =	vunpack.i.u.bf16.f32 v34;
	v33 =	vld [tilespmem:s19+$0x76F0];
	v25 =	vadd.f32 v27, v25  }
0x1c7: {  	v22 =	vunpack.i.u.bf16.f32 v22;
	v26 =	vmax.f32 v26, $0.0e+00;
	v27 =	vmax.f32 v32, $0.0e+00;
	v34 =	vld [tilespmem:s20+$0x76F0]  }
0x1c8: {  	v23 =	vadd.f32 v28, v23;
	v30 =	vadd.f32 v30, v35;
	v28 =	vmax.f32 v29, $0.0e+00;
	v35 =	vld [tilespmem:s24+$0x76F0];
	(xrf2) =	vadd.scan.msk.f32 $0xffff, v25  }
0x1c9: {  	v22 =	vadd.f32 v24, v22;
	v29 =	vmul.f32 v26, v0;
	v25 =	vmul.f32 v27, v0;
	v36 =	vld [tilespmem:s11+$0xFFFFFF70]  }
0x1ca: {  	v24 =	vunpack.i.l.bf16.f32 v44;
	v26 =	vunpack.i.l.bf16.f32 v45;
	v31 =	vmul.f32 v28, v0;
	v37 =	vld [tilespmem:s11+$0xFFFFFFF0]  }
0x1cb: {  	v51 =	vunpack.i.l.bf16.f32 v46;
	v32 =	vunpack.i.l.bf16.f32 v48;
	v27 =	vunpack.i.l.bf16.f32 v47;
	v38 =	vld [tilespmem:s11+$0x70]  }
0x1cc: {  	v23 =	vmax.f32 v23, $0.0e+00;
	v52 =	vmax.f32 v30, $0.0e+00;
	v30 =	vunpack.i.l.bf16.f32 v49;
	v28 =	vld [tilespmem:s19+$0x7680]  }
0x1cd: {  	v22 =	vmax.f32 v22, $0.0e+00;
	v53 =	vadd.f32 v26, v32;
	v24 =	vadd.f32 v24, v27;
	v27 =	vld [tilespmem:s20+$0x7680]  }
0x1ce: {  	v23 =	vmul.f32 v23, v1;
	v54 =	vadd.f32 $0.0e+00, v25;
	v25 =	vadd.f32 v51, v30;
	v30 =	vld [tilespmem:s24+$0x7680]  }
0x1cf: {  	v52 =	vmul.f32 v52, v1;
	v55 =	vadd.f32 $0.0e+00, v31;
	v51 =	vadd.f32 $0.0e+00, v29;
	v26 =	vld [tilespmem:s11+$0xFFFFFF00]  }
0x1d0: {  	v44 =	vunpack.i.u.bf16.f32 v44;
	v45 =	vunpack.i.u.bf16.f32 v45;
	v56 =	vmul.f32 v22, v1;
	v31 =	vld [tilespmem:s11+$0xFFFFFF80]  }
0x1d1: {  	v46 =	vunpack.i.u.bf16.f32 v46;
	v22 =	vunpack.i.u.bf16.f32 v47;
	v47 =	vunpack.i.u.bf16.f32 v48;
	v32 =	vld [tilespmem:s11+$0x0]  }
0x1d2: {  	v49 =	vunpack.i.u.bf16.f32 v49;
	v48 =	vmax.f32 v53, $0.0e+00;
	v24 =	vmax.f32 v24, $0.0e+00;
	v53, _, _ =	vpop (xrf2);
	v29 =	vld [tilespmem:s17+$0x76B0];
	s17 =	smov.u32 s10;
	s10 =	smov.u32 s19  }
0x1d3: {  	v44 =	vadd.f32 v44, v22;
	v57 =	vmax.f32 v25, $0.0e+00;
	(v2sf) =	vpush v53, $0xF;
	v22 =	vld [tilespmem:s13+$0xFFFFFFB0]  }
0x1d4: {  	v46 =	vadd.f32 v46, v49;
	v45 =	vadd.f32 v45, v47;
	v53 =	vmul.f32 v24, v2;
	v25 =	vld [tilespmem:s16+$0x76B0];
	s16 =	smov.u32 s9;
	s9 =	smov.u32 s20  }
0x1d5: {  	v48 =	vmul.f32 v48, v2;
	v47 =	vadd.f32 v54, v23;
	v49 =	vadd.f32 v51, v52;
	v23 =	vld [tilespmem:s13+$0x30];
	s13 =	smov.u32 s14;
	s14 =	smov.u32 s11  }
0x1d6: {  	v51 =	vunpack.i.l.bf16.f32 v39;
	v52 =	vadd.f32 v55, v56;
	v54 =	vmul.f32 v57, v2;
	v24 =	vld [tilespmem:s15+$0x76B0];
	s15 =	smov.u32 s8;
	s8 =	smov.u32 s24  }
0x1d7: {  	v55 =	vunpack.i.l.bf16.f32 v42;
	v56 =	vunpack.i.l.bf16.f32 v40;
	v57 =	vunpack.i.l.bf16.f32 v41  }
0x1d8: {  	v44 =	vmax.f32 v44, $0.0e+00;
	v58 =	vunpack.i.l.bf16.f32 v43;
	v59 =	vunpack.i.l.bf16.f32 v50  }
0x1d9: {  	v46 =	vmax.f32 v46, $0.0e+00;
	v45 =	vmax.f32 v45, $0.0e+00;
	v51 =	vadd.f32 v51, v55  }
0x1da: {  	v44 =	vmul.f32 v44, v3;
	v55 =	vadd.f32 v56, v58;
	v56 =	vadd.f32 v57, v59  }
0x1db: {  	v45 =	vmul.f32 v45, v3;
	v48 =	vadd.f32 v48, v49;
	v47 =	vadd.f32 v53, v47  }
0x1dc: {  	v46 =	vmul.f32 v46, v3;
	v39 =	vunpack.i.u.bf16.f32 v39;
	v49 =	vadd.f32 v54, v52  }
0x1dd: {  	v42 =	vunpack.i.u.bf16.f32 v42;
	v40 =	vunpack.i.u.bf16.f32 v40;
	v41 =	vunpack.i.u.bf16.f32 v41  }
0x1de: {  	v43 =	vunpack.i.u.bf16.f32 v43;
	v50 =	vunpack.i.u.bf16.f32 v50;
	v51 =	vmax.f32 v51, $0.0e+00  }
0x1df: {  	v39 =	vadd.f32 v39, v42;
	v42 =	vmax.f32 v55, $0.0e+00;
	v52 =	vmax.f32 v56, $0.0e+00  }
0x1e0: {  	v40 =	vadd.f32 v40, v43;
	v41 =	vadd.f32 v41, v50;
	v51 =	vmul.f32 v51, v4  }
0x1e1: {  	v42 =	vmul.f32 v42, v4;
	v43 =	vadd.f32 v47, v44;
	v44 =	vadd.f32 v48, v45  }
0x1e2: {  	v46 =	vadd.f32 v49, v46;
	v45 =	vunpack.i.l.bf16.f32 v33;
	v47 =	vmul.f32 v52, v4;
	s19 =	spop (v2sf)  }
0x1e3: {  	v50 =	vunpack.i.l.bf16.f32 v35;
	v49 =	vunpack.i.l.bf16.f32 v34;
	v48 =	vunpack.i.l.bf16.f32 v36;
	s19 =	ssub.f32 $0.0e+00, s19  }
0x1e4: {  	v39 =	vmax.f32 v39, $0.0e+00;
	v53 =	vunpack.i.l.bf16.f32 v38;
	v52 =	vunpack.i.l.bf16.f32 v37  }
0x1e5: {  	v40 =	vmax.f32 v40, $0.0e+00;
	v41 =	vmax.f32 v41, $0.0e+00;
	v54 =	vmov s19  }
0x1e6: {  	v45 =	vadd.f32 v45, v48;
	v48 =	vadd.f32 v49, v52;
	v49 =	vmul.f32 $1.442695020e+00, v54  }
0x1e7: {  	v39 =	vmul.f32 v39, v5;
	v50 =	vadd.f32 v50, v53;
	v43 =	vadd.f32 v51, v43  }
0x1e8: {  	v42 =	vadd.f32 v42, v44;
	v44 =	vadd.f32 v47, v46;
	v46 =	vbroadcast v49, $0x0  }
0x1e9: {  	v40 =	vmul.f32 v40, v5;
	v41 =	vmul.f32 v41, v5;
	v33 =	vunpack.i.u.bf16.f32 v33  }
0x1ea: {  	v35 =	vunpack.i.u.bf16.f32 v35;
	v34 =	vunpack.i.u.bf16.f32 v34;
	(erf) = vpow2.f32 v46  }
0x1eb: {  	v38 =	vunpack.i.u.bf16.f32 v38;
	v36 =	vunpack.i.u.bf16.f32 v36;
	v37 =	vunpack.i.u.bf16.f32 v37  }
0x1ec: {  	v47 =	vmax.f32 v50, $0.0e+00;
	v45 =	vmax.f32 v45, $0.0e+00;
	v46 =	vmax.f32 v48, $0.0e+00  }
0x1ed: {  	v33 =	vadd.f32 v33, v36;
	v34 =	vadd.f32 v34, v37;
	v45 =	vmul.f32 v45, v6  }
0x1ee: {  	v35 =	vadd.f32 v35, v38;
	v36 =	vadd.f32 v43, v39;
	v37 =	vmul.f32 v46, v6  }
0x1ef: {  	v38 =	vadd.f32 v42, v40;
	v39 =	vadd.f32 v44, v41;
	v40 =	vmul.f32 v47, v6  }
0x1f0: {  	v35 =	vmax.f32 v35, $0.0e+00;
	v33 =	vmax.f32 v33, $0.0e+00;
	v34 =	vmax.f32 v34, $0.0e+00  }
0x1f1: {  	v33 =	vmul.f32 v33, v7;
	v36 =	vadd.f32 v45, v36;
	v37 =	vadd.f32 v37, v38  }
0x1f2: {  	v35 =	vmul.f32 v35, v7;
	v34 =	vmul.f32 v34, v7;
	v38 =	vadd.f32 v40, v39  }
0x1f3: {  	v33 =	vadd.f32 v36, v33;
	v36 =	vunpack.i.u.bf16.f32 v28;
	v28 =	vunpack.i.l.bf16.f32 v28;
	v39 =	vpop (erf)  }
0x1f4: {  	v34 =	vadd.f32 v37, v34;
	v37 =	vunpack.i.u.bf16.f32 v27;
	v39 =	vadd.f32 $1.000000000e+00, v39  }
0x1f5: {  	v27 =	vunpack.i.l.bf16.f32 v27;
	v35 =	vadd.f32 v38, v35;
	v38 =	vunpack.i.u.bf16.f32 v30  }
0x1f6: {  	v40 =	vunpack.i.u.bf16.f32 v26;
	v30 =	vunpack.i.l.bf16.f32 v30;
	(xrf2) =	vadd.scan.msk.f32 $0xffff, v33;
	(erf) = vrcp.f32 v39  }
0x1f7: {  	v26 =	vunpack.i.l.bf16.f32 v26;
	v33 =	vunpack.i.u.bf16.f32 v31;
	v31 =	vunpack.i.l.bf16.f32 v31;
	v39 =	vld [tilespmem:s11+$0x80]  }
0x1f8: {  	v28 =	vmul.f32 v28, v26;
	v26 =	vunpack.i.u.bf16.f32 v32;
	v32 =	vunpack.i.l.bf16.f32 v32;
	v41 =	vld [tilespmem:s26+$0x7680]  }
0x1f9: {  	v36 =	vmul.f32 v36, v40;
	v40 =	vunpack.i.u.bf16.f32 v29;
	v27 =	vmul.f32 v27, v31;
	(xrf2) =	vadd.scan.msk.f32 $0xffff, v34  }
0x1fa: {  	v29 =	vunpack.i.l.bf16.f32 v29;
	v30 =	vmul.f32 v30, v32;
	v31 =	vmul.f32 v37, v33  }
0x1fb: {  	v32 =	vmul.f32 v38, v26;
	v26 =	vunpack.i.u.bf16.f32 v22;
	v33 =	vmul.f32 v12, v17;
	v17 =	vmovc v28  }
0x1fc: {  	v28 =	vmul.f32 v12, v18;
	v37 =	vunpack.i.l.bf16.f32 v22;
	v18 =	vmovc v36;
	v34 =	vmul.f32 v13, v15;
	(xrf2) =	vadd.scan.msk.f32 $0xffff, v35  }
0x1fd: {  	v36 =	vmul.f32 v13, v14;
	v15 =	vmovc v27;
	v14 =	vmovc v31;
	v38 =	vunpack.i.l.bf16.f32 v39;
	v35 =	vunpack.i.l.bf16.f32 v41;
	[tilespmem:s12+$0xFFFFFF00] =	vst v33  }
0x1fe: {  	v27 =	vunpack.i.u.bf16.f32 v39;
	v39 =	vunpack.i.u.bf16.f32 v41;
	v35 =	vmul.f32 v35, v38;
	[tilespmem:s12+$0xFFFFFF10] =	vst v28  }
0x1ff: {  	v41 =	vmul.f32 v11, v16;
	v33 =	vunpack.i.u.bf16.f32 v25;
	v27 =	vmul.f32 v39, v27;
	v22 =	vpop (erf);
	v28 =	vld [tilespmem:s13+$0xFFFFFF10];
	[tilespmem:s12+$0xFFFFFF80] =	vst v34  }
0x200: {  	v39 =	vunpack.i.l.bf16.f32 v25;
	v34 =	vmul.f32 v22, v35;
	v31, _, _ =	vpop (xrf2);
	v38 =	vld [tilespmem:s17+$0x7690];
	[tilespmem:s12+$0xFFFFFF90] =	vst v36;
	v36 =	vmul.f32 v11, v19  }
0x201: {  	v16 =	vmovc v30;
	v25 =	vmul.f32 v22, v27;
	s12 =	sadd.s32 $0x200, s12;
	v19 =	vmovc v32;
	(v2sf) =	vpush v31, $0xF;
	v27 =	vld [tilespmem:s13+$0xFFFFFF90];
	[tilespmem:s7+$0x0] =	vst v41;
	v31 =	vunpack.i.u.bf16.f32 v23  }
0x202: {  	v32 =	vunpack.i.u.bf16.f32 v24;
	v35 =	vunpack.i.l.bf16.f32 v24;
	[tilespmem:s12+$0x80] =	vst v34;
	v30 =	vld [tilespmem:s16+$0x7690];
	v34 =	vunpack.i.l.bf16.f32 v23  }
0x203: {  	v24 =	vmul.f32 v40, v20;
	[tilespmem:s12+$0x90] =	vst v25;
	v23, _, _ =	vpop (xrf2);
	v25 =	vmul.f32 v29, v21  }
0x204: {  	v20 =	vld [tilespmem:s11+$0x90];
	(v2sf) =	vpush v23, $0xF;
	v21 =	vunpack.i.u.bf16.f32 v28;
	v28 =	vunpack.i.l.bf16.f32 v28;
	[tilespmem:s7+$0x10] =	vst v36  }
0x205: {  	v23 =	vmul.f32 v39, v37;
	v29 =	vld [tilespmem:s26+$0x7690];
	v36 =	vunpack.i.u.bf16.f32 v38;
	v38 =	vunpack.i.l.bf16.f32 v38  }
0x206: {  	v37, _, _ =	vpop (xrf2);
	v28 =	vmul.f32 v38, v28;
	v38 =	vunpack.i.u.bf16.f32 v27;
	v27 =	vunpack.i.l.bf16.f32 v27;
	v39 =	vld [tilespmem:s13+$0x10]  }
0x207: {  	(v2sf) =	vpush v37, $0xF;
	v37 =	vunpack.i.u.bf16.f32 v30;
	v30 =	vunpack.i.l.bf16.f32 v30;
	v40 =	vld [tilespmem:s15+$0x7690]  }
0x208: {  	v21 =	vmul.f32 v36, v21;
	v36 =	vmul.f32 v30, v27  }
0x209: {  	v28 =	vmul.f32 v12, v28;
	v27 =	vmul.f32 v37, v38  }
0x20a: {  	v21 =	vmul.f32 v12, v21;
	v30 =	vunpack.i.l.bf16.f32 v20;
	v37 =	vunpack.i.l.bf16.f32 v29  }
.Ltmp1:
0x20b: {  	v20 =	vunpack.i.u.bf16.f32 v20;
	v29 =	vunpack.i.u.bf16.f32 v29;
	v30 =	vmul.f32 v37, v30;
	[tilespmem:s7+$0xFFFFFF20] =	vst v28;
	(pc) =	sbr.rel @p1 .LBB2_5-.Ltmp1, $4  }
0x20c: {  	v28 =	vmul.f32 v29, v20;
	v37 =	vunpack.i.u.bf16.f32 v39;
	v29 =	vunpack.i.l.bf16.f32 v39;
	[tilespmem:s7+$0xFFFFFF30] =	vst v21  }
0x20d: {  	v39 =	vunpack.i.u.bf16.f32 v40;
	v40 =	vunpack.i.l.bf16.f32 v40;
	v38 =	vmul.f32 v22, v30;
	v20 =	vld [tilespmem:s13+$0xFFFFFF20]  }
0x20e: {  	v30 =	vmul.f32 v22, v28;
	v28 =	vmul.f32 v40, v29;
	v21 =	vld [tilespmem:s17+$0x76A0]  }
0x20f: {  	s28 =	sadd.s32 $0x4, s28;
	v29 =	vmul.f32 v13, v36;
	v36 =	vmul.f32 v39, v37;
	[tilespmem:s12+$0xA0] =	vst v38  }
0x210: {  	s19 =	spop (v2sf)  }
0x211: {  	s19 =	ssub.f32 $0.0e+00, s19;
	_ =	sdelay $0x1  }
0x212: {  	v37 =	vmov s19  }
0x213: {  	v37 =	vmul.f32 $1.442695020e+00, v37  }
0x214: {  	s25 =	spop (v2sf)  }
0x215: {  	s19 =	ssub.f32 $0.0e+00, s25;
	v37 =	vbroadcast v37, $0x0  }
0x216: {  	s20 =	spop (v2sf)  }
0x217: {  	v38 =	vmov s19;
	s28 =	ssub.f32 $0.0e+00, s20;
	(erf) = vpow2.f32 v37  }
0x218: {  	v38 =	vmul.f32 $1.442695020e+00, v38  }
0x219: {  	v63 =	vmov s28  }
0x21a: {  	v38 =	vbroadcast v38, $0x0;
	v37 =	vmul.f32 $1.442695020e+00, v63;
	_ =	sdelay $0x1  }
0x21b: {  	(erf) = vpow2.f32 v38;
	v37 =	vbroadcast v37, $0x0;
	_ =	sdelay $0x1  }
0x21c: {  	[tilespmem:s12+$0xB0] =	vst v30;
	(erf) = vpow2.f32 v37  }
0x21d: {  	v30 =	vld [tilespmem:s11+$0xA0]  }
0x21e: {  	v41 =	vld [tilespmem:s26+$0x76A0];
	v40 =	vpop (erf)  }
0x21f: {  	v27 =	vmul.f32 v13, v27;
	v37 =	vadd.f32 $1.000000000e+00, v40  }
0x220: {  	v28 =	vmul.f32 v11, v28;
	v42 =	vmul.f32 v35, v34  }
0x221: {  	v36 =	vmul.f32 v11, v36;
	[tilespmem:s7+$0xFFFFFFA0] =	vst v29;
	(erf) = vrcp.f32 v37  }
0x222: {  	v29 =	vunpack.i.l.bf16.f32 v20;
	[tilespmem:s7+$0xFFFFFFB0] =	vst v27;
	v20 =	vunpack.i.u.bf16.f32 v20;
	v27 =	vunpack.i.l.bf16.f32 v21  }
0x223: {  	[tilespmem:s7+$0x20] =	vst v28;
	v44 =	vunpack.i.l.bf16.f32 v30;
	v30 =	vunpack.i.u.bf16.f32 v30;
	v38 =	vunpack.i.u.bf16.f32 v41;
	v43 =	vpop (erf)  }
0x224: {  	[tilespmem:s7+$0x30] =	vst v36;
	v21 =	vunpack.i.u.bf16.f32 v21;
	v30 =	vmul.f32 v38, v30;
	v34 =	vadd.f32 $1.000000000e+00, v43  }
0x225: {  	v27 =	vmul.f32 v27, v29;
	v29 =	vld [tilespmem:s13+$0x20];
	v21 =	vmul.f32 v21, v20;
	v39 =	vpop (erf)  }
0x226: {  	v48 =	vld [tilespmem:s15+$0x76A0];
	v20 =	vmul.f32 v30, v22;
	(erf) = vrcp.f32 v34;
	v47 =	vadd.f32 $1.000000000e+00, v39  }
0x227: {  	v26 =	vmul.f32 v33, v26;
	v25 =	vmul.f32 v25, v10;
	v46 =	vld [tilespmem:s16+$0x76A0];
	v45 =	vunpack.i.l.bf16.f32 v41  }
0x228: {  	v28 =	vld [tilespmem:s13+$0xFFFFFFA0];
	v35 =	vmul.f32 v45, v44;
	(erf) = vrcp.f32 v47  }
0x229: {  	v10 =	vmul.f32 v24, v10;
	v27 =	vmul.f32 v27, v12  }
0x22a: {  	v21 =	vmul.f32 v21, v12;
	v35 =	vmul.f32 v35, v22;
	v52 =	vunpack.i.u.bf16.f32 v29;
	[tilespmem:s12+$0xD0] =	vst v20;
	v20 =	vpop (erf)  }
0x22b: {  	v29 =	vunpack.i.l.bf16.f32 v29;
	v53 =	vunpack.i.l.bf16.f32 v48;
	v17 =	vmul.f32 v20, v17  }
0x22c: {  	v50 =	vunpack.i.l.bf16.f32 v46;
	v29 =	vmul.f32 v53, v29;
	[tilespmem:s12+$0xC0] =	vst v35;
	v30 =	vmul.f32 v32, v31  }
0x22d: {  	[tilespmem:s7+$0xFFFFFF50] =	vst v21;
	v31 =	vunpack.i.u.bf16.f32 v28;
	v28 =	vunpack.i.l.bf16.f32 v28;
	v51 =	vld [tilespmem:s11+$0xB0];
	v18 =	vmul.f32 v20, v18  }
0x22e: {  	v21 =	vmul.f32 v23, v9;
	v28 =	vmul.f32 v50, v28;
	v54 =	vld [tilespmem:s26+$0x76B0];
	[tilespmem:s12+$0xFFFFFF00] =	vst v17  }
0x22f: {  	v9 =	vmul.f32 v26, v9;
	v29 =	vmul.f32 v29, v11;
	[tilespmem:s12+$0xFFFFFF10] =	vst v18;
	v17 =	vpop (erf)  }
0x230: {  	v49 =	vunpack.i.u.bf16.f32 v46;
	v18 =	vmul.f32 v28, v13;
	v56 =	vld [tilespmem:s14+$0xFFFFFF10];
	v28 =	vmul.f32 v17, v15  }
0x231: {  	[tilespmem:s7+$0xFFFFFF40] =	vst v27;
	v31 =	vmul.f32 v49, v31;
	v58 =	vld [tilespmem:s10+$0x7690];
	v15 =	vpop (erf);
	v14 =	vmul.f32 v17, v14  }
0x232: {  	v57 =	vunpack.i.l.bf16.f32 v51;
	v36 =	vunpack.i.u.bf16.f32 v51;
	v16 =	vmul.f32 v15, v16;
	[tilespmem:s12+$0xFFFFFF80] =	vst v28  }
0x233: {  	v34 =	vunpack.i.u.bf16.f32 v48;
	v28 =	vunpack.i.u.bf16.f32 v54;
	[tilespmem:s12+$0xFFFFFF90] =	vst v14;
	v14 =	vmul.f32 v15, v19  }
0x234: {  	v55 =	vmul.f32 v34, v52;
	v19 =	vunpack.i.l.bf16.f32 v54;
	v28 =	vmul.f32 v28, v36;
	v59 =	vld [tilespmem:s14+$0xFFFFFF90];
	[tilespmem:s12+$0x0] =	vst v16  }
0x235: {  	v16 =	vmul.f32 v19, v57;
	v19 =	vld [tilespmem:s9+$0x7690];
	v24 =	vunpack.i.l.bf16.f32 v56;
	v27 =	vunpack.i.u.bf16.f32 v56;
	[tilespmem:s12+$0x10] =	vst v14  }
0x236: {  	v61 =	vunpack.i.u.bf16.f32 v58;
	v14 =	vmul.f32 v28, v22;
	v28 =	vunpack.i.l.bf16.f32 v58;
	v60 =	vld [tilespmem:s14+$0x10]  }
0x237: {  	v23 =	vmul.f32 v61, v27;
	v24 =	vmul.f32 v28, v24;
	v28 =	vld [tilespmem:s8+$0x7690]  }
0x238: {  	v31 =	vmul.f32 v31, v13;
	v32 =	vmul.f32 v55, v11  }
0x239: {  	v62 =	vld [tilespmem:s13+$0xFFFFFF30];
	[tilespmem:s7+$0xFFFFFFC0] =	vst v18;
	v23 =	vmul.f32 v20, v23;
	v18 =	vunpack.i.u.bf16.f32 v59;
	v27 =	vunpack.i.l.bf16.f32 v59  }
0x23a: {  	v63 =	vld [tilespmem:s17+$0x76B0];
	[tilespmem:s7+$0xFFFFFFD0] =	vst v31;
	v24 =	vmul.f32 v20, v24;
	v31 =	vunpack.i.u.bf16.f32 v19;
	v19 =	vunpack.i.l.bf16.f32 v19  }
0x23b: {  	v26 =	vld [tilespmem:s16+$0x76B0];
	[tilespmem:s12+$0xFFFFFF30] =	vst v23;
	v19 =	vmul.f32 v19, v27;
	v18 =	vmul.f32 v31, v18  }
0x23c: {  	[tilespmem:s12+$0xFFFFFF20] =	vst v24;
	v24 =	vld [tilespmem:s13+$0xFFFFFFB0];
	v23 =	vunpack.i.u.bf16.f32 v60;
	v27 =	vunpack.i.l.bf16.f32 v60;
	v31 =	vunpack.i.l.bf16.f32 v28  }
0x23d: {  	[tilespmem:s7+$0x40] =	vst v29;
	v40 =	vld [tilespmem:s14+$0xFFFFFF20];
	v28 =	vunpack.i.u.bf16.f32 v28;
	v19 =	vmul.f32 v17, v19;
	v27 =	vmul.f32 v31, v27  }
0x23e: {  	[tilespmem:s12+$0xF0] =	vst v14;
	v29 =	vld [tilespmem:s10+$0x76A0];
	v18 =	vmul.f32 v17, v18;
	v23 =	vmul.f32 v28, v23  }
0x23f: {  	v16 =	vmul.f32 v16, v22;
	[tilespmem:s12+$0xFFFFFFA0] =	vst v19;
	v27 =	vmul.f32 v15, v27  }
0x240: {  	v14 =	vunpack.i.u.bf16.f32 v26;
	v19 =	vmul.f32 v42, v8;
	[tilespmem:s12+$0xFFFFFFB0] =	vst v18;
	v23 =	vmul.f32 v15, v23  }
0x241: {  	v18 =	vunpack.i.l.bf16.f32 v62;
	v8 =	vmul.f32 v30, v8;
	v30 =	vunpack.i.l.bf16.f32 v63;
	v22 =	vld [tilespmem:s14+$0xFFFFFFA0];
	[tilespmem:s12+$0x20] =	vst v27  }
0x242: {  	v26 =	vunpack.i.l.bf16.f32 v26;
	v28 =	vunpack.i.u.bf16.f32 v62;
	v18 =	vmul.f32 v30, v18;
	[tilespmem:s12+$0x30] =	vst v23;
	v23 =	vld [tilespmem:s9+$0x76A0]  }
0x243: {  	[tilespmem:s2+$0xFFFFFF60] =	vst v25;
	v31 =	vunpack.i.u.bf16.f32 v24;
	v41 =	vunpack.i.l.bf16.f32 v40;
	v42 =	vunpack.i.l.bf16.f32 v29;
	v43 =	vld [tilespmem:s14+$0x20]  }
0x244: {  	[tilespmem:s7+$0x50] =	vst v32;
	v24 =	vunpack.i.l.bf16.f32 v24;
	v25 =	vunpack.i.u.bf16.f32 v40;
	v32 =	vmul.f32 v42, v41;
	v44 =	vld [tilespmem:s8+$0x76A0]  }
0x245: {  	[tilespmem:s2+$0xFFFFFF70] =	vst v10;
	v29 =	vunpack.i.u.bf16.f32 v29;
	v24 =	vmul.f32 v26, v24;
	v14 =	vmul.f32 v14, v31  }
0x246: {  	[tilespmem:s2+$0xFFFFFFE0] =	vst v21;
	v25 =	vmul.f32 v29, v25;
	v29 =	vmul.f32 v32, v20;
	v30 =	vunpack.i.u.bf16.f32 v22  }
0x247: {  	[tilespmem:s2+$0xFFFFFFF0] =	vst v9;
	v21 =	vunpack.i.l.bf16.f32 v22;
	v22 =	vunpack.i.u.bf16.f32 v23;
	v23 =	vunpack.i.l.bf16.f32 v23  }
0x248: {  	v10 =	vld [tilespmem:s13+$0x30];
	[tilespmem:s2+$0x60] =	vst v19;
	v45 =	vunpack.i.u.bf16.f32 v43;
	v34 =	vunpack.i.l.bf16.f32 v43;
	v21 =	vmul.f32 v23, v21  }
0x249: {  	v9 =	vld [tilespmem:s15+$0x76B0];
	[tilespmem:s2+$0x70] =	vst v8;
	v19 =	vunpack.i.l.bf16.f32 v44;
	v22 =	vmul.f32 v22, v30;
	v23 =	vmul.f32 v25, v20  }
0x24a: {  	[tilespmem:s12+$0xFFFFFF40] =	vst v29;
	v25 =	vunpack.i.u.bf16.f32 v44;
	v19 =	vmul.f32 v19, v34;
	v21 =	vmul.f32 v21, v17  }
0x24b: {  	v27 =	vunpack.i.u.bf16.f32 v63;
	v25 =	vmul.f32 v25, v45;
	v22 =	vmul.f32 v22, v17;
	[tilespmem:s12+$0xFFFFFF50] =	vst v23  }
0x24c: {  	v23 =	vmul.f32 v27, v28;
	v19 =	vmul.f32 v19, v15;
	v27 =	vld [tilespmem:s14+$0xFFFFFF30];
	[tilespmem:s12+$0xFFFFFFC0] =	vst v21  }
0x24d: {  	v18 =	vmul.f32 v18, v12;
	v25 =	vmul.f32 v25, v15;
	[tilespmem:s12+$0xFFFFFFD0] =	vst v22;
	v22 =	vld [tilespmem:s10+$0x76B0]  }
0x24e: {  	v29 =	vunpack.i.u.bf16.f32 v10;
	v10 =	vunpack.i.l.bf16.f32 v10;
	v21 =	vunpack.i.l.bf16.f32 v9;
	[tilespmem:s12+$0x40] =	vst v19;
	v19 =	vld [tilespmem:s14+$0xFFFFFFB0]  }
0x24f: {  	v9 =	vunpack.i.u.bf16.f32 v9;
	v8 =	vmul.f32 v23, v12;
	v10 =	vmul.f32 v21, v10;
	[tilespmem:s12+$0x50] =	vst v25;
	v21 =	vld [tilespmem:s9+$0x76B0]  }
0x250: {  	v12 =	vmul.f32 v24, v13;
	v9 =	vmul.f32 v9, v29;
	v23 =	vld [tilespmem:s14+$0x30]  }
0x251: {  	[tilespmem:s12+$0xE0] =	vst v16;
	v13 =	vmul.f32 v14, v13;
	v10 =	vmul.f32 v10, v11  }
0x252: {  	[tilespmem:s7+$0xFFFFFF60] =	vst v18;
	v9 =	vmul.f32 v9, v11;
	v11 =	vld [tilespmem:s8+$0x76B0];
	v14 =	vunpack.i.u.bf16.f32 v27;
	v16 =	vunpack.i.l.bf16.f32 v27  }
0x253: {  	[tilespmem:s7+$0xFFFFFF70] =	vst v8;
	v8 =	vunpack.i.u.bf16.f32 v22;
	v18 =	vunpack.i.l.bf16.f32 v22;
	v22 =	vunpack.i.u.bf16.f32 v19  }
0x254: {  	[tilespmem:s7+$0xFFFFFFE0] =	vst v12;
	v12 =	vunpack.i.l.bf16.f32 v19;
	v19 =	vunpack.i.u.bf16.f32 v21;
	v16 =	vmul.f32 v18, v16  }
0x255: {  	[tilespmem:s7+$0xFFFFFFF0] =	vst v13;
	v13 =	vunpack.i.l.bf16.f32 v21;
	v8 =	vmul.f32 v8, v14;
	v18 =	vunpack.i.u.bf16.f32 v23  }
0x256: {  	[tilespmem:s7+$0x60] =	vst v10;
	v10 =	vunpack.i.l.bf16.f32 v23;
	v12 =	vmul.f32 v13, v12;
	v13 =	vmul.f32 v16, v20  }
0x257: {  	[tilespmem:s7+$0x70] =	vst v9;
	v14 =	vmul.f32 v19, v22;
	v9 =	vunpack.i.l.bf16.f32 v11;
	v8 =	vmul.f32 v8, v20  }
0x258: {  	v11 =	vunpack.i.u.bf16.f32 v11;
	v9 =	vmul.f32 v9, v10;
	v10 =	vmul.f32 v12, v17;
	[tilespmem:s12+$0xFFFFFF60] =	vst v13  }
0x259: {  	v11 =	vmul.f32 v11, v18;
	v12 =	vmul.f32 v14, v17;
	[tilespmem:s12+$0xFFFFFF70] =	vst v8  }
0x25a: {  	v8 =	vmul.f32 v9, v15;
	[tilespmem:s12+$0xFFFFFFE0] =	vst v10  }
0x25b: {  	s1 =	sadd.s32 s5, s1;
	s20 =	smul.u32 $0x280, s29;
	v9 =	vmul.f32 v11, v15;
	[tilespmem:s12+$0xFFFFFFF0] =	vst v12  }
0x25c: {  	s1 =	sshll.u32 s1, $0x4;
	[tilespmem:s12+$0x60] =	vst v8  }
0x25d: {  	s22 =	simm.s32 $0x14680;
	s1 =	sadd.s32 s3, s1;
	s24 =	sshra.s32 s20, $0x2;
	[tilespmem:s12+$0x70] =	vst v9  }
0x25e: {  	[hbm4b:s1+s4] =	stream.linear.scatter [tilespmem:s22], [sflag:$0x3], $0x2800, $0x38;
	[tilespmem:$0x19700] =	vst v63  }
0x25f: {  	s25 =	simm.s32 $0xF680;
	s1 =	sadd.s32 $0xA0, s24  }
0x260: {  	[tilespmem:s25], [sflag:$0x1] =	stream.indirect.gather [hbm4b:s6+s18], $0x80, s1, s18, $0xb8;
	[tilespmem:$0x19700] =	vst v63  }
0x261: {  	_ =	swait.ge [sflag:s23], $0x2800  }
0x262: {  	[sflag:s23] =	ssyncset.done $0x0  }
0x263: {  	s1 =	simm.s32 @!p0 $0x4;
	[sflag:s23] =	ssyncadd.s32 $0xFFFFD800  }
0x264: {  	_ =	swait.ge @!p0 [sflag:s1], $0x2800  }
0x265: {  	[sflag:s1] =	ssyncset.done @!p0 $0x0  }
0x266: {  	[sflag:s1] =	ssyncadd.s32 @!p0 $0xFFFFD800  }
0x267: {  	v8 =	vld [tilespmem:s31+$0x0];
	_ =	sdelay $0x4  }
0x268: {  	(v2sf) =	vpush v8, $0x0;
	_ =	sdelay $0x7  }
0x269: {  	v8 =	vld [tilespmem:s31+$0xFFFFFFFE]  }
0x26a: {  	v9 =	vld [tilespmem:s31+$0xFFFFFFFD];
	_ =	sdelay $0x3  }
0x26b: {  	(v2sf) =	vpush v8, $0x0  }
0x26c: {  	v10 =	vld [tilespmem:s31+$0xFFFFFFFF];
	(v2sf) =	vpush v9, $0x0  }
0x26d: {  	s12 =	simm.s32 $0x11F80;
	s26 =	spop (v2sf)  }
0x26e: {  	v11 =	vld [tilespmem:s12+$0xD0];
	s1 =	sshll.u32 s26, $0x9  }
0x26f: {  	v8 =	vld [tilespmem:s12+$0xC0];
	s7 =	sshra.s32 s1, $0x2  }
0x270: {  	v9 =	vld [tilespmem:s7+$0x76C0]  }
0x271: {  	v18 =	vld [tilespmem:s12+$0xF0];
	(v2sf) =	vpush v10, $0x0;
	_ =	sdelay $0x1  }
0x272: {  	v12 =	vld [tilespmem:s7+$0x76D0]  }
0x273: {  	v19 =	vld [tilespmem:s7+$0x76F0]  }
0x274: {  	v16 =	vunpack.i.l.bf16.f32 v11;
	v13 =	vunpack.i.l.bf16.f32 v8;
	v10 =	vld [tilespmem:s12+$0xFFFFFF40];
	v14 =	vunpack.i.l.bf16.f32 v9  }
0x275: {  	v11 =	vunpack.i.u.bf16.f32 v11;
	v21 =	vunpack.i.l.bf16.f32 v18;
	v13 =	vadd.f32 v14, v13  }
0x276: {  	v15 =	vld [tilespmem:s12+$0xE0];
	v18 =	vunpack.i.u.bf16.f32 v18;
	v8 =	vunpack.i.u.bf16.f32 v8;
	v9 =	vunpack.i.u.bf16.f32 v9  }
0x277: {  	v17 =	vunpack.i.l.bf16.f32 v12;
	v8 =	vadd.f32 v9, v8;
	v9 =	vld [tilespmem:s7+$0x76E0];
	v13 =	vmax.f32 v13, $0.0e+00  }
0x278: {  	v12 =	vunpack.i.u.bf16.f32 v12;
	v22 =	vunpack.i.l.bf16.f32 v19;
	v13 =	vmul.f32 v13, v0  }
0x279: {  	s28 =	spop (v2sf);
	v14 =	vunpack.i.u.bf16.f32 v10;
	v16 =	vadd.f32 v17, v16;
	v8 =	vmax.f32 v8, $0.0e+00  }
0x27a: {  	s8 =	spop (v2sf);
	v17 =	vld [tilespmem:s12+$0xFFFFFFC0];
	v11 =	vadd.f32 v12, v11;
	v8 =	vmul.f32 v8, v1;
	v13 =	vadd.f32 $0.0e+00, v13  }
0x27b: {  	s2 =	sshll.u32 s8, $0x9;
	v12 =	vunpack.i.l.bf16.f32 v15;
	v15 =	vunpack.i.u.bf16.f32 v15;
	v16 =	vmax.f32 v16, $0.0e+00  }
0x27c: {  	s1 =	sshll.u32 s28, $0x9;
	s28 =	sshra.s32 s2, $0x2;
	v8 =	vadd.f32 v13, v8;
	v13 =	vmul.f32 v16, v2;
	v16 =	vunpack.i.l.bf16.f32 v9  }
0x27d: {  	s26 =	sshra.s32 s1, $0x2;
	v21 =	vadd.f32 v22, v21;
	v11 =	vmax.f32 v11, $0.0e+00;
	v12 =	vadd.f32 v16, v12;
	v16 =	vld [tilespmem:s28+$0x76C0]  }
0x27e: {  	v11 =	vmul.f32 v11, v3;
	v9 =	vunpack.i.u.bf16.f32 v9;
	v8 =	vadd.f32 v13, v8;
	v13 =	vld [tilespmem:s26+$0x76C0]  }
0x27f: {  	v20 =	vunpack.i.l.bf16.f32 v17;
	s9 =	spop (v2sf);
	v9 =	vadd.f32 v9, v15;
	v12 =	vmax.f32 v12, $0.0e+00  }
0x280: {  	s1 =	sshll.u32 s9, $0x9;
	v15 =	vunpack.i.u.bf16.f32 v17;
	v17 =	vld [tilespmem:s12+$0x40];
	v8 =	vadd.f32 v8, v11;
	v11 =	vmul.f32 v12, v4  }
0x281: {  	v10 =	vunpack.i.l.bf16.f32 v10;
	v22 =	vld [tilespmem:s28+$0x76D0];
	v21 =	vmax.f32 v21, $0.0e+00;
	s25 =	sshra.s32 s1, $0x2;
	v9 =	vmax.f32 v9, $0.0e+00  }
0x282: {  	v12 =	vld [tilespmem:s25+$0x76C0];
	v9 =	vmul.f32 v9, v5;
	v8 =	vadd.f32 v11, v8;
	v11 =	vunpack.i.u.bf16.f32 v19  }
0x283: {  	v19 =	vunpack.i.l.bf16.f32 v16;
	v11 =	vadd.f32 v11, v18;
	v18 =	vunpack.i.l.bf16.f32 v13  }
0x284: {  	v10 =	vadd.f32 v19, v10;
	v13 =	vunpack.i.u.bf16.f32 v13;
	v8 =	vadd.f32 v8, v9  }
0x285: {  	v23 =	vld [tilespmem:s26+$0x76D0];
	v9 =	vmul.f32 v21, v6;
	v21 =	vunpack.i.l.bf16.f32 v17;
	v18 =	vadd.f32 v18, v20  }
0x286: {  	v17 =	vunpack.i.u.bf16.f32 v17;
	v13 =	vadd.f32 v13, v15;
	v15 =	vunpack.i.l.bf16.f32 v22  }
0x287: {  	v22 =	vunpack.i.u.bf16.f32 v22;
	v24 =	vunpack.i.l.bf16.f32 v12;
	v11 =	vmax.f32 v11, $0.0e+00  }
0x288: {  	v19 =	vld [tilespmem:s25+$0x76D0];
	v12 =	vunpack.i.u.bf16.f32 v12;
	v8 =	vadd.f32 v9, v8;
	v9 =	vmul.f32 v11, v7  }
0x289: {  	v11 =	vunpack.i.u.bf16.f32 v16;
	v20 =	vadd.f32 v24, v21;
	v18 =	vmax.f32 v18, $0.0e+00  }
0x28a: {  	v16 =	vld [tilespmem:s12+$0xFFFFFF50];
	v12 =	vadd.f32 v12, v17;
	v17 =	vunpack.i.l.bf16.f32 v23;
	v8 =	vadd.f32 v8, v9  }
0x28b: {  	v21 =	vld [tilespmem:s12+$0xFFFFFFD0];
	v13 =	vmax.f32 v13, $0.0e+00;
	v23 =	vunpack.i.u.bf16.f32 v23;
	v11 =	vadd.f32 v11, v14  }
0x28c: {  	v13 =	vmul.f32 v13, v1;
	v9 =	vmax.f32 v10, $0.0e+00;
	v14 =	vmax.f32 v20, $0.0e+00;
	(xrf2) =	vadd.scan.msk.f32 $0xffff, v8  }
0x28d: {  	v24 =	vunpack.i.l.bf16.f32 v19;
	v12 =	vmax.f32 v12, $0.0e+00;
	v14 =	vmul.f32 v14, v0  }
0x28e: {  	v27 =	vld [tilespmem:s12+$0xFFFFFFE0];
	v11 =	vmax.f32 v11, $0.0e+00;
	v12 =	vmul.f32 v12, v1;
	v8 =	vmul.f32 v9, v0  }
0x28f: {  	v10 =	vld [tilespmem:s12+$0x50];
	v19 =	vunpack.i.u.bf16.f32 v19;
	v9 =	vmul.f32 v18, v0;
	v11 =	vmul.f32 v11, v1  }
0x290: {  	v18 =	vunpack.i.l.bf16.f32 v16;
	v20 =	vunpack.i.l.bf16.f32 v21;
	v14 =	vadd.f32 $0.0e+00, v14  }
0x291: {  	v16 =	vunpack.i.u.bf16.f32 v16;
	v15 =	vadd.f32 v15, v18;
	v17 =	vadd.f32 v17, v20  }
0x292: {  	v21 =	vunpack.i.u.bf16.f32 v21;
	v8 =	vadd.f32 $0.0e+00, v8;
	v9 =	vadd.f32 $0.0e+00, v9  }
0x293: {  	v26 =	vld [tilespmem:s12+$0xFFFFFF60];
	v16 =	vadd.f32 v22, v16;
	v21 =	vadd.f32 v23, v21;
	v23 =	vunpack.i.l.bf16.f32 v27  }
0x294: {  	v27 =	vunpack.i.u.bf16.f32 v27;
	v25 =	vunpack.i.l.bf16.f32 v10;
	v10 =	vunpack.i.u.bf16.f32 v10  }
0x295: {  	v18 =	vld [tilespmem:s28+$0x76E0];
	v12 =	vadd.f32 v14, v12;
	v20 =	vadd.f32 v24, v25;
	v15 =	vmax.f32 v15, $0.0e+00  }
0x296: {  	v24 =	vld [tilespmem:s26+$0x76E0];
	v17 =	vmax.f32 v17, $0.0e+00;
	v10 =	vadd.f32 v19, v10;
	v8 =	vadd.f32 v8, v11;
	v28, _, _ =	vpop (xrf2)  }
0x297: {  	v25 =	vld [tilespmem:s25+$0x76E0];
	v9 =	vadd.f32 v9, v13;
	v16 =	vmax.f32 v16, $0.0e+00;
	(v2sf) =	vpush v28, $0xF  }
0x298: {  	v15 =	vmul.f32 v15, v2;
	v11 =	vmul.f32 v17, v2;
	v17 =	vunpack.i.l.bf16.f32 v26  }
0x299: {  	v16 =	vmul.f32 v16, v3;
	v20 =	vmax.f32 v20, $0.0e+00;
	v10 =	vmax.f32 v10, $0.0e+00  }
0x29a: {  	v13 =	vunpack.i.l.bf16.f32 v18;
	v14 =	vmul.f32 v20, v2;
	v8 =	vadd.f32 v15, v8  }
0x29b: {  	v22 =	vld [tilespmem:s12+$0x60];
	v9 =	vadd.f32 v11, v9;
	v10 =	vmul.f32 v10, v3;
	v13 =	vadd.f32 v13, v17  }
0x29c: {  	v17 =	vmax.f32 v21, $0.0e+00;
	v19 =	vunpack.i.l.bf16.f32 v24;
	v20 =	vunpack.i.l.bf16.f32 v25  }
0x29d: {  	v11 =	vmul.f32 v17, v3;
	v17 =	vunpack.i.u.bf16.f32 v18;
	v12 =	vadd.f32 v14, v12  }
0x29e: {  	v15 =	vld [tilespmem:s26+$0x76F0];
	v14 =	vunpack.i.u.bf16.f32 v26;
	v24 =	vunpack.i.u.bf16.f32 v24;
	v25 =	vunpack.i.u.bf16.f32 v25  }
0x29f: {  	v21 =	vld [tilespmem:s28+$0x76F0];
	v8 =	vadd.f32 v8, v16;
	v19 =	vadd.f32 v19, v23;
	v13 =	vmax.f32 v13, $0.0e+00  }
0x2a0: {  	v18 =	vld [tilespmem:s25+$0x76F0];
	v14 =	vadd.f32 v17, v14;
	v24 =	vadd.f32 v24, v27;
	v28 =	vunpack.i.l.bf16.f32 v22  }
0x2a1: {  	v26 =	vld [tilespmem:s12+$0xFFFFFFF0];
	v22 =	vunpack.i.u.bf16.f32 v22;
	v13 =	vmul.f32 v13, v4;
	v9 =	vadd.f32 v9, v11  }
0x2a2: {  	v23 =	vld [tilespmem:s12+$0xFFFFFF70];
	v10 =	vadd.f32 v12, v10;
	v20 =	vadd.f32 v20, v28;
	v19 =	vmax.f32 v19, $0.0e+00  }
0x2a3: {  	v17 =	vld [tilespmem:s12+$0x70];
	v22 =	vadd.f32 v25, v22;
	v14 =	vmax.f32 v14, $0.0e+00;
	v24 =	vmax.f32 v24, $0.0e+00  }
0x2a4: {  	v11 =	vmul.f32 v19, v4;
	v16 =	vunpack.i.l.bf16.f32 v21;
	v8 =	vadd.f32 v13, v8  }
0x2a5: {  	v13 =	vmul.f32 v14, v5;
	v20 =	vmax.f32 v20, $0.0e+00;
	v25 =	vunpack.i.l.bf16.f32 v18  }
0x2a6: {  	v27 =	vunpack.i.l.bf16.f32 v26;
	v22 =	vmax.f32 v22, $0.0e+00;
	v18 =	vunpack.i.u.bf16.f32 v18;
	s10 =	spop (v2sf)  }
0x2a7: {  	v12 =	vmul.f32 v20, v4;
	v19 =	vunpack.i.l.bf16.f32 v23;
	v20 =	vunpack.i.l.bf16.f32 v15;
	s1 =	ssub.f32 $0.0e+00, s10  }
0x2a8: {  	v28 =	vunpack.i.l.bf16.f32 v17;
	v9 =	vadd.f32 v11, v9;
	v15 =	vunpack.i.u.bf16.f32 v15  }
0x2a9: {  	v17 =	vunpack.i.u.bf16.f32 v17;
	v8 =	vadd.f32 v8, v13;
	v29 =	vmov s1  }
0x2aa: {  	v16 =	vadd.f32 v16, v19;
	v19 =	vadd.f32 v20, v27;
	v20 =	vmul.f32 $1.442695020e+00, v29  }
0x2ab: {  	v14 =	vadd.f32 v25, v28;
	v10 =	vadd.f32 v12, v10;
	v12 =	vunpack.i.u.bf16.f32 v21  }
0x2ac: {  	v21 =	vmul.f32 v22, v5;
	v22 =	vunpack.i.u.bf16.f32 v26;
	v11 =	vbroadcast v20, $0x0  }
0x2ad: {  	v16 =	vmax.f32 v16, $0.0e+00;
	v19 =	vmax.f32 v19, $0.0e+00;
	v14 =	vmax.f32 v14, $0.0e+00  }
0x2ae: {  	v15 =	vadd.f32 v15, v22;
	(erf) = vpow2.f32 v11;
	v11 =	vunpack.i.u.bf16.f32 v23  }
0x2af: {  	v13 =	vmul.f32 v19, v6;
	v20 =	vmul.f32 v24, v5;
	v11 =	vadd.f32 v12, v11  }
0x2b0: {  	v10 =	vadd.f32 v10, v21;
	v14 =	vmul.f32 v14, v6;
	v12 =	vmul.f32 v16, v6  }
0x2b1: {  	v9 =	vadd.f32 v9, v20;
	v16 =	vadd.f32 v18, v17;
	v11 =	vmax.f32 v11, $0.0e+00  }
0x2b2: {  	v15 =	vmax.f32 v15, $0.0e+00;
	v8 =	vadd.f32 v12, v8;
	v11 =	vmul.f32 v11, v7  }
0x2b3: {  	v9 =	vadd.f32 v13, v9;
	v13 =	vmul.f32 v15, v7;
	v12 =	vmax.f32 v16, $0.0e+00  }
0x2b4: {  	v10 =	vadd.f32 v14, v10;
	v12 =	vmul.f32 v12, v7;
	v8 =	vadd.f32 v8, v11  }
0x2b5: {  	v9 =	vadd.f32 v9, v13  }
0x2b6: {  	v10 =	vadd.f32 v10, v12;
	(xrf2) =	vadd.scan.msk.f32 $0xffff, v8  }
0x2b7: {  	(xrf2) =	vadd.scan.msk.f32 $0xffff, v9  }
0x2b8: {  	(xrf2) =	vadd.scan.msk.f32 $0xffff, v10;
	_ =	sdelay $0x2  }
0x2b9: {  	v8 =	vpop (erf)  }
0x2ba: {  	v8 =	vadd.f32 $1.000000000e+00, v8;
	_ =	sdelay $0x1  }
0x2bb: {  	s8 =	sadd.s32 $0x4, s31  }
0x2bc: {  	v9 =	vld [tilespmem:s8+$0x0]  }
0x2bd: {  	(erf) = vrcp.f32 v8;
	v8, _, _ =	vpop (xrf2)  }
0x2be: {  	v11 =	vld [tilespmem:s7+$0x7680];
	(v2sf) =	vpush v8, $0xF;
	v8, _, _ =	vpop (xrf2)  }
0x2bf: {  	v10 =	vld [tilespmem:s12+$0x80];
	(v2sf) =	vpush v8, $0xF;
	v8, _, _ =	vpop (xrf2)  }
0x2c0: {  	(v2sf) =	vpush v8, $0xF  }
0x2c1: {  	(v2sf) =	vpush v9, $0x0;
	_ =	sdelay $0x1  }
0x2c2: {  	v9 =	vunpack.i.l.bf16.f32 v11;
	v11 =	vunpack.i.u.bf16.f32 v11  }
0x2c3: {  	v8 =	vunpack.i.l.bf16.f32 v10  }
0x2c4: {  	s2 =	simm.s32 $0x12180;
	v10 =	vunpack.i.u.bf16.f32 v10;
	v8 =	vmul.f32 v9, v8  }
0x2c5: {  	v48 =	vld [tilespmem:s2+$0x60];
	v9 =	vmul.f32 v11, v10;
	v11 =	vpop (erf)  }
0x2c6: {  	v50 =	vld [tilespmem:s2+$0x70];
	v8 =	vmul.f32 v11, v8  }
0x2c7: {  	v27 =	vld [tilespmem:s2+$0x40];
	s1 =	simm.s32 $0x16F80;
	v9 =	vmul.f32 v11, v9  }
0x2c8: {  	[tilespmem:s1+$0x80] =	vst v8;
	v8 =	vld [tilespmem:s8+$0xFFFFFFFE]  }
0x2c9: {  	[tilespmem:s1+$0x90] =	vst v9;
	v9 =	vld [tilespmem:s8+$0xFFFFFFFD]  }
0x2ca: {  	v12 =	vld [tilespmem:s8+$0xFFFFFFFF]  }
0x2cb: {  	v10 =	vld [tilespmem:s12+$0x90]  }
0x2cc: {  	v13 =	vld [tilespmem:s7+$0x7690];
	s11 =	spop (v2sf)  }
0x2cd: {  	s13 =	spop (v2sf);
	(v2sf) =	vpush v8, $0x0  }
0x2ce: {  	s14 =	spop (v2sf);
	(v2sf) =	vpush v9, $0x0  }
0x2cf: {  	s15 =	ssub.f32 $0.0e+00, s11;
	s16 =	spop (v2sf)  }
0x2d0: {  	v49 =	vunpack.i.u.bf16.f32 v48;
	v51 =	vunpack.i.l.bf16.f32 v50;
	v14 =	vld [tilespmem:s2+$0xC0];
	v28 =	vunpack.i.l.bf16.f32 v27;
	s17 =	ssub.f32 $0.0e+00, s13;
	s19 =	sshll.u32 s16, $0x9  }
0x2d1: {  	v20 =	vld [tilespmem:s2+$0xD0];
	v8 =	vunpack.i.l.bf16.f32 v10;
	v9 =	vunpack.i.l.bf16.f32 v13;
	(v2sf) =	vpush v12, $0x0;
	s10 =	ssub.f32 $0.0e+00, s14;
	s9 =	sshra.s32 s19, $0x2  }
0x2d2: {  	v10 =	vunpack.i.u.bf16.f32 v10;
	v8 =	vmul.f32 v9, v8;
	v9 =	vmov s15;
	v15 =	vld [tilespmem:s9+$0x76C0]  }
0x2d3: {  	v17 =	vld [tilespmem:s2+$0xFFFFFF40];
	v12 =	vmul.f32 $1.442695020e+00, v9;
	v9 =	vmov s17;
	v16 =	vmov s10  }
0x2d4: {  	v13 =	vunpack.i.u.bf16.f32 v13;
	v18 =	vmul.f32 $1.442695020e+00, v9;
	v16 =	vmul.f32 $1.442695020e+00, v16  }
0x2d5: {  	v27 =	vunpack.i.u.bf16.f32 v27;
	v9 =	vmul.f32 v13, v10;
	v13 =	vbroadcast v12, $0x0  }
0x2d6: {  	v23 =	vunpack.i.l.bf16.f32 v20;
	v12 =	vbroadcast v18, $0x0;
	v10 =	vbroadcast v16, $0x0;
	v16 =	vld [tilespmem:s9+$0x76D0]  }
0x2d7: {  	v19 =	vld [tilespmem:s2+$0xFFFFFFC0];
	(erf) = vpow2.f32 v13;
	v13 =	vunpack.i.l.bf16.f32 v14;
	v18 =	vunpack.i.l.bf16.f32 v15  }
0x2d8: {  	v20 =	vunpack.i.u.bf16.f32 v20;
	v21 =	vunpack.i.u.bf16.f32 v17;
	v13 =	vadd.f32 v18, v13  }
0x2d9: {  	v22 =	vld [tilespmem:s2+$0xE0];
	v17 =	vunpack.i.l.bf16.f32 v17;
	v14 =	vunpack.i.u.bf16.f32 v14;
	v15 =	vunpack.i.u.bf16.f32 v15  }
0x2da: {  	v8 =	vmul.f32 v11, v8;
	v14 =	vadd.f32 v15, v14;
	v15 =	vld [tilespmem:s9+$0x76E0];
	v13 =	vmax.f32 v13, $0.0e+00  }
0x2db: {  	v9 =	vmul.f32 v11, v9;
	v24 =	vunpack.i.l.bf16.f32 v16;
	v13 =	vmul.f32 v13, v0  }
0x2dc: {  	v18 =	vunpack.i.l.bf16.f32 v19;
	v14 =	vmax.f32 v14, $0.0e+00;
	v23 =	vadd.f32 v24, v23;
	s20 =	spop (v2sf)  }
0x2dd: {  	v16 =	vunpack.i.u.bf16.f32 v16;
	v14 =	vmul.f32 v14, v1;
	s22 =	spop (v2sf);
	v13 =	vadd.f32 $0.0e+00, v13  }
0x2de: {  	v24 =	vld [tilespmem:s2+$0xF0];
	v16 =	vadd.f32 v16, v20;
	v20 =	vunpack.i.l.bf16.f32 v22;
	v23 =	vmax.f32 v23, $0.0e+00;
	s11 =	sshll.u32 s22, $0x9  }
0x2df: {  	v25 =	vld [tilespmem:s9+$0x76F0];
	s10 =	sshll.u32 s20, $0x9;
	s16 =	sshra.s32 s11, $0x2;
	v13 =	vadd.f32 v13, v14;
	v14 =	vmul.f32 v23, v2;
	v23 =	vunpack.i.l.bf16.f32 v15  }
0x2e0: {  	v22 =	vunpack.i.u.bf16.f32 v22;
	v16 =	vmax.f32 v16, $0.0e+00;
	s24 =	spop (v2sf);
	s15 =	sshra.s32 s10, $0x2;
	v26 =	vld [tilespmem:s16+$0x76C0];
	v20 =	vadd.f32 v23, v20  }
0x2e1: {  	s14 =	sshll.u32 s24, $0x9;
	v15 =	vunpack.i.u.bf16.f32 v15;
	v23 =	vld [tilespmem:s15+$0x76C0];
	v13 =	vadd.f32 v14, v13;
	v14 =	vmul.f32 v16, v3  }
0x2e2: {  	v19 =	vunpack.i.u.bf16.f32 v19;
	s13 =	sshra.s32 s14, $0x2;
	v15 =	vadd.f32 v15, v22;
	v20 =	vmax.f32 v20, $0.0e+00  }
0x2e3: {  	v22 =	vunpack.i.l.bf16.f32 v24;
	v16 =	vld [tilespmem:s13+$0x76C0];
	v13 =	vadd.f32 v13, v14;
	v14 =	vmul.f32 v20, v4  }
0x2e4: {  	v24 =	vunpack.i.u.bf16.f32 v24;
	v15 =	vmax.f32 v15, $0.0e+00;
	v20 =	vunpack.i.l.bf16.f32 v25  }
0x2e5: {  	v20 =	vadd.f32 v20, v22;
	v13 =	vadd.f32 v14, v13;
	v14 =	vmul.f32 v15, v5  }
0x2e6: {  	v30 =	vld [tilespmem:s13+$0x76D0];
	v15 =	vunpack.i.u.bf16.f32 v25;
	v22 =	vunpack.i.l.bf16.f32 v26;
	v25 =	vunpack.i.l.bf16.f32 v23  }
0x2e7: {  	v23 =	vunpack.i.u.bf16.f32 v23;
	v20 =	vmax.f32 v20, $0.0e+00;
	v15 =	vadd.f32 v15, v24  }
0x2e8: {  	v29 =	vunpack.i.l.bf16.f32 v16;
	v17 =	vadd.f32 v22, v17;
	v22 =	vunpack.i.u.bf16.f32 v26  }
0x2e9: {  	v18 =	vadd.f32 v25, v18;
	v16 =	vunpack.i.u.bf16.f32 v16;
	v19 =	vadd.f32 v23, v19  }
0x2ea: {  	v13 =	vadd.f32 v13, v14;
	v14 =	vmul.f32 v20, v6;
	v25 =	vadd.f32 v29, v28  }
0x2eb: {  	v26 =	vld [tilespmem:s2+$0xFFFFFFD0];
	v21 =	vadd.f32 v22, v21;
	v16 =	vadd.f32 v16, v27;
	v28 =	vunpack.i.l.bf16.f32 v30  }
0x2ec: {  	v20 =	vld [tilespmem:s15+$0x76D0];
	v30 =	vunpack.i.u.bf16.f32 v30;
	v15 =	vmax.f32 v15, $0.0e+00;
	v17 =	vmax.f32 v17, $0.0e+00  }
0x2ed: {  	v18 =	vmax.f32 v18, $0.0e+00;
	v19 =	vmax.f32 v19, $0.0e+00;
	v13 =	vadd.f32 v14, v13  }
0x2ee: {  	v24 =	vld [tilespmem:s16+$0x76D0];
	v14 =	vmul.f32 v15, v7;
	v22 =	vmax.f32 v25, $0.0e+00;
	v21 =	vmax.f32 v21, $0.0e+00  }
0x2ef: {  	v15 =	vld [tilespmem:s2+$0xFFFFFF50];
	v16 =	vmax.f32 v16, $0.0e+00;
	v19 =	vmul.f32 v19, v1;
	v22 =	vmul.f32 v22, v0  }
0x2f0: {  	v21 =	vmul.f32 v21, v1;
	v16 =	vmul.f32 v16, v1;
	v13 =	vadd.f32 v13, v14  }
0x2f1: {  	v27 =	vunpack.i.l.bf16.f32 v26;
	v26 =	vunpack.i.u.bf16.f32 v26;
	v23 =	vunpack.i.l.bf16.f32 v20  }
0x2f2: {  	v14 =	vld [tilespmem:s2+$0x50];
	v22 =	vadd.f32 $0.0e+00, v22;
	v20 =	vunpack.i.u.bf16.f32 v20;
	(xrf2) =	vadd.scan.msk.f32 $0xffff, v13;
	v13 =	vmul.f32 v17, v0  }
0x2f3: {  	v17 =	vmul.f32 v18, v0;
	v18 =	vunpack.i.l.bf16.f32 v24;
	v23 =	vadd.f32 v23, v27  }
0x2f4: {  	v24 =	vunpack.i.u.bf16.f32 v24;
	v20 =	vadd.f32 v20, v26;
	v25 =	vunpack.i.l.bf16.f32 v15  }
0x2f5: {  	v31 =	vld [tilespmem:s2+$0xFFFFFF60];
	v15 =	vunpack.i.u.bf16.f32 v15;
	v16 =	vadd.f32 v22, v16;
	v18 =	vadd.f32 v18, v25  }
0x2f6: {  	v13 =	vadd.f32 $0.0e+00, v13;
	v17 =	vadd.f32 $0.0e+00, v17;
	v23 =	vmax.f32 v23, $0.0e+00  }
0x2f7: {  	v46 =	vld [tilespmem:s2+$0xFFFFFFE0];
	v15 =	vadd.f32 v24, v15;
	v29 =	vunpack.i.l.bf16.f32 v14;
	v14 =	vunpack.i.u.bf16.f32 v14  }
0x2f8: {  	v25 =	vld [tilespmem:s16+$0x76E0];
	v20 =	vmax.f32 v20, $0.0e+00;
	v27 =	vadd.f32 v28, v29;
	v14 =	vadd.f32 v30, v14  }
0x2f9: {  	v18 =	vmax.f32 v18, $0.0e+00;
	v13 =	vadd.f32 v13, v21;
	v17 =	vadd.f32 v17, v19  }
0x2fa: {  	v19 =	vmul.f32 v23, v2;
	v23 =	vunpack.i.l.bf16.f32 v31;
	v15 =	vmax.f32 v15, $0.0e+00  }
0x2fb: {  	v28 =	vld [tilespmem:s15+$0x76E0];
	v30 =	vunpack.i.l.bf16.f32 v48;
	v18 =	vmul.f32 v18, v2;
	v15 =	vmul.f32 v15, v3  }
0x2fc: {  	v29 =	vld [tilespmem:s13+$0x76E0];
	v24 =	vmax.f32 v27, $0.0e+00;
	v27 =	vunpack.i.l.bf16.f32 v46;
	v14 =	vmax.f32 v14, $0.0e+00  }
0x2fd: {  	v17 =	vadd.f32 v19, v17;
	v21 =	vunpack.i.l.bf16.f32 v25;
	v22 =	vmul.f32 v24, v2  }
0x2fe: {  	v13 =	vadd.f32 v18, v13;
	v18 =	vmul.f32 v20, v3;
	v20 =	vunpack.i.u.bf16.f32 v25  }
0x2ff: {  	v14 =	vmul.f32 v14, v3;
	v25 =	vunpack.i.u.bf16.f32 v31;
	v31 =	vunpack.i.u.bf16.f32 v46  }
0x300: {  	v21 =	vadd.f32 v21, v23;
	v20 =	vadd.f32 v20, v25;
	v24 =	vunpack.i.l.bf16.f32 v28  }
0x301: {  	v26 =	vunpack.i.l.bf16.f32 v29;
	v16 =	vadd.f32 v22, v16;
	v28 =	vunpack.i.u.bf16.f32 v28  }
0x302: {  	v19 =	vld [tilespmem:s13+$0x76F0];
	v29 =	vunpack.i.u.bf16.f32 v29;
	v13 =	vadd.f32 v13, v15;
	v15 =	vadd.f32 v17, v18  }
0x303: {  	v23 =	vld [tilespmem:s16+$0x76F0];
	v47, _, _ =	vpop (xrf2);
	v24 =	vadd.f32 v24, v27;
	v26 =	vadd.f32 v26, v30;
	v21 =	vmax.f32 v21, $0.0e+00  }
0x304: {  	v22 =	vld [tilespmem:s2+$0xFFFFFF70];
	v20 =	vmax.f32 v20, $0.0e+00;
	(v2sf) =	vpush v47, $0xF;
	v21 =	vmul.f32 v21, v4  }
0x305: {  	v27 =	vld [tilespmem:s15+$0x76F0];
	v14 =	vadd.f32 v16, v14;
	v20 =	vmul.f32 v20, v5;
	v24 =	vmax.f32 v24, $0.0e+00  }
0x306: {  	v30 =	vld [tilespmem:s2+$0xFFFFFFF0];
	v25 =	vmax.f32 v26, $0.0e+00;
	v26 =	vadd.f32 v28, v31;
	v28 =	vadd.f32 v29, v49  }
0x307: {  	v29 =	vunpack.i.l.bf16.f32 v19;
	v19 =	vunpack.i.u.bf16.f32 v19;
	v17 =	vmul.f32 v24, v4  }
0x308: {  	v18 =	vunpack.i.l.bf16.f32 v23;
	v16 =	vmul.f32 v25, v4;
	v13 =	vadd.f32 v21, v13  }
0x309: {  	v21 =	vadd.f32 v29, v51;
	v24 =	vunpack.i.l.bf16.f32 v22;
	v26 =	vmax.f32 v26, $0.0e+00  }
0x30a: {  	v22 =	vunpack.i.u.bf16.f32 v22;
	v25 =	vunpack.i.l.bf16.f32 v27;
	v18 =	vadd.f32 v18, v24  }
0x30b: {  	v31 =	vunpack.i.l.bf16.f32 v30;
	v15 =	vadd.f32 v17, v15;
	v14 =	vadd.f32 v16, v14  }
0x30c: {  	v16 =	vunpack.i.u.bf16.f32 v23;
	v17 =	vmul.f32 v26, v5;
	v26 =	vunpack.i.u.bf16.f32 v30  }
0x30d: {  	v21 =	vmax.f32 v21, $0.0e+00;
	v24 =	vadd.f32 v25, v31;
	v25 =	vmax.f32 v28, $0.0e+00  }
0x30e: {  	v13 =	vadd.f32 v13, v20;
	v16 =	vadd.f32 v16, v22;
	v23 =	vmul.f32 v25, v5  }
0x30f: {  	v25 =	vunpack.i.u.bf16.f32 v27;
	v27 =	vunpack.i.u.bf16.f32 v50;
	v18 =	vmax.f32 v18, $0.0e+00  }
0x310: {  	v15 =	vadd.f32 v15, v17;
	v17 =	vmul.f32 v21, v6;
	v24 =	vmax.f32 v24, $0.0e+00  }
0x311: {  	v18 =	vmul.f32 v18, v6;
	v22 =	vadd.f32 v25, v26;
	v19 =	vadd.f32 v19, v27  }
0x312: {  	v16 =	vmax.f32 v16, $0.0e+00;
	v20 =	vmul.f32 v24, v6;
	v14 =	vadd.f32 v14, v23  }
0x313: {  	v16 =	vmul.f32 v16, v7;
	v21 =	vmax.f32 v22, $0.0e+00;
	v13 =	vadd.f32 v18, v13  }
0x314: {  	v18 =	vmax.f32 v19, $0.0e+00;
	v15 =	vadd.f32 v20, v15;
	v19 =	vmul.f32 v21, v7  }
0x315: {  	v14 =	vadd.f32 v17, v14;
	v17 =	vmul.f32 v18, v7;
	v13 =	vadd.f32 v13, v16  }
0x316: {  	[tilespmem:s1+$0xA0] =	vst v8;
	(erf) = vpow2.f32 v12;
	v12 =	vadd.f32 v15, v19  }
0x317: {  	[tilespmem:s1+$0xB0] =	vst v9;
	(erf) = vpow2.f32 v10;
	v10 =	vadd.f32 v14, v17;
	(xrf2) =	vadd.scan.msk.f32 $0xffff, v13  }
0x318: {  	v8 =	vld [tilespmem:s12+$0xA0];
	(xrf2) =	vadd.scan.msk.f32 $0xffff, v12  }
0x319: {  	v9 =	vld [tilespmem:s7+$0x76A0];
	(xrf2) =	vadd.scan.msk.f32 $0xffff, v10;
	_ =	sdelay $0x4  }
0x31a: {  	v14 =	vunpack.i.l.bf16.f32 v9;
	v13 =	vunpack.i.l.bf16.f32 v8;
	v10 =	vpop (erf)  }
0x31b: {  	s14 =	sadd.s32 $0x4, s8;
	v13 =	vmul.f32 v14, v13;
	s17 =	spop (v2sf);
	v12 =	vpop (erf)  }
0x31c: {  	v16 =	vld [tilespmem:s14+$0x0];
	v9 =	vunpack.i.u.bf16.f32 v9;
	v8 =	vunpack.i.u.bf16.f32 v8;
	s19 =	ssub.f32 $0.0e+00, s17;
	v15 =	vpop (erf)  }
0x31d: {  	v8 =	vmul.f32 v9, v8;
	v13 =	vmul.f32 v13, v11;
	v14, _, _ =	vpop (xrf2)  }
0x31e: {  	v10 =	vadd.f32 $1.000000000e+00, v10;
	v17 =	vmov s19;
	(v2sf) =	vpush v14, $0xF;
	v14, _, _ =	vpop (xrf2)  }
0x31f: {  	v18 =	vld [tilespmem:s28+$0x7680];
	v12 =	vadd.f32 $1.000000000e+00, v12;
	v17 =	vmul.f32 $1.442695020e+00, v17;
	(v2sf) =	vpush v14, $0xF;
	v14, _, _ =	vpop (xrf2)  }
0x320: {  	v9 =	vld [tilespmem:s12+$0xFFFFFF00];
	s17 =	simm.s32 $0x12380;
	v15 =	vadd.f32 $1.000000000e+00, v15;
	(erf) = vrcp.f32 v10;
	(v2sf) =	vpush v14, $0xF  }
0x321: {  	v29 =	vld [tilespmem:s17+$0xC0];
	(erf) = vrcp.f32 v12;
	v12 =	vbroadcast v17, $0x0;
	(v2sf) =	vpush v16, $0x0  }
0x322: {  	v8 =	vmul.f32 v8, v11;
	[tilespmem:s1+$0xC0] =	vst v13;
	v13 =	vld [tilespmem:s12+$0x0];
	(erf) = vrcp.f32 v15  }
0x323: {  	v10 =	vld [tilespmem:s26+$0x7680];
	(erf) = vpow2.f32 v12  }
0x324: {  	[tilespmem:s1+$0xD0] =	vst v8;
	v12 =	vld [tilespmem:s12+$0xFFFFFF80]  }
0x325: {  	v8 =	vunpack.i.u.bf16.f32 v18;
	v21 =	vld [tilespmem:s7+$0x76B0]  }
0x326: {  	v20 =	vunpack.i.u.bf16.f32 v9;
	v9 =	vunpack.i.l.bf16.f32 v9;
	v15 =	vunpack.i.l.bf16.f32 v18;
	v14 =	vld [tilespmem:s25+$0x7680]  }
0x327: {  	v23 =	vmul.f32 v8, v20;
	v15 =	vmul.f32 v15, v9  }
0x328: {  	v17 =	vld [tilespmem:s12+$0xB0];
	v53 =	vunpack.i.l.bf16.f32 v29;
	v20 =	vunpack.i.l.bf16.f32 v13;
	v18 =	vunpack.i.l.bf16.f32 v10  }
0x329: {  	v27 =	vld [tilespmem:s2+$0xFFFFFF00];
	v16 =	vunpack.i.u.bf16.f32 v10;
	v22 =	vunpack.i.u.bf16.f32 v12;
	v10 =	vpop (erf);
	v12 =	vunpack.i.l.bf16.f32 v12  }
0x32a: {  	v24 =	vld [tilespmem:s16+$0x7680];
	v26 =	vunpack.i.u.bf16.f32 v21;
	v9 =	vpop (erf);
	v18 =	vmul.f32 v18, v12;
	v16 =	vmul.f32 v16, v22  }
0x32b: {  	v52 =	vld [tilespmem:s17+$0xD0];
	v15 =	vmul.f32 v10, v15;
	v8 =	vpop (erf);
	v19 =	vunpack.i.u.bf16.f32 v14;
	v14 =	vunpack.i.l.bf16.f32 v14  }
0x32c: {  	v21 =	vunpack.i.l.bf16.f32 v21;
	v22 =	vld [tilespmem:s15+$0x7680];
	v23 =	vmul.f32 v10, v23;
	v14 =	vmul.f32 v14, v20;
	v25 =	vpop (erf)  }
0x32d: {  	v55 =	vld [tilespmem:s17+$0xE0];
	v20 =	vunpack.i.l.bf16.f32 v17;
	v17 =	vunpack.i.u.bf16.f32 v17;
	v25 =	vadd.f32 $1.000000000e+00, v25;
	s20 =	spop (v2sf)  }
0x32e: {  	v59 =	vld [tilespmem:s17+$0xF0];
	v13 =	vunpack.i.u.bf16.f32 v13;
	v17 =	vmul.f32 v26, v17;
	v20 =	vmul.f32 v21, v20;
	s22 =	spop (v2sf)  }
0x32f: {  	v29 =	vunpack.i.u.bf16.f32 v29;
	v13 =	vmul.f32 v19, v13;
	(erf) = vrcp.f32 v25;
	v25 =	vld [tilespmem:s2+$0x80];
	s24 =	spop (v2sf)  }
0x330: {  	v57 =	vunpack.i.l.bf16.f32 v52;
	[tilespmem:s1+$0xFFFFFF00] =	vst v15;
	v21 =	vmul.f32 v17, v11;
	v20 =	vmul.f32 v20, v11;
	v11 =	vld [tilespmem:s9+$0x7680];
	s8 =	spop (v2sf)  }
0x331: {  	v12 =	vld [tilespmem:s13+$0x7680];
	[tilespmem:s1+$0xFFFFFF10] =	vst v23;
	v19 =	vunpack.i.l.bf16.f32 v24;
	v28 =	vunpack.i.l.bf16.f32 v22;
	v17 =	vunpack.i.u.bf16.f32 v24;
	s7 =	sshll.u32 s8, $0x9  }
0x332: {  	v40 =	vld [tilespmem:s28+$0x7690];
	v24 =	vunpack.i.u.bf16.f32 v22;
	v22 =	vunpack.i.u.bf16.f32 v27;
	v27 =	vunpack.i.l.bf16.f32 v27;
	s8 =	sshra.s32 s7, $0x2  }
0x333: {  	v32 =	vunpack.i.u.bf16.f32 v52;
	v60 =	vunpack.i.l.bf16.f32 v55;
	v19 =	vmul.f32 v19, v27;
	v15 =	vld [tilespmem:s8+$0x76C0]  }
0x334: {  	v26 =	vld [tilespmem:s2+$0xFFFFFF80];
	v22 =	vmul.f32 v17, v22;
	v17 =	vmul.f32 v9, v18;
	v18 =	vunpack.i.l.bf16.f32 v25  }
0x335: {  	v27 =	vld [tilespmem:s12+$0xFFFFFF10];
	v23 =	vunpack.i.l.bf16.f32 v11;
	v25 =	vunpack.i.u.bf16.f32 v25;
	v11 =	vunpack.i.u.bf16.f32 v11  }
0x336: {  	v34 =	vunpack.i.u.bf16.f32 v55;
	v18 =	vmul.f32 v23, v18;
	v23 =	vmul.f32 v11, v25;
	v25 =	vld [tilespmem:s8+$0x76D0]  }
0x337: {  	v41 =	vunpack.i.l.bf16.f32 v59;
	v16 =	vmul.f32 v9, v16;
	v30 =	vunpack.i.l.bf16.f32 v12  }
0x338: {  	v14 =	vmul.f32 v8, v14;
	v13 =	vmul.f32 v8, v13;
	v54 =	vunpack.i.l.bf16.f32 v15  }
0x339: {  	[tilespmem:s1+$0xFFFFFF90] =	vst v16;
	v16 =	vunpack.i.u.bf16.f32 v40;
	v31 =	vunpack.i.u.bf16.f32 v26;
	v33 =	vadd.f32 v54, v53  }
0x33a: {  	v26 =	vunpack.i.l.bf16.f32 v26;
	v56 =	vunpack.i.u.bf16.f32 v27;
	v15 =	vunpack.i.u.bf16.f32 v15  }
0x33b: {  	v58 =	vunpack.i.l.bf16.f32 v25;
	v15 =	vadd.f32 v15, v29;
	v29 =	vld [tilespmem:s8+$0x76E0];
	v33 =	vmax.f32 v33, $0.0e+00  }
0x33c: {  	[tilespmem:s1+$0x0] =	vst v14;
	v14 =	vmul.f32 v16, v56;
	v11 =	vpop (erf);
	v36 =	vadd.f32 v58, v57;
	v33 =	vmul.f32 v33, v0  }
0x33d: {  	v18 =	vmul.f32 v11, v18;
	v61 =	vld [tilespmem:s8+$0x76F0];
	v25 =	vunpack.i.u.bf16.f32 v25;
	v15 =	vmax.f32 v15, $0.0e+00  }
0x33e: {  	v36 =	vmax.f32 v36, $0.0e+00;
	v15 =	vmul.f32 v15, v1;
	v33 =	vadd.f32 $0.0e+00, v33  }
0x33f: {  	v23 =	vmul.f32 v11, v23;
	v25 =	vadd.f32 v25, v32;
	v62 =	vmul.f32 v36, v2  }
0x340: {  	v63 =	vunpack.i.l.bf16.f32 v29;
	v29 =	vunpack.i.u.bf16.f32 v29;
	v15 =	vadd.f32 v33, v15  }
0x341: {  	s7 =	simm.s32 $0x17180;
	v25 =	vmax.f32 v25, $0.0e+00;
	v32 =	vadd.f32 v63, v60;
	v29 =	vadd.f32 v29, v34  }
0x342: {  	[tilespmem:s7+$0x80] =	vst v18;
	v42 =	vunpack.i.l.bf16.f32 v61;
	v25 =	vmul.f32 v25, v3;
	v15 =	vadd.f32 v62, v15  }
0x343: {  	[tilespmem:s7+$0x90] =	vst v23;
	v23 =	vunpack.i.u.bf16.f32 v61;
	v32 =	vmax.f32 v32, $0.0e+00;
	v18 =	vmax.f32 v29, $0.0e+00  }
0x344: {  	v44 =	vld [tilespmem:s2+$0x90];
	v29 =	vunpack.i.u.bf16.f32 v59;
	v15 =	vadd.f32 v15, v25;
	v25 =	vmul.f32 v32, v4  }
0x345: {  	v43 =	vld [tilespmem:s2+$0x0];
	v14 =	vmul.f32 v10, v14;
	v23 =	vadd.f32 v23, v29;
	v32 =	vadd.f32 v42, v41  }
0x346: {  	[tilespmem:s1+$0xFFFFFF80] =	vst v17;
	v17 =	vld [tilespmem:s9+$0x7690];
	v18 =	vmul.f32 v18, v5;
	v29 =	vunpack.i.l.bf16.f32 v40;
	v15 =	vadd.f32 v25, v15  }
0x347: {  	v23 =	vmax.f32 v23, $0.0e+00;
	v25 =	vunpack.i.l.bf16.f32 v27;
	v27 =	vmax.f32 v32, $0.0e+00  }
0x348: {  	v15 =	vadd.f32 v15, v18;
	v18 =	vmul.f32 v27, v6;
	v27 =	vmul.f32 v29, v25;
	v29 =	vld [tilespmem:s12+$0xFFFFFF90]  }
0x349: {  	v16 =	vmul.f32 v23, v7;
	v23 =	vmul.f32 v24, v31;
	v24 =	vunpack.i.l.bf16.f32 v44  }
0x34a: {  	[tilespmem:s1+$0x10] =	vst v13;
	v25 =	vmul.f32 v28, v26;
	v26 =	vld [tilespmem:s26+$0x7690];
	v15 =	vadd.f32 v18, v15;
	v13 =	vmul.f32 v10, v27  }
0x34b: {  	v31 =	vunpack.i.u.bf16.f32 v44;
	v28 =	vunpack.i.l.bf16.f32 v17;
	v18 =	vunpack.i.l.bf16.f32 v43;
	v27 =	vld [tilespmem:s12+$0x10]  }
0x34c: {  	v15 =	vadd.f32 v15, v16;
	v16 =	vld [tilespmem:s25+$0x7690];
	[tilespmem:s1+$0xFFFFFF20] =	vst v13;
	v13 =	vunpack.i.u.bf16.f32 v17;
	v17 =	vmul.f32 v28, v24  }
0x34d: {  	[tilespmem:s1+$0xFFFFFF30] =	vst v14;
	v24 =	vmul.f32 v30, v18;
	v14 =	vunpack.i.u.bf16.f32 v29;
	v18 =	vunpack.i.l.bf16.f32 v29;
	v29 =	vld [tilespmem:s14+$0xFFFFFFFE]  }
0x34e: {  	v13 =	vmul.f32 v13, v31;
	v31 =	vld [tilespmem:s28+$0x76A0]  }
0x34f: {  	v28 =	vunpack.i.l.bf16.f32 v26;
	(xrf2) =	vadd.scan.msk.f32 $0xffff, v15;
	v15 =	vld [tilespmem:s12+$0xFFFFFF20]  }
0x350: {  	v26 =	vunpack.i.u.bf16.f32 v26;
	v17 =	vmul.f32 v11, v17;
	v18 =	vmul.f32 v28, v18;
	v28 =	vld [tilespmem:s14+$0xFFFFFFFD]  }
0x351: {  	v14 =	vmul.f32 v26, v14;
	v13 =	vmul.f32 v11, v13;
	v26 =	vunpack.i.l.bf16.f32 v27  }
0x352: {  	s19 =	ssub.f32 $0.0e+00, s20;
	[tilespmem:s7+$0xA0] =	vst v17;
	v17 =	vunpack.i.u.bf16.f32 v27;
	v18 =	vmul.f32 v9, v18;
	v30 =	vunpack.i.l.bf16.f32 v16  }
0x353: {  	v14 =	vmul.f32 v9, v14;
	v16 =	vunpack.i.u.bf16.f32 v16;
	[tilespmem:s7+$0xB0] =	vst v13;
	v13 =	vld [tilespmem:s14+$0xFFFFFFFF];
	v26 =	vmul.f32 v30, v26  }
0x354: {  	v16 =	vmul.f32 v16, v17;
	v27 =	vld [tilespmem:s9+$0x76A0];
	(v2sf) =	vpush v29, $0x0;
	v29 =	vmov s19  }
0x355: {  	s11 =	ssub.f32 $0.0e+00, s22;
	v30 =	vunpack.i.l.bf16.f32 v31;
	(v2sf) =	vpush v28, $0x0;
	v28 =	vunpack.i.l.bf16.f32 v15  }
0x356: {  	v17 =	vld [tilespmem:s2+$0xA0];
	v29 =	vmul.f32 $1.442695020e+00, v29;
	v15 =	vunpack.i.u.bf16.f32 v15;
	v26 =	vmul.f32 v8, v26  }
0x357: {  	v16 =	vmul.f32 v8, v16;
	v28 =	vmul.f32 v30, v28;
	v30 =	vmov s11  }
0x358: {  	v29 =	vbroadcast v29, $0x0;
	v30 =	vmul.f32 $1.442695020e+00, v30;
	[tilespmem:s1+$0x20] =	vst v26;
	v26 =	vunpack.i.u.bf16.f32 v31  }
0x359: {  	[tilespmem:s1+$0xFFFFFFA0] =	vst v18;
	(v2sf) =	vpush v13, $0x0;
	v18 =	vunpack.i.l.bf16.f32 v27;
	v15 =	vmul.f32 v26, v15;
	v13, _, _ =	vpop (xrf2)  }
0x35a: {  	v48 =	vld [tilespmem:s17+$0x40];
	s10 =	ssub.f32 $0.0e+00, s24;
	[tilespmem:s1+$0xFFFFFFB0] =	vst v14;
	v14 =	vunpack.i.u.bf16.f32 v27;
	(erf) = vpow2.f32 v29;
	(v2sf) =	vpush v13, $0xF  }
0x35b: {  	[tilespmem:s1+$0x30] =	vst v16;
	v27 =	vld [tilespmem:s12+$0xFFFFFFA0];
	v13 =	vunpack.i.l.bf16.f32 v17;
	v17 =	vunpack.i.u.bf16.f32 v17;
	v15 =	vmul.f32 v15, v10  }
0x35c: {  	v29 =	vld [tilespmem:s25+$0x76A0];
	v13 =	vmul.f32 v18, v13;
	v18 =	vmov s10;
	v14 =	vmul.f32 v14, v17  }
0x35d: {  	v16 =	vld [tilespmem:s26+$0x76A0];
	v17 =	vmul.f32 $1.442695020e+00, v18;
	v18 =	vbroadcast v30, $0x0  }
0x35e: {  	v12 =	vunpack.i.u.bf16.f32 v12;
	v30 =	vld [tilespmem:s12+$0x20];
	v13 =	vmul.f32 v13, v11;
	v14 =	vmul.f32 v14, v11  }
0x35f: {  	[tilespmem:s1+$0xFFFFFF50] =	vst v15;
	v17 =	vbroadcast v17, $0x0;
	(erf) = vpow2.f32 v18;
	v18 =	vunpack.i.u.bf16.f32 v43  }
0x360: {  	v53 =	vld [tilespmem:s17+$0xFFFFFFD0];
	[tilespmem:s7+$0xC0] =	vst v13;
	v26 =	vmul.f32 v12, v18;
	v12 =	vmul.f32 v28, v10  }
0x361: {  	v36 =	vunpack.i.u.bf16.f32 v48;
	v41 =	vld [tilespmem:s17+$0xFFFFFF50];
	v15 =	vunpack.i.u.bf16.f32 v29;
	[tilespmem:s7+$0xD0] =	vst v14;
	v13 =	vunpack.i.u.bf16.f32 v27  }
0x362: {  	v14 =	vunpack.i.l.bf16.f32 v27;
	(erf) = vpow2.f32 v17;
	v17 =	vld [tilespmem:s2+$0xB0];
	[tilespmem:s1+$0xFFFFFF40] =	vst v12;
	v12 =	vunpack.i.u.bf16.f32 v16  }
0x363: {  	v27 =	vld [tilespmem:s9+$0x76B0];
	v16 =	vunpack.i.l.bf16.f32 v16;
	v18 =	vunpack.i.u.bf16.f32 v30;
	v28 =	vunpack.i.l.bf16.f32 v30  }
0x364: {  	v30 =	vunpack.i.l.bf16.f32 v29;
	v14 =	vmul.f32 v16, v14;
	v12 =	vmul.f32 v12, v13  }
0x365: {  	v45 =	vld [tilespmem:s17+$0xFFFFFF40];
	v38 =	vunpack.i.u.bf16.f32 v53;
	s11 =	spop (v2sf);
	v13 =	vmul.f32 v30, v28;
	v18 =	vmul.f32 v15, v18  }
0x366: {  	v40 =	vunpack.i.l.bf16.f32 v48;
	v16 =	vld [tilespmem:s12+$0xFFFFFF30];
	s9 =	sshll.u32 s11, $0x9;
	v15 =	vmul.f32 v14, v9;
	v14 =	vmul.f32 v12, v9  }
0x367: {  	v61 =	vunpack.i.l.bf16.f32 v41;
	v31 =	vmul.f32 v13, v8;
	v13 =	vld [tilespmem:s17+$0xFFFFFFC0];
	s9 =	sshra.s32 s9, $0x2;
	v32 =	vmul.f32 v18, v8  }
0x368: {  	s19 =	spop (v2sf);
	v28 =	vunpack.i.l.bf16.f32 v17;
	v17 =	vunpack.i.u.bf16.f32 v17;
	v29 =	vunpack.i.u.bf16.f32 v27;
	v47 =	vld [tilespmem:s9+$0x76C0];
	v12 =	vpop (erf)  }
0x369: {  	s10 =	sshll.u32 s19, $0x9;
	v18 =	vunpack.i.l.bf16.f32 v27;
	v50 =	vld [tilespmem:s9+$0x76D0];
	v17 =	vmul.f32 v29, v17;
	v12 =	vadd.f32 $1.000000000e+00, v12  }
0x36a: {  	v41 =	vunpack.i.u.bf16.f32 v41;
	v43 =	vunpack.i.l.bf16.f32 v53;
	s11 =	sshra.s32 s10, $0x2;
	v63 =	vld [tilespmem:s9+$0x76E0];
	v18 =	vmul.f32 v18, v28;
	v30 =	vpop (erf)  }
0x36b: {  	v46 =	vld [tilespmem:s11+$0x76C0];
	v27 =	vadd.f32 $1.000000000e+00, v30;
	v28 =	vmul.f32 v17, v11;
	v30 =	vpop (erf);
	(erf) = vrcp.f32 v12  }
0x36c: {  	v17 =	vunpack.i.l.bf16.f32 v13;
	v13 =	vunpack.i.u.bf16.f32 v13;
	v29 =	vadd.f32 $1.000000000e+00, v30  }
0x36d: {  	s20 =	spop (v2sf);
	(erf) = vrcp.f32 v27;
	v30 =	vunpack.i.l.bf16.f32 v16;
	v27 =	vmul.f32 v18, v11  }
0x36e: {  	v56 =	vld [tilespmem:s17+$0x50];
	s19 =	sshll.u32 s20, $0x9;
	v11 =	vunpack.i.u.bf16.f32 v45;
	v52 =	vunpack.i.l.bf16.f32 v47;
	v35 =	vunpack.i.u.bf16.f32 v47  }
0x36f: {  	s10 =	sshra.s32 s19, $0x2;
	s22 =	spop (v2sf);
	v60 =	vunpack.i.l.bf16.f32 v50;
	v33 =	vunpack.i.u.bf16.f32 v50;
	v53 =	vunpack.i.l.bf16.f32 v63  }
0x370: {  	v49 =	vld [tilespmem:s10+$0x76C0];
	s24 =	ssub.f32 $0.0e+00, s22;
	v63 =	vunpack.i.u.bf16.f32 v63;
	v51 =	vunpack.i.l.bf16.f32 v46;
	v17 =	vadd.f32 v52, v17  }
0x371: {  	v55 =	vld [tilespmem:s10+$0x76D0];
	v34 =	vunpack.i.u.bf16.f32 v46;
	v13 =	vadd.f32 v35, v13;
	v33 =	vadd.f32 v33, v38  }
0x372: {  	v12 =	vmov s24;
	(erf) = vrcp.f32 v29;
	v29 =	vunpack.i.u.bf16.f32 v16  }
0x373: {  	v18 =	vld [tilespmem:s11+$0x76D0];
	v16 =	vunpack.i.l.bf16.f32 v45;
	v11 =	vadd.f32 v34, v11;
	v45 =	vunpack.i.l.bf16.f32 v56  }
0x374: {  	v48 =	vld [tilespmem:s17+$0x60];
	v16 =	vadd.f32 v51, v16;
	v17 =	vmax.f32 v17, $0.0e+00;
	v13 =	vmax.f32 v13, $0.0e+00  }
0x375: {  	v62 =	vld [tilespmem:s11+$0x76E0];
	v33 =	vmax.f32 v33, $0.0e+00;
	v12 =	vmul.f32 $1.442695020e+00, v12;
	v42 =	vunpack.i.l.bf16.f32 v49  }
0x376: {  	v47 =	vld [tilespmem:s17+$0xFFFFFFE0];
	v37 =	vunpack.i.u.bf16.f32 v49;
	v17 =	vmul.f32 v17, v0;
	v44 =	vunpack.i.l.bf16.f32 v55  }
0x377: {  	v11 =	vmax.f32 v11, $0.0e+00;
	v13 =	vmul.f32 v13, v1;
	v54 =	vadd.f32 v42, v40  }
0x378: {  	v16 =	vmax.f32 v16, $0.0e+00;
	v58 =	vadd.f32 v37, v36;
	v59 =	vunpack.i.l.bf16.f32 v18  }
0x379: {  	v46 =	vld [tilespmem:s17+$0xFFFFFF60];
	v37 =	vadd.f32 v60, v43;
	v11 =	vmul.f32 v11, v1;
	v44 =	vadd.f32 v44, v45  }
0x37a: {  	v18 =	vunpack.i.u.bf16.f32 v18;
	v40 =	vunpack.i.u.bf16.f32 v55;
	v42 =	vunpack.i.u.bf16.f32 v56  }
0x37b: {  	v55 =	vunpack.i.l.bf16.f32 v47;
	v56 =	vunpack.i.l.bf16.f32 v48;
	v60 =	vunpack.i.u.bf16.f32 v62  }
0x37c: {  	v12 =	vbroadcast v12, $0x0;
	v36 =	vadd.f32 v59, v61;
	v17 =	vadd.f32 $0.0e+00, v17  }
0x37d: {  	v16 =	vmul.f32 v16, v0;
	v18 =	vadd.f32 v18, v41;
	v50 =	vadd.f32 v40, v42  }
0x37e: {  	v52 =	vunpack.i.l.bf16.f32 v46;
	v57 =	vmax.f32 v54, $0.0e+00;
	v35 =	vmax.f32 v58, $0.0e+00  }
0x37f: {  	v37 =	vmax.f32 v37, $0.0e+00;
	v49 =	vmax.f32 v44, $0.0e+00;
	v58 =	vadd.f32 v53, v55  }
0x380: {  	(erf) = vpow2.f32 v12;
	v34 =	vmul.f32 v57, v0;
	v16 =	vadd.f32 $0.0e+00, v16  }
0x381: {  	v45 =	vld [tilespmem:s10+$0x76E0];
	v35 =	vmul.f32 v35, v1;
	v36 =	vmax.f32 v36, $0.0e+00;
	v13 =	vadd.f32 v17, v13  }
0x382: {  	v17 =	vunpack.i.l.bf16.f32 v62;
	v51 =	vmul.f32 v49, v2;
	v18 =	vmax.f32 v18, $0.0e+00  }
0x383: {  	v57 =	vmax.f32 v50, $0.0e+00;
	v62 =	vunpack.i.u.bf16.f32 v46;
	v50 =	vunpack.i.u.bf16.f32 v47  }
0x384: {  	v41 =	vld [tilespmem:s11+$0x76F0];
	v36 =	vmul.f32 v36, v2;
	v17 =	vadd.f32 v17, v52;
	v18 =	vmul.f32 v18, v3  }
0x385: {  	v61 =	vmul.f32 v57, v3;
	v38 =	vmax.f32 v58, $0.0e+00;
	v42 =	vadd.f32 v63, v50  }
0x386: {  	v44 =	vld [tilespmem:s17+$0xFFFFFF70];
	v34 =	vadd.f32 $0.0e+00, v34;
	v11 =	vadd.f32 v16, v11;
	v54 =	vunpack.i.l.bf16.f32 v45  }
0x387: {  	v16 =	vmul.f32 v37, v2;
	v49 =	vunpack.i.u.bf16.f32 v45;
	v59 =	vadd.f32 v54, v56  }
0x388: {  	v17 =	vmax.f32 v17, $0.0e+00;
	v42 =	vmax.f32 v42, $0.0e+00;
	v34 =	vadd.f32 v34, v35  }
0x389: {  	v12 =	vunpack.i.u.bf16.f32 v41;
	v11 =	vadd.f32 v36, v11;
	v13 =	vadd.f32 v16, v13  }
0x38a: {  	v52 =	vld [tilespmem:s17+$0xFFFFFFF0];
	v16 =	vmul.f32 v33, v3;
	v36 =	vadd.f32 v60, v62;
	v17 =	vmul.f32 v17, v4  }
0x38b: {  	v37 =	vld [tilespmem:s10+$0x76F0];
	v56 =	vunpack.i.l.bf16.f32 v44;
	v63 =	vmul.f32 v42, v5;
	v46 =	vunpack.i.u.bf16.f32 v44  }
0x38c: {  	v53 =	vmax.f32 v59, $0.0e+00;
	v39 =	vadd.f32 v12, v46;
	v34 =	vadd.f32 v51, v34  }
0x38d: {  	v54 =	vld [tilespmem:s17+$0x70];
	v51 =	vunpack.i.u.bf16.f32 v48;
	v11 =	vadd.f32 v11, v18;
	v13 =	vadd.f32 v13, v16  }
0x38e: {  	v16 =	vmul.f32 v38, v4;
	v18 =	vunpack.i.l.bf16.f32 v41;
	v55 =	vmul.f32 v53, v4  }
0x38f: {  	v36 =	vmax.f32 v36, $0.0e+00;
	v59 =	vunpack.i.l.bf16.f32 v52;
	v47 =	vunpack.i.u.bf16.f32 v52  }
0x390: {  	v33 =	vld [tilespmem:s9+$0x76F0];
	v43 =	vadd.f32 v49, v51;
	v58 =	vunpack.i.l.bf16.f32 v37;
	v18 =	vadd.f32 v18, v56  }
0x391: {  	v37 =	vunpack.i.u.bf16.f32 v37;
	v51 =	vmax.f32 v39, $0.0e+00;
	v34 =	vadd.f32 v34, v61  }
0x392: {  	v60 =	vunpack.i.l.bf16.f32 v54;
	v11 =	vadd.f32 v17, v11;
	v17 =	vmul.f32 v36, v5  }
0x393: {  	v13 =	vadd.f32 v16, v13;
	v62 =	vadd.f32 v58, v60;
	v18 =	vmax.f32 v18, $0.0e+00  }
0x394: {  	v40 =	vunpack.i.u.bf16.f32 v54;
	v18 =	vmul.f32 v18, v6;
	v17 =	vadd.f32 v11, v17  }
0x395: {  	v57 =	vunpack.i.l.bf16.f32 v33;
	v37 =	vadd.f32 v37, v40;
	v36 =	vmax.f32 v62, $0.0e+00  }
0x396: {  	v12 =	vpop (erf);
	v48 =	vld [tilespmem:s11+$0x7680];
	v50 =	vmul.f32 v36, v6;
	v17 =	vadd.f32 v18, v17;
	v36 =	vmul.f32 v51, v7  }
0x397: {  	v52 =	vld [tilespmem:s10+$0x7680];
	v19 =	vmul.f32 v12, v19;
	v61 =	vadd.f32 v57, v59;
	v16 =	vadd.f32 v55, v34  }
0x398: {  	v43 =	vmax.f32 v43, $0.0e+00;
	v34 =	vadd.f32 v13, v63;
	v13 =	vpop (erf);
	v17 =	vadd.f32 v17, v36  }
0x399: {  	v49 =	vld [tilespmem:s9+$0x7680];
	v22 =	vmul.f32 v12, v22;
	v33 =	vunpack.i.u.bf16.f32 v33;
	v45 =	vmul.f32 v43, v5;
	v11 =	vpop (erf)  }
0x39a: {  	v33 =	vadd.f32 v33, v47;
	v37 =	vmax.f32 v37, $0.0e+00;
	v38 =	vmax.f32 v61, $0.0e+00;
	v53 =	vpop (erf);
	(xrf2) =	vadd.scan.msk.f32 $0xffff, v17  }
0x39b: {  	v54 =	vld [tilespmem:s17+$0xFFFFFF80];
	v58 =	vunpack.i.u.bf16.f32 v48;
	v38 =	vmul.f32 v38, v6;
	v56 =	vadd.f32 $1.000000000e+00, v53  }
0x39c: {  	v57 =	vld [tilespmem:s17+$0x0];
	v41 =	vunpack.i.l.bf16.f32 v48;
	v39 =	vunpack.i.l.bf16.f32 v52;
	v33 =	vmax.f32 v33, $0.0e+00  }
0x39d: {  	[tilespmem:s1+$0xFFFFFFC0] =	vst v15;
	v59 =	vld [tilespmem:s28+$0x76B0];
	v33 =	vmul.f32 v33, v7;
	v34 =	vadd.f32 v38, v34;
	(erf) = vrcp.f32 v56  }
0x39e: {  	[tilespmem:s1+$0xFFFFFFD0] =	vst v14;
	v63 =	vld [tilespmem:s8+$0x7680];
	v16 =	vadd.f32 v16, v45;
	v55 =	vmul.f32 v37, v7;
	v60 =	vunpack.i.u.bf16.f32 v49  }
0x39f: {  	[tilespmem:s1+$0x40] =	vst v31;
	v62 =	vld [tilespmem:s17+$0x80];
	v15 =	vunpack.i.l.bf16.f32 v49;
	v61 =	vunpack.i.u.bf16.f32 v52;
	v33 =	vadd.f32 v34, v33  }
0x3a0: {  	[tilespmem:s1+$0x50] =	vst v32;
	v42 =	vunpack.i.l.bf16.f32 v54;
	v25 =	vmul.f32 v13, v25;
	v16 =	vadd.f32 v50, v16  }
0x3a1: {  	v18 =	vld [tilespmem:s17+$0xFFFFFF00];
	v14 =	vunpack.i.u.bf16.f32 v54;
	v23 =	vmul.f32 v13, v23;
	v15 =	vmul.f32 v15, v42;
	(xrf2) =	vadd.scan.msk.f32 $0xffff, v33  }
0x3a2: {  	[tilespmem:s7+$0xFFFFFF00] =	vst v19;
	v14 =	vmul.f32 v60, v14;
	v24 =	vmul.f32 v11, v24;
	v35 =	vadd.f32 v16, v55  }
0x3a3: {  	[tilespmem:s7+$0xFFFFFF10] =	vst v22;
	v48 =	vld [tilespmem:s12+$0xFFFFFFB0];
	v47 =	vunpack.i.l.bf16.f32 v57;
	v49 =	vunpack.i.u.bf16.f32 v57;
	v50 =	vunpack.i.u.bf16.f32 v59  }
0x3a4: {  	v51 =	vld [tilespmem:s26+$0x76B0];
	v52 =	vunpack.i.l.bf16.f32 v63;
	v54 =	vunpack.i.u.bf16.f32 v63;
	v19 =	vunpack.i.u.bf16.f32 v62;
	v60, _, _ =	vpop (xrf2);
	(xrf2) =	vadd.scan.msk.f32 $0xffff, v35  }
0x3a5: {  	v53 =	vld [tilespmem:s12+$0x30];
	v31 =	vunpack.i.l.bf16.f32 v62;
	[tilespmem:s7+$0x0] =	vst v24;
	v24 =	vmul.f32 v50, v29;
	v40 =	vmul.f32 v54, v19  }
0x3a6: {  	v57 =	vld [tilespmem:s2+$0xFFFFFF10];
	v16 =	vunpack.i.u.bf16.f32 v18;
	v17 =	vunpack.i.l.bf16.f32 v18;
	v34 =	vmul.f32 v52, v31;
	v22 =	vpop (erf)  }
0x3a7: {  	[tilespmem:s7+$0xFFFFFF90] =	vst v23;
	v56 =	vunpack.i.l.bf16.f32 v59;
	v19 =	vmul.f32 v61, v49;
	v59 =	vld [tilespmem:s16+$0x7690];
	v23 =	vmul.f32 v22, v40  }
0x3a8: {  	[tilespmem:s7+$0xFFFFFF80] =	vst v25;
	v31 =	vunpack.i.u.bf16.f32 v48;
	v61 =	vmul.f32 v11, v26;
	v25 =	vmul.f32 v22, v34  }
0x3a9: {  	s12 =	simm.s32 $0x17380;
	v63 =	vld [tilespmem:s2+$0xFFFFFF90];
	v62 =	vunpack.i.l.bf16.f32 v51;
	v17 =	vmul.f32 v41, v17;
	(v2sf) =	vpush v60, $0xF  }
0x3aa: {  	v18 =	vmul.f32 v58, v16;
	v16 =	vmul.f32 v39, v47;
	v58 =	vunpack.i.l.bf16.f32 v48;
	v48 =	vld [tilespmem:s15+$0x7690];
	[tilespmem:s12+$0x80] =	vst v25  }
0x3ab: {  	v55 =	vld [tilespmem:s25+$0x76B0];
	v33 =	vunpack.i.u.bf16.f32 v51;
	v26 =	vunpack.i.u.bf16.f32 v53;
	v36 =	vunpack.i.l.bf16.f32 v57;
	[tilespmem:s12+$0x90] =	vst v23;
	v23, _, _ =	vpop (xrf2)  }
0x3ac: {  	v51 =	vunpack.i.l.bf16.f32 v59;
	v25 =	vmul.f32 v56, v30;
	v30 =	vld [tilespmem:s17+$0x90];
	(v2sf) =	vpush v23, $0xF  }
0x3ad: {  	v29 =	vunpack.i.u.bf16.f32 v57;
	v50 =	vunpack.i.u.bf16.f32 v59;
	v36 =	vmul.f32 v51, v36;
	v49 =	vld [tilespmem:s8+$0x7690]  }
0x3ae: {  	[tilespmem:s7+$0x10] =	vst v61;
	v52 =	vunpack.i.u.bf16.f32 v63;
	v29 =	vmul.f32 v50, v29;
	v23 =	vmul.f32 v62, v58;
	v62, _, _ =	vpop (xrf2)  }
0x3af: {  	[tilespmem:s1+$0xF0] =	vst v21;
	v21 =	vunpack.i.u.bf16.f32 v48;
	v34 =	vunpack.i.l.bf16.f32 v53;
	v53 =	vld [tilespmem:s2+$0x10];
	(v2sf) =	vpush v62, $0xF  }
0x3b0: {  	[tilespmem:s7+$0xF0] =	vst v28;
	v32 =	vunpack.i.u.bf16.f32 v55;
	v54 =	vunpack.i.l.bf16.f32 v63;
	v28 =	vmul.f32 v21, v52;
	v56 =	vld [tilespmem:s13+$0x7690]  }
0x3b1: {  	v36 =	vmul.f32 v12, v36;
	v29 =	vmul.f32 v12, v29;
	v35 =	vunpack.i.l.bf16.f32 v55  }
0x3b2: {  	[tilespmem:s1+$0xE0] =	vst v20;
	v55 =	vunpack.i.l.bf16.f32 v48;
	v20 =	vunpack.i.l.bf16.f32 v30;
	v58 =	vunpack.i.l.bf16.f32 v49  }
0x3b3: {  	[tilespmem:s7+$0xFFFFFF20] =	vst v36;
	v30 =	vunpack.i.u.bf16.f32 v30;
	v38 =	vunpack.i.u.bf16.f32 v49;
	v20 =	vmul.f32 v58, v20  }
0x3b4: {  	v57 =	vmul.f32 v55, v54;
	[tilespmem:s7+$0xFFFFFF30] =	vst v29;
	v59 =	vunpack.i.u.bf16.f32 v53;
	v21 =	vmul.f32 v38, v30  }
0x3b5: {  	v29 =	vunpack.i.l.bf16.f32 v53;
	v61 =	vunpack.i.l.bf16.f32 v56;
	v60 =	vmul.f32 v22, v20;
	v20 =	vld [tilespmem:s2+$0xFFFFFF20]  }
0x3b6: {  	[tilespmem:s7+$0xE0] =	vst v27;
	v63 =	vunpack.i.u.bf16.f32 v56;
	v27 =	vmul.f32 v61, v29;
	v30 =	vmul.f32 v22, v21;
	v21 =	vld [tilespmem:s16+$0x76A0]  }
0x3b7: {  	s26 =	sadd.s32 $0x4, s14;
	s14 =	simm.s32 $0x12380;
	s25 =	simm.s32 $0x8;
	v29 =	vmul.f32 v13, v57;
	v36 =	vmul.f32 v63, v59;
	[tilespmem:s12+$0xA0] =	vst v60  }
.LBB2_7:
0x3b8: {  	v37 =	vld [tilespmem:s26+$0x0];
	[tilespmem:s12+$0xB0] =	vst v30;
	s19 =	spop (v2sf);
	v28 =	vmul.f32 v13, v28;
	v27 =	vmul.f32 v11, v27  }
0x3b9: {  	v31 =	vmul.f32 v33, v31;
	s19 =	ssub.f32 $0.0e+00, s19;
	v30 =	vld [tilespmem:s17+$0xA0];
	[tilespmem:s7+$0xFFFFFFA0] =	vst v29;
	v29 =	vmul.f32 v11, v36  }
0x3ba: {  	v33 =	vld [tilespmem:s8+$0x76A0];
	v36 =	vunpack.i.u.bf16.f32 v20;
	v38 =	vunpack.i.l.bf16.f32 v20;
	[tilespmem:s7+$0xFFFFFFB0] =	vst v28;
	v20 =	vmul.f32 v35, v34  }
0x3bb: {  	v28 =	vld [tilespmem:s26+$0xFFFFFFFE];
	v34 =	vmov s19;
	s19 =	spop (v2sf);
	v35 =	vunpack.i.u.bf16.f32 v21;
	v21 =	vunpack.i.l.bf16.f32 v21;
	[tilespmem:s7+$0x20] =	vst v27  }
0x3bc: {  	v27 =	vld [tilespmem:s26+$0xFFFFFFFF];
	v34 =	vmul.f32 $1.442695020e+00, v34;
	s19 =	ssub.f32 $0.0e+00, s19;
	v21 =	vmul.f32 v21, v38;
	[tilespmem:s7+$0x30] =	vst v29  }
0x3bd: {  	v26 =	vmul.f32 v32, v26;
	v35 =	vmul.f32 v35, v36;
	v29 =	vld [tilespmem:s26+$0xFFFFFFFD];
	(v2sf) =	vpush v37, $0x0  }
0x3be: {  	s25 =	sadd.s32 $0x4, s25;
	v32 =	vbroadcast v34, $0x0;
	v34 =	vmov s19;
	s19 =	spop (v2sf);
	v21 =	vmul.f32 v21, v12;
	v36 =	vld [tilespmem:s2+$0xFFFFFFA0]  }
0x3bf: {  	p0 =	slt.u32 s25, $0x4C;
	v37 =	vunpack.i.l.bf16.f32 v30;
	v34 =	vmul.f32 $1.442695020e+00, v34;
	s19 =	ssub.f32 $0.0e+00, s19;
	v38 =	vunpack.i.l.bf16.f32 v33;
	v39 =	vld [tilespmem:s15+$0x76A0]  }
0x3c0: {  	v30 =	vunpack.i.u.bf16.f32 v30;
	v33 =	vunpack.i.u.bf16.f32 v33;
	v37 =	vmul.f32 v38, v37;
	[tilespmem:s7+$0xFFFFFF40] =	vst v21;
	v21 =	vld [tilespmem:s2+$0x20]  }
0x3c1: {  	v30 =	vmul.f32 v33, v30;
	(v2sf) =	vpush v28, $0x0;
	v28 =	vmov s19;
	v33 =	vld [tilespmem:s13+$0x76A0]  }
0x3c2: {  	(v2sf) =	vpush v29, $0x0;
	v28 =	vmul.f32 $1.442695020e+00, v28;
	v29 =	vmul.f32 v37, v22  }
0x3c3: {  	v30 =	vmul.f32 v30, v22;
	(v2sf) =	vpush v27, $0x0;
	v27 =	vbroadcast v34, $0x0  }
0x3c4: {  	v28 =	vbroadcast v28, $0x0;
	[tilespmem:s12+$0xC0] =	vst v29;
	(erf) = vpow2.f32 v32;
	v29 =	vunpack.i.u.bf16.f32 v36  }
0x3c5: {  	[tilespmem:s12+$0xD0] =	vst v30;
	(erf) = vpow2.f32 v27;
	v27 =	vunpack.i.l.bf16.f32 v36;
	v30 =	vunpack.i.u.bf16.f32 v39  }
0x3c6: {  	v34 =	vunpack.i.u.bf16.f32 v21;
	v32 =	vld [tilespmem:s17+$0xB0];
	(erf) = vpow2.f32 v28;
	v28 =	vunpack.i.l.bf16.f32 v39  }
0x3c7: {  	v21 =	vunpack.i.l.bf16.f32 v21;
	v37 =	vunpack.i.u.bf16.f32 v33;
	v33 =	vunpack.i.l.bf16.f32 v33;
	v36 =	vld [tilespmem:s8+$0x76B0]  }
0x3c8: {  	v27 =	vmul.f32 v28, v27;
	v28 =	vmul.f32 v30, v29  }
0x3c9: {  	v21 =	vmul.f32 v33, v21;
	v29 =	vmul.f32 v37, v34  }
0x3ca: {  	v30 =	vmul.f32 v35, v12;
	v27 =	vmul.f32 v27, v13  }
0x3cb: {  	v28 =	vmul.f32 v28, v13;
	v21 =	vmul.f32 v21, v11;
	v33 =	vunpack.i.l.bf16.f32 v32  }
0x3cc: {  	v29 =	vmul.f32 v29, v11;
	v32 =	vunpack.i.u.bf16.f32 v32;
	s8 =	spop (v2sf);
	v35 =	vunpack.i.u.bf16.f32 v36;
	[tilespmem:s7+$0xFFFFFF50] =	vst v30  }
0x3cd: {  	v25 =	vmul.f32 v25, v10;
	s17 =	sadd.s32 $0x200, s17;
	v30 =	vunpack.i.l.bf16.f32 v36;
	s8 =	sshll.u32 s8, $0x9;
	v32 =	vmul.f32 v35, v32;
	v34 =	vpop (erf);
	v35 =	vld [tilespmem:s2+$0xFFFFFF30];
	[tilespmem:s7+$0xFFFFFFC0] =	vst v27  }
0x3ce: {  	v24 =	vmul.f32 v24, v10;
	v30 =	vmul.f32 v30, v33;
	v27 =	vld [tilespmem:s17+$0xC0];
	s8 =	sshra.s32 s8, $0x2;
	v34 =	vadd.f32 $1.000000000e+00, v34;
	v33 =	vpop (erf);
	[tilespmem:s7+$0xFFFFFFD0] =	vst v28  }
0x3cf: {  	v23 =	vmul.f32 v23, v9;
	v28 =	vld [tilespmem:s8+$0x76C0];
	v33 =	vadd.f32 $1.000000000e+00, v33;
	v32 =	vmul.f32 v32, v22;
	v10 =	vpop (erf);
	[tilespmem:s7+$0x40] =	vst v21  }
0x3d0: {  	v36 =	vld [tilespmem:s17+$0xFFFFFF40];
	s19 =	spop (v2sf);
	v21 =	vadd.f32 $1.000000000e+00, v10;
	(erf) = vrcp.f32 v34;
	[tilespmem:s7+$0x50] =	vst v29;
	v29 =	vmul.f32 v31, v9;
	v10 =	vmovc v12;
	v9 =	vmovc v13  }
0x3d1: {  	v13 =	vmul.f32 v20, v8;
	v12 =	vld [tilespmem:s17+$0xFFFFFFC0];
	s19 =	sshll.u32 s19, $0x9;
	s20 =	spop (v2sf);
	[tilespmem:s12+$0xF0] =	vst v32;
	(erf) = vrcp.f32 v33  }
0x3d2: {  	s22 =	sshll.u32 s20, $0x9;
	s20 =	sshra.s32 s19, $0x2;
	v31 =	vld [tilespmem:s17+$0xD0];
	s24 =	spop (v2sf);
	(erf) = vrcp.f32 v21;
	v20 =	vunpack.i.u.bf16.f32 v35;
	v21 =	vunpack.i.l.bf16.f32 v35;
	[tilespmem:s1+$0xFFFFFF60] =	vst v25  }
0x3d3: {  	v22 =	vmul.f32 v30, v22;
	s19 =	sshra.s32 s22, $0x2;
	s22 =	sshll.u32 s24, $0x9;
	v25 =	vld [tilespmem:s8+$0x76D0];
	[tilespmem:s1+$0xFFFFFF70] =	vst v24;
	v24 =	vmul.f32 v26, v8;
	v8 =	vmov v11  }
0x3d4: {  	v11 =	vunpack.i.l.bf16.f32 v27;
	v26 =	vld [tilespmem:s19+$0x76C0];
	s24 =	sshra.s32 s22, $0x2;
	v30 =	vunpack.i.l.bf16.f32 v28;
	[tilespmem:s1+$0xFFFFFFE0] =	vst v23  }
0x3d5: {  	v23 =	vunpack.i.u.bf16.f32 v36;
	v32 =	vunpack.i.l.bf16.f32 v36;
	v34 =	vld [tilespmem:s20+$0x76C0];
	v11 =	vadd.f32 v30, v11;
	[tilespmem:s1+$0xFFFFFFF0] =	vst v29  }
0x3d6: {  	v27 =	vunpack.i.u.bf16.f32 v27;
	v28 =	vunpack.i.u.bf16.f32 v28;
	v29 =	vunpack.i.l.bf16.f32 v12;
	v30 =	vld [tilespmem:s17+$0xE0];
	[tilespmem:s1+$0x60] =	vst v13  }
0x3d7: {  	v36 =	vadd.f32 v28, v27;
	v35 =	vunpack.i.u.bf16.f32 v12;
	v11 =	vmax.f32 v11, $0.0e+00;
	v27 =	vld [tilespmem:s8+$0x76E0];
	[tilespmem:s1+$0x70] =	vst v24;
	s1 =	smov.u32 s7;
	s7 =	smov.u32 s12  }
0x3d8: {  	v37 =	vunpack.i.l.bf16.f32 v31;
	v24 =	vld [tilespmem:s24+$0x76C0];
	v40 =	vmul.f32 v11, v0;
	v28 =	vunpack.i.l.bf16.f32 v25;
	[tilespmem:s12+$0xE0] =	vst v22  }
0x3d9: {  	v33 =	vmax.f32 v36, $0.0e+00;
	v31 =	vunpack.i.u.bf16.f32 v31;
	v22 =	vld [tilespmem:s17+$0x40];
	v28 =	vadd.f32 v28, v37;
	v12 =	vpop (erf)  }
0x3da: {  	v33 =	vmul.f32 v33, v1;
	v39 =	vunpack.i.u.bf16.f32 v25;
	v36 =	vadd.f32 $0.0e+00, v40;
	v25 =	vld [tilespmem:s17+$0xF0];
	v13 =	vpop (erf)  }
0x3db: {  	v31 =	vadd.f32 v39, v31;
	v28 =	vmax.f32 v28, $0.0e+00;
	v37 =	vunpack.i.l.bf16.f32 v30;
	v38 =	vld [tilespmem:s8+$0x76F0];
	v11 =	vpop (erf)  }
0x3dc: {  	v44 =	vld [tilespmem:s19+$0x76D0];
	v33 =	vadd.f32 v36, v33;
	v28 =	vmul.f32 v28, v2;
	v36 =	vunpack.i.l.bf16.f32 v27  }
0x3dd: {  	v31 =	vmax.f32 v31, $0.0e+00;
	v30 =	vunpack.i.u.bf16.f32 v30;
	v45 =	vld [tilespmem:s20+$0x76D0];
	v36 =	vadd.f32 v36, v37  }
0x3de: {  	v31 =	vmul.f32 v31, v3;
	v27 =	vunpack.i.u.bf16.f32 v27;
	v46 =	vld [tilespmem:s24+$0x76D0];
	v28 =	vadd.f32 v28, v33  }
0x3df: {  	v27 =	vadd.f32 v27, v30;
	v47 =	vld [tilespmem:s17+$0xFFFFFF50];
	v33 =	vmax.f32 v36, $0.0e+00;
	v30 =	vunpack.i.l.bf16.f32 v25  }
0x3e0: {  	v48 =	vld [tilespmem:s17+$0xFFFFFFD0];
	v28 =	vadd.f32 v28, v31;
	v31 =	vmul.f32 v33, v4;
	v33 =	vunpack.i.l.bf16.f32 v38  }
0x3e1: {  	v27 =	vmax.f32 v27, $0.0e+00;
	v25 =	vunpack.i.u.bf16.f32 v25;
	v49 =	vld [tilespmem:s17+$0x50];
	v30 =	vadd.f32 v33, v30  }
0x3e2: {  	v27 =	vmul.f32 v27, v5;
	v39 =	vld [tilespmem:s19+$0x76E0];
	v28 =	vadd.f32 v31, v28;
	v31 =	vunpack.i.u.bf16.f32 v38  }
0x3e3: {  	v33 =	vunpack.i.l.bf16.f32 v26;
	v40 =	vld [tilespmem:s20+$0x76E0];
	v30 =	vmax.f32 v30, $0.0e+00;
	v25 =	vadd.f32 v31, v25  }
0x3e4: {  	v31 =	vunpack.i.l.bf16.f32 v34;
	v41 =	vld [tilespmem:s24+$0x76E0];
	v27 =	vadd.f32 v28, v27;
	v28 =	vmul.f32 v30, v6  }
0x3e5: {  	v36 =	vunpack.i.l.bf16.f32 v24;
	v30 =	vunpack.i.l.bf16.f32 v22;
	v42 =	vld [tilespmem:s17+$0xFFFFFF60];
	v25 =	vmax.f32 v25, $0.0e+00  }
0x3e6: {  	v32 =	vadd.f32 v33, v32;
	v43 =	vld [tilespmem:s17+$0xFFFFFFE0];
	v27 =	vadd.f32 v28, v27;
	v25 =	vmul.f32 v25, v7  }
0x3e7: {  	v26 =	vunpack.i.u.bf16.f32 v26;
	v28 =	vadd.f32 v31, v29;
	v29 =	vadd.f32 v36, v30;
	v50 =	vld [tilespmem:s17+$0x60]  }
0x3e8: {  	v24 =	vunpack.i.u.bf16.f32 v24;
	v30 =	vunpack.i.u.bf16.f32 v34;
	v33 =	vld [tilespmem:s19+$0x76F0];
	v25 =	vadd.f32 v27, v25  }
0x3e9: {  	v22 =	vunpack.i.u.bf16.f32 v22;
	v27 =	vmax.f32 v32, $0.0e+00;
	v28 =	vmax.f32 v28, $0.0e+00;
	v34 =	vld [tilespmem:s20+$0x76F0]  }
0x3ea: {  	v23 =	vadd.f32 v26, v23;
	v26 =	vadd.f32 v30, v35;
	v29 =	vmax.f32 v29, $0.0e+00;
	v35 =	vld [tilespmem:s24+$0x76F0];
	(xrf2) =	vadd.scan.msk.f32 $0xffff, v25  }
0x3eb: {  	v22 =	vadd.f32 v24, v22;
	v31 =	vmul.f32 v28, v0;
	v25 =	vmul.f32 v27, v0;
	v36 =	vld [tilespmem:s17+$0xFFFFFF70]  }
0x3ec: {  	v24 =	vunpack.i.l.bf16.f32 v44;
	v29 =	vmul.f32 v29, v0;
	v27 =	vunpack.i.l.bf16.f32 v45;
	v37 =	vld [tilespmem:s17+$0xFFFFFFF0]  }
0x3ed: {  	v51 =	vunpack.i.l.bf16.f32 v46;
	v30 =	vunpack.i.l.bf16.f32 v47;
	v32 =	vunpack.i.l.bf16.f32 v48;
	v38 =	vld [tilespmem:s17+$0x70]  }
0x3ee: {  	v23 =	vmax.f32 v23, $0.0e+00;
	v52 =	vmax.f32 v26, $0.0e+00;
	v26 =	vunpack.i.l.bf16.f32 v49;
	v28 =	vld [tilespmem:s19+$0x7680]  }
0x3ef: {  	v22 =	vmax.f32 v22, $0.0e+00;
	v24 =	vadd.f32 v24, v30;
	v53 =	vadd.f32 v27, v32;
	v27 =	vld [tilespmem:s20+$0x7680]  }
0x3f0: {  	v23 =	vmul.f32 v23, v1;
	v54 =	vadd.f32 $0.0e+00, v25;
	v25 =	vadd.f32 v51, v26;
	v30 =	vld [tilespmem:s24+$0x7680]  }
0x3f1: {  	v52 =	vmul.f32 v52, v1;
	v55 =	vadd.f32 $0.0e+00, v29;
	v51 =	vadd.f32 $0.0e+00, v31;
	v26 =	vld [tilespmem:s17+$0xFFFFFF00]  }
0x3f2: {  	v44 =	vunpack.i.u.bf16.f32 v44;
	v56 =	vmul.f32 v22, v1;
	v45 =	vunpack.i.u.bf16.f32 v45;
	v31 =	vld [tilespmem:s17+$0xFFFFFF80]  }
0x3f3: {  	v46 =	vunpack.i.u.bf16.f32 v46;
	v22 =	vunpack.i.u.bf16.f32 v47;
	v47 =	vunpack.i.u.bf16.f32 v48;
	v32 =	vld [tilespmem:s17+$0x0]  }
0x3f4: {  	v49 =	vunpack.i.u.bf16.f32 v49;
	v24 =	vmax.f32 v24, $0.0e+00;
	v48 =	vmax.f32 v53, $0.0e+00;
	v53, _, _ =	vpop (xrf2);
	v29 =	vld [tilespmem:s16+$0x76B0];
	s16 =	smov.u32 s11;
	s11 =	smov.u32 s19  }
0x3f5: {  	v44 =	vadd.f32 v44, v22;
	v57 =	vmax.f32 v25, $0.0e+00;
	(v2sf) =	vpush v53, $0xF;
	v22 =	vld [tilespmem:s2+$0xFFFFFFB0]  }
0x3f6: {  	v46 =	vadd.f32 v46, v49;
	v45 =	vadd.f32 v45, v47;
	v53 =	vmul.f32 v24, v2;
	v25 =	vld [tilespmem:s15+$0x76B0];
	s15 =	smov.u32 s9;
	s9 =	smov.u32 s20  }
0x3f7: {  	v47 =	vadd.f32 v54, v23;
	v49 =	vadd.f32 v51, v52;
	v48 =	vmul.f32 v48, v2;
	v23 =	vld [tilespmem:s2+$0x30];
	s2 =	smov.u32 s14;
	s14 =	smov.u32 s17  }
0x3f8: {  	v51 =	vunpack.i.l.bf16.f32 v39;
	v52 =	vadd.f32 v55, v56;
	v54 =	vmul.f32 v57, v2;
	v24 =	vld [tilespmem:s13+$0x76B0];
	s13 =	smov.u32 s10;
	s10 =	smov.u32 s24  }
0x3f9: {  	v55 =	vunpack.i.l.bf16.f32 v42;
	v56 =	vunpack.i.l.bf16.f32 v40;
	v57 =	vunpack.i.l.bf16.f32 v41  }
0x3fa: {  	v44 =	vmax.f32 v44, $0.0e+00;
	v58 =	vunpack.i.l.bf16.f32 v43;
	v59 =	vunpack.i.l.bf16.f32 v50  }
0x3fb: {  	v46 =	vmax.f32 v46, $0.0e+00;
	v45 =	vmax.f32 v45, $0.0e+00;
	v51 =	vadd.f32 v51, v55  }
0x3fc: {  	v44 =	vmul.f32 v44, v3;
	v55 =	vadd.f32 v56, v58;
	v56 =	vadd.f32 v57, v59  }
0x3fd: {  	v45 =	vmul.f32 v45, v3;
	v48 =	vadd.f32 v48, v49;
	v47 =	vadd.f32 v53, v47  }
0x3fe: {  	v46 =	vmul.f32 v46, v3;
	v39 =	vunpack.i.u.bf16.f32 v39;
	v49 =	vadd.f32 v54, v52  }
0x3ff: {  	v42 =	vunpack.i.u.bf16.f32 v42;
	v40 =	vunpack.i.u.bf16.f32 v40;
	v41 =	vunpack.i.u.bf16.f32 v41  }
0x400: {  	v43 =	vunpack.i.u.bf16.f32 v43;
	v50 =	vunpack.i.u.bf16.f32 v50;
	v51 =	vmax.f32 v51, $0.0e+00  }
0x401: {  	v39 =	vadd.f32 v39, v42;
	v42 =	vmax.f32 v55, $0.0e+00;
	v52 =	vmax.f32 v56, $0.0e+00  }
0x402: {  	v40 =	vadd.f32 v40, v43;
	v41 =	vadd.f32 v41, v50;
	v51 =	vmul.f32 v51, v4  }
0x403: {  	v42 =	vmul.f32 v42, v4;
	v43 =	vadd.f32 v47, v44;
	v44 =	vadd.f32 v48, v45  }
0x404: {  	v46 =	vadd.f32 v49, v46;
	v45 =	vunpack.i.l.bf16.f32 v33;
	v47 =	vmul.f32 v52, v4;
	s19 =	spop (v2sf)  }
0x405: {  	v50 =	vunpack.i.l.bf16.f32 v35;
	v49 =	vunpack.i.l.bf16.f32 v34;
	v48 =	vunpack.i.l.bf16.f32 v36;
	s19 =	ssub.f32 $0.0e+00, s19  }
0x406: {  	v39 =	vmax.f32 v39, $0.0e+00;
	v53 =	vunpack.i.l.bf16.f32 v38;
	v52 =	vunpack.i.l.bf16.f32 v37  }
0x407: {  	v40 =	vmax.f32 v40, $0.0e+00;
	v41 =	vmax.f32 v41, $0.0e+00;
	v54 =	vmov s19  }
0x408: {  	v45 =	vadd.f32 v45, v48;
	v48 =	vadd.f32 v49, v52;
	v49 =	vmul.f32 $1.442695020e+00, v54  }
0x409: {  	v39 =	vmul.f32 v39, v5;
	v50 =	vadd.f32 v50, v53;
	v43 =	vadd.f32 v51, v43  }
0x40a: {  	v42 =	vadd.f32 v42, v44;
	v44 =	vadd.f32 v47, v46;
	v46 =	vbroadcast v49, $0x0  }
0x40b: {  	v40 =	vmul.f32 v40, v5;
	v41 =	vmul.f32 v41, v5;
	v33 =	vunpack.i.u.bf16.f32 v33  }
0x40c: {  	v35 =	vunpack.i.u.bf16.f32 v35;
	v34 =	vunpack.i.u.bf16.f32 v34;
	(erf) = vpow2.f32 v46  }
0x40d: {  	v38 =	vunpack.i.u.bf16.f32 v38;
	v36 =	vunpack.i.u.bf16.f32 v36;
	v37 =	vunpack.i.u.bf16.f32 v37  }
0x40e: {  	v47 =	vmax.f32 v50, $0.0e+00;
	v45 =	vmax.f32 v45, $0.0e+00;
	v46 =	vmax.f32 v48, $0.0e+00  }
0x40f: {  	v33 =	vadd.f32 v33, v36;
	v34 =	vadd.f32 v34, v37;
	v45 =	vmul.f32 v45, v6  }
0x410: {  	v35 =	vadd.f32 v35, v38;
	v36 =	vadd.f32 v43, v39;
	v37 =	vmul.f32 v46, v6  }
0x411: {  	v38 =	vadd.f32 v42, v40;
	v39 =	vadd.f32 v44, v41;
	v40 =	vmul.f32 v47, v6  }
0x412: {  	v35 =	vmax.f32 v35, $0.0e+00;
	v33 =	vmax.f32 v33, $0.0e+00;
	v34 =	vmax.f32 v34, $0.0e+00  }
0x413: {  	v33 =	vmul.f32 v33, v7;
	v36 =	vadd.f32 v45, v36;
	v37 =	vadd.f32 v37, v38  }
0x414: {  	v35 =	vmul.f32 v35, v7;
	v34 =	vmul.f32 v34, v7;
	v38 =	vadd.f32 v40, v39  }
0x415: {  	v33 =	vadd.f32 v36, v33;
	v36 =	vunpack.i.u.bf16.f32 v28;
	v28 =	vunpack.i.l.bf16.f32 v28;
	v39 =	vpop (erf)  }
0x416: {  	v34 =	vadd.f32 v37, v34;
	v37 =	vunpack.i.u.bf16.f32 v27;
	v39 =	vadd.f32 $1.000000000e+00, v39  }
0x417: {  	v27 =	vunpack.i.l.bf16.f32 v27;
	v35 =	vadd.f32 v38, v35;
	v38 =	vunpack.i.u.bf16.f32 v30  }
0x418: {  	v40 =	vunpack.i.u.bf16.f32 v26;
	v30 =	vunpack.i.l.bf16.f32 v30;
	(xrf2) =	vadd.scan.msk.f32 $0xffff, v33;
	(erf) = vrcp.f32 v39  }
0x419: {  	v26 =	vunpack.i.l.bf16.f32 v26;
	v33 =	vunpack.i.u.bf16.f32 v31;
	v31 =	vunpack.i.l.bf16.f32 v31;
	v39 =	vld [tilespmem:s17+$0x80]  }
0x41a: {  	v26 =	vmul.f32 v28, v26;
	v28 =	vunpack.i.u.bf16.f32 v32;
	v32 =	vunpack.i.l.bf16.f32 v32;
	v41 =	vld [tilespmem:s8+$0x7680]  }
0x41b: {  	v36 =	vmul.f32 v36, v40;
	v40 =	vunpack.i.u.bf16.f32 v29;
	v27 =	vmul.f32 v27, v31;
	(xrf2) =	vadd.scan.msk.f32 $0xffff, v34  }
0x41c: {  	v29 =	vunpack.i.l.bf16.f32 v29;
	v30 =	vmul.f32 v30, v32;
	v33 =	vmul.f32 v37, v33  }
0x41d: {  	v28 =	vmul.f32 v38, v28;
	v32 =	vmul.f32 v12, v17;
	v17 =	vmovc v26;
	v31 =	vunpack.i.u.bf16.f32 v22  }
0x41e: {  	v26 =	vmul.f32 v12, v18;
	v18 =	vmovc v36;
	v37 =	vunpack.i.l.bf16.f32 v22;
	v34 =	vmul.f32 v13, v15;
	(xrf2) =	vadd.scan.msk.f32 $0xffff, v35  }
0x41f: {  	v15 =	vmovc v27;
	v36 =	vunpack.i.l.bf16.f32 v39;
	v35 =	vunpack.i.l.bf16.f32 v41;
	[tilespmem:s12+$0xFFFFFF00] =	vst v32;
	v32 =	vmul.f32 v13, v14;
	v14 =	vmovc v33  }
0x420: {  	v27 =	vunpack.i.u.bf16.f32 v39;
	v33 =	vunpack.i.u.bf16.f32 v41;
	v36 =	vmul.f32 v35, v36;
	[tilespmem:s12+$0xFFFFFF10] =	vst v26  }
0x421: {  	v42 =	vmul.f32 v11, v16;
	v26 =	vmul.f32 v33, v27;
	v33 =	vunpack.i.u.bf16.f32 v25;
	v22 =	vpop (erf);
	v27 =	vld [tilespmem:s2+$0xFFFFFF10];
	[tilespmem:s12+$0xFFFFFF80] =	vst v34  }
0x422: {  	v38 =	vmul.f32 v11, v19;
	v39 =	vunpack.i.l.bf16.f32 v25;
	v34 =	vmul.f32 v22, v36;
	v35, _, _ =	vpop (xrf2);
	v36 =	vld [tilespmem:s16+$0x7690];
	[tilespmem:s12+$0xFFFFFF90] =	vst v32  }
0x423: {  	v16 =	vmovc v30;
	v19 =	vmovc v28;
	v25 =	vmul.f32 v22, v26;
	s12 =	sadd.s32 $0x200, s12;
	v26 =	vunpack.i.u.bf16.f32 v23;
	(v2sf) =	vpush v35, $0xF;
	v41 =	vld [tilespmem:s2+$0xFFFFFF90];
	[tilespmem:s7+$0x0] =	vst v42  }
0x424: {  	v32 =	vunpack.i.u.bf16.f32 v24;
	v35 =	vunpack.i.l.bf16.f32 v24;
	[tilespmem:s12+$0x80] =	vst v34;
	v28 =	vld [tilespmem:s15+$0x7690];
	v34 =	vunpack.i.l.bf16.f32 v23  }
0x425: {  	v24 =	vmul.f32 v40, v20;
	[tilespmem:s12+$0x90] =	vst v25;
	v23, _, _ =	vpop (xrf2);
	v25 =	vmul.f32 v29, v21  }
0x426: {  	v20 =	vld [tilespmem:s17+$0x90];
	(v2sf) =	vpush v23, $0xF;
	v21 =	vunpack.i.u.bf16.f32 v27;
	v27 =	vunpack.i.l.bf16.f32 v27;
	[tilespmem:s7+$0x10] =	vst v38  }
0x427: {  	v23 =	vmul.f32 v39, v37;
	v29 =	vld [tilespmem:s8+$0x7690];
	v30 =	vunpack.i.u.bf16.f32 v36;
	v36 =	vunpack.i.l.bf16.f32 v36  }
0x428: {  	v37, _, _ =	vpop (xrf2);
	v27 =	vmul.f32 v36, v27;
	v36 =	vunpack.i.u.bf16.f32 v41;
	v38 =	vunpack.i.l.bf16.f32 v41;
	v39 =	vld [tilespmem:s2+$0x10]  }
0x429: {  	(v2sf) =	vpush v37, $0xF;
	v37 =	vunpack.i.u.bf16.f32 v28;
	v28 =	vunpack.i.l.bf16.f32 v28;
	v40 =	vld [tilespmem:s13+$0x7690]  }
0x42a: {  	v21 =	vmul.f32 v30, v21;
	v38 =	vmul.f32 v28, v38  }
0x42b: {  	v27 =	vmul.f32 v12, v27;
	v28 =	vmul.f32 v37, v36  }
0x42c: {  	v21 =	vmul.f32 v12, v21;
	v30 =	vunpack.i.l.bf16.f32 v20;
	v36 =	vunpack.i.l.bf16.f32 v29  }
.Ltmp2:
0x42d: {  	v20 =	vunpack.i.u.bf16.f32 v20;
	v29 =	vunpack.i.u.bf16.f32 v29;
	v30 =	vmul.f32 v36, v30;
	[tilespmem:s7+$0xFFFFFF20] =	vst v27;
	(pc) =	sbr.rel @p0 .LBB2_7-.Ltmp2, $4  }
0x42e: {  	v27 =	vmul.f32 v29, v20;
	v36 =	vunpack.i.u.bf16.f32 v39;
	v29 =	vunpack.i.l.bf16.f32 v39;
	[tilespmem:s7+$0xFFFFFF30] =	vst v21  }
0x42f: {  	v39 =	vunpack.i.u.bf16.f32 v40;
	v40 =	vunpack.i.l.bf16.f32 v40;
	v37 =	vmul.f32 v22, v30;
	v20 =	vld [tilespmem:s2+$0xFFFFFF20]  }
0x430: {  	v30 =	vmul.f32 v22, v27;
	v27 =	vmul.f32 v40, v29;
	v21 =	vld [tilespmem:s16+$0x76A0]  }
0x431: {  	s26 =	sadd.s32 $0x4, s26;
	v29 =	vmul.f32 v13, v38;
	v36 =	vmul.f32 v39, v36;
	[tilespmem:s12+$0xA0] =	vst v37  }
0x432: {  	s19 =	spop (v2sf)  }
0x433: {  	s19 =	ssub.f32 $0.0e+00, s19;
	_ =	sdelay $0x1  }
0x434: {  	v37 =	vmov s19  }
0x435: {  	v37 =	vmul.f32 $1.442695020e+00, v37  }
0x436: {  	s25 =	spop (v2sf)  }
0x437: {  	s19 =	ssub.f32 $0.0e+00, s25;
	v37 =	vbroadcast v37, $0x0  }
0x438: {  	s20 =	spop (v2sf)  }
0x439: {  	v38 =	vmov s19;
	s26 =	ssub.f32 $0.0e+00, s20;
	(erf) = vpow2.f32 v37  }
0x43a: {  	v38 =	vmul.f32 $1.442695020e+00, v38  }
0x43b: {  	v61 =	vmov s26  }
0x43c: {  	v38 =	vbroadcast v38, $0x0;
	v37 =	vmul.f32 $1.442695020e+00, v61;
	_ =	sdelay $0x1  }
0x43d: {  	(erf) = vpow2.f32 v38;
	v37 =	vbroadcast v37, $0x0;
	_ =	sdelay $0x1  }
0x43e: {  	(erf) = vpow2.f32 v37;
	_ =	sdelay $0x1  }
0x43f: {  	[tilespmem:s12+$0xB0] =	vst v30;
	v63 =	vpop (erf)  }
0x440: {  	v30 =	vld [tilespmem:s17+$0xA0];
	v38 =	vadd.f32 $1.000000000e+00, v63  }
0x441: {  	v28 =	vmul.f32 v13, v28;
	v27 =	vmul.f32 v11, v27;
	v62 =	vld [tilespmem:s8+$0x76A0]  }
0x442: {  	v26 =	vmul.f32 v32, v26;
	(erf) = vrcp.f32 v38  }
0x443: {  	v25 =	vmul.f32 v25, v10;
	v36 =	vmul.f32 v11, v36  }
0x444: {  	[tilespmem:s7+$0xFFFFFFA0] =	vst v29;
	v29 =	vmul.f32 v33, v31;
	v33 =	vmul.f32 v35, v34;
	v48 =	vunpack.i.u.bf16.f32 v20;
	v41 =	vpop (erf)  }
0x445: {  	v44 =	vunpack.i.l.bf16.f32 v21;
	v50 =	vunpack.i.u.bf16.f32 v21;
	v34 =	vadd.f32 $1.000000000e+00, v41  }
0x446: {  	[tilespmem:s7+$0xFFFFFFB0] =	vst v28;
	v21 =	vmul.f32 v50, v48;
	v42 =	vunpack.i.l.bf16.f32 v30;
	v43 =	vunpack.i.l.bf16.f32 v62;
	v46 =	vpop (erf)  }
0x447: {  	[tilespmem:s7+$0x20] =	vst v27;
	v45 =	vld [tilespmem:s2+$0xFFFFFFA0];
	v30 =	vunpack.i.u.bf16.f32 v30;
	(erf) = vrcp.f32 v34;
	v35 =	vadd.f32 $1.000000000e+00, v46  }
0x448: {  	[tilespmem:s7+$0x30] =	vst v36;
	v47 =	vld [tilespmem:s15+$0x76A0];
	v21 =	vmul.f32 v21, v12;
	v28 =	vmul.f32 v43, v42;
	v37 =	vunpack.i.u.bf16.f32 v62  }
0x449: {  	v40 =	vunpack.i.l.bf16.f32 v20;
	v49 =	vld [tilespmem:s2+$0x20];
	v30 =	vmul.f32 v37, v30;
	(erf) = vrcp.f32 v35  }
0x44a: {  	v31 =	vmul.f32 v44, v40;
	v51 =	vld [tilespmem:s13+$0x76A0];
	v28 =	vmul.f32 v28, v22  }
0x44b: {  	v10 =	vmul.f32 v24, v10;
	[tilespmem:s7+$0xFFFFFF50] =	vst v21;
	v52 =	vmul.f32 v30, v22;
	v20 =	vpop (erf)  }
0x44c: {  	v53 =	vmul.f32 v31, v12;
	v54 =	vunpack.i.u.bf16.f32 v45;
	[tilespmem:s12+$0xC0] =	vst v28;
	v17 =	vmul.f32 v20, v17  }
0x44d: {  	v27 =	vunpack.i.l.bf16.f32 v45;
	v55 =	vunpack.i.u.bf16.f32 v47;
	[tilespmem:s12+$0xD0] =	vst v52;
	v18 =	vmul.f32 v20, v18  }
0x44e: {  	v56 =	vunpack.i.l.bf16.f32 v47;
	v21 =	vmul.f32 v23, v9;
	v28 =	vmul.f32 v55, v54;
	v57 =	vld [tilespmem:s17+$0xB0];
	[tilespmem:s12+$0xFFFFFF00] =	vst v17  }
0x44f: {  	v58 =	vunpack.i.u.bf16.f32 v49;
	v27 =	vmul.f32 v56, v27;
	v37 =	vunpack.i.u.bf16.f32 v51;
	v60 =	vld [tilespmem:s8+$0x76B0];
	[tilespmem:s12+$0xFFFFFF10] =	vst v18  }
0x450: {  	v59 =	vunpack.i.l.bf16.f32 v51;
	v28 =	vmul.f32 v28, v13;
	v62 =	vmul.f32 v37, v58;
	v41 =	vld [tilespmem:s14+$0xFFFFFF10];
	v17 =	vpop (erf)  }
0x451: {  	v63 =	vmul.f32 v27, v13;
	v34 =	vunpack.i.l.bf16.f32 v49;
	v43 =	vld [tilespmem:s11+$0x7690];
	v40 =	vmul.f32 v17, v15  }
0x452: {  	v61 =	vmul.f32 v59, v34;
	v15 =	vpop (erf);
	v14 =	vmul.f32 v17, v14  }
0x453: {  	v34 =	vmul.f32 v62, v11;
	v42 =	vunpack.i.l.bf16.f32 v57;
	v16 =	vmul.f32 v15, v16;
	[tilespmem:s12+$0xFFFFFF80] =	vst v40  }
0x454: {  	v45 =	vunpack.i.u.bf16.f32 v57;
	v32 =	vunpack.i.l.bf16.f32 v60;
	v19 =	vmul.f32 v15, v19;
	[tilespmem:s12+$0xFFFFFF90] =	vst v14  }
0x455: {  	v46 =	vunpack.i.u.bf16.f32 v60;
	v44 =	vmul.f32 v61, v11;
	v48 =	vmul.f32 v32, v42;
	v47 =	vld [tilespmem:s14+$0xFFFFFF90];
	[tilespmem:s12+$0x0] =	vst v16  }
0x456: {  	v14 =	vmul.f32 v46, v45;
	v49 =	vld [tilespmem:s9+$0x7690];
	[tilespmem:s12+$0x10] =	vst v19;
	v50 =	vunpack.i.l.bf16.f32 v41;
	v51 =	vunpack.i.l.bf16.f32 v43  }
0x457: {  	[tilespmem:s7+$0xFFFFFF40] =	vst v53;
	v53 =	vunpack.i.u.bf16.f32 v41;
	v54 =	vunpack.i.u.bf16.f32 v43;
	v41 =	vmul.f32 v29, v9;
	v52 =	vld [tilespmem:s14+$0x10]  }
0x458: {  	v19 =	vmul.f32 v51, v50;
	v55 =	vld [tilespmem:s10+$0x7690];
	v56 =	vmul.f32 v54, v53  }
0x459: {  	v43 =	vmul.f32 v33, v8;
	v14 =	vmul.f32 v14, v22  }
0x45a: {  	[tilespmem:s7+$0xFFFFFFD0] =	vst v28;
	v19 =	vmul.f32 v20, v19;
	v23 =	vmul.f32 v20, v56;
	v57 =	vunpack.i.u.bf16.f32 v47  }
0x45b: {  	[tilespmem:s7+$0xFFFFFFC0] =	vst v63;
	v59 =	vld [tilespmem:s2+$0xFFFFFF30];
	v58 =	vunpack.i.l.bf16.f32 v47;
	v60 =	vunpack.i.u.bf16.f32 v49;
	v24 =	vunpack.i.l.bf16.f32 v49  }
0x45c: {  	v42 =	vld [tilespmem:s15+$0x76B0];
	[tilespmem:s12+$0xFFFFFF20] =	vst v19;
	v24 =	vmul.f32 v24, v58;
	v18 =	vmul.f32 v60, v57  }
0x45d: {  	v62 =	vld [tilespmem:s2+$0xFFFFFFB0];
	[tilespmem:s12+$0xFFFFFF30] =	vst v23;
	v63 =	vunpack.i.u.bf16.f32 v52;
	v37 =	vunpack.i.l.bf16.f32 v52;
	v38 =	vunpack.i.l.bf16.f32 v55  }
0x45e: {  	[tilespmem:s1+$0xFFFFFF60] =	vst v25;
	v39 =	vld [tilespmem:s14+$0xFFFFFF20];
	v32 =	vunpack.i.u.bf16.f32 v55;
	v28 =	vmul.f32 v38, v37;
	v24 =	vmul.f32 v17, v24  }
0x45f: {  	[tilespmem:s12+$0xF0] =	vst v14;
	v40 =	vld [tilespmem:s11+$0x76A0];
	v23 =	vmul.f32 v32, v63;
	v18 =	vmul.f32 v17, v18  }
0x460: {  	v61 =	vld [tilespmem:s16+$0x76B0];
	v45 =	vunpack.i.l.bf16.f32 v59;
	v16 =	vmul.f32 v48, v22;
	v28 =	vmul.f32 v15, v28;
	[tilespmem:s12+$0xFFFFFFA0] =	vst v24  }
0x461: {  	v8 =	vmul.f32 v26, v8;
	v29 =	vunpack.i.l.bf16.f32 v42;
	v23 =	vmul.f32 v15, v23;
	[tilespmem:s12+$0xFFFFFFB0] =	vst v18  }
0x462: {  	v54 =	vunpack.i.u.bf16.f32 v42;
	v49 =	vunpack.i.u.bf16.f32 v62;
	v19 =	vunpack.i.l.bf16.f32 v62;
	[tilespmem:s12+$0x20] =	vst v28;
	v46 =	vld [tilespmem:s14+$0xFFFFFFA0]  }
0x463: {  	v19 =	vmul.f32 v29, v19;
	v14 =	vmul.f32 v54, v49;
	[tilespmem:s12+$0x30] =	vst v23;
	v50 =	vld [tilespmem:s9+$0x76A0];
	v51 =	vunpack.i.l.bf16.f32 v39  }
0x464: {  	[tilespmem:s1+$0xFFFFFF70] =	vst v10;
	v52 =	vunpack.i.l.bf16.f32 v40;
	v56 =	vunpack.i.u.bf16.f32 v39;
	v27 =	vunpack.i.u.bf16.f32 v40;
	v53 =	vld [tilespmem:s14+$0x20]  }
0x465: {  	[tilespmem:s7+$0x50] =	vst v34;
	v48 =	vunpack.i.l.bf16.f32 v61;
	v32 =	vmul.f32 v52, v51;
	v55 =	vld [tilespmem:s10+$0x76A0];
	v25 =	vmul.f32 v27, v56  }
0x466: {  	[tilespmem:s7+$0x40] =	vst v44;
	v44 =	vunpack.i.u.bf16.f32 v59;
	v18 =	vmul.f32 v48, v45;
	v45 =	vmul.f32 v19, v13  }
0x467: {  	[tilespmem:s1+$0xFFFFFFE0] =	vst v21;
	v47 =	vunpack.i.u.bf16.f32 v61;
	v62 =	vld [tilespmem:s13+$0x76B0];
	v58 =	vmul.f32 v32, v20;
	v36 =	vmul.f32 v25, v20  }
0x468: {  	[tilespmem:s1+$0xFFFFFFF0] =	vst v41;
	v59 =	vunpack.i.u.bf16.f32 v46;
	v60 =	vunpack.i.l.bf16.f32 v46;
	v23 =	vunpack.i.l.bf16.f32 v50  }
0x469: {  	v57 =	vld [tilespmem:s2+$0x30];
	v61 =	vunpack.i.u.bf16.f32 v50;
	[tilespmem:s12+$0xFFFFFF40] =	vst v58;
	v63 =	vunpack.i.u.bf16.f32 v53;
	v21 =	vmul.f32 v23, v60  }
0x46a: {  	[tilespmem:s12+$0xFFFFFF50] =	vst v36;
	v34 =	vunpack.i.l.bf16.f32 v53;
	v35 =	vunpack.i.l.bf16.f32 v55;
	v22 =	vmul.f32 v61, v59  }
0x46b: {  	[tilespmem:s1+$0x60] =	vst v43;
	v37 =	vunpack.i.u.bf16.f32 v55;
	v40 =	vld [tilespmem:s14+$0xFFFFFF30];
	v23 =	vmul.f32 v35, v34;
	v21 =	vmul.f32 v21, v17  }
0x46c: {  	[tilespmem:s1+$0x70] =	vst v8;
	v41 =	vunpack.i.l.bf16.f32 v62;
	v42 =	vld [tilespmem:s11+$0x76B0];
	v25 =	vmul.f32 v37, v63;
	v22 =	vmul.f32 v22, v17  }
0x46d: {  	v9 =	vunpack.i.u.bf16.f32 v62;
	v39 =	vmul.f32 v47, v44;
	v23 =	vmul.f32 v23, v15;
	[tilespmem:s12+$0xFFFFFFC0] =	vst v21  }
0x46e: {  	v10 =	vunpack.i.l.bf16.f32 v57;
	v47 =	vmul.f32 v14, v13;
	v25 =	vmul.f32 v25, v15;
	[tilespmem:s12+$0xFFFFFFD0] =	vst v22  }
0x46f: {  	v38 =	vunpack.i.u.bf16.f32 v57;
	v10 =	vmul.f32 v41, v10;
	v8 =	vmul.f32 v39, v12;
	[tilespmem:s12+$0x40] =	vst v23;
	v43 =	vld [tilespmem:s14+$0xFFFFFFB0]  }
0x470: {  	v9 =	vmul.f32 v9, v38;
	v18 =	vmul.f32 v18, v12;
	[tilespmem:s12+$0x50] =	vst v25;
	v44 =	vld [tilespmem:s9+$0x76B0];
	v48 =	vunpack.i.u.bf16.f32 v40  }
0x471: {  	[tilespmem:s7+$0xFFFFFF70] =	vst v8;
	v49 =	vunpack.i.l.bf16.f32 v40;
	v8 =	vunpack.i.u.bf16.f32 v42;
	v51 =	vunpack.i.l.bf16.f32 v42;
	v46 =	vld [tilespmem:s14+$0x30]  }
0x472: {  	[tilespmem:s12+$0xE0] =	vst v16;
	v50 =	vld [tilespmem:s10+$0x76B0];
	v16 =	vmul.f32 v51, v49;
	v8 =	vmul.f32 v8, v48  }
0x473: {  	[tilespmem:s7+$0xFFFFFFE0] =	vst v45;
	v10 =	vmul.f32 v10, v11;
	v9 =	vmul.f32 v9, v11  }
0x474: {  	[tilespmem:s7+$0xFFFFFFF0] =	vst v47;
	v58 =	vmul.f32 v16, v20;
	v8 =	vmul.f32 v8, v20  }
0x475: {  	[tilespmem:s7+$0xFFFFFF60] =	vst v18;
	v52 =	vunpack.i.u.bf16.f32 v43;
	v53 =	vunpack.i.l.bf16.f32 v43;
	v55 =	vunpack.i.l.bf16.f32 v44  }
0x476: {  	[tilespmem:s7+$0x60] =	vst v10;
	v54 =	vunpack.i.u.bf16.f32 v44;
	v56 =	vunpack.i.u.bf16.f32 v46;
	v12 =	vmul.f32 v55, v53  }
0x477: {  	[tilespmem:s7+$0x70] =	vst v9;
	v57 =	vunpack.i.l.bf16.f32 v46;
	v59 =	vunpack.i.l.bf16.f32 v50;
	v60 =	vmul.f32 v54, v52  }
0x478: {  	s29 =	sadd.s32 $0x1, s29;
	[tilespmem:s12+$0xFFFFFF60] =	vst v58;
	v11 =	vunpack.i.u.bf16.f32 v50;
	v9 =	vmul.f32 v59, v57;
	v61 =	vmul.f32 v12, v17  }
0x479: {  	p0 =	sne.s32 s29, $0x3E;
	[tilespmem:s12+$0xFFFFFF70] =	vst v8;
	v11 =	vmul.f32 v11, v56;
	v62 =	vmul.f32 v60, v17  }
.Ltmp3:
0x47a: {  	v8 =	vmul.f32 v9, v15;
	[tilespmem:s12+$0xFFFFFFE0] =	vst v61;
	(pc) =	sbr.rel @p0 .LBB2_4-.Ltmp3, $4  }
0x47b: {  	s0 =	sadd.s32 s5, s0;
	v63 =	vmul.f32 v11, v15;
	[tilespmem:s12+$0xFFFFFFF0] =	vst v62  }
0x47c: {  	s28 =	simm.s32 $0x16E80;
	s0 =	sshll.u32 s0, $0x4;
	[tilespmem:s12+$0x60] =	vst v8  }
0x47d: {  	s30 =	sadd.s32 $0xA0, s30;
	s31 =	sadd.s32 $0xA0, s31;
	s0 =	sadd.s32 s3, s0;
	[tilespmem:s12+$0x70] =	vst v63  }
0x47e: {  	[hbm4b:s0+s4] =	stream.linear.scatter [tilespmem:s28], [sflag:$0x4], $0x2800, $0x38;
	[tilespmem:$0x19700] =	vst v63  }
0x47f: {  	_ =	swait.ge [sflag:s21], $0x2800  }
0x480: {  	[sflag:s21] =	ssyncset.done $0x0  }
0x481: {  	s26 =	simm.s32 $0x3;
	[sflag:s21] =	ssyncadd.s32 $0xFFFFD800  }
0x482: {  	_ =	swait.ge [sflag:s26], $0x2800  }
0x483: {  	[sflag:s26] =	ssyncset.done $0x0  }
0x484: {  	s0 =	simm.s32 $0x4E43;
	[sflag:s26] =	ssyncadd.s32 $0xFFFFD800  }
0x485: {  	v8 =	vld [tilespmem:s0+$0x0];
	_ =	sdelay $0x4  }
0x486: {  	(v2sf) =	vpush v8, $0x0;
	_ =	sdelay $0xb  }
0x487: {  	v8 =	vld [tilespmem:s0+$0xFFFFFFFE]  }
0x488: {  	v9 =	vld [tilespmem:s0+$0xFFFFFFFD];
	_ =	sdelay $0x1  }
0x489: {  	v10 =	vld [tilespmem:s0+$0xFFFFFFFF];
	s16 =	spop (v2sf)  }
0x48a: {  	s12 =	simm.s32 $0xF780;
	s0 =	sshll.u32 s16, $0x9  }
0x48b: {  	(v2sf) =	vpush v8, $0x0;
	v8 =	vld [tilespmem:s12+$0xC0];
	s7 =	sshra.s32 s0, $0x2  }
0x48c: {  	(v2sf) =	vpush v9, $0x0;
	v9 =	vld [tilespmem:s7+$0x76C0];
	_ =	sdelay $0x1  }
0x48d: {  	(v2sf) =	vpush v10, $0x0;
	v10 =	vld [tilespmem:s12+$0xD0];
	_ =	sdelay $0x1  }
0x48e: {  	v11 =	vld [tilespmem:s7+$0x76D0]  }
0x48f: {  	v12 =	vunpack.i.l.bf16.f32 v8;
	v13 =	vunpack.i.l.bf16.f32 v9  }
0x490: {  	v12 =	vadd.f32 v13, v12  }
0x491: {  	v8 =	vunpack.i.u.bf16.f32 v8;
	v14 =	vunpack.i.l.bf16.f32 v10;
	v9 =	vunpack.i.u.bf16.f32 v9;
	v13 =	vld [tilespmem:s12+$0xE0]  }
0x492: {  	v10 =	vunpack.i.u.bf16.f32 v10;
	v8 =	vadd.f32 v9, v8;
	v9 =	vld [tilespmem:s7+$0x76E0];
	v12 =	vmax.f32 v12, $0.0e+00  }
0x493: {  	v15 =	vunpack.i.l.bf16.f32 v11;
	v11 =	vunpack.i.u.bf16.f32 v11;
	v12 =	vmul.f32 v12, v0  }
0x494: {  	v14 =	vadd.f32 v15, v14;
	v10 =	vadd.f32 v11, v10;
	v8 =	vmax.f32 v8, $0.0e+00  }
0x495: {  	v15 =	vld [tilespmem:s12+$0xF0];
	v8 =	vmul.f32 v8, v1;
	v12 =	vadd.f32 $0.0e+00, v12  }
0x496: {  	v16 =	vld [tilespmem:s7+$0x76F0];
	v14 =	vmax.f32 v14, $0.0e+00;
	v10 =	vmax.f32 v10, $0.0e+00;
	v11 =	vunpack.i.l.bf16.f32 v13  }
0x497: {  	v8 =	vadd.f32 v12, v8;
	v12 =	vmul.f32 v14, v2;
	v14 =	vunpack.i.l.bf16.f32 v9  }
0x498: {  	s17 =	spop (v2sf);
	v10 =	vmul.f32 v10, v3;
	v11 =	vadd.f32 v14, v11  }
0x499: {  	s1 =	spop (v2sf);
	v13 =	vunpack.i.u.bf16.f32 v13;
	v9 =	vunpack.i.u.bf16.f32 v9;
	v8 =	vadd.f32 v12, v8  }
0x49a: {  	s1 =	sshll.u32 s1, $0x9;
	v9 =	vadd.f32 v9, v13;
	v13 =	vunpack.i.l.bf16.f32 v15;
	v11 =	vmax.f32 v11, $0.0e+00  }
0x49b: {  	s14 =	sshra.s32 s1, $0x2;
	v8 =	vadd.f32 v8, v10;
	v10 =	vmul.f32 v11, v4;
	v11 =	vunpack.i.l.bf16.f32 v16  }
0x49c: {  	v17 =	vld [tilespmem:s14+$0x76C0];
	v15 =	vunpack.i.u.bf16.f32 v15;
	v9 =	vmax.f32 v9, $0.0e+00;
	v11 =	vadd.f32 v11, v13  }
0x49d: {  	s0 =	sshll.u32 s17, $0x9;
	s2 =	spop (v2sf);
	v12 =	vld [tilespmem:s12+$0xFFFFFF40];
	v9 =	vmul.f32 v9, v5;
	v8 =	vadd.f32 v10, v8;
	v10 =	vunpack.i.u.bf16.f32 v16  }
0x49e: {  	s25 =	sshra.s32 s0, $0x2;
	s19 =	sshll.u32 s2, $0x9;
	v14 =	vld [tilespmem:s12+$0xFFFFFFC0];
	v11 =	vmax.f32 v11, $0.0e+00;
	v10 =	vadd.f32 v10, v15  }
0x49f: {  	s17 =	sshra.s32 s19, $0x2;
	v13 =	vld [tilespmem:s25+$0x76C0];
	v8 =	vadd.f32 v8, v9;
	v9 =	vmul.f32 v11, v6  }
0x4a0: {  	v16 =	vld [tilespmem:s17+$0x76C0];
	v10 =	vmax.f32 v10, $0.0e+00  }
0x4a1: {  	v8 =	vadd.f32 v9, v8;
	v9 =	vmul.f32 v10, v7  }
0x4a2: {  	v19 =	vld [tilespmem:s25+$0x76D0];
	v20 =	vunpack.i.l.bf16.f32 v17;
	v11 =	vunpack.i.l.bf16.f32 v12  }
0x4a3: {  	v17 =	vunpack.i.u.bf16.f32 v17;
	v15 =	vld [tilespmem:s12+$0x40];
	v11 =	vadd.f32 v20, v11;
	v8 =	vadd.f32 v8, v9  }
0x4a4: {  	v10 =	vunpack.i.u.bf16.f32 v12;
	v12 =	vunpack.i.l.bf16.f32 v14;
	v14 =	vunpack.i.u.bf16.f32 v14  }
0x4a5: {  	v18 =	vld [tilespmem:s14+$0x76D0];
	v21 =	vunpack.i.l.bf16.f32 v13;
	v13 =	vunpack.i.u.bf16.f32 v13;
	v23 =	vunpack.i.l.bf16.f32 v16;
	(xrf2) =	vadd.scan.msk.f32 $0xffff, v8  }
0x4a6: {  	v24 =	vld [tilespmem:s12+$0xFFFFFF50];
	v12 =	vadd.f32 v21, v12;
	v16 =	vunpack.i.u.bf16.f32 v16;
	v11 =	vmax.f32 v11, $0.0e+00  }
0x4a7: {  	v21 =	vld [tilespmem:s12+$0x50];
	v10 =	vadd.f32 v17, v10;
	v13 =	vadd.f32 v13, v14;
	v17 =	vunpack.i.l.bf16.f32 v19  }
0x4a8: {  	v19 =	vunpack.i.u.bf16.f32 v19;
	v9 =	vld [tilespmem:s17+$0x76D0];
	v22 =	vunpack.i.l.bf16.f32 v15;
	v15 =	vunpack.i.u.bf16.f32 v15  }
0x4a9: {  	v11 =	vmul.f32 v11, v0;
	v20 =	vadd.f32 v23, v22;
	v12 =	vmax.f32 v12, $0.0e+00;
	v8 =	vld [tilespmem:s12+$0xFFFFFFD0]  }
0x4aa: {  	v15 =	vadd.f32 v16, v15;
	v16 =	vunpack.i.l.bf16.f32 v18;
	v10 =	vmax.f32 v10, $0.0e+00  }
0x4ab: {  	v13 =	vmax.f32 v13, $0.0e+00;
	v18 =	vunpack.i.u.bf16.f32 v18;
	v12 =	vmul.f32 v12, v0  }
0x4ac: {  	v11 =	vadd.f32 $0.0e+00, v11;
	v10 =	vmul.f32 v10, v1;
	v25 =	vunpack.i.l.bf16.f32 v21  }
0x4ad: {  	v28 =	vld [tilespmem:s12+$0x60];
	v13 =	vmul.f32 v13, v1;
	v14 =	vmax.f32 v20, $0.0e+00;
	v20 =	vunpack.i.l.bf16.f32 v24  }
0x4ae: {  	v15 =	vmax.f32 v15, $0.0e+00;
	v23 =	vunpack.i.l.bf16.f32 v9;
	v22 =	vunpack.i.l.bf16.f32 v8  }
0x4af: {  	v26 =	vld [tilespmem:s17+$0x76E0];
	v24 =	vunpack.i.u.bf16.f32 v24;
	v17 =	vadd.f32 v17, v22;
	v22 =	vadd.f32 v23, v25;
	v25, _, _ =	vpop (xrf2)  }
0x4b0: {  	v14 =	vmul.f32 v14, v0;
	v16 =	vadd.f32 v16, v20;
	(v2sf) =	vpush v25, $0xF  }
0x4b1: {  	v12 =	vadd.f32 $0.0e+00, v12;
	v15 =	vmul.f32 v15, v1;
	v21 =	vunpack.i.u.bf16.f32 v21  }
0x4b2: {  	v18 =	vadd.f32 v18, v24;
	v10 =	vadd.f32 v11, v10;
	v24 =	vunpack.i.l.bf16.f32 v28  }
0x4b3: {  	v20 =	vld [tilespmem:s14+$0x76E0];
	v9 =	vunpack.i.u.bf16.f32 v9;
	v14 =	vadd.f32 $0.0e+00, v14;
	v16 =	vmax.f32 v16, $0.0e+00  }
0x4b4: {  	v9 =	vadd.f32 v9, v21;
	v11 =	vadd.f32 v12, v13;
	v21 =	vunpack.i.l.bf16.f32 v26  }
0x4b5: {  	v27 =	vld [tilespmem:s12+$0xFFFFFFE0];
	v18 =	vmax.f32 v18, $0.0e+00;
	v8 =	vunpack.i.u.bf16.f32 v8;
	v16 =	vmul.f32 v16, v2  }
0x4b6: {  	v23 =	vld [tilespmem:s25+$0x76E0];
	v8 =	vadd.f32 v19, v8;
	v14 =	vadd.f32 v14, v15;
	v17 =	vmax.f32 v17, $0.0e+00  }
0x4b7: {  	v9 =	vmax.f32 v9, $0.0e+00;
	v22 =	vmax.f32 v22, $0.0e+00;
	v12 =	vmul.f32 v17, v2;
	v25 =	vld [tilespmem:s12+$0xFFFFFF60]  }
0x4b8: {  	v13 =	vunpack.i.l.bf16.f32 v20;
	v8 =	vmax.f32 v8, $0.0e+00;
	v15 =	vmul.f32 v22, v2  }
0x4b9: {  	v10 =	vadd.f32 v16, v10;
	v8 =	vmul.f32 v8, v3;
	v11 =	vadd.f32 v12, v11  }
0x4ba: {  	v16 =	vunpack.i.u.bf16.f32 v20;
	v9 =	vmul.f32 v9, v3;
	v14 =	vadd.f32 v15, v14  }
0x4bb: {  	v22 =	vunpack.i.l.bf16.f32 v27;
	v19 =	vunpack.i.l.bf16.f32 v23;
	v12 =	vld [tilespmem:s25+$0x76F0];
	v8 =	vadd.f32 v11, v8  }
0x4bc: {  	v15 =	vld [tilespmem:s17+$0x76F0];
	v9 =	vadd.f32 v14, v9;
	v17 =	vunpack.i.l.bf16.f32 v25;
	v20 =	vunpack.i.u.bf16.f32 v25  }
0x4bd: {  	v25 =	vunpack.i.u.bf16.f32 v27;
	v13 =	vadd.f32 v13, v17;
	v17 =	vmul.f32 v18, v3  }
0x4be: {  	v18 =	vadd.f32 v19, v22;
	v19 =	vadd.f32 v21, v24;
	v22 =	vunpack.i.u.bf16.f32 v23  }
0x4bf: {  	v27 =	vld [tilespmem:s12+$0xFFFFFFF0];
	v23 =	vunpack.i.u.bf16.f32 v26;
	v26 =	vunpack.i.u.bf16.f32 v28;
	v16 =	vadd.f32 v16, v20;
	s20 =	spop (v2sf)  }
0x4c0: {  	v21 =	vld [tilespmem:s14+$0x76F0];
	v22 =	vadd.f32 v22, v25;
	v23 =	vadd.f32 v23, v26;
	v25 =	vunpack.i.l.bf16.f32 v12;
	s0 =	ssub.f32 $0.0e+00, s20  }
0x4c1: {  	v24 =	vld [tilespmem:s12+$0xFFFFFF70];
	v26 =	vunpack.i.l.bf16.f32 v15;
	v12 =	vunpack.i.u.bf16.f32 v12;
	v15 =	vunpack.i.u.bf16.f32 v15  }
0x4c2: {  	v20 =	vld [tilespmem:s12+$0x70];
	v13 =	vmax.f32 v13, $0.0e+00;
	v18 =	vmax.f32 v18, $0.0e+00;
	v14 =	vmov s0  }
0x4c3: {  	v19 =	vmax.f32 v19, $0.0e+00;
	v10 =	vadd.f32 v10, v17;
	v14 =	vmul.f32 $1.442695020e+00, v14  }
0x4c4: {  	v16 =	vmax.f32 v16, $0.0e+00;
	v13 =	vmul.f32 v13, v4;
	v11 =	vmul.f32 v18, v4  }
0x4c5: {  	v18 =	vmul.f32 v19, v4;
	v22 =	vmax.f32 v22, $0.0e+00;
	v14 =	vbroadcast v14, $0x0  }
0x4c6: {  	v23 =	vmax.f32 v23, $0.0e+00;
	v28 =	vunpack.i.l.bf16.f32 v27;
	v17 =	vunpack.i.l.bf16.f32 v21  }
0x4c7: {  	v19 =	vunpack.i.l.bf16.f32 v24;
	v29 =	vunpack.i.l.bf16.f32 v20;
	(erf) = vpow2.f32 v14  }
0x4c8: {  	v10 =	vadd.f32 v13, v10;
	v13 =	vmul.f32 v16, v5;
	v8 =	vadd.f32 v11, v8  }
0x4c9: {  	v9 =	vadd.f32 v18, v9;
	v11 =	vunpack.i.u.bf16.f32 v21;
	v16 =	vmul.f32 v22, v5  }
0x4ca: {  	v21 =	vunpack.i.u.bf16.f32 v24;
	v22 =	vunpack.i.u.bf16.f32 v27;
	v17 =	vadd.f32 v17, v19  }
0x4cb: {  	v20 =	vunpack.i.u.bf16.f32 v20;
	v19 =	vadd.f32 v25, v28;
	v11 =	vadd.f32 v11, v21  }
0x4cc: {  	v18 =	vmul.f32 v23, v5;
	v12 =	vadd.f32 v12, v22;
	v15 =	vadd.f32 v15, v20  }
0x4cd: {  	v10 =	vadd.f32 v10, v13;
	v8 =	vadd.f32 v8, v16  }
0x4ce: {  	v9 =	vadd.f32 v9, v18;
	v17 =	vmax.f32 v17, $0.0e+00;
	v19 =	vmax.f32 v19, $0.0e+00  }
0x4cf: {  	v11 =	vmax.f32 v11, $0.0e+00;
	v17 =	vmul.f32 v17, v6;
	v14 =	vadd.f32 v26, v29  }
0x4d0: {  	v12 =	vmax.f32 v12, $0.0e+00;
	v13 =	vmul.f32 v19, v6;
	v11 =	vmul.f32 v11, v7;
	v16 =	vpop (erf)  }
0x4d1: {  	v10 =	vadd.f32 v17, v10;
	v14 =	vmax.f32 v14, $0.0e+00;
	v16 =	vadd.f32 $1.000000000e+00, v16  }
0x4d2: {  	v15 =	vmax.f32 v15, $0.0e+00;
	v12 =	vmul.f32 v12, v7;
	v14 =	vmul.f32 v14, v6  }
0x4d3: {  	v8 =	vadd.f32 v13, v8;
	v10 =	vadd.f32 v10, v11;
	(erf) = vrcp.f32 v16  }
0x4d4: {  	v13 =	vmul.f32 v15, v7;
	v11 =	vld [tilespmem:s12+$0x80];
	v9 =	vadd.f32 v14, v9  }
0x4d5: {  	v8 =	vadd.f32 v8, v12;
	(xrf2) =	vadd.scan.msk.f32 $0xffff, v10;
	v10 =	vld [tilespmem:s7+$0x7680]  }
0x4d6: {  	v9 =	vadd.f32 v9, v13  }
0x4d7: {  	(xrf2) =	vadd.scan.msk.f32 $0xffff, v8  }
0x4d8: {  	(xrf2) =	vadd.scan.msk.f32 $0xffff, v9  }
0x4d9: {  	v8 =	vunpack.i.l.bf16.f32 v11;
	v11 =	vunpack.i.u.bf16.f32 v11  }
0x4da: {  	v9 =	vunpack.i.l.bf16.f32 v10  }
0x4db: {  	v10 =	vunpack.i.u.bf16.f32 v10;
	v8 =	vmul.f32 v9, v8  }
0x4dc: {  	v9 =	vmul.f32 v10, v11;
	v11 =	vpop (erf)  }
0x4dd: {  	v8 =	vmul.f32 v11, v8  }
0x4de: {  	s22 =	simm.s32 $0x4E47  }
0x4df: {  	v10 =	vld [tilespmem:s22+$0x0]  }
0x4e0: {  	s0 =	simm.s32 $0x14780;
	v12, _, _ =	vpop (xrf2)  }
0x4e1: {  	(v2sf) =	vpush v12, $0xF;
	[tilespmem:s0+$0x80] =	vst v8;
	v8, _, _ =	vpop (xrf2)  }
0x4e2: {  	(v2sf) =	vpush v8, $0xF;
	v8, _, _ =	vpop (xrf2)  }
0x4e3: {  	v9 =	vmul.f32 v11, v9;
	(v2sf) =	vpush v8, $0xF  }
0x4e4: {  	s1 =	simm.s32 $0xF980;
	(v2sf) =	vpush v10, $0x0  }
0x4e5: {  	v63 =	vld [tilespmem:s1+$0x50];
	[tilespmem:s0+$0x90] =	vst v9  }
0x4e6: {  	v9 =	vld [tilespmem:s12+$0x90]  }
0x4e7: {  	v12 =	vld [tilespmem:s7+$0x7690]  }
0x4e8: {  	v40 =	vld [tilespmem:s1+$0xFFFFFF60]  }
0x4e9: {  	v41 =	vld [tilespmem:s1+$0xFFFFFFE0]  }
0x4ea: {  	v42 =	vld [tilespmem:s1+$0x60]  }
0x4eb: {  	v18 =	vld [tilespmem:s12+$0xFFFFFF00];
	v8 =	vunpack.i.l.bf16.f32 v9  }
0x4ec: {  	v14 =	vld [tilespmem:s17+$0x7680];
	v10 =	vunpack.i.l.bf16.f32 v12;
	v9 =	vunpack.i.u.bf16.f32 v9;
	v12 =	vunpack.i.u.bf16.f32 v12  }
0x4ed: {  	v8 =	vmul.f32 v10, v8;
	v9 =	vmul.f32 v12, v9;
	v12 =	vld [tilespmem:s25+$0x7680]  }
0x4ee: {  	v23 =	vld [tilespmem:s22+$0xFFFFFFFD]  }
0x4ef: {  	v10 =	vld [tilespmem:s14+$0x7680];
	v8 =	vmul.f32 v11, v8  }
0x4f0: {  	v22 =	vld [tilespmem:s22+$0xFFFFFFFE];
	s24 =	spop (v2sf);
	v9 =	vmul.f32 v11, v9  }
0x4f1: {  	v39 =	vunpack.i.l.bf16.f32 v63;
	v54 =	vunpack.i.l.bf16.f32 v41;
	v26 =	vld [tilespmem:s22+$0xFFFFFFFF];
	s2 =	ssub.f32 $0.0e+00, s24;
	[tilespmem:s0+$0xA0] =	vst v8;
	s8 =	spop (v2sf)  }
0x4f2: {  	v25 =	vunpack.i.l.bf16.f32 v18;
	v16 =	vunpack.i.l.bf16.f32 v14;
	v8 =	vld [tilespmem:s12+$0xFFFFFF80];
	[tilespmem:s0+$0xB0] =	vst v9;
	v13 =	vunpack.i.u.bf16.f32 v12;
	s9 =	spop (v2sf)  }
0x4f3: {  	v21 =	vld [tilespmem:s7+$0x76A0];
	v17 =	vunpack.i.l.bf16.f32 v12;
	v12 =	vunpack.i.u.bf16.f32 v14;
	v14 =	vmov s2;
	s29 =	spop (v2sf)  }
0x4f4: {  	v9 =	vld [tilespmem:s12+$0xA0];
	v15 =	vunpack.i.u.bf16.f32 v10;
	v10 =	vunpack.i.l.bf16.f32 v10;
	v27 =	vmul.f32 $1.442695020e+00, v14;
	s28 =	ssub.f32 $0.0e+00, s8;
	s8 =	sshll.u32 s29, $0x9  }
0x4f5: {  	v55 =	vunpack.i.l.bf16.f32 v42;
	v59 =	vunpack.i.u.bf16.f32 v40;
	v14 =	vmul.f32 v10, v25;
	v10 =	vld [tilespmem:s1+$0xC0];
	s8 =	sshra.s32 s8, $0x2  }
0x4f6: {  	v19 =	vunpack.i.u.bf16.f32 v18;
	v25 =	vbroadcast v27, $0x0;
	(v2sf) =	vpush v22, $0x0;
	v22 =	vld [tilespmem:s8+$0x76C0]  }
0x4f7: {  	v18 =	vunpack.i.u.bf16.f32 v8;
	v20 =	vunpack.i.l.bf16.f32 v8;
	(v2sf) =	vpush v23, $0x0;
	s30 =	ssub.f32 $0.0e+00, s9  }
0x4f8: {  	v28 =	vunpack.i.l.bf16.f32 v21;
	(v2sf) =	vpush v26, $0x0;
	v8 =	vmov s28  }
0x4f9: {  	v26 =	vld [tilespmem:s1+$0xD0];
	v27 =	vmul.f32 $1.442695020e+00, v8;
	v8 =	vunpack.i.l.bf16.f32 v9;
	v23 =	vmov s30  }
0x4fa: {  	v21 =	vunpack.i.u.bf16.f32 v21;
	v8 =	vmul.f32 v28, v8;
	v23 =	vmul.f32 $1.442695020e+00, v23;
	v28 =	vld [tilespmem:s8+$0x76D0]  }
0x4fb: {  	v29 =	vunpack.i.l.bf16.f32 v10;
	v27 =	vbroadcast v27, $0x0;
	v30 =	vunpack.i.l.bf16.f32 v22  }
0x4fc: {  	(erf) = vpow2.f32 v25;
	v23 =	vbroadcast v23, $0x0;
	v25 =	vadd.f32 v30, v29  }
0x4fd: {  	v10 =	vunpack.i.u.bf16.f32 v10;
	(erf) = vpow2.f32 v27;
	v27 =	vld [tilespmem:s1+$0xE0];
	v22 =	vunpack.i.u.bf16.f32 v22  }
0x4fe: {  	(erf) = vpow2.f32 v23;
	v10 =	vadd.f32 v22, v10;
	v22 =	vld [tilespmem:s8+$0x76E0];
	v23 =	vmax.f32 v25, $0.0e+00  }
0x4ff: {  	v29 =	vunpack.i.l.bf16.f32 v28;
	v25 =	vunpack.i.l.bf16.f32 v26;
	v23 =	vmul.f32 v23, v0  }
0x500: {  	v28 =	vunpack.i.u.bf16.f32 v28;
	v10 =	vmax.f32 v10, $0.0e+00;
	v25 =	vadd.f32 v29, v25  }
0x501: {  	v26 =	vunpack.i.u.bf16.f32 v26;
	v10 =	vmul.f32 v10, v1;
	v29 =	vld [tilespmem:s1+$0xF0];
	v23 =	vadd.f32 $0.0e+00, v23  }
0x502: {  	v30 =	vld [tilespmem:s8+$0x76F0];
	v26 =	vadd.f32 v28, v26;
	v28 =	vunpack.i.l.bf16.f32 v27;
	v25 =	vmax.f32 v25, $0.0e+00  }
0x503: {  	v10 =	vadd.f32 v23, v10;
	v23 =	vmul.f32 v25, v2;
	v25 =	vunpack.i.l.bf16.f32 v22  }
0x504: {  	v27 =	vunpack.i.u.bf16.f32 v27;
	v26 =	vmax.f32 v26, $0.0e+00;
	v25 =	vadd.f32 v25, v28  }
0x505: {  	s31 =	spop (v2sf);
	v22 =	vunpack.i.u.bf16.f32 v22;
	v10 =	vadd.f32 v23, v10;
	v23 =	vmul.f32 v26, v3  }
0x506: {  	s2 =	sshll.u32 s31, $0x9;
	v22 =	vadd.f32 v22, v27;
	v26 =	vunpack.i.l.bf16.f32 v29;
	v25 =	vmax.f32 v25, $0.0e+00  }
0x507: {  	v24 =	vld [tilespmem:s12+$0x0];
	s10 =	spop (v2sf);
	s13 =	sshra.s32 s2, $0x2;
	v10 =	vadd.f32 v10, v23;
	v23 =	vmul.f32 v25, v4;
	v25 =	vunpack.i.l.bf16.f32 v30  }
0x508: {  	s9 =	sshll.u32 s10, $0x9;
	s10 =	spop (v2sf);
	v32 =	vld [tilespmem:s13+$0x76C0];
	v29 =	vunpack.i.u.bf16.f32 v29;
	v22 =	vmax.f32 v22, $0.0e+00;
	v25 =	vadd.f32 v25, v26  }
0x509: {  	s15 =	sshra.s32 s9, $0x2;
	s11 =	sshll.u32 s10, $0x9;
	v50 =	vld [tilespmem:s13+$0x76E0];
	v22 =	vmul.f32 v22, v5;
	v26 =	vpop (erf);
	v10 =	vadd.f32 v23, v10;
	v23 =	vunpack.i.u.bf16.f32 v30  }
0x50a: {  	s2 =	sshra.s32 s11, $0x2;
	v47 =	vld [tilespmem:s15+$0x76E0];
	v26 =	vadd.f32 $1.000000000e+00, v26;
	v30 =	vpop (erf);
	v25 =	vmax.f32 v25, $0.0e+00;
	v23 =	vadd.f32 v23, v29  }
0x50b: {  	v33 =	vld [tilespmem:s2+$0x76C0];
	v29 =	vadd.f32 $1.000000000e+00, v30;
	v10 =	vadd.f32 v10, v22;
	v22 =	vmul.f32 v25, v6  }
0x50c: {  	v9 =	vunpack.i.u.bf16.f32 v9;
	v34 =	vld [tilespmem:s2+$0x76D0];
	(erf) = vrcp.f32 v26;
	v23 =	vmax.f32 v23, $0.0e+00  }
0x50d: {  	v51 =	vld [tilespmem:s2+$0x76E0];
	(erf) = vrcp.f32 v29;
	v10 =	vadd.f32 v22, v10;
	v29 =	vmul.f32 v23, v7  }
0x50e: {  	v9 =	vmul.f32 v21, v9;
	v21 =	vunpack.i.u.bf16.f32 v24;
	v8 =	vmul.f32 v8, v11;
	v31 =	vld [tilespmem:s15+$0x76C0]  }
0x50f: {  	v35 =	vunpack.i.l.bf16.f32 v32;
	v32 =	vunpack.i.u.bf16.f32 v32;
	v10 =	vadd.f32 v10, v29  }
0x510: {  	v27 =	vld [tilespmem:s1+$0xFFFFFF40];
	v52 =	vunpack.i.l.bf16.f32 v50;
	v60 =	vunpack.i.u.bf16.f32 v50;
	v58 =	vunpack.i.u.bf16.f32 v47  }
0x511: {  	v28 =	vld [tilespmem:s1+$0xFFFFFFC0];
	v37 =	vunpack.i.l.bf16.f32 v33;
	v33 =	vunpack.i.u.bf16.f32 v33;
	v38 =	vunpack.i.l.bf16.f32 v34;
	(xrf2) =	vadd.scan.msk.f32 $0xffff, v10  }
0x512: {  	v30 =	vpop (erf);
	v34 =	vunpack.i.u.bf16.f32 v34;
	v53 =	vunpack.i.l.bf16.f32 v51;
	v61 =	vunpack.i.u.bf16.f32 v51  }
0x513: {  	v25 =	vadd.f32 $1.000000000e+00, v30;
	v26 =	vld [tilespmem:s1+$0x40];
	v30 =	vunpack.i.l.bf16.f32 v31;
	v48 =	vadd.f32 v38, v39  }
0x514: {  	v56 =	vadd.f32 v53, v55;
	v22 =	vunpack.i.l.bf16.f32 v24;
	v23 =	vmul.f32 v9, v11  }
0x515: {  	(erf) = vrcp.f32 v25;
	v9 =	vunpack.i.u.bf16.f32 v27;
	v24 =	vunpack.i.l.bf16.f32 v27  }
0x516: {  	v27 =	vunpack.i.l.bf16.f32 v28;
	v28 =	vunpack.i.u.bf16.f32 v28;
	v24 =	vadd.f32 v30, v24  }
0x517: {  	v30 =	vunpack.i.u.bf16.f32 v31;
	v27 =	vadd.f32 v35, v27;
	v28 =	vadd.f32 v32, v28  }
0x518: {  	v25 =	vld [tilespmem:s15+$0x76D0];
	v9 =	vadd.f32 v30, v9;
	v36 =	vunpack.i.l.bf16.f32 v26;
	v24 =	vmax.f32 v24, $0.0e+00  }
0x519: {  	v31 =	vld [tilespmem:s1+$0xFFFFFFD0];
	v27 =	vmax.f32 v27, $0.0e+00;
	v26 =	vunpack.i.u.bf16.f32 v26;
	v28 =	vmax.f32 v28, $0.0e+00  }
0x51a: {  	v29 =	vld [tilespmem:s13+$0x76D0];
	v62 =	vadd.f32 v37, v36;
	v24 =	vmul.f32 v24, v0;
	v27 =	vmul.f32 v27, v0  }
0x51b: {  	v26 =	vadd.f32 v33, v26;
	v9 =	vmax.f32 v9, $0.0e+00;
	v28 =	vmul.f32 v28, v1;
	v49, _, _ =	vpop (xrf2)  }
0x51c: {  	v36 =	vunpack.i.u.bf16.f32 v63;
	v63 =	vunpack.i.u.bf16.f32 v41;
	(v2sf) =	vpush v49, $0xF  }
0x51d: {  	v43 =	vunpack.i.l.bf16.f32 v25;
	v9 =	vmul.f32 v9, v1;
	v25 =	vunpack.i.u.bf16.f32 v25  }
0x51e: {  	v30 =	vmax.f32 v62, $0.0e+00;
	v46 =	vunpack.i.l.bf16.f32 v31;
	v26 =	vmax.f32 v26, $0.0e+00  }
0x51f: {  	v10 =	vld [tilespmem:s1+$0xFFFFFF50];
	v24 =	vadd.f32 $0.0e+00, v24;
	v27 =	vadd.f32 $0.0e+00, v27;
	v44 =	vunpack.i.l.bf16.f32 v29  }
0x520: {  	v31 =	vunpack.i.u.bf16.f32 v31;
	v29 =	vunpack.i.u.bf16.f32 v29;
	v33 =	vadd.f32 v44, v46  }
0x521: {  	v30 =	vmul.f32 v30, v0;
	v29 =	vadd.f32 v29, v31;
	v31 =	vadd.f32 v34, v36  }
0x522: {  	v26 =	vmul.f32 v26, v1;
	v9 =	vadd.f32 v24, v9;
	v24 =	vadd.f32 v27, v28  }
0x523: {  	v28 =	vunpack.i.l.bf16.f32 v47;
	v44 =	vunpack.i.u.bf16.f32 v42;
	v36 =	vadd.f32 v60, v63  }
0x524: {  	v62 =	vld [tilespmem:s1+$0xFFFFFF70];
	v45 =	vunpack.i.l.bf16.f32 v10;
	v30 =	vadd.f32 $0.0e+00, v30;
	v10 =	vunpack.i.u.bf16.f32 v10  }
0x525: {  	v37 =	vadd.f32 v61, v44;
	v32 =	vadd.f32 v43, v45;
	v33 =	vmax.f32 v33, $0.0e+00  }
0x526: {  	v10 =	vadd.f32 v25, v10;
	v25 =	vmax.f32 v48, $0.0e+00;
	v29 =	vmax.f32 v29, $0.0e+00  }
0x527: {  	v36 =	vmax.f32 v36, $0.0e+00;
	v27 =	vmul.f32 v33, v2;
	v26 =	vadd.f32 v30, v26  }
0x528: {  	v46 =	vld [tilespmem:s1+$0x70];
	v25 =	vmul.f32 v25, v2;
	v30 =	vunpack.i.l.bf16.f32 v40;
	v33 =	vmax.f32 v56, $0.0e+00  }
0x529: {  	v47 =	vunpack.i.l.bf16.f32 v62;
	v53 =	vunpack.i.u.bf16.f32 v62;
	v32 =	vmax.f32 v32, $0.0e+00  }
0x52a: {  	v10 =	vmax.f32 v10, $0.0e+00;
	v28 =	vadd.f32 v28, v30;
	v32 =	vmul.f32 v32, v2  }
0x52b: {  	v30 =	vmax.f32 v31, $0.0e+00;
	v31 =	vadd.f32 v52, v54;
	v10 =	vmul.f32 v10, v3;
	s16 =	spop (v2sf)  }
0x52c: {  	v24 =	vadd.f32 v27, v24;
	v27 =	vmul.f32 v29, v3;
	v9 =	vadd.f32 v32, v9;
	s9 =	ssub.f32 $0.0e+00, s16  }
0x52d: {  	v45 =	vld [tilespmem:s1+$0xFFFFFFF0];
	v25 =	vadd.f32 v25, v26;
	v26 =	vmul.f32 v30, v3;
	v43 =	vunpack.i.l.bf16.f32 v46  }
0x52e: {  	v57 =	vld [tilespmem:s15+$0x76F0];
	v9 =	vadd.f32 v9, v10;
	v10 =	vadd.f32 v24, v27;
	v24 =	vmov s9  }
0x52f: {  	v29 =	vld [tilespmem:s13+$0x76F0];
	v35 =	vunpack.i.u.bf16.f32 v46;
	v28 =	vmax.f32 v28, $0.0e+00;
	v24 =	vmul.f32 $1.442695020e+00, v24  }
0x530: {  	v30 =	vld [tilespmem:s2+$0x76F0];
	v31 =	vmax.f32 v31, $0.0e+00;
	v32 =	vadd.f32 v58, v59;
	v28 =	vmul.f32 v28, v4  }
0x531: {  	v25 =	vadd.f32 v25, v26;
	v26 =	vmul.f32 v33, v4;
	v24 =	vbroadcast v24, $0x0  }
0x532: {  	v50 =	vunpack.i.l.bf16.f32 v45;
	v54 =	vunpack.i.u.bf16.f32 v45;
	v27 =	vmul.f32 v31, v4  }
0x533: {  	v31 =	vunpack.i.l.bf16.f32 v57;
	v32 =	vmax.f32 v32, $0.0e+00;
	(erf) = vpow2.f32 v24  }
0x534: {  	v25 =	vadd.f32 v26, v25;
	v26 =	vmul.f32 v36, v5;
	v48 =	vunpack.i.l.bf16.f32 v29  }
0x535: {  	v49 =	vunpack.i.l.bf16.f32 v30;
	v31 =	vadd.f32 v31, v47;
	v29 =	vunpack.i.u.bf16.f32 v29  }
0x536: {  	v9 =	vadd.f32 v28, v9;
	v27 =	vadd.f32 v27, v10;
	v10 =	vunpack.i.u.bf16.f32 v57  }
0x537: {  	v30 =	vunpack.i.u.bf16.f32 v30;
	v51 =	vadd.f32 v48, v50;
	v28 =	vmul.f32 v32, v5  }
0x538: {  	v52 =	vadd.f32 v49, v43;
	v31 =	vmax.f32 v31, $0.0e+00;
	v34 =	vadd.f32 v10, v53  }
0x539: {  	[tilespmem:s0+$0xD0] =	vst v23;
	v23 =	vadd.f32 v29, v54;
	v31 =	vmul.f32 v31, v6;
	v28 =	vadd.f32 v9, v28;
	v10 =	vpop (erf)  }
0x53a: {  	v30 =	vadd.f32 v30, v35;
	v33 =	vmax.f32 v51, $0.0e+00;
	v34 =	vmax.f32 v34, $0.0e+00;
	v9 =	vpop (erf)  }
0x53b: {  	[tilespmem:s0+$0xC0] =	vst v8;
	v26 =	vadd.f32 v27, v26;
	v28 =	vadd.f32 v31, v28;
	v29 =	vmul.f32 v34, v7;
	v8 =	vpop (erf)  }
0x53c: {  	v23 =	vmax.f32 v23, $0.0e+00;
	v33 =	vmul.f32 v33, v6;
	v24 =	vmax.f32 v37, $0.0e+00;
	v27 =	vpop (erf)  }
0x53d: {  	v28 =	vadd.f32 v28, v29;
	v24 =	vmul.f32 v24, v5;
	v27 =	vadd.f32 $1.000000000e+00, v27  }
0x53e: {  	v32 =	vmax.f32 v52, $0.0e+00;
	v23 =	vmul.f32 v23, v7;
	v31 =	vld [tilespmem:s12+$0xB0];
	v26 =	vadd.f32 v33, v26  }
0x53f: {  	v55 =	vld [tilespmem:s7+$0x76B0];
	(xrf2) =	vadd.scan.msk.f32 $0xffff, v28;
	v24 =	vadd.f32 v25, v24;
	v25 =	vmul.f32 v32, v6;
	(erf) = vrcp.f32 v27  }
0x540: {  	v15 =	vmul.f32 v15, v19;
	v17 =	vmul.f32 v17, v20;
	v23 =	vadd.f32 v26, v23;
	v27 =	vld [tilespmem:s1+$0x80]  }
0x541: {  	v13 =	vmul.f32 v13, v18;
	v19 =	vmax.f32 v30, $0.0e+00;
	v20 =	vadd.f32 v25, v24;
	v24 =	vld [tilespmem:s8+$0x7680]  }
0x542: {  	v16 =	vmul.f32 v16, v22;
	v19 =	vmul.f32 v19, v7;
	(xrf2) =	vadd.scan.msk.f32 $0xffff, v23  }
0x543: {  	v14 =	vmul.f32 v10, v14;
	v18 =	vunpack.i.u.bf16.f32 v31;
	v23 =	vmul.f32 v12, v21  }
0x544: {  	v12 =	vunpack.i.l.bf16.f32 v31;
	v19 =	vadd.f32 v20, v19;
	v20 =	vunpack.i.l.bf16.f32 v55  }
0x545: {  	v22 =	vld [tilespmem:s15+$0x7680];
	v25 =	vunpack.i.u.bf16.f32 v55;
	v21 =	vmul.f32 v20, v12;
	v12 =	vunpack.i.l.bf16.f32 v27  }
0x546: {  	v15 =	vmul.f32 v10, v15;
	v26 =	vld [tilespmem:s1+$0xFFFFFF00];
	v18 =	vmul.f32 v25, v18;
	(xrf2) =	vadd.scan.msk.f32 $0xffff, v19;
	v25 =	vunpack.i.l.bf16.f32 v24  }
0x547: {  	v19 =	vld [tilespmem:s2+$0x7680];
	v24 =	vunpack.i.u.bf16.f32 v24;
	v27 =	vunpack.i.u.bf16.f32 v27;
	v25 =	vmul.f32 v25, v12  }
0x548: {  	v20 =	vmul.f32 v18, v11;
	v18 =	vld [tilespmem:s13+$0x7680];
	v24 =	vmul.f32 v24, v27;
	v12 =	vpop (erf)  }
0x549: {  	[tilespmem:s0+$0xFFFFFF00] =	vst v14;
	v28 =	vld [tilespmem:s1+$0xFFFFFF80];
	v14, _, _ =	vpop (xrf2);
	v21 =	vmul.f32 v21, v11;
	v11 =	vmul.f32 v12, v25  }
0x54a: {  	s7 =	simm.s32 $0x14980;
	v17 =	vmul.f32 v9, v17;
	[tilespmem:s0+$0xFFFFFF10] =	vst v15;
	(v2sf) =	vpush v14, $0xF;
	v27 =	vld [tilespmem:s1+$0x0];
	v15 =	vmul.f32 v12, v24  }
0x54b: {  	v13 =	vmul.f32 v9, v13;
	v16 =	vmul.f32 v8, v16;
	v29 =	vunpack.i.u.bf16.f32 v26;
	[tilespmem:s7+$0x80] =	vst v11  }
0x54c: {  	v31 =	vld [tilespmem:s12+$0xFFFFFF10];
	v14 =	vunpack.i.l.bf16.f32 v22;
	v30 =	vunpack.i.l.bf16.f32 v19;
	v25 =	vunpack.i.u.bf16.f32 v22;
	v22, _, _ =	vpop (xrf2);
	[tilespmem:s7+$0x90] =	vst v15  }
0x54d: {  	v24 =	vunpack.i.u.bf16.f32 v18;
	(v2sf) =	vpush v22, $0xF;
	v15 =	vunpack.i.l.bf16.f32 v26;
	v56 =	vld [tilespmem:s1+$0x90]  }
0x54e: {  	v11 =	vunpack.i.u.bf16.f32 v19;
	v19 =	vunpack.i.u.bf16.f32 v28;
	v26 =	vunpack.i.l.bf16.f32 v28;
	v28 =	vld [tilespmem:s8+$0x7690]  }
0x54f: {  	[tilespmem:s0+$0xFFFFFF90] =	vst v13;
	v18 =	vunpack.i.l.bf16.f32 v18;
	v25 =	vmul.f32 v25, v29;
	v13 =	vunpack.i.l.bf16.f32 v27  }
0x550: {  	[tilespmem:s0+$0xFFFFFF80] =	vst v17;
	v17 =	vld [tilespmem:s14+$0x7690];
	v22 =	vmul.f32 v14, v15;
	v14 =	vunpack.i.u.bf16.f32 v27;
	v26 =	vmul.f32 v18, v26;
	v15, _, _ =	vpop (xrf2)  }
0x551: {  	v19 =	vmul.f32 v24, v19;
	v18 =	vld [tilespmem:s12+$0xFFFFFF90];
	(v2sf) =	vpush v15, $0xF;
	v15 =	vmul.f32 v8, v23  }
0x552: {  	[tilespmem:s0+$0x0] =	vst v16;
	v24 =	vmul.f32 v30, v13;
	v13 =	vunpack.i.u.bf16.f32 v31;
	v23 =	vmul.f32 v11, v14;
	v11 =	vld [tilespmem:s25+$0x7690]  }
0x553: {  	v14 =	vunpack.i.l.bf16.f32 v31;
	[tilespmem:s0+$0x10] =	vst v15;
	v15 =	vunpack.i.l.bf16.f32 v56;
	v16 =	vunpack.i.l.bf16.f32 v28  }
0x554: {  	v29 =	vunpack.i.u.bf16.f32 v56;
	v28 =	vunpack.i.u.bf16.f32 v28;
	v27 =	vld [tilespmem:s12+$0x10];
	v15 =	vmul.f32 v16, v15  }
0x555: {  	s19 =	simm.s32 $0x4E4B;
	v16 =	vunpack.i.u.bf16.f32 v17;
	v17 =	vunpack.i.l.bf16.f32 v17;
	v30 =	vld [tilespmem:s17+$0x7690];
	v28 =	vmul.f32 v28, v29  }
0x556: {  	v29 =	vld [tilespmem:s19+$0x0];
	v14 =	vmul.f32 v17, v14;
	v17 =	vunpack.i.u.bf16.f32 v18;
	v15 =	vmul.f32 v12, v15  }
0x557: {  	v18 =	vunpack.i.l.bf16.f32 v18;
	v31 =	vunpack.i.l.bf16.f32 v11;
	v28 =	vmul.f32 v12, v28  }
0x558: {  	v13 =	vmul.f32 v16, v13;
	v11 =	vunpack.i.u.bf16.f32 v11;
	v16 =	vmul.f32 v31, v18;
	[tilespmem:s7+$0xA0] =	vst v15  }
0x559: {  	s20 =	spop (v2sf);
	v14 =	vmul.f32 v10, v14;
	v11 =	vmul.f32 v11, v17;
	[tilespmem:s7+$0xB0] =	vst v28  }
0x55a: {  	s10 =	ssub.f32 $0.0e+00, s20;
	v13 =	vmul.f32 v10, v13;
	v15 =	vunpack.i.u.bf16.f32 v27;
	v17 =	vunpack.i.l.bf16.f32 v27;
	v18 =	vld [tilespmem:s1+$0xA0]  }
0x55b: {  	v27 =	vunpack.i.u.bf16.f32 v30;
	v28 =	vunpack.i.l.bf16.f32 v30;
	v30 =	vld [tilespmem:s8+$0x76A0];
	(v2sf) =	vpush v29, $0x0;
	[tilespmem:s0+$0xFFFFFF20] =	vst v14  }
0x55c: {  	v16 =	vmul.f32 v9, v16;
	[tilespmem:s0+$0xFFFFFF30] =	vst v13;
	v14 =	vmul.f32 v28, v17;
	v17 =	vmov s10  }
0x55d: {  	v13 =	vmul.f32 v27, v15;
	v27 =	vld [tilespmem:s14+$0x76A0];
	s22 =	spop (v2sf);
	v15 =	vmul.f32 $1.442695020e+00, v17  }
0x55e: {  	v11 =	vmul.f32 v9, v11;
	v17 =	vld [tilespmem:s12+$0xFFFFFF20];
	v14 =	vmul.f32 v8, v14;
	s10 =	ssub.f32 $0.0e+00, s22  }
0x55f: {  	v13 =	vmul.f32 v8, v13;
	v15 =	vbroadcast v15, $0x0  }
0x560: {  	v28 =	vld [tilespmem:s19+$0xFFFFFFFE];
	v29 =	vmov s10;
	v31 =	vunpack.i.l.bf16.f32 v18;
	v57 =	vunpack.i.l.bf16.f32 v30  }
0x561: {  	[tilespmem:s0+$0xFFFFFFA0] =	vst v16;
	v16 =	vld [tilespmem:s19+$0xFFFFFFFF];
	v18 =	vunpack.i.u.bf16.f32 v18;
	v30 =	vunpack.i.u.bf16.f32 v30;
	v31 =	vmul.f32 v57, v31;
	s11 =	spop (v2sf)  }
0x562: {  	[tilespmem:s0+$0xFFFFFFB0] =	vst v11;
	v11 =	vld [tilespmem:s19+$0xFFFFFFFD];
	v29 =	vmul.f32 $1.442695020e+00, v29;
	v18 =	vmul.f32 v30, v18;
	s24 =	ssub.f32 $0.0e+00, s11  }
0x563: {  	[tilespmem:s0+$0x20] =	vst v14;
	v14 =	vld [tilespmem:s12+$0xFFFFFFA0];
	v59 =	vunpack.i.l.bf16.f32 v27;
	(erf) = vpow2.f32 v15;
	v30 =	vunpack.i.u.bf16.f32 v17  }
0x564: {  	[tilespmem:s0+$0x30] =	vst v13;
	v13 =	vld [tilespmem:s25+$0x76A0];
	v31 =	vmul.f32 v31, v12;
	v29 =	vbroadcast v29, $0x0;
	v58 =	vmov s24  }
0x565: {  	v60 =	vld [tilespmem:s12+$0x20];
	v17 =	vunpack.i.l.bf16.f32 v17;
	v18 =	vmul.f32 v18, v12;
	v32 =	vmul.f32 $1.442695020e+00, v58  }
0x566: {  	(v2sf) =	vpush v28, $0x0;
	v15 =	vmul.f32 v59, v17;
	v17 =	vld [tilespmem:s17+$0x76A0];
	(erf) = vpow2.f32 v29  }
0x567: {  	v27 =	vunpack.i.u.bf16.f32 v27;
	(v2sf) =	vpush v11, $0x0;
	[tilespmem:s7+$0xC0] =	vst v31;
	v32 =	vbroadcast v32, $0x0  }
0x568: {  	v11 =	vmul.f32 v27, v30;
	(v2sf) =	vpush v16, $0x0;
	[tilespmem:s7+$0xD0] =	vst v18;
	v15 =	vmul.f32 v15, v10  }
0x569: {  	v18 =	vunpack.i.u.bf16.f32 v14;
	v14 =	vunpack.i.l.bf16.f32 v14;
	v16 =	vld [tilespmem:s1+$0xB0];
	(erf) = vpow2.f32 v32  }
0x56a: {  	v27 =	vunpack.i.u.bf16.f32 v13;
	v13 =	vunpack.i.l.bf16.f32 v13;
	v11 =	vmul.f32 v11, v10;
	v29 =	vld [tilespmem:s8+$0x76B0]  }
0x56b: {  	s11 =	simm.s32 $0xFB80;
	v30 =	vunpack.i.l.bf16.f32 v60;
	v13 =	vmul.f32 v13, v14;
	v31 =	vunpack.i.l.bf16.f32 v17;
	s28 =	spop (v2sf)  }
0x56c: {  	v62 =	vld [tilespmem:s11+$0xD0];
	v14 =	vmul.f32 v27, v18;
	v18 =	vmul.f32 v31, v30;
	s8 =	sshll.u32 s28, $0x9  }
0x56d: {  	v28 =	vunpack.i.u.bf16.f32 v60;
	[tilespmem:s0+$0xFFFFFF40] =	vst v15;
	v17 =	vunpack.i.u.bf16.f32 v17;
	v15 =	vmul.f32 v13, v9;
	v30 =	vld [tilespmem:s11+$0xC0];
	s16 =	sshra.s32 s8, $0x2  }
0x56e: {  	[tilespmem:s0+$0xFFFFFF50] =	vst v11;
	v17 =	vmul.f32 v17, v28;
	v11 =	vpop (erf);
	v13 =	vunpack.i.l.bf16.f32 v16;
	v31 =	vmul.f32 v18, v8;
	v61 =	vld [tilespmem:s16+$0x76C0]  }
0x56f: {  	v16 =	vunpack.i.u.bf16.f32 v16;
	v18 =	vunpack.i.u.bf16.f32 v29;
	v11 =	vadd.f32 $1.000000000e+00, v11;
	v27 =	vpop (erf)  }
0x570: {  	v32 =	vmul.f32 v17, v8;
	v17 =	vld [tilespmem:s12+$0xFFFFFF30];
	v16 =	vmul.f32 v18, v16;
	v18 =	vadd.f32 $1.000000000e+00, v27  }
0x571: {  	v14 =	vmul.f32 v14, v9;
	v28 =	vunpack.i.l.bf16.f32 v29;
	(erf) = vrcp.f32 v11  }
0x572: {  	v34 =	vunpack.i.u.bf16.f32 v62;
	v13 =	vmul.f32 v28, v13;
	v11 =	vld [tilespmem:s16+$0x76D0];
	(erf) = vrcp.f32 v18;
	v27 =	vpop (erf)  }
0x573: {  	v63 =	vld [tilespmem:s11+$0xE0];
	v18 =	vunpack.i.l.bf16.f32 v30;
	v29 =	vunpack.i.l.bf16.f32 v61;
	v28 =	vadd.f32 $1.000000000e+00, v27  }
0x574: {  	v27 =	vmul.f32 v16, v12;
	v16 =	vadd.f32 v29, v18;
	v18 =	vunpack.i.u.bf16.f32 v30  }
0x575: {  	v30 =	vunpack.i.u.bf16.f32 v61;
	v29 =	vunpack.i.l.bf16.f32 v17;
	(erf) = vrcp.f32 v28  }
0x576: {  	v28 =	vunpack.i.u.bf16.f32 v17;
	v16 =	vmax.f32 v16, $0.0e+00;
	v17 =	vadd.f32 v30, v18;
	v18 =	vld [tilespmem:s16+$0x76E0]  }
0x577: {  	v41 =	vld [tilespmem:s11+$0xF0];
	v40 =	vunpack.i.l.bf16.f32 v11;
	v30 =	vunpack.i.l.bf16.f32 v62;
	v16 =	vmul.f32 v16, v0  }
0x578: {  	v42 =	vunpack.i.l.bf16.f32 v63;
	v30 =	vadd.f32 v40, v30;
	v17 =	vmax.f32 v17, $0.0e+00  }
0x579: {  	v11 =	vunpack.i.u.bf16.f32 v11;
	v16 =	vadd.f32 $0.0e+00, v16;
	v17 =	vmul.f32 v17, v1  }
0x57a: {  	v33 =	vunpack.i.u.bf16.f32 v63;
	v43 =	vld [tilespmem:s16+$0x76F0];
	v11 =	vadd.f32 v11, v34;
	v30 =	vmax.f32 v30, $0.0e+00  }
0x57b: {  	v44 =	vld [tilespmem:s11+$0xFFFFFF40];
	v16 =	vadd.f32 v16, v17;
	v17 =	vmul.f32 v30, v2;
	v30 =	vunpack.i.l.bf16.f32 v18  }
0x57c: {  	v45 =	vunpack.i.l.bf16.f32 v41;
	s29 =	spop (v2sf);
	v11 =	vmax.f32 v11, $0.0e+00;
	v30 =	vadd.f32 v30, v42  }
0x57d: {  	s30 =	spop (v2sf);
	v11 =	vmul.f32 v11, v3;
	v16 =	vadd.f32 v17, v16;
	v17 =	vunpack.i.u.bf16.f32 v18  }
0x57e: {  	v48 =	vld [tilespmem:s11+$0x40];
	v35 =	vunpack.i.u.bf16.f32 v41;
	s9 =	sshll.u32 s30, $0x9;
	v30 =	vmax.f32 v30, $0.0e+00;
	v17 =	vadd.f32 v17, v33  }
0x57f: {  	v58 =	vld [tilespmem:s11+$0xFFFFFFD0];
	s8 =	sshll.u32 s29, $0x9;
	s31 =	spop (v2sf);
	s10 =	sshra.s32 s9, $0x2;
	v11 =	vadd.f32 v16, v11;
	v16 =	vmul.f32 v30, v4;
	v30 =	vunpack.i.l.bf16.f32 v43  }
0x580: {  	v49 =	vunpack.i.u.bf16.f32 v44;
	s9 =	sshra.s32 s8, $0x2;
	s8 =	sshll.u32 s31, $0x9;
	v46 =	vld [tilespmem:s10+$0x76C0];
	v17 =	vmax.f32 v17, $0.0e+00;
	v33 =	vadd.f32 v30, v45  }
0x581: {  	v47 =	vld [tilespmem:s9+$0x76C0];
	s8 =	sshra.s32 s8, $0x2;
	v11 =	vadd.f32 v16, v11;
	v16 =	vmul.f32 v17, v5;
	v17 =	vunpack.i.u.bf16.f32 v43  }
0x582: {  	v54 =	vld [tilespmem:s8+$0x76D0];
	v30 =	vmul.f32 v13, v12;
	v13 =	vmax.f32 v33, $0.0e+00;
	v17 =	vadd.f32 v17, v35  }
0x583: {  	v53 =	vunpack.i.l.bf16.f32 v48;
	v18 =	vld [tilespmem:s11+$0xFFFFFFC0];
	v11 =	vadd.f32 v11, v16;
	v13 =	vmul.f32 v13, v6  }
0x584: {  	v39 =	vunpack.i.u.bf16.f32 v48;
	v63 =	vunpack.i.l.bf16.f32 v58;
	v17 =	vmax.f32 v17, $0.0e+00  }
0x585: {  	v40 =	vunpack.i.u.bf16.f32 v58;
	v11 =	vadd.f32 v13, v11;
	v13 =	vmul.f32 v17, v7  }
0x586: {  	v51 =	vunpack.i.l.bf16.f32 v46;
	v52 =	vunpack.i.l.bf16.f32 v47;
	v56 =	vunpack.i.u.bf16.f32 v46;
	v12 =	vld [tilespmem:s8+$0x76C0]  }
0x587: {  	v38 =	vunpack.i.u.bf16.f32 v47;
	v48 =	vunpack.i.l.bf16.f32 v54;
	v11 =	vadd.f32 v11, v13  }
0x588: {  	v42 =	vunpack.i.u.bf16.f32 v54;
	v50 =	vunpack.i.l.bf16.f32 v18;
	v33 =	vadd.f32 v56, v49  }
0x589: {  	v18 =	vunpack.i.u.bf16.f32 v18;
	v35 =	vld [tilespmem:s10+$0x76D0];
	v16 =	vunpack.i.l.bf16.f32 v44;
	v34 =	vadd.f32 v52, v50;
	(xrf2) =	vadd.scan.msk.f32 $0xffff, v11  }
0x58a: {  	v49 =	vld [tilespmem:s10+$0x76E0];
	v18 =	vadd.f32 v38, v18;
	v16 =	vadd.f32 v51, v16;
	v33 =	vmax.f32 v33, $0.0e+00  }
0x58b: {  	v46 =	vld [tilespmem:s11+$0xFFFFFF60];
	v55 =	vunpack.i.l.bf16.f32 v12;
	v12 =	vunpack.i.u.bf16.f32 v12;
	v34 =	vmax.f32 v34, $0.0e+00  }
0x58c: {  	v51 =	vld [tilespmem:s9+$0x76E0];
	v18 =	vmax.f32 v18, $0.0e+00;
	v33 =	vmul.f32 v33, v1;
	v57 =	vadd.f32 v55, v53  }
0x58d: {  	v17 =	vld [tilespmem:s9+$0x76D0];
	v16 =	vmax.f32 v16, $0.0e+00;
	v34 =	vmul.f32 v34, v0;
	v12 =	vadd.f32 v12, v39  }
0x58e: {  	v52 =	vld [tilespmem:s8+$0x76E0];
	v18 =	vmul.f32 v18, v1;
	v16 =	vmul.f32 v16, v0;
	v60 =	vunpack.i.l.bf16.f32 v35  }
0x58f: {  	v35 =	vunpack.i.u.bf16.f32 v35;
	v56 =	vunpack.i.l.bf16.f32 v49;
	v59 =	vmax.f32 v57, $0.0e+00  }
0x590: {  	v47 =	vld [tilespmem:s11+$0x60];
	v12 =	vmax.f32 v12, $0.0e+00;
	v34 =	vadd.f32 $0.0e+00, v34;
	v57 =	vunpack.i.l.bf16.f32 v46  }
0x591: {  	v13 =	vld [tilespmem:s11+$0xFFFFFF50];
	v36 =	vmul.f32 v59, v0;
	v16 =	vadd.f32 $0.0e+00, v16;
	v12 =	vmul.f32 v12, v1  }
0x592: {  	v58 =	vunpack.i.l.bf16.f32 v51;
	v61 =	vunpack.i.l.bf16.f32 v17;
	v18 =	vadd.f32 v34, v18  }
0x593: {  	v53 =	vld [tilespmem:s11+$0xFFFFFFE0];
	v59 =	vunpack.i.l.bf16.f32 v52;
	v34 =	vadd.f32 v56, v57;
	v38 =	vadd.f32 v61, v63;
	v45, _, _ =	vpop (xrf2)  }
0x594: {  	v17 =	vunpack.i.u.bf16.f32 v17;
	v36 =	vadd.f32 $0.0e+00, v36;
	(v2sf) =	vpush v45, $0xF  }
0x595: {  	v11 =	vld [tilespmem:s11+$0x50];
	v17 =	vadd.f32 v17, v40;
	v16 =	vadd.f32 v16, v33;
	v61 =	vunpack.i.l.bf16.f32 v47  }
0x596: {  	v62 =	vunpack.i.l.bf16.f32 v13;
	v13 =	vunpack.i.u.bf16.f32 v13;
	v63 =	vadd.f32 v59, v61  }
0x597: {  	v39 =	vld [tilespmem:s9+$0x76F0];
	v34 =	vmax.f32 v34, $0.0e+00;
	v37 =	vadd.f32 v60, v62;
	v38 =	vmax.f32 v38, $0.0e+00  }
0x598: {  	v13 =	vadd.f32 v35, v13;
	v12 =	vadd.f32 v36, v12;
	v60 =	vunpack.i.l.bf16.f32 v53  }
0x599: {  	v17 =	vmax.f32 v17, $0.0e+00;
	v53 =	vunpack.i.u.bf16.f32 v53;
	v34 =	vmul.f32 v34, v4  }
0x59a: {  	v56 =	vld [tilespmem:s11+$0x70];
	v44 =	vunpack.i.l.bf16.f32 v11;
	v11 =	vunpack.i.u.bf16.f32 v11;
	v55 =	vmul.f32 v38, v2  }
0x59b: {  	v40 =	vld [tilespmem:s11+$0xFFFFFF70];
	v62 =	vadd.f32 v58, v60;
	v17 =	vmul.f32 v17, v3;
	v38 =	vmax.f32 v63, $0.0e+00  }
0x59c: {  	v58 =	vunpack.i.l.bf16.f32 v39;
	v50 =	vadd.f32 v48, v44;
	v37 =	vmax.f32 v37, $0.0e+00  }
0x59d: {  	v11 =	vadd.f32 v42, v11;
	v13 =	vmax.f32 v13, $0.0e+00;
	v48 =	vunpack.i.u.bf16.f32 v49  }
0x59e: {  	v49 =	vunpack.i.u.bf16.f32 v46;
	v37 =	vmul.f32 v37, v2;
	v13 =	vmul.f32 v13, v3  }
0x59f: {  	v18 =	vadd.f32 v55, v18;
	v33 =	vadd.f32 v48, v49;
	v36 =	vmax.f32 v62, $0.0e+00  }
0x5a0: {  	v57 =	vunpack.i.l.bf16.f32 v40;
	v48 =	vunpack.i.l.bf16.f32 v56;
	v40 =	vunpack.i.u.bf16.f32 v40  }
0x5a1: {  	v54 =	vmax.f32 v50, $0.0e+00;
	v11 =	vmax.f32 v11, $0.0e+00;
	v50 =	vunpack.i.u.bf16.f32 v51  }
0x5a2: {  	v55 =	vld [tilespmem:s11+$0xFFFFFFF0];
	v51 =	vunpack.i.u.bf16.f32 v52;
	v35 =	vmul.f32 v54, v2;
	v16 =	vadd.f32 v37, v16  }
0x5a3: {  	v11 =	vmul.f32 v11, v3;
	v54 =	vunpack.i.u.bf16.f32 v47;
	v41 =	vadd.f32 v50, v53;
	s19 =	spop (v2sf)  }
0x5a4: {  	v37 =	vld [tilespmem:s10+$0x76F0];
	v33 =	vmax.f32 v33, $0.0e+00;
	v50 =	vunpack.i.u.bf16.f32 v56;
	v42 =	vadd.f32 v51, v54;
	s19 =	ssub.f32 $0.0e+00, s19  }
0x5a5: {  	v52 =	vld [tilespmem:s8+$0x76F0];
	v33 =	vmul.f32 v33, v5;
	v12 =	vadd.f32 v35, v12;
	v13 =	vadd.f32 v16, v13  }
0x5a6: {  	v16 =	vadd.f32 v18, v17;
	v17 =	vmul.f32 v36, v4;
	v60 =	vmov s19  }
0x5a7: {  	v41 =	vmax.f32 v41, $0.0e+00;
	v61 =	vunpack.i.l.bf16.f32 v55;
	v46 =	vmul.f32 $1.442695020e+00, v60  }
0x5a8: {  	v42 =	vmax.f32 v42, $0.0e+00;
	v35 =	vunpack.i.u.bf16.f32 v55;
	v11 =	vadd.f32 v12, v11  }
0x5a9: {  	v12 =	vmul.f32 v38, v4;
	v18 =	vunpack.i.l.bf16.f32 v37;
	v63 =	vbroadcast v46, $0x0  }
0x5aa: {  	v59 =	vunpack.i.l.bf16.f32 v52;
	v13 =	vadd.f32 v34, v13;
	v18 =	vadd.f32 v18, v57  }
0x5ab: {  	v51 =	vld [tilespmem:s10+$0x7680];
	v11 =	vadd.f32 v12, v11;
	v12 =	vunpack.i.u.bf16.f32 v37;
	(erf) = vpow2.f32 v63  }
0x5ac: {  	v62 =	vadd.f32 v58, v61;
	v40 =	vadd.f32 v12, v40;
	v18 =	vmax.f32 v18, $0.0e+00  }
0x5ad: {  	v16 =	vadd.f32 v17, v16;
	v33 =	vadd.f32 v13, v33;
	v18 =	vmul.f32 v18, v6  }
0x5ae: {  	v55 =	vld [tilespmem:s11+$0xFFFFFF80];
	v17 =	vmul.f32 v41, v5;
	v47 =	vmul.f32 v42, v5;
	v40 =	vmax.f32 v40, $0.0e+00  }
0x5af: {  	v49 =	vunpack.i.u.bf16.f32 v52;
	v52 =	vld [tilespmem:s8+$0x7680];
	v40 =	vmul.f32 v40, v7;
	v18 =	vadd.f32 v18, v33  }
0x5b0: {  	v36 =	vmax.f32 v62, $0.0e+00;
	v16 =	vadd.f32 v16, v17;
	v58 =	vunpack.i.u.bf16.f32 v51  }
0x5b1: {  	v38 =	vunpack.i.l.bf16.f32 v51;
	v36 =	vmul.f32 v36, v6;
	v12 =	vpop (erf);
	v18 =	vadd.f32 v18, v40  }
0x5b2: {  	[tilespmem:s0+$0xFFFFFFD0] =	vst v14;
	v37 =	vadd.f32 v11, v47;
	v13 =	vpop (erf);
	v46 =	vadd.f32 v59, v48;
	v48 =	vunpack.i.u.bf16.f32 v39  }
0x5b3: {  	v17 =	vld [tilespmem:s9+$0x7680];
	v14 =	vunpack.i.u.bf16.f32 v55;
	v42 =	vunpack.i.l.bf16.f32 v55;
	v11 =	vpop (erf);
	(xrf2) =	vadd.scan.msk.f32 $0xffff, v18;
	v35 =	vadd.f32 v48, v35  }
0x5b4: {  	v16 =	vadd.f32 v36, v16;
	v61 =	vunpack.i.u.bf16.f32 v52;
	v22 =	vmul.f32 v12, v22;
	v54 =	vpop (erf)  }
0x5b5: {  	v62 =	vld [tilespmem:s11+$0x80];
	v25 =	vmul.f32 v12, v25;
	v35 =	vmax.f32 v35, $0.0e+00;
	v36 =	vadd.f32 $1.000000000e+00, v54  }
0x5b6: {  	v39 =	vadd.f32 v49, v50;
	v34 =	vmax.f32 v46, $0.0e+00;
	v35 =	vmul.f32 v35, v7  }
0x5b7: {  	v47 =	vld [tilespmem:s16+$0x7680];
	v41 =	vunpack.i.l.bf16.f32 v52;
	v34 =	vmul.f32 v34, v6;
	(erf) = vrcp.f32 v36  }
0x5b8: {  	[tilespmem:s0+$0xFFFFFFC0] =	vst v15;
	v57 =	vld [tilespmem:s11+$0x0];
	v15 =	vunpack.i.l.bf16.f32 v17;
	v39 =	vmax.f32 v39, $0.0e+00;
	v16 =	vadd.f32 v16, v35  }
0x5b9: {  	[tilespmem:s0+$0x40] =	vst v31;
	v51 =	vmul.f32 v13, v26;
	v59 =	vld [tilespmem:s14+$0x76B0];
	v56 =	vmul.f32 v39, v7;
	v34 =	vadd.f32 v34, v37  }
0x5ba: {  	v53 =	vld [tilespmem:s11+$0xFFFFFF00];
	v26 =	vunpack.i.l.bf16.f32 v62;
	v15 =	vmul.f32 v15, v42;
	v60 =	vunpack.i.u.bf16.f32 v17;
	(xrf2) =	vadd.scan.msk.f32 $0xffff, v16  }
0x5bb: {  	v31 =	vld [tilespmem:s25+$0x76B0];
	[tilespmem:s7+$0xFFFFFF00] =	vst v22;
	v22 =	vunpack.i.u.bf16.f32 v62;
	v24 =	vmul.f32 v11, v24;
	v36 =	vadd.f32 v34, v56  }
0x5bc: {  	[tilespmem:s7+$0xFFFFFF10] =	vst v25;
	v23 =	vmul.f32 v11, v23;
	v52 =	vunpack.i.l.bf16.f32 v47;
	v33 =	vunpack.i.u.bf16.f32 v47;
	v49 =	vld [tilespmem:s12+$0xFFFFFFB0]  }
0x5bd: {  	v14 =	vmul.f32 v60, v14;
	v48 =	vunpack.i.l.bf16.f32 v57;
	v60, _, _ =	vpop (xrf2);
	v39 =	vunpack.i.u.bf16.f32 v57;
	v57 =	vld [tilespmem:s1+$0xFFFFFF10];
	(xrf2) =	vadd.scan.msk.f32 $0xffff, v36  }
0x5be: {  	v25 =	vmul.f32 v33, v22;
	v50 =	vunpack.i.u.bf16.f32 v59;
	v55 =	vunpack.i.l.bf16.f32 v59;
	v59 =	vld [tilespmem:s15+$0x7690]  }
0x5bf: {  	[tilespmem:s0+$0x50] =	vst v32;
	v63 =	vunpack.i.u.bf16.f32 v53;
	v35 =	vmul.f32 v52, v26;
	v56 =	vmul.f32 v13, v19  }
0x5c0: {  	[tilespmem:s7+$0xFFFFFF80] =	vst v51;
	v33 =	vunpack.i.u.bf16.f32 v31;
	v17 =	vunpack.i.l.bf16.f32 v53;
	v18 =	vmul.f32 v58, v63;
	v22 =	vpop (erf)  }
0x5c1: {  	v53 =	vld [tilespmem:s12+$0x30];
	(v2sf) =	vpush v60, $0xF;
	v40 =	vunpack.i.l.bf16.f32 v49;
	[tilespmem:s7+$0xFFFFFF90] =	vst v56;
	v58 =	vmul.f32 v22, v35  }
0x5c2: {  	[tilespmem:s7+$0x0] =	vst v24;
	s12 =	simm.s32 $0x14B80;
	v26 =	vunpack.i.u.bf16.f32 v49;
	v24 =	vmul.f32 v50, v28;
	v62 =	vld [tilespmem:s1+$0xFFFFFF90];
	v25 =	vmul.f32 v22, v25  }
0x5c3: {  	v16 =	vmul.f32 v41, v48;
	v50 =	vunpack.i.l.bf16.f32 v57;
	v52 =	vunpack.i.l.bf16.f32 v59;
	v54 =	vld [tilespmem:s17+$0x76B0];
	[tilespmem:s12+$0x80] =	vst v58  }
0x5c4: {  	v28 =	vunpack.i.u.bf16.f32 v57;
	v51 =	vunpack.i.u.bf16.f32 v59;
	v37 =	vmul.f32 v52, v50;
	v63 =	vld [tilespmem:s13+$0x7690];
	v48, _, _ =	vpop (xrf2);
	[tilespmem:s12+$0x90] =	vst v25  }
0x5c5: {  	v28 =	vmul.f32 v51, v28;
	(v2sf) =	vpush v48, $0xF;
	v25 =	vmul.f32 v55, v29;
	v29 =	vld [tilespmem:s11+$0x90]  }
0x5c6: {  	v19 =	vmul.f32 v61, v39;
	v61 =	vunpack.i.l.bf16.f32 v31;
	v31 =	vunpack.i.u.bf16.f32 v53;
	v49 =	vld [tilespmem:s16+$0x7690]  }
0x5c7: {  	[tilespmem:s7+$0x10] =	vst v23;
	v34 =	vunpack.i.l.bf16.f32 v53;
	v53 =	vunpack.i.u.bf16.f32 v62;
	v55 =	vunpack.i.l.bf16.f32 v62;
	v62, _, _ =	vpop (xrf2)  }
0x5c8: {  	v17 =	vmul.f32 v38, v17;
	v57 =	vld [tilespmem:s2+$0x7690];
	v37 =	vmul.f32 v12, v37;
	(v2sf) =	vpush v62, $0xF  }
0x5c9: {  	[tilespmem:s0+$0xF0] =	vst v20;
	v28 =	vmul.f32 v12, v28;
	v32 =	vunpack.i.u.bf16.f32 v54;
	v35 =	vunpack.i.l.bf16.f32 v54;
	v54 =	vld [tilespmem:s1+$0x10]  }
0x5ca: {  	[tilespmem:s0+$0xE0] =	vst v21;
	v23 =	vmul.f32 v61, v40;
	v56 =	vunpack.i.l.bf16.f32 v63;
	v20 =	vunpack.i.u.bf16.f32 v63  }
0x5cb: {  	[tilespmem:s7+$0xF0] =	vst v27;
	v27 =	vmul.f32 v20, v53;
	v21 =	vunpack.i.l.bf16.f32 v29;
	v59 =	vunpack.i.l.bf16.f32 v49  }
0x5cc: {  	[tilespmem:s7+$0xFFFFFF20] =	vst v37;
	v29 =	vunpack.i.u.bf16.f32 v29;
	v36 =	vunpack.i.u.bf16.f32 v49;
	v21 =	vmul.f32 v59, v21  }
0x5cd: {  	[tilespmem:s7+$0xFFFFFF30] =	vst v28;
	v63 =	vunpack.i.u.bf16.f32 v57;
	v58 =	vmul.f32 v56, v55;
	v29 =	vmul.f32 v36, v29  }
0x5ce: {  	v20 =	vld [tilespmem:s1+$0xFFFFFF20];
	v28 =	vunpack.i.l.bf16.f32 v54;
	v61 =	vmul.f32 v22, v21;
	v21 =	vunpack.i.l.bf16.f32 v57  }
0x5cf: {  	[tilespmem:s7+$0xE0] =	vst v30;
	v60 =	vunpack.i.u.bf16.f32 v54;
	v30 =	vmul.f32 v22, v29;
	v28 =	vmul.f32 v21, v28;
	v21 =	vld [tilespmem:s15+$0x76A0]  }
0x5d0: {  	s25 =	simm.s32 $0x4E4F;
	s14 =	simm.s32 $0xFB80;
	s17 =	simm.s32 $0x8;
	v36 =	vmul.f32 v63, v60;
	v29 =	vmul.f32 v13, v58;
	[tilespmem:s12+$0xA0] =	vst v61  }
.LBB2_10:
0x5d1: {  	v37 =	vld [tilespmem:s25+$0x0];
	[tilespmem:s12+$0xB0] =	vst v30;
	s19 =	spop (v2sf);
	v27 =	vmul.f32 v13, v27;
	v28 =	vmul.f32 v11, v28  }
0x5d2: {  	v26 =	vmul.f32 v33, v26;
	s19 =	ssub.f32 $0.0e+00, s19;
	v30 =	vld [tilespmem:s11+$0xA0];
	[tilespmem:s7+$0xFFFFFFA0] =	vst v29;
	v29 =	vmul.f32 v11, v36  }
0x5d3: {  	v33 =	vld [tilespmem:s16+$0x76A0];
	v36 =	vunpack.i.u.bf16.f32 v20;
	v38 =	vunpack.i.l.bf16.f32 v20;
	[tilespmem:s7+$0xFFFFFFB0] =	vst v27;
	v20 =	vmul.f32 v35, v34  }
0x5d4: {  	v27 =	vld [tilespmem:s25+$0xFFFFFFFE];
	v34 =	vmov s19;
	s19 =	spop (v2sf);
	v35 =	vunpack.i.u.bf16.f32 v21;
	v21 =	vunpack.i.l.bf16.f32 v21;
	[tilespmem:s7+$0x20] =	vst v28  }
0x5d5: {  	v28 =	vld [tilespmem:s25+$0xFFFFFFFF];
	v34 =	vmul.f32 $1.442695020e+00, v34;
	s19 =	ssub.f32 $0.0e+00, s19;
	v21 =	vmul.f32 v21, v38;
	[tilespmem:s7+$0x30] =	vst v29  }
0x5d6: {  	v31 =	vmul.f32 v32, v31;
	v35 =	vmul.f32 v35, v36;
	v29 =	vld [tilespmem:s25+$0xFFFFFFFD];
	(v2sf) =	vpush v37, $0x0  }
0x5d7: {  	s17 =	sadd.s32 $0x4, s17;
	v32 =	vbroadcast v34, $0x0;
	v34 =	vmov s19;
	s19 =	spop (v2sf);
	v21 =	vmul.f32 v21, v12;
	v36 =	vld [tilespmem:s1+$0xFFFFFFA0]  }
0x5d8: {  	p0 =	slt.u32 s17, $0x4C;
	v37 =	vunpack.i.l.bf16.f32 v30;
	v34 =	vmul.f32 $1.442695020e+00, v34;
	s19 =	ssub.f32 $0.0e+00, s19;
	v38 =	vunpack.i.l.bf16.f32 v33;
	v39 =	vld [tilespmem:s13+$0x76A0]  }
0x5d9: {  	v30 =	vunpack.i.u.bf16.f32 v30;
	v33 =	vunpack.i.u.bf16.f32 v33;
	v37 =	vmul.f32 v38, v37;
	[tilespmem:s7+$0xFFFFFF40] =	vst v21;
	v21 =	vld [tilespmem:s1+$0x20]  }
0x5da: {  	v30 =	vmul.f32 v33, v30;
	(v2sf) =	vpush v27, $0x0;
	v27 =	vmov s19;
	v33 =	vld [tilespmem:s2+$0x76A0]  }
0x5db: {  	(v2sf) =	vpush v29, $0x0;
	v27 =	vmul.f32 $1.442695020e+00, v27;
	v29 =	vmul.f32 v37, v22  }
0x5dc: {  	v30 =	vmul.f32 v30, v22;
	(v2sf) =	vpush v28, $0x0;
	v28 =	vbroadcast v34, $0x0  }
0x5dd: {  	v27 =	vbroadcast v27, $0x0;
	[tilespmem:s12+$0xC0] =	vst v29;
	(erf) = vpow2.f32 v32;
	v29 =	vunpack.i.u.bf16.f32 v36  }
0x5de: {  	[tilespmem:s12+$0xD0] =	vst v30;
	(erf) = vpow2.f32 v28;
	v28 =	vunpack.i.l.bf16.f32 v36;
	v30 =	vunpack.i.u.bf16.f32 v39  }
0x5df: {  	v34 =	vunpack.i.u.bf16.f32 v21;
	v32 =	vld [tilespmem:s11+$0xB0];
	(erf) = vpow2.f32 v27;
	v27 =	vunpack.i.l.bf16.f32 v39  }
0x5e0: {  	v21 =	vunpack.i.l.bf16.f32 v21;
	v37 =	vunpack.i.u.bf16.f32 v33;
	v33 =	vunpack.i.l.bf16.f32 v33;
	v36 =	vld [tilespmem:s16+$0x76B0]  }
0x5e1: {  	v27 =	vmul.f32 v27, v28;
	v28 =	vmul.f32 v30, v29  }
0x5e2: {  	v21 =	vmul.f32 v33, v21;
	v29 =	vmul.f32 v37, v34  }
0x5e3: {  	v30 =	vmul.f32 v35, v12;
	v27 =	vmul.f32 v27, v13  }
0x5e4: {  	v28 =	vmul.f32 v28, v13;
	v21 =	vmul.f32 v21, v11;
	v33 =	vunpack.i.l.bf16.f32 v32  }
0x5e5: {  	v29 =	vmul.f32 v29, v11;
	v32 =	vunpack.i.u.bf16.f32 v32;
	s16 =	spop (v2sf);
	v35 =	vunpack.i.u.bf16.f32 v36;
	[tilespmem:s7+$0xFFFFFF50] =	vst v30  }
0x5e6: {  	v25 =	vmul.f32 v25, v10;
	s11 =	sadd.s32 $0x200, s11;
	v30 =	vunpack.i.l.bf16.f32 v36;
	s16 =	sshll.u32 s16, $0x9;
	v32 =	vmul.f32 v35, v32;
	v34 =	vpop (erf);
	v35 =	vld [tilespmem:s1+$0xFFFFFF30];
	[tilespmem:s7+$0xFFFFFFC0] =	vst v27  }
0x5e7: {  	v24 =	vmul.f32 v24, v10;
	v30 =	vmul.f32 v30, v33;
	v27 =	vld [tilespmem:s11+$0xC0];
	s16 =	sshra.s32 s16, $0x2;
	v34 =	vadd.f32 $1.000000000e+00, v34;
	v33 =	vpop (erf);
	[tilespmem:s7+$0xFFFFFFD0] =	vst v28  }
0x5e8: {  	v23 =	vmul.f32 v23, v9;
	v28 =	vld [tilespmem:s16+$0x76C0];
	v33 =	vadd.f32 $1.000000000e+00, v33;
	v32 =	vmul.f32 v32, v22;
	v10 =	vpop (erf);
	[tilespmem:s7+$0x40] =	vst v21  }
0x5e9: {  	v26 =	vmul.f32 v26, v9;
	v9 =	vmovc v13;
	v36 =	vld [tilespmem:s11+$0xFFFFFF40];
	s19 =	spop (v2sf);
	v21 =	vadd.f32 $1.000000000e+00, v10;
	(erf) = vrcp.f32 v34;
	[tilespmem:s7+$0x50] =	vst v29;
	v10 =	vmovc v12  }
0x5ea: {  	v13 =	vmul.f32 v20, v8;
	v12 =	vld [tilespmem:s11+$0xFFFFFFC0];
	s19 =	sshll.u32 s19, $0x9;
	s20 =	spop (v2sf);
	[tilespmem:s12+$0xF0] =	vst v32;
	(erf) = vrcp.f32 v33  }
0x5eb: {  	s22 =	sshll.u32 s20, $0x9;
	s20 =	sshra.s32 s19, $0x2;
	v29 =	vld [tilespmem:s11+$0xD0];
	s24 =	spop (v2sf);
	(erf) = vrcp.f32 v21;
	v20 =	vunpack.i.u.bf16.f32 v35;
	v21 =	vunpack.i.l.bf16.f32 v35;
	[tilespmem:s0+$0xFFFFFF60] =	vst v25  }
0x5ec: {  	v22 =	vmul.f32 v30, v22;
	s19 =	sshra.s32 s22, $0x2;
	s22 =	sshll.u32 s24, $0x9;
	v25 =	vld [tilespmem:s16+$0x76D0];
	[tilespmem:s0+$0xFFFFFF70] =	vst v24;
	v24 =	vmul.f32 v31, v8;
	v8 =	vmov v11  }
0x5ed: {  	v11 =	vunpack.i.l.bf16.f32 v27;
	v30 =	vld [tilespmem:s19+$0x76C0];
	s24 =	sshra.s32 s22, $0x2;
	v31 =	vunpack.i.l.bf16.f32 v28;
	[tilespmem:s0+$0xFFFFFFE0] =	vst v23  }
0x5ee: {  	v23 =	vunpack.i.u.bf16.f32 v36;
	v32 =	vunpack.i.l.bf16.f32 v36;
	v34 =	vld [tilespmem:s20+$0x76C0];
	v11 =	vadd.f32 v31, v11;
	[tilespmem:s0+$0xFFFFFFF0] =	vst v26  }
0x5ef: {  	v27 =	vunpack.i.u.bf16.f32 v27;
	v28 =	vunpack.i.u.bf16.f32 v28;
	v26 =	vunpack.i.l.bf16.f32 v12;
	v31 =	vld [tilespmem:s11+$0xE0];
	[tilespmem:s0+$0x60] =	vst v13  }
0x5f0: {  	v36 =	vadd.f32 v28, v27;
	v35 =	vunpack.i.u.bf16.f32 v12;
	v11 =	vmax.f32 v11, $0.0e+00;
	v27 =	vld [tilespmem:s16+$0x76E0];
	[tilespmem:s0+$0x70] =	vst v24;
	s0 =	smov.u32 s7;
	s7 =	smov.u32 s12  }
0x5f1: {  	v37 =	vunpack.i.l.bf16.f32 v29;
	v24 =	vld [tilespmem:s24+$0x76C0];
	v40 =	vmul.f32 v11, v0;
	v28 =	vunpack.i.l.bf16.f32 v25;
	[tilespmem:s12+$0xE0] =	vst v22  }
0x5f2: {  	v33 =	vmax.f32 v36, $0.0e+00;
	v29 =	vunpack.i.u.bf16.f32 v29;
	v22 =	vld [tilespmem:s11+$0x40];
	v28 =	vadd.f32 v28, v37;
	v12 =	vpop (erf)  }
0x5f3: {  	v33 =	vmul.f32 v33, v1;
	v39 =	vunpack.i.u.bf16.f32 v25;
	v36 =	vadd.f32 $0.0e+00, v40;
	v25 =	vld [tilespmem:s11+$0xF0];
	v13 =	vpop (erf)  }
0x5f4: {  	v29 =	vadd.f32 v39, v29;
	v28 =	vmax.f32 v28, $0.0e+00;
	v37 =	vunpack.i.l.bf16.f32 v31;
	v38 =	vld [tilespmem:s16+$0x76F0];
	v11 =	vpop (erf)  }
0x5f5: {  	v44 =	vld [tilespmem:s19+$0x76D0];
	v33 =	vadd.f32 v36, v33;
	v28 =	vmul.f32 v28, v2;
	v36 =	vunpack.i.l.bf16.f32 v27  }
0x5f6: {  	v29 =	vmax.f32 v29, $0.0e+00;
	v31 =	vunpack.i.u.bf16.f32 v31;
	v45 =	vld [tilespmem:s20+$0x76D0];
	v36 =	vadd.f32 v36, v37  }
0x5f7: {  	v29 =	vmul.f32 v29, v3;
	v27 =	vunpack.i.u.bf16.f32 v27;
	v46 =	vld [tilespmem:s24+$0x76D0];
	v28 =	vadd.f32 v28, v33  }
0x5f8: {  	v27 =	vadd.f32 v27, v31;
	v47 =	vld [tilespmem:s11+$0xFFFFFF50];
	v33 =	vmax.f32 v36, $0.0e+00;
	v31 =	vunpack.i.l.bf16.f32 v25  }
0x5f9: {  	v48 =	vld [tilespmem:s11+$0xFFFFFFD0];
	v28 =	vadd.f32 v28, v29;
	v29 =	vmul.f32 v33, v4;
	v33 =	vunpack.i.l.bf16.f32 v38  }
0x5fa: {  	v27 =	vmax.f32 v27, $0.0e+00;
	v25 =	vunpack.i.u.bf16.f32 v25;
	v49 =	vld [tilespmem:s11+$0x50];
	v31 =	vadd.f32 v33, v31  }
0x5fb: {  	v27 =	vmul.f32 v27, v5;
	v39 =	vld [tilespmem:s19+$0x76E0];
	v28 =	vadd.f32 v29, v28;
	v29 =	vunpack.i.u.bf16.f32 v38  }
0x5fc: {  	v33 =	vunpack.i.l.bf16.f32 v30;
	v40 =	vld [tilespmem:s20+$0x76E0];
	v31 =	vmax.f32 v31, $0.0e+00;
	v25 =	vadd.f32 v29, v25  }
0x5fd: {  	v29 =	vunpack.i.l.bf16.f32 v34;
	v41 =	vld [tilespmem:s24+$0x76E0];
	v27 =	vadd.f32 v28, v27;
	v28 =	vmul.f32 v31, v6  }
0x5fe: {  	v36 =	vunpack.i.l.bf16.f32 v24;
	v31 =	vunpack.i.l.bf16.f32 v22;
	v42 =	vld [tilespmem:s11+$0xFFFFFF60];
	v25 =	vmax.f32 v25, $0.0e+00  }
0x5ff: {  	v32 =	vadd.f32 v33, v32;
	v43 =	vld [tilespmem:s11+$0xFFFFFFE0];
	v27 =	vadd.f32 v28, v27;
	v25 =	vmul.f32 v25, v7  }
0x600: {  	v26 =	vadd.f32 v29, v26;
	v29 =	vadd.f32 v36, v31;
	v28 =	vunpack.i.u.bf16.f32 v30;
	v50 =	vld [tilespmem:s11+$0x60]  }
0x601: {  	v24 =	vunpack.i.u.bf16.f32 v24;
	v30 =	vunpack.i.u.bf16.f32 v34;
	v33 =	vld [tilespmem:s19+$0x76F0];
	v25 =	vadd.f32 v27, v25  }
0x602: {  	v22 =	vunpack.i.u.bf16.f32 v22;
	v26 =	vmax.f32 v26, $0.0e+00;
	v27 =	vmax.f32 v32, $0.0e+00;
	v34 =	vld [tilespmem:s20+$0x76F0]  }
0x603: {  	v23 =	vadd.f32 v28, v23;
	v30 =	vadd.f32 v30, v35;
	v28 =	vmax.f32 v29, $0.0e+00;
	v35 =	vld [tilespmem:s24+$0x76F0];
	(xrf2) =	vadd.scan.msk.f32 $0xffff, v25  }
0x604: {  	v22 =	vadd.f32 v24, v22;
	v29 =	vmul.f32 v26, v0;
	v25 =	vmul.f32 v27, v0;
	v36 =	vld [tilespmem:s11+$0xFFFFFF70]  }
0x605: {  	v24 =	vunpack.i.l.bf16.f32 v44;
	v26 =	vunpack.i.l.bf16.f32 v45;
	v31 =	vmul.f32 v28, v0;
	v37 =	vld [tilespmem:s11+$0xFFFFFFF0]  }
0x606: {  	v51 =	vunpack.i.l.bf16.f32 v46;
	v32 =	vunpack.i.l.bf16.f32 v48;
	v27 =	vunpack.i.l.bf16.f32 v47;
	v38 =	vld [tilespmem:s11+$0x70]  }
0x607: {  	v23 =	vmax.f32 v23, $0.0e+00;
	v52 =	vmax.f32 v30, $0.0e+00;
	v30 =	vunpack.i.l.bf16.f32 v49;
	v28 =	vld [tilespmem:s19+$0x7680]  }
0x608: {  	v22 =	vmax.f32 v22, $0.0e+00;
	v53 =	vadd.f32 v26, v32;
	v24 =	vadd.f32 v24, v27;
	v27 =	vld [tilespmem:s20+$0x7680]  }
0x609: {  	v23 =	vmul.f32 v23, v1;
	v54 =	vadd.f32 $0.0e+00, v25;
	v25 =	vadd.f32 v51, v30;
	v30 =	vld [tilespmem:s24+$0x7680]  }
0x60a: {  	v52 =	vmul.f32 v52, v1;
	v55 =	vadd.f32 $0.0e+00, v31;
	v51 =	vadd.f32 $0.0e+00, v29;
	v26 =	vld [tilespmem:s11+$0xFFFFFF00]  }
0x60b: {  	v44 =	vunpack.i.u.bf16.f32 v44;
	v45 =	vunpack.i.u.bf16.f32 v45;
	v56 =	vmul.f32 v22, v1;
	v31 =	vld [tilespmem:s11+$0xFFFFFF80]  }
0x60c: {  	v46 =	vunpack.i.u.bf16.f32 v46;
	v22 =	vunpack.i.u.bf16.f32 v47;
	v47 =	vunpack.i.u.bf16.f32 v48;
	v32 =	vld [tilespmem:s11+$0x0]  }
0x60d: {  	v49 =	vunpack.i.u.bf16.f32 v49;
	v48 =	vmax.f32 v53, $0.0e+00;
	v24 =	vmax.f32 v24, $0.0e+00;
	v53, _, _ =	vpop (xrf2);
	v29 =	vld [tilespmem:s15+$0x76B0];
	s15 =	smov.u32 s10;
	s10 =	smov.u32 s19  }
0x60e: {  	v44 =	vadd.f32 v44, v22;
	v57 =	vmax.f32 v25, $0.0e+00;
	(v2sf) =	vpush v53, $0xF;
	v22 =	vld [tilespmem:s1+$0xFFFFFFB0]  }
0x60f: {  	v46 =	vadd.f32 v46, v49;
	v45 =	vadd.f32 v45, v47;
	v53 =	vmul.f32 v24, v2;
	v25 =	vld [tilespmem:s13+$0x76B0];
	s13 =	smov.u32 s9;
	s9 =	smov.u32 s20  }
0x610: {  	v48 =	vmul.f32 v48, v2;
	v47 =	vadd.f32 v54, v23;
	v49 =	vadd.f32 v51, v52;
	v23 =	vld [tilespmem:s1+$0x30];
	s1 =	smov.u32 s14;
	s14 =	smov.u32 s11  }
0x611: {  	v51 =	vunpack.i.l.bf16.f32 v39;
	v52 =	vadd.f32 v55, v56;
	v54 =	vmul.f32 v57, v2;
	v24 =	vld [tilespmem:s2+$0x76B0];
	s2 =	smov.u32 s8;
	s8 =	smov.u32 s24  }
0x612: {  	v55 =	vunpack.i.l.bf16.f32 v42;
	v56 =	vunpack.i.l.bf16.f32 v40;
	v57 =	vunpack.i.l.bf16.f32 v41  }
0x613: {  	v44 =	vmax.f32 v44, $0.0e+00;
	v58 =	vunpack.i.l.bf16.f32 v43;
	v59 =	vunpack.i.l.bf16.f32 v50  }
0x614: {  	v46 =	vmax.f32 v46, $0.0e+00;
	v45 =	vmax.f32 v45, $0.0e+00;
	v51 =	vadd.f32 v51, v55  }
0x615: {  	v44 =	vmul.f32 v44, v3;
	v55 =	vadd.f32 v56, v58;
	v56 =	vadd.f32 v57, v59  }
0x616: {  	v45 =	vmul.f32 v45, v3;
	v48 =	vadd.f32 v48, v49;
	v47 =	vadd.f32 v53, v47  }
0x617: {  	v46 =	vmul.f32 v46, v3;
	v39 =	vunpack.i.u.bf16.f32 v39;
	v49 =	vadd.f32 v54, v52  }
0x618: {  	v42 =	vunpack.i.u.bf16.f32 v42;
	v40 =	vunpack.i.u.bf16.f32 v40;
	v41 =	vunpack.i.u.bf16.f32 v41  }
0x619: {  	v43 =	vunpack.i.u.bf16.f32 v43;
	v50 =	vunpack.i.u.bf16.f32 v50;
	v51 =	vmax.f32 v51, $0.0e+00  }
0x61a: {  	v39 =	vadd.f32 v39, v42;
	v42 =	vmax.f32 v55, $0.0e+00;
	v52 =	vmax.f32 v56, $0.0e+00  }
0x61b: {  	v40 =	vadd.f32 v40, v43;
	v41 =	vadd.f32 v41, v50;
	v51 =	vmul.f32 v51, v4  }
0x61c: {  	v42 =	vmul.f32 v42, v4;
	v43 =	vadd.f32 v47, v44;
	v44 =	vadd.f32 v48, v45  }
0x61d: {  	v46 =	vadd.f32 v49, v46;
	v45 =	vunpack.i.l.bf16.f32 v33;
	v47 =	vmul.f32 v52, v4;
	s19 =	spop (v2sf)  }
0x61e: {  	v50 =	vunpack.i.l.bf16.f32 v35;
	v49 =	vunpack.i.l.bf16.f32 v34;
	v48 =	vunpack.i.l.bf16.f32 v36;
	s19 =	ssub.f32 $0.0e+00, s19  }
0x61f: {  	v39 =	vmax.f32 v39, $0.0e+00;
	v53 =	vunpack.i.l.bf16.f32 v38;
	v52 =	vunpack.i.l.bf16.f32 v37  }
0x620: {  	v40 =	vmax.f32 v40, $0.0e+00;
	v41 =	vmax.f32 v41, $0.0e+00;
	v54 =	vmov s19  }
0x621: {  	v45 =	vadd.f32 v45, v48;
	v48 =	vadd.f32 v49, v52;
	v49 =	vmul.f32 $1.442695020e+00, v54  }
0x622: {  	v39 =	vmul.f32 v39, v5;
	v50 =	vadd.f32 v50, v53;
	v43 =	vadd.f32 v51, v43  }
0x623: {  	v42 =	vadd.f32 v42, v44;
	v44 =	vadd.f32 v47, v46;
	v46 =	vbroadcast v49, $0x0  }
0x624: {  	v40 =	vmul.f32 v40, v5;
	v41 =	vmul.f32 v41, v5;
	v33 =	vunpack.i.u.bf16.f32 v33  }
0x625: {  	v35 =	vunpack.i.u.bf16.f32 v35;
	v34 =	vunpack.i.u.bf16.f32 v34;
	(erf) = vpow2.f32 v46  }
0x626: {  	v38 =	vunpack.i.u.bf16.f32 v38;
	v36 =	vunpack.i.u.bf16.f32 v36;
	v37 =	vunpack.i.u.bf16.f32 v37  }
0x627: {  	v47 =	vmax.f32 v50, $0.0e+00;
	v45 =	vmax.f32 v45, $0.0e+00;
	v46 =	vmax.f32 v48, $0.0e+00  }
0x628: {  	v33 =	vadd.f32 v33, v36;
	v34 =	vadd.f32 v34, v37;
	v45 =	vmul.f32 v45, v6  }
0x629: {  	v35 =	vadd.f32 v35, v38;
	v36 =	vadd.f32 v43, v39;
	v37 =	vmul.f32 v46, v6  }
0x62a: {  	v38 =	vadd.f32 v42, v40;
	v39 =	vadd.f32 v44, v41;
	v40 =	vmul.f32 v47, v6  }
0x62b: {  	v35 =	vmax.f32 v35, $0.0e+00;
	v33 =	vmax.f32 v33, $0.0e+00;
	v34 =	vmax.f32 v34, $0.0e+00  }
0x62c: {  	v33 =	vmul.f32 v33, v7;
	v36 =	vadd.f32 v45, v36;
	v37 =	vadd.f32 v37, v38  }
0x62d: {  	v35 =	vmul.f32 v35, v7;
	v34 =	vmul.f32 v34, v7;
	v38 =	vadd.f32 v40, v39  }
0x62e: {  	v33 =	vadd.f32 v36, v33;
	v36 =	vunpack.i.u.bf16.f32 v28;
	v28 =	vunpack.i.l.bf16.f32 v28;
	v39 =	vpop (erf)  }
0x62f: {  	v34 =	vadd.f32 v37, v34;
	v37 =	vunpack.i.u.bf16.f32 v27;
	v39 =	vadd.f32 $1.000000000e+00, v39  }
0x630: {  	v27 =	vunpack.i.l.bf16.f32 v27;
	v35 =	vadd.f32 v38, v35;
	v38 =	vunpack.i.u.bf16.f32 v30  }
0x631: {  	v40 =	vunpack.i.u.bf16.f32 v26;
	v30 =	vunpack.i.l.bf16.f32 v30;
	(xrf2) =	vadd.scan.msk.f32 $0xffff, v33;
	(erf) = vrcp.f32 v39  }
0x632: {  	v26 =	vunpack.i.l.bf16.f32 v26;
	v33 =	vunpack.i.u.bf16.f32 v31;
	v31 =	vunpack.i.l.bf16.f32 v31;
	v39 =	vld [tilespmem:s11+$0x80]  }
0x633: {  	v28 =	vmul.f32 v28, v26;
	v26 =	vunpack.i.u.bf16.f32 v32;
	v32 =	vunpack.i.l.bf16.f32 v32;
	v41 =	vld [tilespmem:s16+$0x7680]  }
0x634: {  	v36 =	vmul.f32 v36, v40;
	v40 =	vunpack.i.u.bf16.f32 v29;
	v27 =	vmul.f32 v27, v31;
	(xrf2) =	vadd.scan.msk.f32 $0xffff, v34  }
0x635: {  	v29 =	vunpack.i.l.bf16.f32 v29;
	v30 =	vmul.f32 v30, v32;
	v31 =	vmul.f32 v37, v33  }
0x636: {  	v32 =	vmul.f32 v38, v26;
	v26 =	vunpack.i.u.bf16.f32 v22;
	v33 =	vmul.f32 v12, v17;
	v17 =	vmovc v28  }
0x637: {  	v28 =	vmul.f32 v12, v18;
	v37 =	vunpack.i.l.bf16.f32 v22;
	v18 =	vmovc v36;
	v34 =	vmul.f32 v13, v15;
	(xrf2) =	vadd.scan.msk.f32 $0xffff, v35  }
0x638: {  	v36 =	vmul.f32 v13, v14;
	v15 =	vmovc v27;
	v14 =	vmovc v31;
	v38 =	vunpack.i.l.bf16.f32 v39;
	v35 =	vunpack.i.l.bf16.f32 v41;
	[tilespmem:s12+$0xFFFFFF00] =	vst v33  }
0x639: {  	v27 =	vunpack.i.u.bf16.f32 v39;
	v39 =	vunpack.i.u.bf16.f32 v41;
	v35 =	vmul.f32 v35, v38;
	[tilespmem:s12+$0xFFFFFF10] =	vst v28  }
0x63a: {  	v41 =	vmul.f32 v11, v16;
	v33 =	vunpack.i.u.bf16.f32 v25;
	v27 =	vmul.f32 v39, v27;
	v22 =	vpop (erf);
	v28 =	vld [tilespmem:s1+$0xFFFFFF10];
	[tilespmem:s12+$0xFFFFFF80] =	vst v34  }
0x63b: {  	v39 =	vunpack.i.l.bf16.f32 v25;
	v34 =	vmul.f32 v22, v35;
	v31, _, _ =	vpop (xrf2);
	v38 =	vld [tilespmem:s15+$0x7690];
	[tilespmem:s12+$0xFFFFFF90] =	vst v36;
	v36 =	vmul.f32 v11, v19  }
0x63c: {  	v16 =	vmovc v30;
	v25 =	vmul.f32 v22, v27;
	s12 =	sadd.s32 $0x200, s12;
	v19 =	vmovc v32;
	(v2sf) =	vpush v31, $0xF;
	v27 =	vld [tilespmem:s1+$0xFFFFFF90];
	[tilespmem:s7+$0x0] =	vst v41;
	v31 =	vunpack.i.u.bf16.f32 v23  }
0x63d: {  	v32 =	vunpack.i.u.bf16.f32 v24;
	v35 =	vunpack.i.l.bf16.f32 v24;
	[tilespmem:s12+$0x80] =	vst v34;
	v30 =	vld [tilespmem:s13+$0x7690];
	v34 =	vunpack.i.l.bf16.f32 v23  }
0x63e: {  	v24 =	vmul.f32 v40, v20;
	[tilespmem:s12+$0x90] =	vst v25;
	v23, _, _ =	vpop (xrf2);
	v25 =	vmul.f32 v29, v21  }
0x63f: {  	v20 =	vld [tilespmem:s11+$0x90];
	(v2sf) =	vpush v23, $0xF;
	v21 =	vunpack.i.u.bf16.f32 v28;
	v28 =	vunpack.i.l.bf16.f32 v28;
	[tilespmem:s7+$0x10] =	vst v36  }
0x640: {  	v23 =	vmul.f32 v39, v37;
	v29 =	vld [tilespmem:s16+$0x7690];
	v36 =	vunpack.i.u.bf16.f32 v38;
	v38 =	vunpack.i.l.bf16.f32 v38  }
0x641: {  	v37, _, _ =	vpop (xrf2);
	v28 =	vmul.f32 v38, v28;
	v38 =	vunpack.i.u.bf16.f32 v27;
	v27 =	vunpack.i.l.bf16.f32 v27;
	v39 =	vld [tilespmem:s1+$0x10]  }
0x642: {  	(v2sf) =	vpush v37, $0xF;
	v37 =	vunpack.i.u.bf16.f32 v30;
	v30 =	vunpack.i.l.bf16.f32 v30;
	v40 =	vld [tilespmem:s2+$0x7690]  }
0x643: {  	v21 =	vmul.f32 v36, v21;
	v36 =	vmul.f32 v30, v27  }
0x644: {  	v28 =	vmul.f32 v12, v28;
	v27 =	vmul.f32 v37, v38  }
0x645: {  	v21 =	vmul.f32 v12, v21;
	v30 =	vunpack.i.l.bf16.f32 v20;
	v37 =	vunpack.i.l.bf16.f32 v29  }
.Ltmp4:
0x646: {  	v20 =	vunpack.i.u.bf16.f32 v20;
	v29 =	vunpack.i.u.bf16.f32 v29;
	v30 =	vmul.f32 v37, v30;
	[tilespmem:s7+$0xFFFFFF20] =	vst v28;
	(pc) =	sbr.rel @p0 .LBB2_10-.Ltmp4, $4  }
0x647: {  	v28 =	vmul.f32 v29, v20;
	v37 =	vunpack.i.u.bf16.f32 v39;
	v29 =	vunpack.i.l.bf16.f32 v39;
	[tilespmem:s7+$0xFFFFFF30] =	vst v21  }
0x648: {  	v39 =	vunpack.i.u.bf16.f32 v40;
	v40 =	vunpack.i.l.bf16.f32 v40;
	v38 =	vmul.f32 v22, v30;
	v20 =	vld [tilespmem:s1+$0xFFFFFF20]  }
0x649: {  	v30 =	vmul.f32 v22, v28;
	v28 =	vmul.f32 v40, v29;
	v21 =	vld [tilespmem:s15+$0x76A0]  }
0x64a: {  	s25 =	sadd.s32 $0x4, s25;
	v29 =	vmul.f32 v13, v36;
	v36 =	vmul.f32 v39, v37;
	[tilespmem:s12+$0xA0] =	vst v38  }
0x64b: {  	s17 =	spop (v2sf)  }
0x64c: {  	s17 =	ssub.f32 $0.0e+00, s17;
	_ =	sdelay $0x1  }
0x64d: {  	v0 =	vmov s17;
	s24 =	spop (v2sf)  }
0x64e: {  	v0 =	vmul.f32 $1.442695020e+00, v0;
	s17 =	ssub.f32 $0.0e+00, s24;
	_ =	sdelay $0x1  }
0x64f: {  	v0 =	vbroadcast v0, $0x0;
	s19 =	spop (v2sf);
	v1 =	vmov s17  }
0x650: {  	s25 =	ssub.f32 $0.0e+00, s19;
	v1 =	vmul.f32 $1.442695020e+00, v1  }
0x651: {  	(erf) = vpow2.f32 v0  }
0x652: {  	v60 =	vmov s25;
	v1 =	vbroadcast v1, $0x0  }
0x653: {  	v0 =	vmul.f32 $1.442695020e+00, v60  }
0x654: {  	(erf) = vpow2.f32 v1  }
0x655: {  	v0 =	vbroadcast v0, $0x0;
	_ =	sdelay $0x1  }
0x656: {  	(erf) = vpow2.f32 v0  }
0x657: {  	[tilespmem:s12+$0xB0] =	vst v30  }
0x658: {  	v61 =	vld [tilespmem:s11+$0xA0]  }
0x659: {  	v62 =	vld [tilespmem:s16+$0x76A0];
	v2 =	vpop (erf)  }
0x65a: {  	v2 =	vadd.f32 $1.000000000e+00, v2  }
0x65b: {  	v3 =	vmul.f32 v13, v27;
	v4 =	vmul.f32 v11, v28  }
0x65c: {  	v6 =	vmul.f32 v33, v26;
	(erf) = vrcp.f32 v2;
	v30 =	vpop (erf)  }
0x65d: {  	v7 =	vmul.f32 v35, v34;
	v5 =	vmul.f32 v11, v36;
	v26 =	vadd.f32 $1.000000000e+00, v30  }
0x65e: {  	[tilespmem:s7+$0xFFFFFFA0] =	vst v29;
	v63 =	vunpack.i.l.bf16.f32 v20;
	v1 =	vunpack.i.u.bf16.f32 v62;
	v0 =	vunpack.i.u.bf16.f32 v61  }
0x65f: {  	[tilespmem:s7+$0xFFFFFFB0] =	vst v3;
	v39 =	vunpack.i.u.bf16.f32 v20;
	v0 =	vmul.f32 v1, v0;
	v37 =	vpop (erf);
	(erf) = vrcp.f32 v26  }
0x660: {  	v20 =	vmul.f32 v32, v31;
	v6 =	vmul.f32 v6, v9;
	v36 =	vld [tilespmem:s1+$0xFFFFFFA0];
	v27 =	vadd.f32 $1.000000000e+00, v37  }
0x661: {  	[tilespmem:s7+$0x20] =	vst v4;
	v7 =	vmul.f32 v7, v8;
	v38 =	vld [tilespmem:s13+$0x76A0];
	v0 =	vmul.f32 v0, v22  }
0x662: {  	[tilespmem:s7+$0x30] =	vst v5;
	v33 =	vunpack.i.l.bf16.f32 v61;
	v34 =	vunpack.i.l.bf16.f32 v62;
	(erf) = vrcp.f32 v27  }
0x663: {  	v35 =	vunpack.i.l.bf16.f32 v21;
	v41 =	vunpack.i.u.bf16.f32 v21;
	v40 =	vld [tilespmem:s1+$0x20];
	v3 =	vmul.f32 v34, v33  }
0x664: {  	v42 =	vld [tilespmem:s2+$0x76A0];
	v1 =	vmul.f32 v41, v39;
	v2 =	vmul.f32 v35, v63  }
0x665: {  	v44 =	vunpack.i.u.bf16.f32 v36;
	v45 =	vunpack.i.l.bf16.f32 v36;
	v3 =	vmul.f32 v3, v22;
	[tilespmem:s12+$0xD0] =	vst v0;
	v0 =	vpop (erf)  }
0x666: {  	v46 =	vunpack.i.u.bf16.f32 v38;
	v43 =	vmul.f32 v2, v12;
	v17 =	vmul.f32 v0, v17  }
0x667: {  	v5 =	vunpack.i.l.bf16.f32 v38;
	[tilespmem:s12+$0xC0] =	vst v3;
	v2 =	vmul.f32 v46, v44;
	v50 =	vmul.f32 v0, v18  }
0x668: {  	v38 =	vmul.f32 v23, v9;
	v48 =	vunpack.i.u.bf16.f32 v40;
	v54 =	vmul.f32 v1, v12;
	v47 =	vld [tilespmem:s11+$0xB0];
	[tilespmem:s12+$0xFFFFFF00] =	vst v17;
	v1 =	vpop (erf)  }
0x669: {  	v21 =	vunpack.i.u.bf16.f32 v42;
	v3 =	vmul.f32 v5, v45;
	v51 =	vld [tilespmem:s16+$0x76B0];
	[tilespmem:s12+$0xFFFFFF10] =	vst v50;
	v55 =	vmul.f32 v1, v15  }
0x66a: {  	v49 =	vunpack.i.l.bf16.f32 v42;
	v53 =	vmul.f32 v21, v48;
	v56 =	vld [tilespmem:s14+$0xFFFFFF10];
	v14 =	vmul.f32 v1, v14  }
0x66b: {  	v3 =	vmul.f32 v3, v13;
	v26 =	vunpack.i.l.bf16.f32 v40;
	v58 =	vmul.f32 v2, v13;
	v59 =	vld [tilespmem:s10+$0x7690];
	v2 =	vpop (erf);
	[tilespmem:s12+$0xFFFFFF80] =	vst v55  }
0x66c: {  	v52 =	vmul.f32 v49, v26;
	[tilespmem:s12+$0xFFFFFF90] =	vst v14;
	v16 =	vmul.f32 v2, v16  }
0x66d: {  	v57 =	vunpack.i.l.bf16.f32 v47;
	v60 =	vunpack.i.u.bf16.f32 v47;
	v19 =	vmul.f32 v2, v19;
	v62 =	vld [tilespmem:s14+$0xFFFFFF90]  }
0x66e: {  	v61 =	vunpack.i.u.bf16.f32 v51;
	v4 =	vmul.f32 v52, v11;
	v18 =	vunpack.i.l.bf16.f32 v51;
	v32 =	vld [tilespmem:s9+$0x7690];
	[tilespmem:s12+$0x0] =	vst v16  }
0x66f: {  	v5 =	vmul.f32 v61, v60;
	v63 =	vmul.f32 v18, v57;
	[tilespmem:s12+$0x10] =	vst v19  }
0x670: {  	[tilespmem:s7+$0xFFFFFFC0] =	vst v3;
	v17 =	vmul.f32 v53, v11;
	v33 =	vunpack.i.l.bf16.f32 v56;
	v34 =	vunpack.i.l.bf16.f32 v59;
	v35 =	vld [tilespmem:s14+$0x10]  }
0x671: {  	[tilespmem:s7+$0xFFFFFF50] =	vst v54;
	v15 =	vunpack.i.u.bf16.f32 v56;
	v36 =	vunpack.i.u.bf16.f32 v59;
	v19 =	vmul.f32 v34, v33;
	v37 =	vld [tilespmem:s8+$0x7690]  }
0x672: {  	[tilespmem:s7+$0xFFFFFF40] =	vst v43;
	v14 =	vmul.f32 v25, v10;
	v15 =	vmul.f32 v36, v15;
	v39 =	vunpack.i.u.bf16.f32 v62  }
0x673: {  	v41 =	vld [tilespmem:s1+$0xFFFFFF30];
	[tilespmem:s7+$0xFFFFFFD0] =	vst v58;
	v40 =	vunpack.i.l.bf16.f32 v62;
	v19 =	vmul.f32 v0, v19;
	v18 =	vunpack.i.l.bf16.f32 v32  }
0x674: {  	v43 =	vld [tilespmem:s15+$0x76B0];
	[tilespmem:s7+$0x40] =	vst v4;
	v42 =	vunpack.i.u.bf16.f32 v32;
	v15 =	vmul.f32 v0, v15;
	v18 =	vmul.f32 v18, v40  }
0x675: {  	v44 =	vld [tilespmem:s1+$0xFFFFFFB0];
	v10 =	vmul.f32 v24, v10;
	v3 =	vmul.f32 v42, v39;
	[tilespmem:s12+$0xFFFFFF20] =	vst v19;
	v45 =	vunpack.i.u.bf16.f32 v35  }
0x676: {  	v50 =	vld [tilespmem:s13+$0x76B0];
	[tilespmem:s12+$0xFFFFFF30] =	vst v15;
	v46 =	vunpack.i.l.bf16.f32 v35;
	v47 =	vunpack.i.l.bf16.f32 v37;
	v18 =	vmul.f32 v1, v18  }
0x677: {  	[tilespmem:s7+$0x50] =	vst v17;
	v48 =	vld [tilespmem:s14+$0xFFFFFF20];
	v24 =	vunpack.i.u.bf16.f32 v37;
	v3 =	vmul.f32 v1, v3;
	v23 =	vmul.f32 v47, v46  }
0x678: {  	v5 =	vmul.f32 v5, v22;
	v51 =	vunpack.i.u.bf16.f32 v41;
	v49 =	vld [tilespmem:s10+$0x76A0];
	v15 =	vmul.f32 v24, v45;
	[tilespmem:s12+$0xFFFFFFA0] =	vst v18  }
0x679: {  	v52 =	vunpack.i.l.bf16.f32 v41;
	v53 =	vmul.f32 v20, v8;
	v30 =	vld [tilespmem:s1+$0x30];
	[tilespmem:s12+$0xFFFFFFB0] =	vst v3;
	v23 =	vmul.f32 v2, v23  }
0x67a: {  	v57 =	vunpack.i.u.bf16.f32 v44;
	v55 =	vunpack.i.u.bf16.f32 v43;
	v15 =	vmul.f32 v2, v15;
	v54 =	vld [tilespmem:s14+$0xFFFFFFA0]  }
0x67b: {  	v9 =	vunpack.i.l.bf16.f32 v50;
	v16 =	vmul.f32 v63, v22;
	v59 =	vunpack.i.l.bf16.f32 v44;
	v58 =	vld [tilespmem:s9+$0x76A0];
	[tilespmem:s12+$0x20] =	vst v23  }
0x67c: {  	v56 =	vunpack.i.l.bf16.f32 v43;
	v63 =	vunpack.i.u.bf16.f32 v50;
	v9 =	vmul.f32 v9, v59;
	[tilespmem:s12+$0x30] =	vst v15  }
0x67d: {  	[tilespmem:s12+$0xF0] =	vst v5;
	v5 =	vmul.f32 v63, v57;
	v60 =	vunpack.i.l.bf16.f32 v48;
	v61 =	vunpack.i.l.bf16.f32 v49;
	v62 =	vld [tilespmem:s14+$0x20]  }
0x67e: {  	[tilespmem:s0+$0xFFFFFFF0] =	vst v6;
	v29 =	vunpack.i.u.bf16.f32 v48;
	v4 =	vunpack.i.u.bf16.f32 v49;
	v19 =	vmul.f32 v61, v60;
	v28 =	vld [tilespmem:s8+$0x76A0]  }
0x67f: {  	[tilespmem:s0+$0xFFFFFFE0] =	vst v38;
	v38 =	vunpack.i.u.bf16.f32 v30;
	v9 =	vmul.f32 v9, v13;
	v4 =	vmul.f32 v4, v29  }
0x680: {  	[tilespmem:s0+$0x60] =	vst v7;
	v31 =	vmul.f32 v19, v0;
	v20 =	vunpack.i.l.bf16.f32 v54;
	v15 =	vunpack.i.l.bf16.f32 v58  }
0x681: {  	[tilespmem:s0+$0x70] =	vst v53;
	v34 =	vld [tilespmem:s2+$0x76B0];
	v32 =	vunpack.i.u.bf16.f32 v54;
	v33 =	vunpack.i.u.bf16.f32 v58;
	v15 =	vmul.f32 v15, v20  }
0x682: {  	[tilespmem:s0+$0xFFFFFF60] =	vst v14;
	v4 =	vmul.f32 v4, v0;
	v19 =	vmul.f32 v33, v32;
	v35 =	vunpack.i.u.bf16.f32 v62  }
0x683: {  	[tilespmem:s12+$0xFFFFFF40] =	vst v31;
	v26 =	vunpack.i.l.bf16.f32 v62;
	v36 =	vunpack.i.l.bf16.f32 v28;
	v15 =	vmul.f32 v15, v1  }
0x684: {  	[tilespmem:s12+$0xFFFFFF50] =	vst v4;
	v37 =	vunpack.i.u.bf16.f32 v28;
	v19 =	vmul.f32 v19, v1;
	v7 =	vmul.f32 v36, v26  }
0x685: {  	v5 =	vmul.f32 v5, v13;
	v39 =	vunpack.i.l.bf16.f32 v30;
	v41 =	vld [tilespmem:s14+$0xFFFFFF30];
	v14 =	vmul.f32 v37, v35;
	[tilespmem:s12+$0xFFFFFFC0] =	vst v15  }
0x686: {  	v40 =	vmul.f32 v55, v51;
	v6 =	vunpack.i.u.bf16.f32 v34;
	v43 =	vld [tilespmem:s10+$0x76B0];
	[tilespmem:s12+$0xFFFFFFD0] =	vst v19;
	v7 =	vmul.f32 v7, v2  }
0x687: {  	[tilespmem:s0+$0xFFFFFF70] =	vst v10;
	v42 =	vunpack.i.l.bf16.f32 v34;
	v6 =	vmul.f32 v6, v38;
	v14 =	vmul.f32 v14, v2;
	v44 =	vld [tilespmem:s14+$0xFFFFFFB0]  }
0x688: {  	v3 =	vmul.f32 v56, v52;
	v4 =	vmul.f32 v42, v39;
	v45 =	vld [tilespmem:s9+$0x76B0];
	[tilespmem:s12+$0x40] =	vst v7  }
0x689: {  	v46 =	vmul.f32 v40, v12;
	v50 =	vmul.f32 v6, v11;
	[tilespmem:s12+$0x50] =	vst v14  }
0x68a: {  	[tilespmem:s12+$0xE0] =	vst v16;
	v3 =	vmul.f32 v3, v12;
	v4 =	vmul.f32 v4, v11;
	v48 =	vunpack.i.u.bf16.f32 v41;
	v47 =	vld [tilespmem:s14+$0x30]  }
0x68b: {  	[tilespmem:s7+$0xFFFFFFE0] =	vst v9;
	v49 =	vunpack.i.l.bf16.f32 v41;
	v52 =	vunpack.i.u.bf16.f32 v43;
	v53 =	vunpack.i.l.bf16.f32 v43;
	v51 =	vld [tilespmem:s8+$0x76B0]  }
0x68c: {  	[tilespmem:s7+$0xFFFFFFF0] =	vst v5;
	v11 =	vmul.f32 v53, v49;
	v8 =	vmul.f32 v52, v48  }
0x68d: {  	[tilespmem:s7+$0xFFFFFF70] =	vst v46;
	v54 =	vunpack.i.u.bf16.f32 v44;
	v7 =	vunpack.i.l.bf16.f32 v44;
	v55 =	vunpack.i.u.bf16.f32 v45  }
0x68e: {  	[tilespmem:s7+$0x70] =	vst v50;
	v56 =	vunpack.i.l.bf16.f32 v45;
	v59 =	vmul.f32 v11, v0;
	v0 =	vmul.f32 v8, v0  }
0x68f: {  	[tilespmem:s7+$0xFFFFFF60] =	vst v3;
	v5 =	vmul.f32 v56, v7;
	v9 =	vmul.f32 v55, v54  }
0x690: {  	[tilespmem:s7+$0x60] =	vst v4;
	v57 =	vunpack.i.u.bf16.f32 v47;
	v58 =	vunpack.i.l.bf16.f32 v47;
	v60 =	vunpack.i.l.bf16.f32 v51  }
0x691: {  	[tilespmem:s12+$0xFFFFFF60] =	vst v59;
	v6 =	vunpack.i.u.bf16.f32 v51;
	v61 =	vmul.f32 v5, v1;
	v3 =	vmul.f32 v60, v58  }
0x692: {  	[tilespmem:s12+$0xFFFFFF70] =	vst v0;
	v1 =	vmul.f32 v9, v1;
	v62 =	vmul.f32 v6, v57  }
0x693: {  	[tilespmem:s12+$0xFFFFFFE0] =	vst v61;
	v63 =	vmul.f32 v3, v2  }
0x694: {  	[tilespmem:s12+$0xFFFFFFF0] =	vst v1;
	v2 =	vmul.f32 v62, v2  }
0x695: {  	[tilespmem:s12+$0x60] =	vst v63  }
0x696: {  	[tilespmem:s12+$0x70] =	vst v2  }
0x697: {  	s28 =	simm.s32 $0x14680;
	s0 =	rddreg [dreg:$0x8]  }
0x698: {  	[hbm4b:s0+s4] =	stream.linear.scatter [tilespmem:s28], [sflag:$0x3], $0x2800, $0x38;
	[tilespmem:$0x19700] =	vst v63  }
0x699: {  	_ =	swait.ge [sflag:s26], $0x2800  }
0x69a: {  	[sflag:s26] =	ssyncset.done $0x0  }
0x69b: {  	s29 =	simm.s32 $0x4;
	[sflag:s26] =	ssyncadd.s32 $0xFFFFD800  }
0x69c: {  	_ =	swait.ge [sflag:s29], $0x2800  }
0x69d: {  	s30 =	rddreg [dreg:$0xa]  }
0x69e: {  	s31 =	rddreg [dreg:$0x9];
	s2 =	sadd.s32 $0x1, s30  }
0x69f: {  	p0 =	sne.s32 s2, s31  }
.Ltmp5:
0x6a0: {  	_ = 	snop;
	(pc) =	sbr.rel @p0 .LBB2_1-.Ltmp5, $3  }
0x6a1: {  	_ =	sdelay $0x1  }
0x6a2: {  	[sflag:s29] =	ssyncset.done $0x0  }
0x6a3: {  	[sflag:s29] =	ssyncadd.s32 $0xFFFFD800  }
0x6a4: {  	_ =	sfence.sel $0x180000  }
0x6a5: {  	[bflag:$0x0] =	sbarrier.arrive $0xFFFF  }
0x6a6: {  	_ =	strace $0x90000047  }
0x6a7: {  	s0 =	stileid.u32;
	[bflag:$0x2] =	sbarrier.arrive $0xFFFF  }
0x6a8: {  	p0 =	sne.s32 s0, $0x0;
	s0 =	rddreg [dreg:$0x3]  }
0x6a9: {  	s0 =	sadd.s32 @!p0 $0x100000, s0  }
0x6aa: {  	[sflag:s0] =	ssyncadd.tile.s32 @!p0 $0x1;
	_ =	shalt  }
.Lfunc_end2:
_tile_overlayer_lowered:
.L_overlay_start_2:
0x6ab: {  	(tag) =	ssettag $0x2  }
0x6ac: {  	s0 =	rddreg [dreg:$0x0];
	s2 =	stileid.u32  }
0x6ad: {  	s1 =	rddreg [dreg:$0x1];
	p0 =	sne.s32 s2, $0x0  }
0x6ae: {  	s3 =	rddreg [dreg:$0x2];
	[bflag:$0x3] =	sbarrier.arrive $0xFFFF;
	s2 =	simm.s32 @!p0 $0x1C05  }
0x6af: {  	[timem:s3], [sflag:s2] =	dma.local @!p0 [hbm:s0], s1  }
0x6b0: {  	s0 =	simm.s32 @!p0 $0x5  }
0x6b1: {  	_ =	swait.ge @!p0 [sflag:s0], s1  }
0x6b2: {  	s1 =	ssub.s32 @!p0 $0x0, s1;
	[sflag:s0] =	ssyncset.done @!p0 $0x0  }
0x6b3: {  	[sflag:s0] =	ssyncadd.s32 @!p0 s1  }
0x6b4: {  	[bflag:$0x3] =	sbarrier.arrive $0xFFFF  }
0x6b5: {  	_ =	shalt  }

</sc_bundles>
